<compile_context>
chip_gen: v7x
topology: tpu7x:2x2x1
jax: 0.10.2.dev20260603
libtpu: 0.0.44.dev20260713+nightly
codegen_flags: <defaults>
</compile_context>

<pallas_src>
import functools
import jax
import jax.numpy as jnp
from jax import lax
from jax.experimental import pallas as pl
from jax.experimental.pallas import tpu as pltpu, tpu_sc as plsc

SEQ = 2048
B = 4
D = 1024
L = 16
NW = 32
CHUNK = SEQ // NW
SUB = 4
T = CHUNK // SUB


def _sc_body(x_hbm, pe_hbm, ev_hbm, period_hbm, wf_hbm, bf_hbm, et_hbm,
             out_hbm, x_v, o_v, pe_v, comb_v, per_v, wf_v, bf_v, et_v, ev_v,
             xs0, xs1, ps0, ps1, os0, os1, evs, s_per, s_wf, s_bf, s_et):
    wid = lax.axis_index("s") * 2 + lax.axis_index("c")
    base = wid * CHUNK

    x_sems = (xs0, xs1)
    p_sems = (ps0, ps1)
    o_sems = (os0, os1)

    def start_in(t, k):
        s0 = base + t * SUB
        pltpu.make_async_copy(x_hbm.at[pl.ds(s0, SUB)], x_v.at[k], x_sems[k]).start()
        pltpu.make_async_copy(pe_hbm.at[pl.ds(s0, SUB)], pe_v.at[k], p_sems[k]).start()

    def wait_in(t, k):
        s0 = base + t * SUB
        pltpu.make_async_copy(x_hbm.at[pl.ds(s0, SUB)], x_v.at[k], x_sems[k]).wait()
        pltpu.make_async_copy(pe_hbm.at[pl.ds(s0, SUB)], pe_v.at[k], p_sems[k]).wait()

    def start_out(t, k):
        s0 = base + t * SUB
        pltpu.make_async_copy(o_v.at[k], out_hbm.at[pl.ds(s0, SUB)], o_sems[k]).start()

    def wait_out(t, k):
        s0 = base + t * SUB
        pltpu.make_async_copy(o_v.at[k], out_hbm.at[pl.ds(s0, SUB)], o_sems[k]).wait()

    start_in(0, 0)
    pltpu.make_async_copy(ev_hbm.at[pl.ds(base * B, CHUNK * B)], ev_v, evs).start()
    pltpu.make_async_copy(period_hbm, per_v.at[0, pl.ds(0, B)], s_per).start()
    pltpu.make_async_copy(wf_hbm, wf_v, s_wf).start()
    pltpu.make_async_copy(bf_hbm, bf_v, s_bf).start()
    pltpu.make_async_copy(et_hbm, et_v, s_et).start()
    pltpu.make_async_copy(period_hbm, per_v.at[0, pl.ds(0, B)], s_per).wait()
    pltpu.make_async_copy(wf_hbm, wf_v, s_wf).wait()
    pltpu.make_async_copy(bf_hbm, bf_v, s_bf).wait()
    pltpu.make_async_copy(et_hbm, et_v, s_et).wait()
    pltpu.make_async_copy(ev_hbm.at[pl.ds(base * B, CHUNK * B)], ev_v, evs).wait()

    for e in range(2):
        for b in range(B):
            p = jnp.take(per_v[0, :], jnp.full((L,), b, jnp.int32))
            def mk(j, _, e=e, b=b, p=p):
                sl = pl.ds(j * L, L)
                comb_v[e * B + b, sl] = (p * wf_v[0, sl] + bf_v[0, sl]
                                         + et_v[e, sl])
                return 0
            lax.fori_loop(0, D // L, mk, 0, unroll=4)

    def pair(tp, _):
        for phase in range(2):
            t = 2 * tp + phase
            k = phase
            @pl.when(t + 1 < T)
            def _():
                start_in(t + 1, 1 - k)
            wait_in(t, k)
            @pl.when(t >= 2)
            def _():
                wait_out(t - 2, k)
            vec = ev_v[pl.ds(t * SUB * B, L)]
            rs = [vec[lane] * B + (lane % B) for lane in range(L)]
            @plsc.parallel_loop(0, D // L, unroll=4)
            def dslice(j, rs=rs, k=k):
                sl = pl.ds(j * L, L)
                pes = [pe_v[k, s, sl] for s in range(SUB)]
                for lane in range(L):
                    s = lane // B
                    b = lane % B
                    o_v[k, s, b, sl] = (x_v[k, s, b, sl] + pes[s]
                                        + comb_v[rs[lane], sl])
            start_out(t, k)
        return 0

    lax.fori_loop(0, T // 2, pair, 0)
    wait_out(T - 2, 0)
    wait_out(T - 1, 1)


def kernel(x, period, events, W_freq, b_freq, event_table, pe):
    seq_len, batch, d = x.shape
    ev_flat = events.astype(jnp.int32).reshape(seq_len * batch)
    wf2 = W_freq.reshape(1, d)
    bf2 = b_freq.reshape(1, d)

    mesh = plsc.VectorSubcoreMesh(core_axis_name="c", subcore_axis_name="s")
    k = functools.partial(
        pl.kernel,
        mesh=mesh,
        out_type=jax.ShapeDtypeStruct((seq_len, batch, d), jnp.float32),
        scratch_types=[
            pltpu.VMEM((2, SUB, batch, d), jnp.float32),
            pltpu.VMEM((2, SUB, batch, d), jnp.float32),
            pltpu.VMEM((2, SUB, d), jnp.float32),
            pltpu.VMEM((2 * batch, d), jnp.float32),
            pltpu.VMEM((1, L), jnp.float32),
            pltpu.VMEM((1, d), jnp.float32),
            pltpu.VMEM((1, d), jnp.float32),
            pltpu.VMEM((2, d), jnp.float32),
            pltpu.VMEM((CHUNK * B,), jnp.int32),
            pltpu.SemaphoreType.DMA,
            pltpu.SemaphoreType.DMA,
            pltpu.SemaphoreType.DMA,
            pltpu.SemaphoreType.DMA,
            pltpu.SemaphoreType.DMA,
            pltpu.SemaphoreType.DMA,
            pltpu.SemaphoreType.DMA,
            pltpu.SemaphoreType.DMA,
            pltpu.SemaphoreType.DMA,
            pltpu.SemaphoreType.DMA,
            pltpu.SemaphoreType.DMA,
        ],
    )(_sc_body)
    return k(x, pe, ev_flat, period, wf2, bf2, event_table)

# --- scband reference (transcript-rebuilt; emitter-appended) ---
"""Pipeline reference for scband-enhanced-positional-encoding-5342939317034 (READ-ONLY COPY).

The authoritative reference and input builder live on the scoring server;
editing this copy changes nothing except your own understanding.
"""

import jax, jax.numpy as jnp
import numpy as np
import math

D_MODEL = 1024
MAX_LEN = 8192
SEQ_LEN = 2048
BATCH = 4


def _make_pe(max_len, d_model):
    position = jnp.arange(0, max_len, dtype=jnp.float32)[:, None]
    div_term = jnp.exp(jnp.arange(0, d_model, 2).astype(jnp.float32) * (-math.log(10000.0) / d_model))
    pe = jnp.zeros((max_len, d_model), dtype=jnp.float32)
    pe = pe.at[:, 0::2].set(jnp.sin(position * div_term))
    pe = pe.at[:, 1::2].set(jnp.cos(position * div_term))
    return pe


def setup_inputs(seed: int = 0) -> dict:
    key = jax.random.key(seed)
    k1, k2, k3, k4, k5, k6 = jax.random.split(key, 6)
    x = jax.random.normal(k1, (SEQ_LEN, BATCH, D_MODEL), dtype=jnp.float32)
    period = jax.random.uniform(k2, (BATCH,), dtype=jnp.float32)
    events = jax.random.randint(k3, (SEQ_LEN, BATCH), 0, 2).astype(jnp.int64)
    # freq_pe: nn.Linear(1, d_model)
    bound = 1.0  # 1/sqrt(in_features=1)
    W_freq = jax.random.uniform(k4, (D_MODEL, 1), dtype=jnp.float32, minval=-bound, maxval=bound)
    b_freq = jax.random.uniform(k5, (D_MODEL,), dtype=jnp.float32, minval=-bound, maxval=bound)
    # event_embed: nn.Embedding(2, d_model)
    event_table = jax.random.normal(k6, (2, D_MODEL), dtype=jnp.float32)
    pe = _make_pe(MAX_LEN, D_MODEL)
    return {"x": x, "period": period, "events": events,
            "W_freq": W_freq, "b_freq": b_freq, "event_table": event_table, "pe": pe}


def reference(x, period, events, W_freq, b_freq, event_table, pe):
    seq_len = x.shape[0]
    # base positional encoding (dropout in eval mode -> identity)
    base = x + pe[:seq_len][:, None, :]
    # frequency encoding: Linear(1, d_model) on period, broadcast over seq
    freq = (period[:, None] @ W_freq.T + b_freq)[None, :, :]
    # event embedding lookup
    event = jnp.take(event_table, events, axis=0)
    return base + freq + event

if __name__ == "__main__":
    import jax
    _d = setup_inputs()
    print(jax.jit(kernel)(*tuple(_d.values())))

</pallas_src>

<mosaic_0001>
#map = affine_map<(d0, d1) -> (0, 0, 0)>
#map1 = affine_map<(d0, d1) -> (0, 0)>
#map2 = affine_map<(d0, d1) -> (0)>
module attributes {stable_mosaic.version = 14 : i64} {
  func.func @_sc_body(%arg0: i32, %arg1: i32, %arg2: memref<2048x4x1024xf32, #tpu.memory_space<hbm>>, %arg3: memref<8192x1024xf32, #tpu.memory_space<hbm>>, %arg4: memref<8192xi32, #tpu.memory_space<hbm>>, %arg5: memref<4xf32, #tpu.memory_space<hbm>>, %arg6: memref<1x1024xf32, #tpu.memory_space<hbm>>, %arg7: memref<1x1024xf32, #tpu.memory_space<hbm>>, %arg8: memref<2x1024xf32, #tpu.memory_space<hbm>>, %arg9: memref<2048x4x1024xf32, #tpu.memory_space<hbm>>, %arg10: memref<2x4x4x1024xf32, #tpu.memory_space<vmem>>, %arg11: memref<2x4x4x1024xf32, #tpu.memory_space<vmem>>, %arg12: memref<2x4x1024xf32, #tpu.memory_space<vmem>>, %arg13: memref<8x1024xf32, #tpu.memory_space<vmem>>, %arg14: memref<1x16xf32, #tpu.memory_space<vmem>>, %arg15: memref<1x1024xf32, #tpu.memory_space<vmem>>, %arg16: memref<1x1024xf32, #tpu.memory_space<vmem>>, %arg17: memref<2x1024xf32, #tpu.memory_space<vmem>>, %arg18: memref<256xi32, #tpu.memory_space<vmem>>, %arg19: memref<!tpu.dma_semaphore, #tpu.memory_space<semaphore_mem>>, %arg20: memref<!tpu.dma_semaphore, #tpu.memory_space<semaphore_mem>>, %arg21: memref<!tpu.dma_semaphore, #tpu.memory_space<semaphore_mem>>, %arg22: memref<!tpu.dma_semaphore, #tpu.memory_space<semaphore_mem>>, %arg23: memref<!tpu.dma_semaphore, #tpu.memory_space<semaphore_mem>>, %arg24: memref<!tpu.dma_semaphore, #tpu.memory_space<semaphore_mem>>, %arg25: memref<!tpu.dma_semaphore, #tpu.memory_space<semaphore_mem>>, %arg26: memref<!tpu.dma_semaphore, #tpu.memory_space<semaphore_mem>>, %arg27: memref<!tpu.dma_semaphore, #tpu.memory_space<semaphore_mem>>, %arg28: memref<!tpu.dma_semaphore, #tpu.memory_space<semaphore_mem>>, %arg29: memref<!tpu.dma_semaphore, #tpu.memory_space<semaphore_mem>>) attributes {dimension_semantics = [#tpu.dimension_semantics<core_parallel>, #tpu.dimension_semantics<subcore_parallel>], iteration_bounds = array<i64: 2, 16>, scalar_prefetch = 0 : i64, scratch_operands = 20 : i64, tpu.core_type = #tpu.core_type<sc_vector_subcore>, window_params = [{transform_indices = #map}, {transform_indices = #map1}, {transform_indices = #map2}, {transform_indices = #map2}, {transform_indices = #map1}, {transform_indices = #map1}, {transform_indices = #map1}, {transform_indices = #map}]} {
    %mul3A = arith.constant 2 : i32
    %mul3A_0 = arith.muli %arg1, %mul3A : i32
    %add3A = arith.addi %mul3A_0, %arg0 : i32
    %mul3A_1 = arith.constant 64 : i32
    %mul3A_2 = arith.muli %add3A, %mul3A_1 : i32
    %add3A_3 = arith.constant 0 : i32
    %add3A_4 = arith.addi %mul3A_2, %add3A_3 : i32
    %dma_start3A = arith.constant 0 : i32
    %dma_start3A_5 = arith.constant 0 : i32
    %dma_start3A_6 = arith.constant 0 : i32
    %dma_start3A_7 = arith.constant 0 : i32
    %dma_start3A_8 = tpu.memref_slice %arg10[%dma_start3A, %dma_start3A_5, %dma_start3A_6, %dma_start3A_7] : memref<2x4x4x1024xf32, #tpu.memory_space<vmem>> -> memref<1x4x4x1024xf32, #tpu.memory_space<vmem>>
    %dma_start3A_9 = tpu.memref_squeeze %dma_start3A_8 : memref<1x4x4x1024xf32, #tpu.memory_space<vmem>> -> memref<4x4x1024xf32, #tpu.memory_space<vmem>>
    %dma_start3A_10 = arith.constant 0 : i32
    %dma_start3A_11 = arith.constant 0 : i32
    %dma_start3A_12 = tpu.memref_slice %arg2[%add3A_4, %dma_start3A_10, %dma_start3A_11] : memref<2048x4x1024xf32, #tpu.memory_space<hbm>> -> memref<4x4x1024xf32, #tpu.memory_space<hbm>>
    %dma_start3A_13 = arith.constant 0 : i32
    %dma_start3A_14 = arith.constant 0 : i32
    %dma_start3A_15 = arith.constant 0 : i32
    %dma_start3A_16 = tpu.memref_slice %arg10[%dma_start3A, %dma_start3A_13, %dma_start3A_14, %dma_start3A_15] : memref<2x4x4x1024xf32, #tpu.memory_space<vmem>> -> memref<1x4x4x1024xf32, #tpu.memory_space<vmem>>
    %dma_start3A_17 = tpu.memref_squeeze %dma_start3A_16 : memref<1x4x4x1024xf32, #tpu.memory_space<vmem>> -> memref<4x4x1024xf32, #tpu.memory_space<vmem>>
    %dma_start3A_18 = arith.constant 0 : i32
    %dma_start3A_19 = arith.constant 0 : i32
    %dma_start3A_20 = tpu.memref_slice %arg2[%add3A_4, %dma_start3A_18, %dma_start3A_19] : memref<2048x4x1024xf32, #tpu.memory_space<hbm>> -> memref<4x4x1024xf32, #tpu.memory_space<hbm>>
    tpu.enqueue_dma source(%dma_start3A_20 : memref<4x4x1024xf32, #tpu.memory_space<hbm>>) target(%dma_start3A_17 : memref<4x4x1024xf32, #tpu.memory_space<vmem>>) target_semaphore(%arg19 : memref<!tpu.dma_semaphore, #tpu.memory_space<semaphore_mem>>)
    %dma_start3A_21 = arith.constant 0 : i32
    %dma_start3A_22 = arith.constant 0 : i32
    %dma_start3A_23 = arith.constant 0 : i32
    %dma_start3A_24 = tpu.memref_slice %arg12[%dma_start3A_21, %dma_start3A_22, %dma_start3A_23] : memref<2x4x1024xf32, #tpu.memory_space<vmem>> -> memref<1x4x1024xf32, #tpu.memory_space<vmem>>
    %dma_start3A_25 = tpu.memref_squeeze %dma_start3A_24 : memref<1x4x1024xf32, #tpu.memory_space<vmem>> -> memref<4x1024xf32, #tpu.memory_space<vmem>>
    %dma_start3A_26 = arith.constant 0 : i32
    %dma_start3A_27 = tpu.memref_slice %arg3[%add3A_4, %dma_start3A_26] : memref<8192x1024xf32, #tpu.memory_space<hbm>> -> memref<4x1024xf32, #tpu.memory_space<hbm>>
    %dma_start3A_28 = arith.constant 0 : i32
    %dma_start3A_29 = arith.constant 0 : i32
    %dma_start3A_30 = tpu.memref_slice %arg12[%dma_start3A_21, %dma_start3A_28, %dma_start3A_29] : memref<2x4x1024xf32, #tpu.memory_space<vmem>> -> memref<1x4x1024xf32, #tpu.memory_space<vmem>>
    %dma_start3A_31 = tpu.memref_squeeze %dma_start3A_30 : memref<1x4x1024xf32, #tpu.memory_space<vmem>> -> memref<4x1024xf32, #tpu.memory_space<vmem>>
    %dma_start3A_32 = arith.constant 0 : i32
    %dma_start3A_33 = tpu.memref_slice %arg3[%add3A_4, %dma_start3A_32] : memref<8192x1024xf32, #tpu.memory_space<hbm>> -> memref<4x1024xf32, #tpu.memory_space<hbm>>
    tpu.enqueue_dma source(%dma_start3A_33 : memref<4x1024xf32, #tpu.memory_space<hbm>>) target(%dma_start3A_31 : memref<4x1024xf32, #tpu.memory_space<vmem>>) target_semaphore(%arg21 : memref<!tpu.dma_semaphore, #tpu.memory_space<semaphore_mem>>)
    %mul3A_34 = arith.constant 4 : i32
    %mul3A_35 = arith.muli %mul3A_2, %mul3A_34 : i32
    %dma_start3A_36 = tpu.memref_slice %arg4[%mul3A_35] : memref<8192xi32, #tpu.memory_space<hbm>> -> memref<256xi32, #tpu.memory_space<hbm>>
    %dma_start3A_37 = tpu.memref_slice %arg4[%mul3A_35] : memref<8192xi32, #tpu.memory_space<hbm>> -> memref<256xi32, #tpu.memory_space<hbm>>
    tpu.enqueue_dma source(%dma_start3A_37 : memref<256xi32, #tpu.memory_space<hbm>>) target(%arg18 : memref<256xi32, #tpu.memory_space<vmem>>) target_semaphore(%arg25 : memref<!tpu.dma_semaphore, #tpu.memory_space<semaphore_mem>>)
    %dma_start3A_38 = arith.constant 0 : i32
    %dma_start3A_39 = arith.constant 0 : i32
    %dma_start3A_40 = tpu.memref_slice %arg14[%dma_start3A_38, %dma_start3A_39] : memref<1x16xf32, #tpu.memory_space<vmem>> -> memref<1x4xf32, #tpu.memory_space<vmem>>
    %dma_start3A_41 = tpu.memref_squeeze %dma_start3A_40 : memref<1x4xf32, #tpu.memory_space<vmem>> -> memref<4xf32, #tpu.memory_space<vmem>>
    %dma_start3A_42 = arith.constant 0 : i32
    %dma_start3A_43 = tpu.memref_slice %arg14[%dma_start3A_38, %dma_start3A_42] : memref<1x16xf32, #tpu.memory_space<vmem>> -> memref<1x4xf32, #tpu.memory_space<vmem>>
    %dma_start3A_44 = tpu.memref_squeeze %dma_start3A_43 : memref<1x4xf32, #tpu.memory_space<vmem>> -> memref<4xf32, #tpu.memory_space<vmem>>
    tpu.enqueue_dma source(%arg5 : memref<4xf32, #tpu.memory_space<hbm>>) target(%dma_start3A_44 : memref<4xf32, #tpu.memory_space<vmem>>) target_semaphore(%arg26 : memref<!tpu.dma_semaphore, #tpu.memory_space<semaphore_mem>>)
    tpu.enqueue_dma source(%arg6 : memref<1x1024xf32, #tpu.memory_space<hbm>>) target(%arg15 : memref<1x1024xf32, #tpu.memory_space<vmem>>) target_semaphore(%arg27 : memref<!tpu.dma_semaphore, #tpu.memory_space<semaphore_mem>>)
    tpu.enqueue_dma source(%arg7 : memref<1x1024xf32, #tpu.memory_space<hbm>>) target(%arg16 : memref<1x1024xf32, #tpu.memory_space<vmem>>) target_semaphore(%arg28 : memref<!tpu.dma_semaphore, #tpu.memory_space<semaphore_mem>>)
    tpu.enqueue_dma source(%arg8 : memref<2x1024xf32, #tpu.memory_space<hbm>>) target(%arg17 : memref<2x1024xf32, #tpu.memory_space<vmem>>) target_semaphore(%arg29 : memref<!tpu.dma_semaphore, #tpu.memory_space<semaphore_mem>>)
    %dma_wait3A = arith.constant 0 : i32
    %dma_wait3A_45 = arith.constant 0 : i32
    %dma_wait3A_46 = tpu.memref_slice %arg14[%dma_wait3A, %dma_wait3A_45] : memref<1x16xf32, #tpu.memory_space<vmem>> -> memref<1x4xf32, #tpu.memory_space<vmem>>
    %dma_wait3A_47 = tpu.memref_squeeze %dma_wait3A_46 : memref<1x4xf32, #tpu.memory_space<vmem>> -> memref<4xf32, #tpu.memory_space<vmem>>
    %dma_wait3A_48 = arith.constant 0 : i32
    %dma_wait3A_49 = tpu.memref_slice %arg14[%dma_wait3A, %dma_wait3A_48] : memref<1x16xf32, #tpu.memory_space<vmem>> -> memref<1x4xf32, #tpu.memory_space<vmem>>
    %dma_wait3A_50 = tpu.memref_squeeze %dma_wait3A_49 : memref<1x4xf32, #tpu.memory_space<vmem>> -> memref<4xf32, #tpu.memory_space<vmem>>
    tpu.wait_dma2 semaphore(%arg26 : memref<!tpu.dma_semaphore, #tpu.memory_space<semaphore_mem>>) src(%arg5 : memref<4xf32, #tpu.memory_space<hbm>>) dst(%dma_wait3A_50 : memref<4xf32, #tpu.memory_space<vmem>>)
    tpu.wait_dma2 semaphore(%arg27 : memref<!tpu.dma_semaphore, #tpu.memory_space<semaphore_mem>>) src(%arg6 : memref<1x1024xf32, #tpu.memory_space<hbm>>) dst(%arg15 : memref<1x1024xf32, #tpu.memory_space<vmem>>)
    tpu.wait_dma2 semaphore(%arg28 : memref<!tpu.dma_semaphore, #tpu.memory_space<semaphore_mem>>) src(%arg7 : memref<1x1024xf32, #tpu.memory_space<hbm>>) dst(%arg16 : memref<1x1024xf32, #tpu.memory_space<vmem>>)
    tpu.wait_dma2 semaphore(%arg29 : memref<!tpu.dma_semaphore, #tpu.memory_space<semaphore_mem>>) src(%arg8 : memref<2x1024xf32, #tpu.memory_space<hbm>>) dst(%arg17 : memref<2x1024xf32, #tpu.memory_space<vmem>>)
    %mul3A_51 = arith.constant 4 : i32
    %mul3A_52 = arith.muli %mul3A_2, %mul3A_51 : i32
    %dma_wait3A_53 = tpu.memref_slice %arg4[%mul3A_52] : memref<8192xi32, #tpu.memory_space<hbm>> -> memref<256xi32, #tpu.memory_space<hbm>>
    %dma_wait3A_54 = tpu.memref_slice %arg4[%mul3A_52] : memref<8192xi32, #tpu.memory_space<hbm>> -> memref<256xi32, #tpu.memory_space<hbm>>
    tpu.wait_dma2 semaphore(%arg25 : memref<!tpu.dma_semaphore, #tpu.memory_space<semaphore_mem>>) src(%dma_wait3A_54 : memref<256xi32, #tpu.memory_space<hbm>>) dst(%arg18 : memref<256xi32, #tpu.memory_space<vmem>>)
    %get3A = arith.constant 0 : i32
    %get3A_55 = arith.index_cast %get3A : i32 to index
    %get3A_56 = arith.constant 0 : index
    %get3A_57 = tpu.vector_load %arg14[%get3A_55, %get3A_56] {strides = array<i32>} : memref<1x16xf32, #tpu.memory_space<vmem>>, vector<1x16xf32>,
    %get3A_58 = vector.shape_cast %get3A_57 : vector<1x16xf32> to vector<16xf32>
    %broadcast_in_dim3A = arith.constant 0 : i32
    %broadcast_in_dim3A_59 = vector.broadcast %broadcast_in_dim3A : i32 to vector<16xi32>
    %lt3A = arith.constant 0 : i32
    %lt3A_60 = vector.broadcast %lt3A : i32 to vector<16xi32>
    %lt3A_61 = arith.cmpi slt, %broadcast_in_dim3A_59, %lt3A_60 : vector<16xi32>
    %add3A_62 = arith.constant 16 : i32
    %add3A_63 = vector.broadcast %add3A_62 : i32 to vector<16xi32>
    %add3A_64 = arith.addi %broadcast_in_dim3A_59, %add3A_63 : vector<16xi32>
    %select_n3A = arith.select %lt3A_61, %add3A_64, %broadcast_in_dim3A_59 : vector<16xi1>, vector<16xi32>
    %broadcast_in_dim3A_65 = vector.shape_cast %select_n3A : vector<16xi32> to vector<16x1xi32>
    %gather3A = vector.shape_cast %broadcast_in_dim3A_65 : vector<16x1xi32> to vector<16xi32>
    %gather3A_66 = tpu.dynamic_gather %get3A_58[%gather3A] in [0] : vector<16xf32>, vector<16xi32> -> vector<16xf32>
    %scan3A = arith.constant 0 : i32
    %scan3A_67 = arith.constant 0 : i32
    %scan3A_68 = arith.constant 64 : i32
    %scan3A_69 = arith.addi %scan3A_67, %scan3A_68 : i32
    %scan3A_70 = arith.constant 4 : i32
    %scan3A_71 = scf.for %scan3A_286 = %scan3A_67 to %scan3A_69 step %scan3A_70 iter_args(%scan3A_287 = %scan3A) -> (i32)  : i32 {
      %mul3A_288 = arith.constant 16 : i32
      %mul3A_289 = arith.muli %scan3A_286, %mul3A_288 : i32
      %get3A_290 = arith.constant 0 : i32
      %get3A_291 = arith.index_cast %get3A_290 : i32 to index
      %get3A_292 = arith.index_cast %mul3A_289 : i32 to index
      %get3A_293 = tpu.vector_load %arg15[%get3A_291, %get3A_292] {strides = array<i32>} : memref<1x1024xf32, #tpu.memory_space<vmem>>, vector<1x16xf32>,
      %get3A_294 = vector.shape_cast %get3A_293 : vector<1x16xf32> to vector<16xf32>
      %mul3A_295 = arith.mulf %gather3A_66, %get3A_294 : vector<16xf32>
      %get3A_296 = arith.constant 0 : i32
      %get3A_297 = arith.index_cast %get3A_296 : i32 to index
      %get3A_298 = arith.index_cast %mul3A_289 : i32 to index
      %get3A_299 = tpu.vector_load %arg16[%get3A_297, %get3A_298] {strides = array<i32>} : memref<1x1024xf32, #tpu.memory_space<vmem>>, vector<1x16xf32>,
      %get3A_300 = vector.shape_cast %get3A_299 : vector<1x16xf32> to vector<16xf32>
      %add3A_301 = arith.addf %mul3A_295, %get3A_300 : vector<16xf32>
      %get3A_302 = arith.constant 0 : i32
      %get3A_303 = arith.index_cast %get3A_302 : i32 to index
      %get3A_304 = arith.index_cast %mul3A_289 : i32 to index
      %get3A_305 = tpu.vector_load %arg17[%get3A_303, %get3A_304] {strides = array<i32>} : memref<2x1024xf32, #tpu.memory_space<vmem>>, vector<1x16xf32>,
      %get3A_306 = vector.shape_cast %get3A_305 : vector<1x16xf32> to vector<16xf32>
      %add3A_307 = arith.addf %add3A_301, %get3A_306 : vector<16xf32>
      %swap3A = arith.constant 0 : i32
      %swap3A_308 = arith.index_cast %swap3A : i32 to index
      %swap3A_309 = arith.index_cast %mul3A_289 : i32 to index
      %swap3A_310 = tpu.vector_load %arg13[%swap3A_308, %swap3A_309] {strides = array<i32>} : memref<8x1024xf32, #tpu.memory_space<vmem>>, vector<1x16xf32>,
      %swap3A_311 = vector.shape_cast %swap3A_310 : vector<1x16xf32> to vector<16xf32>
      %swap3A_312 = vector.shape_cast %add3A_307 : vector<16xf32> to vector<1x16xf32>
      tpu.vector_store %arg13[%swap3A_308, %swap3A_309], %swap3A_312 {strides = array<i32>} : memref<8x1024xf32, #tpu.memory_space<vmem>>, vector<1x16xf32>,
      %scan3A_313 = arith.constant 0 : i32
      %scan3A_314 = arith.constant 1 : i32
      %scan3A_315 = arith.addi %scan3A_286, %scan3A_314 : i32
      %mul3A_316 = arith.constant 16 : i32
      %mul3A_317 = arith.muli %scan3A_315, %mul3A_316 : i32
      %get3A_318 = arith.constant 0 : i32
      %get3A_319 = arith.index_cast %get3A_318 : i32 to index
      %get3A_320 = arith.index_cast %mul3A_317 : i32 to index
      %get3A_321 = tpu.vector_load %arg15[%get3A_319, %get3A_320] {strides = array<i32>} : memref<1x1024xf32, #tpu.memory_space<vmem>>, vector<1x16xf32>,
      %get3A_322 = vector.shape_cast %get3A_321 : vector<1x16xf32> to vector<16xf32>
      %mul3A_323 = arith.mulf %gather3A_66, %get3A_322 : vector<16xf32>
      %get3A_324 = arith.constant 0 : i32
      %get3A_325 = arith.index_cast %get3A_324 : i32 to index
      %get3A_326 = arith.index_cast %mul3A_317 : i32 to index
      %get3A_327 = tpu.vector_load %arg16[%get3A_325, %get3A_326] {strides = array<i32>} : memref<1x1024xf32, #tpu.memory_space<vmem>>, vector<1x16xf32>,
      %get3A_328 = vector.shape_cast %get3A_327 : vector<1x16xf32> to vector<16xf32>
      %add3A_329 = arith.addf %mul3A_323, %get3A_328 : vector<16xf32>
      %get3A_330 = arith.constant 0 : i32
      %get3A_331 = arith.index_cast %get3A_330 : i32 to index
      %get3A_332 = arith.index_cast %mul3A_317 : i32 to index
      %get3A_333 = tpu.vector_load %arg17[%get3A_331, %get3A_332] {strides = array<i32>} : memref<2x1024xf32, #tpu.memory_space<vmem>>, vector<1x16xf32>,
      %get3A_334 = vector.shape_cast %get3A_333 : vector<1x16xf32> to vector<16xf32>
      %add3A_335 = arith.addf %add3A_329, %get3A_334 : vector<16xf32>
      %swap3A_336 = arith.constant 0 : i32
      %swap3A_337 = arith.index_cast %swap3A_336 : i32 to index
      %swap3A_338 = arith.index_cast %mul3A_317 : i32 to index
      %swap3A_339 = tpu.vector_load %arg13[%swap3A_337, %swap3A_338] {strides = array<i32>} : memref<8x1024xf32, #tpu.memory_space<vmem>>, vector<1x16xf32>,
      %swap3A_340 = vector.shape_cast %swap3A_339 : vector<1x16xf32> to vector<16xf32>
      %swap3A_341 = vector.shape_cast %add3A_335 : vector<16xf32> to vector<1x16xf32>
      tpu.vector_store %arg13[%swap3A_337, %swap3A_338], %swap3A_341 {strides = array<i32>} : memref<8x1024xf32, #tpu.memory_space<vmem>>, vector<1x16xf32>,
      %scan3A_342 = arith.constant 0 : i32
      %scan3A_343 = arith.constant 2 : i32
      %scan3A_344 = arith.addi %scan3A_286, %scan3A_343 : i32
      %mul3A_345 = arith.constant 16 : i32
      %mul3A_346 = arith.muli %scan3A_344, %mul3A_345 : i32
      %get3A_347 = arith.constant 0 : i32
      %get3A_348 = arith.index_cast %get3A_347 : i32 to index
      %get3A_349 = arith.index_cast %mul3A_346 : i32 to index
      %get3A_350 = tpu.vector_load %arg15[%get3A_348, %get3A_349] {strides = array<i32>} : memref<1x1024xf32, #tpu.memory_space<vmem>>, vector<1x16xf32>,
      %get3A_351 = vector.shape_cast %get3A_350 : vector<1x16xf32> to vector<16xf32>
      %mul3A_352 = arith.mulf %gather3A_66, %get3A_351 : vector<16xf32>
      %get3A_353 = arith.constant 0 : i32
      %get3A_354 = arith.index_cast %get3A_353 : i32 to index
      %get3A_355 = arith.index_cast %mul3A_346 : i32 to index
      %get3A_356 = tpu.vector_load %arg16[%get3A_354, %get3A_355] {strides = array<i32>} : memref<1x1024xf32, #tpu.memory_space<vmem>>, vector<1x16xf32>,
      %get3A_357 = vector.shape_cast %get3A_356 : vector<1x16xf32> to vector<16xf32>
      %add3A_358 = arith.addf %mul3A_352, %get3A_357 : vector<16xf32>
      %get3A_359 = arith.constant 0 : i32
      %get3A_360 = arith.index_cast %get3A_359 : i32 to index
      %get3A_361 = arith.index_cast %mul3A_346 : i32 to index
      %get3A_362 = tpu.vector_load %arg17[%get3A_360, %get3A_361] {strides = array<i32>} : memref<2x1024xf32, #tpu.memory_space<vmem>>, vector<1x16xf32>,
      %get3A_363 = vector.shape_cast %get3A_362 : vector<1x16xf32> to vector<16xf32>
      %add3A_364 = arith.addf %add3A_358, %get3A_363 : vector<16xf32>
      %swap3A_365 = arith.constant 0 : i32
      %swap3A_366 = arith.index_cast %swap3A_365 : i32 to index
      %swap3A_367 = arith.index_cast %mul3A_346 : i32 to index
      %swap3A_368 = tpu.vector_load %arg13[%swap3A_366, %swap3A_367] {strides = array<i32>} : memref<8x1024xf32, #tpu.memory_space<vmem>>, vector<1x16xf32>,
      %swap3A_369 = vector.shape_cast %swap3A_368 : vector<1x16xf32> to vector<16xf32>
      %swap3A_370 = vector.shape_cast %add3A_364 : vector<16xf32> to vector<1x16xf32>
      tpu.vector_store %arg13[%swap3A_366, %swap3A_367], %swap3A_370 {strides = array<i32>} : memref<8x1024xf32, #tpu.memory_space<vmem>>, vector<1x16xf32>,
      %scan3A_371 = arith.constant 0 : i32
      %scan3A_372 = arith.constant 3 : i32
      %scan3A_373 = arith.addi %scan3A_286, %scan3A_372 : i32
      %mul3A_374 = arith.constant 16 : i32
      %mul3A_375 = arith.muli %scan3A_373, %mul3A_374 : i32
      %get3A_376 = arith.constant 0 : i32
      %get3A_377 = arith.index_cast %get3A_376 : i32 to index
      %get3A_378 = arith.index_cast %mul3A_375 : i32 to index
      %get3A_379 = tpu.vector_load %arg15[%get3A_377, %get3A_378] {strides = array<i32>} : memref<1x1024xf32, #tpu.memory_space<vmem>>, vector<1x16xf32>,
      %get3A_380 = vector.shape_cast %get3A_379 : vector<1x16xf32> to vector<16xf32>
      %mul3A_381 = arith.mulf %gather3A_66, %get3A_380 : vector<16xf32>
      %get3A_382 = arith.constant 0 : i32
      %get3A_383 = arith.index_cast %get3A_382 : i32 to index
      %get3A_384 = arith.index_cast %mul3A_375 : i32 to index
      %get3A_385 = tpu.vector_load %arg16[%get3A_383, %get3A_384] {strides = array<i32>} : memref<1x1024xf32, #tpu.memory_space<vmem>>, vector<1x16xf32>,
      %get3A_386 = vector.shape_cast %get3A_385 : vector<1x16xf32> to vector<16xf32>
      %add3A_387 = arith.addf %mul3A_381, %get3A_386 : vector<16xf32>
      %get3A_388 = arith.constant 0 : i32
      %get3A_389 = arith.index_cast %get3A_388 : i32 to index
      %get3A_390 = arith.index_cast %mul3A_375 : i32 to index
      %get3A_391 = tpu.vector_load %arg17[%get3A_389, %get3A_390] {strides = array<i32>} : memref<2x1024xf32, #tpu.memory_space<vmem>>, vector<1x16xf32>,
      %get3A_392 = vector.shape_cast %get3A_391 : vector<1x16xf32> to vector<16xf32>
      %add3A_393 = arith.addf %add3A_387, %get3A_392 : vector<16xf32>
      %swap3A_394 = arith.constant 0 : i32
      %swap3A_395 = arith.index_cast %swap3A_394 : i32 to index
      %swap3A_396 = arith.index_cast %mul3A_375 : i32 to index
      %swap3A_397 = tpu.vector_load %arg13[%swap3A_395, %swap3A_396] {strides = array<i32>} : memref<8x1024xf32, #tpu.memory_space<vmem>>, vector<1x16xf32>,
      %swap3A_398 = vector.shape_cast %swap3A_397 : vector<1x16xf32> to vector<16xf32>
      %swap3A_399 = vector.shape_cast %add3A_393 : vector<16xf32> to vector<1x16xf32>
      tpu.vector_store %arg13[%swap3A_395, %swap3A_396], %swap3A_399 {strides = array<i32>} : memref<8x1024xf32, #tpu.memory_space<vmem>>, vector<1x16xf32>,
      %scan3A_400 = arith.constant 0 : i32
      scf.yield %scan3A_400 : i32
    }
    %scan3A_72 = arith.constant 64 : i32
    %get3A_73 = arith.constant 0 : i32
    %get3A_74 = arith.index_cast %get3A_73 : i32 to index
    %get3A_75 = arith.constant 0 : index
    %get3A_76 = tpu.vector_load %arg14[%get3A_74, %get3A_75] {strides = array<i32>} : memref<1x16xf32, #tpu.memory_space<vmem>>, vector<1x16xf32>,
    %get3A_77 = vector.shape_cast %get3A_76 : vector<1x16xf32> to vector<16xf32>
    %broadcast_in_dim3A_78 = arith.constant 1 : i32
    %broadcast_in_dim3A_79 = vector.broadcast %broadcast_in_dim3A_78 : i32 to vector<16xi32>
    %lt3A_80 = arith.constant 0 : i32
    %lt3A_81 = vector.broadcast %lt3A_80 : i32 to vector<16xi32>
    %lt3A_82 = arith.cmpi slt, %broadcast_in_dim3A_79, %lt3A_81 : vector<16xi32>
    %add3A_83 = arith.constant 16 : i32
    %add3A_84 = vector.broadcast %add3A_83 : i32 to vector<16xi32>
    %add3A_85 = arith.addi %broadcast_in_dim3A_79, %add3A_84 : vector<16xi32>
    %select_n3A_86 = arith.select %lt3A_82, %add3A_85, %broadcast_in_dim3A_79 : vector<16xi1>, vector<16xi32>
    %broadcast_in_dim3A_87 = vector.shape_cast %select_n3A_86 : vector<16xi32> to vector<16x1xi32>
    %gather3A_88 = vector.shape_cast %broadcast_in_dim3A_87 : vector<16x1xi32> to vector<16xi32>
    %gather3A_89 = tpu.dynamic_gather %get3A_77[%gather3A_88] in [0] : vector<16xf32>, vector<16xi32> -> vector<16xf32>
    %scan3A_90 = arith.constant 0 : i32
    %scan3A_91 = arith.constant 0 : i32
    %scan3A_92 = arith.constant 64 : i32
    %scan3A_93 = arith.addi %scan3A_91, %scan3A_92 : i32
    %scan3A_94 = arith.constant 4 : i32
    %scan3A_95 = scf.for %scan3A_286 = %scan3A_91 to %scan3A_93 step %scan3A_94 iter_args(%scan3A_287 = %scan3A_90) -> (i32)  : i32 {
      %mul3A_288 = arith.constant 16 : i32
      %mul3A_289 = arith.muli %scan3A_286, %mul3A_288 : i32
      %get3A_290 = arith.constant 0 : i32
      %get3A_291 = arith.index_cast %get3A_290 : i32 to index
      %get3A_292 = arith.index_cast %mul3A_289 : i32 to index
      %get3A_293 = tpu.vector_load %arg15[%get3A_291, %get3A_292] {strides = array<i32>} : memref<1x1024xf32, #tpu.memory_space<vmem>>, vector<1x16xf32>,
      %get3A_294 = vector.shape_cast %get3A_293 : vector<1x16xf32> to vector<16xf32>
      %mul3A_295 = arith.mulf %gather3A_89, %get3A_294 : vector<16xf32>
      %get3A_296 = arith.constant 0 : i32
      %get3A_297 = arith.index_cast %get3A_296 : i32 to index
      %get3A_298 = arith.index_cast %mul3A_289 : i32 to index
      %get3A_299 = tpu.vector_load %arg16[%get3A_297, %get3A_298] {strides = array<i32>} : memref<1x1024xf32, #tpu.memory_space<vmem>>, vector<1x16xf32>,
      %get3A_300 = vector.shape_cast %get3A_299 : vector<1x16xf32> to vector<16xf32>
      %add3A_301 = arith.addf %mul3A_295, %get3A_300 : vector<16xf32>
      %get3A_302 = arith.constant 0 : i32
      %get3A_303 = arith.index_cast %get3A_302 : i32 to index
      %get3A_304 = arith.index_cast %mul3A_289 : i32 to index
      %get3A_305 = tpu.vector_load %arg17[%get3A_303, %get3A_304] {strides = array<i32>} : memref<2x1024xf32, #tpu.memory_space<vmem>>, vector<1x16xf32>,
      %get3A_306 = vector.shape_cast %get3A_305 : vector<1x16xf32> to vector<16xf32>
      %add3A_307 = arith.addf %add3A_301, %get3A_306 : vector<16xf32>
      %swap3A = arith.constant 1 : i32
      %swap3A_308 = arith.index_cast %swap3A : i32 to index
      %swap3A_309 = arith.index_cast %mul3A_289 : i32 to index
      %swap3A_310 = tpu.vector_load %arg13[%swap3A_308, %swap3A_309] {strides = array<i32>} : memref<8x1024xf32, #tpu.memory_space<vmem>>, vector<1x16xf32>,
      %swap3A_311 = vector.shape_cast %swap3A_310 : vector<1x16xf32> to vector<16xf32>
      %swap3A_312 = vector.shape_cast %add3A_307 : vector<16xf32> to vector<1x16xf32>
      tpu.vector_store %arg13[%swap3A_308, %swap3A_309], %swap3A_312 {strides = array<i32>} : memref<8x1024xf32, #tpu.memory_space<vmem>>, vector<1x16xf32>,
      %scan3A_313 = arith.constant 0 : i32
      %scan3A_314 = arith.constant 1 : i32
      %scan3A_315 = arith.addi %scan3A_286, %scan3A_314 : i32
      %mul3A_316 = arith.constant 16 : i32
      %mul3A_317 = arith.muli %scan3A_315, %mul3A_316 : i32
      %get3A_318 = arith.constant 0 : i32
      %get3A_319 = arith.index_cast %get3A_318 : i32 to index
      %get3A_320 = arith.index_cast %mul3A_317 : i32 to index
      %get3A_321 = tpu.vector_load %arg15[%get3A_319, %get3A_320] {strides = array<i32>} : memref<1x1024xf32, #tpu.memory_space<vmem>>, vector<1x16xf32>,
      %get3A_322 = vector.shape_cast %get3A_321 : vector<1x16xf32> to vector<16xf32>
      %mul3A_323 = arith.mulf %gather3A_89, %get3A_322 : vector<16xf32>
      %get3A_324 = arith.constant 0 : i32
      %get3A_325 = arith.index_cast %get3A_324 : i32 to index
      %get3A_326 = arith.index_cast %mul3A_317 : i32 to index
      %get3A_327 = tpu.vector_load %arg16[%get3A_325, %get3A_326] {strides = array<i32>} : memref<1x1024xf32, #tpu.memory_space<vmem>>, vector<1x16xf32>,
      %get3A_328 = vector.shape_cast %get3A_327 : vector<1x16xf32> to vector<16xf32>
      %add3A_329 = arith.addf %mul3A_323, %get3A_328 : vector<16xf32>
      %get3A_330 = arith.constant 0 : i32
      %get3A_331 = arith.index_cast %get3A_330 : i32 to index
      %get3A_332 = arith.index_cast %mul3A_317 : i32 to index
      %get3A_333 = tpu.vector_load %arg17[%get3A_331, %get3A_332] {strides = array<i32>} : memref<2x1024xf32, #tpu.memory_space<vmem>>, vector<1x16xf32>,
      %get3A_334 = vector.shape_cast %get3A_333 : vector<1x16xf32> to vector<16xf32>
      %add3A_335 = arith.addf %add3A_329, %get3A_334 : vector<16xf32>
      %swap3A_336 = arith.constant 1 : i32
      %swap3A_337 = arith.index_cast %swap3A_336 : i32 to index
      %swap3A_338 = arith.index_cast %mul3A_317 : i32 to index
      %swap3A_339 = tpu.vector_load %arg13[%swap3A_337, %swap3A_338] {strides = array<i32>} : memref<8x1024xf32, #tpu.memory_space<vmem>>, vector<1x16xf32>,
      %swap3A_340 = vector.shape_cast %swap3A_339 : vector<1x16xf32> to vector<16xf32>
      %swap3A_341 = vector.shape_cast %add3A_335 : vector<16xf32> to vector<1x16xf32>
      tpu.vector_store %arg13[%swap3A_337, %swap3A_338], %swap3A_341 {strides = array<i32>} : memref<8x1024xf32, #tpu.memory_space<vmem>>, vector<1x16xf32>,
      %scan3A_342 = arith.constant 0 : i32
      %scan3A_343 = arith.constant 2 : i32
      %scan3A_344 = arith.addi %scan3A_286, %scan3A_343 : i32
      %mul3A_345 = arith.constant 16 : i32
      %mul3A_346 = arith.muli %scan3A_344, %mul3A_345 : i32
      %get3A_347 = arith.constant 0 : i32
      %get3A_348 = arith.index_cast %get3A_347 : i32 to index
      %get3A_349 = arith.index_cast %mul3A_346 : i32 to index
      %get3A_350 = tpu.vector_load %arg15[%get3A_348, %get3A_349] {strides = array<i32>} : memref<1x1024xf32, #tpu.memory_space<vmem>>, vector<1x16xf32>,
      %get3A_351 = vector.shape_cast %get3A_350 : vector<1x16xf32> to vector<16xf32>
      %mul3A_352 = arith.mulf %gather3A_89, %get3A_351 : vector<16xf32>
      %get3A_353 = arith.constant 0 : i32
      %get3A_354 = arith.index_cast %get3A_353 : i32 to index
      %get3A_355 = arith.index_cast %mul3A_346 : i32 to index
      %get3A_356 = tpu.vector_load %arg16[%get3A_354, %get3A_355] {strides = array<i32>} : memref<1x1024xf32, #tpu.memory_space<vmem>>, vector<1x16xf32>,
      %get3A_357 = vector.shape_cast %get3A_356 : vector<1x16xf32> to vector<16xf32>
      %add3A_358 = arith.addf %mul3A_352, %get3A_357 : vector<16xf32>
      %get3A_359 = arith.constant 0 : i32
      %get3A_360 = arith.index_cast %get3A_359 : i32 to index
      %get3A_361 = arith.index_cast %mul3A_346 : i32 to index
      %get3A_362 = tpu.vector_load %arg17[%get3A_360, %get3A_361] {strides = array<i32>} : memref<2x1024xf32, #tpu.memory_space<vmem>>, vector<1x16xf32>,
      %get3A_363 = vector.shape_cast %get3A_362 : vector<1x16xf32> to vector<16xf32>
      %add3A_364 = arith.addf %add3A_358, %get3A_363 : vector<16xf32>
      %swap3A_365 = arith.constant 1 : i32
      %swap3A_366 = arith.index_cast %swap3A_365 : i32 to index
      %swap3A_367 = arith.index_cast %mul3A_346 : i32 to index
      %swap3A_368 = tpu.vector_load %arg13[%swap3A_366, %swap3A_367] {strides = array<i32>} : memref<8x1024xf32, #tpu.memory_space<vmem>>, vector<1x16xf32>,
      %swap3A_369 = vector.shape_cast %swap3A_368 : vector<1x16xf32> to vector<16xf32>
      %swap3A_370 = vector.shape_cast %add3A_364 : vector<16xf32> to vector<1x16xf32>
      tpu.vector_store %arg13[%swap3A_366, %swap3A_367], %swap3A_370 {strides = array<i32>} : memref<8x1024xf32, #tpu.memory_space<vmem>>, vector<1x16xf32>,
      %scan3A_371 = arith.constant 0 : i32
      %scan3A_372 = arith.constant 3 : i32
      %scan3A_373 = arith.addi %scan3A_286, %scan3A_372 : i32
      %mul3A_374 = arith.constant 16 : i32
      %mul3A_375 = arith.muli %scan3A_373, %mul3A_374 : i32
      %get3A_376 = arith.constant 0 : i32
      %get3A_377 = arith.index_cast %get3A_376 : i32 to index
      %get3A_378 = arith.index_cast %mul3A_375 : i32 to index
      %get3A_379 = tpu.vector_load %arg15[%get3A_377, %get3A_378] {strides = array<i32>} : memref<1x1024xf32, #tpu.memory_space<vmem>>, vector<1x16xf32>,
      %get3A_380 = vector.shape_cast %get3A_379 : vector<1x16xf32> to vector<16xf32>
      %mul3A_381 = arith.mulf %gather3A_89, %get3A_380 : vector<16xf32>
      %get3A_382 = arith.constant 0 : i32
      %get3A_383 = arith.index_cast %get3A_382 : i32 to index
      %get3A_384 = arith.index_cast %mul3A_375 : i32 to index
      %get3A_385 = tpu.vector_load %arg16[%get3A_383, %get3A_384] {strides = array<i32>} : memref<1x1024xf32, #tpu.memory_space<vmem>>, vector<1x16xf32>,
      %get3A_386 = vector.shape_cast %get3A_385 : vector<1x16xf32> to vector<16xf32>
      %add3A_387 = arith.addf %mul3A_381, %get3A_386 : vector<16xf32>
      %get3A_388 = arith.constant 0 : i32
      %get3A_389 = arith.index_cast %get3A_388 : i32 to index
      %get3A_390 = arith.index_cast %mul3A_375 : i32 to index
      %get3A_391 = tpu.vector_load %arg17[%get3A_389, %get3A_390] {strides = array<i32>} : memref<2x1024xf32, #tpu.memory_space<vmem>>, vector<1x16xf32>,
      %get3A_392 = vector.shape_cast %get3A_391 : vector<1x16xf32> to vector<16xf32>
      %add3A_393 = arith.addf %add3A_387, %get3A_392 : vector<16xf32>
      %swap3A_394 = arith.constant 1 : i32
      %swap3A_395 = arith.index_cast %swap3A_394 : i32 to index
      %swap3A_396 = arith.index_cast %mul3A_375 : i32 to index
      %swap3A_397 = tpu.vector_load %arg13[%swap3A_395, %swap3A_396] {strides = array<i32>} : memref<8x1024xf32, #tpu.memory_space<vmem>>, vector<1x16xf32>,
      %swap3A_398 = vector.shape_cast %swap3A_397 : vector<1x16xf32> to vector<16xf32>
      %swap3A_399 = vector.shape_cast %add3A_393 : vector<16xf32> to vector<1x16xf32>
      tpu.vector_store %arg13[%swap3A_395, %swap3A_396], %swap3A_399 {strides = array<i32>} : memref<8x1024xf32, #tpu.memory_space<vmem>>, vector<1x16xf32>,
      %scan3A_400 = arith.constant 0 : i32
      scf.yield %scan3A_400 : i32
    }
    %scan3A_96 = arith.constant 64 : i32
    %get3A_97 = arith.constant 0 : i32
    %get3A_98 = arith.index_cast %get3A_97 : i32 to index
    %get3A_99 = arith.constant 0 : index
    %get3A_100 = tpu.vector_load %arg14[%get3A_98, %get3A_99] {strides = array<i32>} : memref<1x16xf32, #tpu.memory_space<vmem>>, vector<1x16xf32>,
    %get3A_101 = vector.shape_cast %get3A_100 : vector<1x16xf32> to vector<16xf32>
    %broadcast_in_dim3A_102 = arith.constant 2 : i32
    %broadcast_in_dim3A_103 = vector.broadcast %broadcast_in_dim3A_102 : i32 to vector<16xi32>
    %lt3A_104 = arith.constant 0 : i32
    %lt3A_105 = vector.broadcast %lt3A_104 : i32 to vector<16xi32>
    %lt3A_106 = arith.cmpi slt, %broadcast_in_dim3A_103, %lt3A_105 : vector<16xi32>
    %add3A_107 = arith.constant 16 : i32
    %add3A_108 = vector.broadcast %add3A_107 : i32 to vector<16xi32>
    %add3A_109 = arith.addi %broadcast_in_dim3A_103, %add3A_108 : vector<16xi32>
    %select_n3A_110 = arith.select %lt3A_106, %add3A_109, %broadcast_in_dim3A_103 : vector<16xi1>, vector<16xi32>
    %broadcast_in_dim3A_111 = vector.shape_cast %select_n3A_110 : vector<16xi32> to vector<16x1xi32>
    %gather3A_112 = vector.shape_cast %broadcast_in_dim3A_111 : vector<16x1xi32> to vector<16xi32>
    %gather3A_113 = tpu.dynamic_gather %get3A_101[%gather3A_112] in [0] : vector<16xf32>, vector<16xi32> -> vector<16xf32>
    %scan3A_114 = arith.constant 0 : i32
    %scan3A_115 = arith.constant 0 : i32
    %scan3A_116 = arith.constant 64 : i32
    %scan3A_117 = arith.addi %scan3A_115, %scan3A_116 : i32
    %scan3A_118 = arith.constant 4 : i32
    %scan3A_119 = scf.for %scan3A_286 = %scan3A_115 to %scan3A_117 step %scan3A_118 iter_args(%scan3A_287 = %scan3A_114) -> (i32)  : i32 {
      %mul3A_288 = arith.constant 16 : i32
      %mul3A_289 = arith.muli %scan3A_286, %mul3A_288 : i32
      %get3A_290 = arith.constant 0 : i32
      %get3A_291 = arith.index_cast %get3A_290 : i32 to index
      %get3A_292 = arith.index_cast %mul3A_289 : i32 to index
      %get3A_293 = tpu.vector_load %arg15[%get3A_291, %get3A_292] {strides = array<i32>} : memref<1x1024xf32, #tpu.memory_space<vmem>>, vector<1x16xf32>,
      %get3A_294 = vector.shape_cast %get3A_293 : vector<1x16xf32> to vector<16xf32>
      %mul3A_295 = arith.mulf %gather3A_113, %get3A_294 : vector<16xf32>
      %get3A_296 = arith.constant 0 : i32
      %get3A_297 = arith.index_cast %get3A_296 : i32 to index
      %get3A_298 = arith.index_cast %mul3A_289 : i32 to index
      %get3A_299 = tpu.vector_load %arg16[%get3A_297, %get3A_298] {strides = array<i32>} : memref<1x1024xf32, #tpu.memory_space<vmem>>, vector<1x16xf32>,
      %get3A_300 = vector.shape_cast %get3A_299 : vector<1x16xf32> to vector<16xf32>
      %add3A_301 = arith.addf %mul3A_295, %get3A_300 : vector<16xf32>
      %get3A_302 = arith.constant 0 : i32
      %get3A_303 = arith.index_cast %get3A_302 : i32 to index
      %get3A_304 = arith.index_cast %mul3A_289 : i32 to index
      %get3A_305 = tpu.vector_load %arg17[%get3A_303, %get3A_304] {strides = array<i32>} : memref<2x1024xf32, #tpu.memory_space<vmem>>, vector<1x16xf32>,
      %get3A_306 = vector.shape_cast %get3A_305 : vector<1x16xf32> to vector<16xf32>
      %add3A_307 = arith.addf %add3A_301, %get3A_306 : vector<16xf32>
      %swap3A = arith.constant 2 : i32
      %swap3A_308 = arith.index_cast %swap3A : i32 to index
      %swap3A_309 = arith.index_cast %mul3A_289 : i32 to index
      %swap3A_310 = tpu.vector_load %arg13[%swap3A_308, %swap3A_309] {strides = array<i32>} : memref<8x1024xf32, #tpu.memory_space<vmem>>, vector<1x16xf32>,
      %swap3A_311 = vector.shape_cast %swap3A_310 : vector<1x16xf32> to vector<16xf32>
      %swap3A_312 = vector.shape_cast %add3A_307 : vector<16xf32> to vector<1x16xf32>
      tpu.vector_store %arg13[%swap3A_308, %swap3A_309], %swap3A_312 {strides = array<i32>} : memref<8x1024xf32, #tpu.memory_space<vmem>>, vector<1x16xf32>,
      %scan3A_313 = arith.constant 0 : i32
      %scan3A_314 = arith.constant 1 : i32
      %scan3A_315 = arith.addi %scan3A_286, %scan3A_314 : i32
      %mul3A_316 = arith.constant 16 : i32
      %mul3A_317 = arith.muli %scan3A_315, %mul3A_316 : i32
      %get3A_318 = arith.constant 0 : i32
      %get3A_319 = arith.index_cast %get3A_318 : i32 to index
      %get3A_320 = arith.index_cast %mul3A_317 : i32 to index
      %get3A_321 = tpu.vector_load %arg15[%get3A_319, %get3A_320] {strides = array<i32>} : memref<1x1024xf32, #tpu.memory_space<vmem>>, vector<1x16xf32>,
      %get3A_322 = vector.shape_cast %get3A_321 : vector<1x16xf32> to vector<16xf32>
      %mul3A_323 = arith.mulf %gather3A_113, %get3A_322 : vector<16xf32>
      %get3A_324 = arith.constant 0 : i32
      %get3A_325 = arith.index_cast %get3A_324 : i32 to index
      %get3A_326 = arith.index_cast %mul3A_317 : i32 to index
      %get3A_327 = tpu.vector_load %arg16[%get3A_325, %get3A_326] {strides = array<i32>} : memref<1x1024xf32, #tpu.memory_space<vmem>>, vector<1x16xf32>,
      %get3A_328 = vector.shape_cast %get3A_327 : vector<1x16xf32> to vector<16xf32>
      %add3A_329 = arith.addf %mul3A_323, %get3A_328 : vector<16xf32>
      %get3A_330 = arith.constant 0 : i32
      %get3A_331 = arith.index_cast %get3A_330 : i32 to index
      %get3A_332 = arith.index_cast %mul3A_317 : i32 to index
      %get3A_333 = tpu.vector_load %arg17[%get3A_331, %get3A_332] {strides = array<i32>} : memref<2x1024xf32, #tpu.memory_space<vmem>>, vector<1x16xf32>,
      %get3A_334 = vector.shape_cast %get3A_333 : vector<1x16xf32> to vector<16xf32>
      %add3A_335 = arith.addf %add3A_329, %get3A_334 : vector<16xf32>
      %swap3A_336 = arith.constant 2 : i32
      %swap3A_337 = arith.index_cast %swap3A_336 : i32 to index
      %swap3A_338 = arith.index_cast %mul3A_317 : i32 to index
      %swap3A_339 = tpu.vector_load %arg13[%swap3A_337, %swap3A_338] {strides = array<i32>} : memref<8x1024xf32, #tpu.memory_space<vmem>>, vector<1x16xf32>,
      %swap3A_340 = vector.shape_cast %swap3A_339 : vector<1x16xf32> to vector<16xf32>
      %swap3A_341 = vector.shape_cast %add3A_335 : vector<16xf32> to vector<1x16xf32>
      tpu.vector_store %arg13[%swap3A_337, %swap3A_338], %swap3A_341 {strides = array<i32>} : memref<8x1024xf32, #tpu.memory_space<vmem>>, vector<1x16xf32>,
      %scan3A_342 = arith.constant 0 : i32
      %scan3A_343 = arith.constant 2 : i32
      %scan3A_344 = arith.addi %scan3A_286, %scan3A_343 : i32
      %mul3A_345 = arith.constant 16 : i32
      %mul3A_346 = arith.muli %scan3A_344, %mul3A_345 : i32
      %get3A_347 = arith.constant 0 : i32
      %get3A_348 = arith.index_cast %get3A_347 : i32 to index
      %get3A_349 = arith.index_cast %mul3A_346 : i32 to index
      %get3A_350 = tpu.vector_load %arg15[%get3A_348, %get3A_349] {strides = array<i32>} : memref<1x1024xf32, #tpu.memory_space<vmem>>, vector<1x16xf32>,
      %get3A_351 = vector.shape_cast %get3A_350 : vector<1x16xf32> to vector<16xf32>
      %mul3A_352 = arith.mulf %gather3A_113, %get3A_351 : vector<16xf32>
      %get3A_353 = arith.constant 0 : i32
      %get3A_354 = arith.index_cast %get3A_353 : i32 to index
      %get3A_355 = arith.index_cast %mul3A_346 : i32 to index
      %get3A_356 = tpu.vector_load %arg16[%get3A_354, %get3A_355] {strides = array<i32>} : memref<1x1024xf32, #tpu.memory_space<vmem>>, vector<1x16xf32>,
      %get3A_357 = vector.shape_cast %get3A_356 : vector<1x16xf32> to vector<16xf32>
      %add3A_358 = arith.addf %mul3A_352, %get3A_357 : vector<16xf32>
      %get3A_359 = arith.constant 0 : i32
      %get3A_360 = arith.index_cast %get3A_359 : i32 to index
      %get3A_361 = arith.index_cast %mul3A_346 : i32 to index
      %get3A_362 = tpu.vector_load %arg17[%get3A_360, %get3A_361] {strides = array<i32>} : memref<2x1024xf32, #tpu.memory_space<vmem>>, vector<1x16xf32>,
      %get3A_363 = vector.shape_cast %get3A_362 : vector<1x16xf32> to vector<16xf32>
      %add3A_364 = arith.addf %add3A_358, %get3A_363 : vector<16xf32>
      %swap3A_365 = arith.constant 2 : i32
      %swap3A_366 = arith.index_cast %swap3A_365 : i32 to index
      %swap3A_367 = arith.index_cast %mul3A_346 : i32 to index
      %swap3A_368 = tpu.vector_load %arg13[%swap3A_366, %swap3A_367] {strides = array<i32>} : memref<8x1024xf32, #tpu.memory_space<vmem>>, vector<1x16xf32>,
      %swap3A_369 = vector.shape_cast %swap3A_368 : vector<1x16xf32> to vector<16xf32>
      %swap3A_370 = vector.shape_cast %add3A_364 : vector<16xf32> to vector<1x16xf32>
      tpu.vector_store %arg13[%swap3A_366, %swap3A_367], %swap3A_370 {strides = array<i32>} : memref<8x1024xf32, #tpu.memory_space<vmem>>, vector<1x16xf32>,
      %scan3A_371 = arith.constant 0 : i32
      %scan3A_372 = arith.constant 3 : i32
      %scan3A_373 = arith.addi %scan3A_286, %scan3A_372 : i32
      %mul3A_374 = arith.constant 16 : i32
      %mul3A_375 = arith.muli %scan3A_373, %mul3A_374 : i32
      %get3A_376 = arith.constant 0 : i32
      %get3A_377 = arith.index_cast %get3A_376 : i32 to index
      %get3A_378 = arith.index_cast %mul3A_375 : i32 to index
      %get3A_379 = tpu.vector_load %arg15[%get3A_377, %get3A_378] {strides = array<i32>} : memref<1x1024xf32, #tpu.memory_space<vmem>>, vector<1x16xf32>,
      %get3A_380 = vector.shape_cast %get3A_379 : vector<1x16xf32> to vector<16xf32>
      %mul3A_381 = arith.mulf %gather3A_113, %get3A_380 : vector<16xf32>
      %get3A_382 = arith.constant 0 : i32
      %get3A_383 = arith.index_cast %get3A_382 : i32 to index
      %get3A_384 = arith.index_cast %mul3A_375 : i32 to index
      %get3A_385 = tpu.vector_load %arg16[%get3A_383, %get3A_384] {strides = array<i32>} : memref<1x1024xf32, #tpu.memory_space<vmem>>, vector<1x16xf32>,
      %get3A_386 = vector.shape_cast %get3A_385 : vector<1x16xf32> to vector<16xf32>
      %add3A_387 = arith.addf %mul3A_381, %get3A_386 : vector<16xf32>
      %get3A_388 = arith.constant 0 : i32
      %get3A_389 = arith.index_cast %get3A_388 : i32 to index
      %get3A_390 = arith.index_cast %mul3A_375 : i32 to index
      %get3A_391 = tpu.vector_load %arg17[%get3A_389, %get3A_390] {strides = array<i32>} : memref<2x1024xf32, #tpu.memory_space<vmem>>, vector<1x16xf32>,
      %get3A_392 = vector.shape_cast %get3A_391 : vector<1x16xf32> to vector<16xf32>
      %add3A_393 = arith.addf %add3A_387, %get3A_392 : vector<16xf32>
      %swap3A_394 = arith.constant 2 : i32
      %swap3A_395 = arith.index_cast %swap3A_394 : i32 to index
      %swap3A_396 = arith.index_cast %mul3A_375 : i32 to index
      %swap3A_397 = tpu.vector_load %arg13[%swap3A_395, %swap3A_396] {strides = array<i32>} : memref<8x1024xf32, #tpu.memory_space<vmem>>, vector<1x16xf32>,
      %swap3A_398 = vector.shape_cast %swap3A_397 : vector<1x16xf32> to vector<16xf32>
      %swap3A_399 = vector.shape_cast %add3A_393 : vector<16xf32> to vector<1x16xf32>
      tpu.vector_store %arg13[%swap3A_395, %swap3A_396], %swap3A_399 {strides = array<i32>} : memref<8x1024xf32, #tpu.memory_space<vmem>>, vector<1x16xf32>,
      %scan3A_400 = arith.constant 0 : i32
      scf.yield %scan3A_400 : i32
    }
    %scan3A_120 = arith.constant 64 : i32
    %get3A_121 = arith.constant 0 : i32
    %get3A_122 = arith.index_cast %get3A_121 : i32 to index
    %get3A_123 = arith.constant 0 : index
    %get3A_124 = tpu.vector_load %arg14[%get3A_122, %get3A_123] {strides = array<i32>} : memref<1x16xf32, #tpu.memory_space<vmem>>, vector<1x16xf32>,
    %get3A_125 = vector.shape_cast %get3A_124 : vector<1x16xf32> to vector<16xf32>
    %broadcast_in_dim3A_126 = arith.constant 3 : i32
    %broadcast_in_dim3A_127 = vector.broadcast %broadcast_in_dim3A_126 : i32 to vector<16xi32>
    %lt3A_128 = arith.constant 0 : i32
    %lt3A_129 = vector.broadcast %lt3A_128 : i32 to vector<16xi32>
    %lt3A_130 = arith.cmpi slt, %broadcast_in_dim3A_127, %lt3A_129 : vector<16xi32>
    %add3A_131 = arith.constant 16 : i32
    %add3A_132 = vector.broadcast %add3A_131 : i32 to vector<16xi32>
    %add3A_133 = arith.addi %broadcast_in_dim3A_127, %add3A_132 : vector<16xi32>
    %select_n3A_134 = arith.select %lt3A_130, %add3A_133, %broadcast_in_dim3A_127 : vector<16xi1>, vector<16xi32>
    %broadcast_in_dim3A_135 = vector.shape_cast %select_n3A_134 : vector<16xi32> to vector<16x1xi32>
    %gather3A_136 = vector.shape_cast %broadcast_in_dim3A_135 : vector<16x1xi32> to vector<16xi32>
    %gather3A_137 = tpu.dynamic_gather %get3A_125[%gather3A_136] in [0] : vector<16xf32>, vector<16xi32> -> vector<16xf32>
    %scan3A_138 = arith.constant 0 : i32
    %scan3A_139 = arith.constant 0 : i32
    %scan3A_140 = arith.constant 64 : i32
    %scan3A_141 = arith.addi %scan3A_139, %scan3A_140 : i32
    %scan3A_142 = arith.constant 4 : i32
    %scan3A_143 = scf.for %scan3A_286 = %scan3A_139 to %scan3A_141 step %scan3A_142 iter_args(%scan3A_287 = %scan3A_138) -> (i32)  : i32 {
      %mul3A_288 = arith.constant 16 : i32
      %mul3A_289 = arith.muli %scan3A_286, %mul3A_288 : i32
      %get3A_290 = arith.constant 0 : i32
      %get3A_291 = arith.index_cast %get3A_290 : i32 to index
      %get3A_292 = arith.index_cast %mul3A_289 : i32 to index
      %get3A_293 = tpu.vector_load %arg15[%get3A_291, %get3A_292] {strides = array<i32>} : memref<1x1024xf32, #tpu.memory_space<vmem>>, vector<1x16xf32>,
      %get3A_294 = vector.shape_cast %get3A_293 : vector<1x16xf32> to vector<16xf32>
      %mul3A_295 = arith.mulf %gather3A_137, %get3A_294 : vector<16xf32>
      %get3A_296 = arith.constant 0 : i32
      %get3A_297 = arith.index_cast %get3A_296 : i32 to index
      %get3A_298 = arith.index_cast %mul3A_289 : i32 to index
      %get3A_299 = tpu.vector_load %arg16[%get3A_297, %get3A_298] {strides = array<i32>} : memref<1x1024xf32, #tpu.memory_space<vmem>>, vector<1x16xf32>,
      %get3A_300 = vector.shape_cast %get3A_299 : vector<1x16xf32> to vector<16xf32>
      %add3A_301 = arith.addf %mul3A_295, %get3A_300 : vector<16xf32>
      %get3A_302 = arith.constant 0 : i32
      %get3A_303 = arith.index_cast %get3A_302 : i32 to index
      %get3A_304 = arith.index_cast %mul3A_289 : i32 to index
      %get3A_305 = tpu.vector_load %arg17[%get3A_303, %get3A_304] {strides = array<i32>} : memref<2x1024xf32, #tpu.memory_space<vmem>>, vector<1x16xf32>,
      %get3A_306 = vector.shape_cast %get3A_305 : vector<1x16xf32> to vector<16xf32>
      %add3A_307 = arith.addf %add3A_301, %get3A_306 : vector<16xf32>
      %swap3A = arith.constant 3 : i32
      %swap3A_308 = arith.index_cast %swap3A : i32 to index
      %swap3A_309 = arith.index_cast %mul3A_289 : i32 to index
      %swap3A_310 = tpu.vector_load %arg13[%swap3A_308, %swap3A_309] {strides = array<i32>} : memref<8x1024xf32, #tpu.memory_space<vmem>>, vector<1x16xf32>,
      %swap3A_311 = vector.shape_cast %swap3A_310 : vector<1x16xf32> to vector<16xf32>
      %swap3A_312 = vector.shape_cast %add3A_307 : vector<16xf32> to vector<1x16xf32>
      tpu.vector_store %arg13[%swap3A_308, %swap3A_309], %swap3A_312 {strides = array<i32>} : memref<8x1024xf32, #tpu.memory_space<vmem>>, vector<1x16xf32>,
      %scan3A_313 = arith.constant 0 : i32
      %scan3A_314 = arith.constant 1 : i32
      %scan3A_315 = arith.addi %scan3A_286, %scan3A_314 : i32
      %mul3A_316 = arith.constant 16 : i32
      %mul3A_317 = arith.muli %scan3A_315, %mul3A_316 : i32
      %get3A_318 = arith.constant 0 : i32
      %get3A_319 = arith.index_cast %get3A_318 : i32 to index
      %get3A_320 = arith.index_cast %mul3A_317 : i32 to index
      %get3A_321 = tpu.vector_load %arg15[%get3A_319, %get3A_320] {strides = array<i32>} : memref<1x1024xf32, #tpu.memory_space<vmem>>, vector<1x16xf32>,
      %get3A_322 = vector.shape_cast %get3A_321 : vector<1x16xf32> to vector<16xf32>
      %mul3A_323 = arith.mulf %gather3A_137, %get3A_322 : vector<16xf32>
      %get3A_324 = arith.constant 0 : i32
      %get3A_325 = arith.index_cast %get3A_324 : i32 to index
      %get3A_326 = arith.index_cast %mul3A_317 : i32 to index
      %get3A_327 = tpu.vector_load %arg16[%get3A_325, %get3A_326] {strides = array<i32>} : memref<1x1024xf32, #tpu.memory_space<vmem>>, vector<1x16xf32>,
      %get3A_328 = vector.shape_cast %get3A_327 : vector<1x16xf32> to vector<16xf32>
      %add3A_329 = arith.addf %mul3A_323, %get3A_328 : vector<16xf32>
      %get3A_330 = arith.constant 0 : i32
      %get3A_331 = arith.index_cast %get3A_330 : i32 to index
      %get3A_332 = arith.index_cast %mul3A_317 : i32 to index
      %get3A_333 = tpu.vector_load %arg17[%get3A_331, %get3A_332] {strides = array<i32>} : memref<2x1024xf32, #tpu.memory_space<vmem>>, vector<1x16xf32>,
      %get3A_334 = vector.shape_cast %get3A_333 : vector<1x16xf32> to vector<16xf32>
      %add3A_335 = arith.addf %add3A_329, %get3A_334 : vector<16xf32>
      %swap3A_336 = arith.constant 3 : i32
      %swap3A_337 = arith.index_cast %swap3A_336 : i32 to index
      %swap3A_338 = arith.index_cast %mul3A_317 : i32 to index
      %swap3A_339 = tpu.vector_load %arg13[%swap3A_337, %swap3A_338] {strides = array<i32>} : memref<8x1024xf32, #tpu.memory_space<vmem>>, vector<1x16xf32>,
      %swap3A_340 = vector.shape_cast %swap3A_339 : vector<1x16xf32> to vector<16xf32>
      %swap3A_341 = vector.shape_cast %add3A_335 : vector<16xf32> to vector<1x16xf32>
      tpu.vector_store %arg13[%swap3A_337, %swap3A_338], %swap3A_341 {strides = array<i32>} : memref<8x1024xf32, #tpu.memory_space<vmem>>, vector<1x16xf32>,
      %scan3A_342 = arith.constant 0 : i32
      %scan3A_343 = arith.constant 2 : i32
      %scan3A_344 = arith.addi %scan3A_286, %scan3A_343 : i32
      %mul3A_345 = arith.constant 16 : i32
      %mul3A_346 = arith.muli %scan3A_344, %mul3A_345 : i32
      %get3A_347 = arith.constant 0 : i32
      %get3A_348 = arith.index_cast %get3A_347 : i32 to index
      %get3A_349 = arith.index_cast %mul3A_346 : i32 to index
      %get3A_350 = tpu.vector_load %arg15[%get3A_348, %get3A_349] {strides = array<i32>} : memref<1x1024xf32, #tpu.memory_space<vmem>>, vector<1x16xf32>,
      %get3A_351 = vector.shape_cast %get3A_350 : vector<1x16xf32> to vector<16xf32>
      %mul3A_352 = arith.mulf %gather3A_137, %get3A_351 : vector<16xf32>
      %get3A_353 = arith.constant 0 : i32
      %get3A_354 = arith.index_cast %get3A_353 : i32 to index
      %get3A_355 = arith.index_cast %mul3A_346 : i32 to index
      %get3A_356 = tpu.vector_load %arg16[%get3A_354, %get3A_355] {strides = array<i32>} : memref<1x1024xf32, #tpu.memory_space<vmem>>, vector<1x16xf32>,
      %get3A_357 = vector.shape_cast %get3A_356 : vector<1x16xf32> to vector<16xf32>
      %add3A_358 = arith.addf %mul3A_352, %get3A_357 : vector<16xf32>
      %get3A_359 = arith.constant 0 : i32
      %get3A_360 = arith.index_cast %get3A_359 : i32 to index
      %get3A_361 = arith.index_cast %mul3A_346 : i32 to index
      %get3A_362 = tpu.vector_load %arg17[%get3A_360, %get3A_361] {strides = array<i32>} : memref<2x1024xf32, #tpu.memory_space<vmem>>, vector<1x16xf32>,
      %get3A_363 = vector.shape_cast %get3A_362 : vector<1x16xf32> to vector<16xf32>
      %add3A_364 = arith.addf %add3A_358, %get3A_363 : vector<16xf32>
      %swap3A_365 = arith.constant 3 : i32
      %swap3A_366 = arith.index_cast %swap3A_365 : i32 to index
      %swap3A_367 = arith.index_cast %mul3A_346 : i32 to index
      %swap3A_368 = tpu.vector_load %arg13[%swap3A_366, %swap3A_367] {strides = array<i32>} : memref<8x1024xf32, #tpu.memory_space<vmem>>, vector<1x16xf32>,
      %swap3A_369 = vector.shape_cast %swap3A_368 : vector<1x16xf32> to vector<16xf32>
      %swap3A_370 = vector.shape_cast %add3A_364 : vector<16xf32> to vector<1x16xf32>
      tpu.vector_store %arg13[%swap3A_366, %swap3A_367], %swap3A_370 {strides = array<i32>} : memref<8x1024xf32, #tpu.memory_space<vmem>>, vector<1x16xf32>,
      %scan3A_371 = arith.constant 0 : i32
      %scan3A_372 = arith.constant 3 : i32
      %scan3A_373 = arith.addi %scan3A_286, %scan3A_372 : i32
      %mul3A_374 = arith.constant 16 : i32
      %mul3A_375 = arith.muli %scan3A_373, %mul3A_374 : i32
      %get3A_376 = arith.constant 0 : i32
      %get3A_377 = arith.index_cast %get3A_376 : i32 to index
      %get3A_378 = arith.index_cast %mul3A_375 : i32 to index
      %get3A_379 = tpu.vector_load %arg15[%get3A_377, %get3A_378] {strides = array<i32>} : memref<1x1024xf32, #tpu.memory_space<vmem>>, vector<1x16xf32>,
      %get3A_380 = vector.shape_cast %get3A_379 : vector<1x16xf32> to vector<16xf32>
      %mul3A_381 = arith.mulf %gather3A_137, %get3A_380 : vector<16xf32>
      %get3A_382 = arith.constant 0 : i32
      %get3A_383 = arith.index_cast %get3A_382 : i32 to index
      %get3A_384 = arith.index_cast %mul3A_375 : i32 to index
      %get3A_385 = tpu.vector_load %arg16[%get3A_383, %get3A_384] {strides = array<i32>} : memref<1x1024xf32, #tpu.memory_space<vmem>>, vector<1x16xf32>,
      %get3A_386 = vector.shape_cast %get3A_385 : vector<1x16xf32> to vector<16xf32>
      %add3A_387 = arith.addf %mul3A_381, %get3A_386 : vector<16xf32>
      %get3A_388 = arith.constant 0 : i32
      %get3A_389 = arith.index_cast %get3A_388 : i32 to index
      %get3A_390 = arith.index_cast %mul3A_375 : i32 to index
      %get3A_391 = tpu.vector_load %arg17[%get3A_389, %get3A_390] {strides = array<i32>} : memref<2x1024xf32, #tpu.memory_space<vmem>>, vector<1x16xf32>,
      %get3A_392 = vector.shape_cast %get3A_391 : vector<1x16xf32> to vector<16xf32>
      %add3A_393 = arith.addf %add3A_387, %get3A_392 : vector<16xf32>
      %swap3A_394 = arith.constant 3 : i32
      %swap3A_395 = arith.index_cast %swap3A_394 : i32 to index
      %swap3A_396 = arith.index_cast %mul3A_375 : i32 to index
      %swap3A_397 = tpu.vector_load %arg13[%swap3A_395, %swap3A_396] {strides = array<i32>} : memref<8x1024xf32, #tpu.memory_space<vmem>>, vector<1x16xf32>,
      %swap3A_398 = vector.shape_cast %swap3A_397 : vector<1x16xf32> to vector<16xf32>
      %swap3A_399 = vector.shape_cast %add3A_393 : vector<16xf32> to vector<1x16xf32>
      tpu.vector_store %arg13[%swap3A_395, %swap3A_396], %swap3A_399 {strides = array<i32>} : memref<8x1024xf32, #tpu.memory_space<vmem>>, vector<1x16xf32>,
      %scan3A_400 = arith.constant 0 : i32
      scf.yield %scan3A_400 : i32
    }
    %scan3A_144 = arith.constant 64 : i32
    %get3A_145 = arith.constant 0 : i32
    %get3A_146 = arith.index_cast %get3A_145 : i32 to index
    %get3A_147 = arith.constant 0 : index
    %get3A_148 = tpu.vector_load %arg14[%get3A_146, %get3A_147] {strides = array<i32>} : memref<1x16xf32, #tpu.memory_space<vmem>>, vector<1x16xf32>,
    %get3A_149 = vector.shape_cast %get3A_148 : vector<1x16xf32> to vector<16xf32>
    %broadcast_in_dim3A_150 = arith.constant 0 : i32
    %broadcast_in_dim3A_151 = vector.broadcast %broadcast_in_dim3A_150 : i32 to vector<16xi32>
    %lt3A_152 = arith.constant 0 : i32
    %lt3A_153 = vector.broadcast %lt3A_152 : i32 to vector<16xi32>
    %lt3A_154 = arith.cmpi slt, %broadcast_in_dim3A_151, %lt3A_153 : vector<16xi32>
    %add3A_155 = arith.constant 16 : i32
    %add3A_156 = vector.broadcast %add3A_155 : i32 to vector<16xi32>
    %add3A_157 = arith.addi %broadcast_in_dim3A_151, %add3A_156 : vector<16xi32>
    %select_n3A_158 = arith.select %lt3A_154, %add3A_157, %broadcast_in_dim3A_151 : vector<16xi1>, vector<16xi32>
    %broadcast_in_dim3A_159 = vector.shape_cast %select_n3A_158 : vector<16xi32> to vector<16x1xi32>
    %gather3A_160 = vector.shape_cast %broadcast_in_dim3A_159 : vector<16x1xi32> to vector<16xi32>
    %gather3A_161 = tpu.dynamic_gather %get3A_149[%gather3A_160] in [0] : vector<16xf32>, vector<16xi32> -> vector<16xf32>
    %scan3A_162 = arith.constant 0 : i32
    %scan3A_163 = arith.constant 0 : i32
    %scan3A_164 = arith.constant 64 : i32
    %scan3A_165 = arith.addi %scan3A_163, %scan3A_164 : i32
    %scan3A_166 = arith.constant 4 : i32
    %scan3A_167 = scf.for %scan3A_286 = %scan3A_163 to %scan3A_165 step %scan3A_166 iter_args(%scan3A_287 = %scan3A_162) -> (i32)  : i32 {
      %mul3A_288 = arith.constant 16 : i32
      %mul3A_289 = arith.muli %scan3A_286, %mul3A_288 : i32
      %get3A_290 = arith.constant 0 : i32
      %get3A_291 = arith.index_cast %get3A_290 : i32 to index
      %get3A_292 = arith.index_cast %mul3A_289 : i32 to index
      %get3A_293 = tpu.vector_load %arg15[%get3A_291, %get3A_292] {strides = array<i32>} : memref<1x1024xf32, #tpu.memory_space<vmem>>, vector<1x16xf32>,
      %get3A_294 = vector.shape_cast %get3A_293 : vector<1x16xf32> to vector<16xf32>
      %mul3A_295 = arith.mulf %gather3A_161, %get3A_294 : vector<16xf32>
      %get3A_296 = arith.constant 0 : i32
      %get3A_297 = arith.index_cast %get3A_296 : i32 to index
      %get3A_298 = arith.index_cast %mul3A_289 : i32 to index
      %get3A_299 = tpu.vector_load %arg16[%get3A_297, %get3A_298] {strides = array<i32>} : memref<1x1024xf32, #tpu.memory_space<vmem>>, vector<1x16xf32>,
      %get3A_300 = vector.shape_cast %get3A_299 : vector<1x16xf32> to vector<16xf32>
      %add3A_301 = arith.addf %mul3A_295, %get3A_300 : vector<16xf32>
      %get3A_302 = arith.constant 1 : i32
      %get3A_303 = arith.index_cast %get3A_302 : i32 to index
      %get3A_304 = arith.index_cast %mul3A_289 : i32 to index
      %get3A_305 = tpu.vector_load %arg17[%get3A_303, %get3A_304] {strides = array<i32>} : memref<2x1024xf32, #tpu.memory_space<vmem>>, vector<1x16xf32>,
      %get3A_306 = vector.shape_cast %get3A_305 : vector<1x16xf32> to vector<16xf32>
      %add3A_307 = arith.addf %add3A_301, %get3A_306 : vector<16xf32>
      %swap3A = arith.constant 4 : i32
      %swap3A_308 = arith.index_cast %swap3A : i32 to index
      %swap3A_309 = arith.index_cast %mul3A_289 : i32 to index
      %swap3A_310 = tpu.vector_load %arg13[%swap3A_308, %swap3A_309] {strides = array<i32>} : memref<8x1024xf32, #tpu.memory_space<vmem>>, vector<1x16xf32>,
      %swap3A_311 = vector.shape_cast %swap3A_310 : vector<1x16xf32> to vector<16xf32>
      %swap3A_312 = vector.shape_cast %add3A_307 : vector<16xf32> to vector<1x16xf32>
      tpu.vector_store %arg13[%swap3A_308, %swap3A_309], %swap3A_312 {strides = array<i32>} : memref<8x1024xf32, #tpu.memory_space<vmem>>, vector<1x16xf32>,
      %scan3A_313 = arith.constant 0 : i32
      %scan3A_314 = arith.constant 1 : i32
      %scan3A_315 = arith.addi %scan3A_286, %scan3A_314 : i32
      %mul3A_316 = arith.constant 16 : i32
      %mul3A_317 = arith.muli %scan3A_315, %mul3A_316 : i32
      %get3A_318 = arith.constant 0 : i32
      %get3A_319 = arith.index_cast %get3A_318 : i32 to index
      %get3A_320 = arith.index_cast %mul3A_317 : i32 to index
      %get3A_321 = tpu.vector_load %arg15[%get3A_319, %get3A_320] {strides = array<i32>} : memref<1x1024xf32, #tpu.memory_space<vmem>>, vector<1x16xf32>,
      %get3A_322 = vector.shape_cast %get3A_321 : vector<1x16xf32> to vector<16xf32>
      %mul3A_323 = arith.mulf %gather3A_161, %get3A_322 : vector<16xf32>
      %get3A_324 = arith.constant 0 : i32
      %get3A_325 = arith.index_cast %get3A_324 : i32 to index
      %get3A_326 = arith.index_cast %mul3A_317 : i32 to index
      %get3A_327 = tpu.vector_load %arg16[%get3A_325, %get3A_326] {strides = array<i32>} : memref<1x1024xf32, #tpu.memory_space<vmem>>, vector<1x16xf32>,
      %get3A_328 = vector.shape_cast %get3A_327 : vector<1x16xf32> to vector<16xf32>
      %add3A_329 = arith.addf %mul3A_323, %get3A_328 : vector<16xf32>
      %get3A_330 = arith.constant 1 : i32
      %get3A_331 = arith.index_cast %get3A_330 : i32 to index
      %get3A_332 = arith.index_cast %mul3A_317 : i32 to index
      %get3A_333 = tpu.vector_load %arg17[%get3A_331, %get3A_332] {strides = array<i32>} : memref<2x1024xf32, #tpu.memory_space<vmem>>, vector<1x16xf32>,
      %get3A_334 = vector.shape_cast %get3A_333 : vector<1x16xf32> to vector<16xf32>
      %add3A_335 = arith.addf %add3A_329, %get3A_334 : vector<16xf32>
      %swap3A_336 = arith.constant 4 : i32
      %swap3A_337 = arith.index_cast %swap3A_336 : i32 to index
      %swap3A_338 = arith.index_cast %mul3A_317 : i32 to index
      %swap3A_339 = tpu.vector_load %arg13[%swap3A_337, %swap3A_338] {strides = array<i32>} : memref<8x1024xf32, #tpu.memory_space<vmem>>, vector<1x16xf32>,
      %swap3A_340 = vector.shape_cast %swap3A_339 : vector<1x16xf32> to vector<16xf32>
      %swap3A_341 = vector.shape_cast %add3A_335 : vector<16xf32> to vector<1x16xf32>
      tpu.vector_store %arg13[%swap3A_337, %swap3A_338], %swap3A_341 {strides = array<i32>} : memref<8x1024xf32, #tpu.memory_space<vmem>>, vector<1x16xf32>,
      %scan3A_342 = arith.constant 0 : i32
      %scan3A_343 = arith.constant 2 : i32
      %scan3A_344 = arith.addi %scan3A_286, %scan3A_343 : i32
      %mul3A_345 = arith.constant 16 : i32
      %mul3A_346 = arith.muli %scan3A_344, %mul3A_345 : i32
      %get3A_347 = arith.constant 0 : i32
      %get3A_348 = arith.index_cast %get3A_347 : i32 to index
      %get3A_349 = arith.index_cast %mul3A_346 : i32 to index
      %get3A_350 = tpu.vector_load %arg15[%get3A_348, %get3A_349] {strides = array<i32>} : memref<1x1024xf32, #tpu.memory_space<vmem>>, vector<1x16xf32>,
      %get3A_351 = vector.shape_cast %get3A_350 : vector<1x16xf32> to vector<16xf32>
      %mul3A_352 = arith.mulf %gather3A_161, %get3A_351 : vector<16xf32>
      %get3A_353 = arith.constant 0 : i32
      %get3A_354 = arith.index_cast %get3A_353 : i32 to index
      %get3A_355 = arith.index_cast %mul3A_346 : i32 to index
      %get3A_356 = tpu.vector_load %arg16[%get3A_354, %get3A_355] {strides = array<i32>} : memref<1x1024xf32, #tpu.memory_space<vmem>>, vector<1x16xf32>,
      %get3A_357 = vector.shape_cast %get3A_356 : vector<1x16xf32> to vector<16xf32>
      %add3A_358 = arith.addf %mul3A_352, %get3A_357 : vector<16xf32>
      %get3A_359 = arith.constant 1 : i32
      %get3A_360 = arith.index_cast %get3A_359 : i32 to index
      %get3A_361 = arith.index_cast %mul3A_346 : i32 to index
      %get3A_362 = tpu.vector_load %arg17[%get3A_360, %get3A_361] {strides = array<i32>} : memref<2x1024xf32, #tpu.memory_space<vmem>>, vector<1x16xf32>,
      %get3A_363 = vector.shape_cast %get3A_362 : vector<1x16xf32> to vector<16xf32>
      %add3A_364 = arith.addf %add3A_358, %get3A_363 : vector<16xf32>
      %swap3A_365 = arith.constant 4 : i32
      %swap3A_366 = arith.index_cast %swap3A_365 : i32 to index
      %swap3A_367 = arith.index_cast %mul3A_346 : i32 to index
      %swap3A_368 = tpu.vector_load %arg13[%swap3A_366, %swap3A_367] {strides = array<i32>} : memref<8x1024xf32, #tpu.memory_space<vmem>>, vector<1x16xf32>,
      %swap3A_369 = vector.shape_cast %swap3A_368 : vector<1x16xf32> to vector<16xf32>
      %swap3A_370 = vector.shape_cast %add3A_364 : vector<16xf32> to vector<1x16xf32>
      tpu.vector_store %arg13[%swap3A_366, %swap3A_367], %swap3A_370 {strides = array<i32>} : memref<8x1024xf32, #tpu.memory_space<vmem>>, vector<1x16xf32>,
      %scan3A_371 = arith.constant 0 : i32
      %scan3A_372 = arith.constant 3 : i32
      %scan3A_373 = arith.addi %scan3A_286, %scan3A_372 : i32
      %mul3A_374 = arith.constant 16 : i32
      %mul3A_375 = arith.muli %scan3A_373, %mul3A_374 : i32
      %get3A_376 = arith.constant 0 : i32
      %get3A_377 = arith.index_cast %get3A_376 : i32 to index
      %get3A_378 = arith.index_cast %mul3A_375 : i32 to index
      %get3A_379 = tpu.vector_load %arg15[%get3A_377, %get3A_378] {strides = array<i32>} : memref<1x1024xf32, #tpu.memory_space<vmem>>, vector<1x16xf32>,
      %get3A_380 = vector.shape_cast %get3A_379 : vector<1x16xf32> to vector<16xf32>
      %mul3A_381 = arith.mulf %gather3A_161, %get3A_380 : vector<16xf32>
      %get3A_382 = arith.constant 0 : i32
      %get3A_383 = arith.index_cast %get3A_382 : i32 to index
      %get3A_384 = arith.index_cast %mul3A_375 : i32 to index
      %get3A_385 = tpu.vector_load %arg16[%get3A_383, %get3A_384] {strides = array<i32>} : memref<1x1024xf32, #tpu.memory_space<vmem>>, vector<1x16xf32>,
      %get3A_386 = vector.shape_cast %get3A_385 : vector<1x16xf32> to vector<16xf32>
      %add3A_387 = arith.addf %mul3A_381, %get3A_386 : vector<16xf32>
      %get3A_388 = arith.constant 1 : i32
      %get3A_389 = arith.index_cast %get3A_388 : i32 to index
      %get3A_390 = arith.index_cast %mul3A_375 : i32 to index
      %get3A_391 = tpu.vector_load %arg17[%get3A_389, %get3A_390] {strides = array<i32>} : memref<2x1024xf32, #tpu.memory_space<vmem>>, vector<1x16xf32>,
      %get3A_392 = vector.shape_cast %get3A_391 : vector<1x16xf32> to vector<16xf32>
      %add3A_393 = arith.addf %add3A_387, %get3A_392 : vector<16xf32>
      %swap3A_394 = arith.constant 4 : i32
      %swap3A_395 = arith.index_cast %swap3A_394 : i32 to index
      %swap3A_396 = arith.index_cast %mul3A_375 : i32 to index
      %swap3A_397 = tpu.vector_load %arg13[%swap3A_395, %swap3A_396] {strides = array<i32>} : memref<8x1024xf32, #tpu.memory_space<vmem>>, vector<1x16xf32>,
      %swap3A_398 = vector.shape_cast %swap3A_397 : vector<1x16xf32> to vector<16xf32>
      %swap3A_399 = vector.shape_cast %add3A_393 : vector<16xf32> to vector<1x16xf32>
      tpu.vector_store %arg13[%swap3A_395, %swap3A_396], %swap3A_399 {strides = array<i32>} : memref<8x1024xf32, #tpu.memory_space<vmem>>, vector<1x16xf32>,
      %scan3A_400 = arith.constant 0 : i32
      scf.yield %scan3A_400 : i32
    }
    %scan3A_168 = arith.constant 64 : i32
    %get3A_169 = arith.constant 0 : i32
    %get3A_170 = arith.index_cast %get3A_169 : i32 to index
    %get3A_171 = arith.constant 0 : index
    %get3A_172 = tpu.vector_load %arg14[%get3A_170, %get3A_171] {strides = array<i32>} : memref<1x16xf32, #tpu.memory_space<vmem>>, vector<1x16xf32>,
    %get3A_173 = vector.shape_cast %get3A_172 : vector<1x16xf32> to vector<16xf32>
    %broadcast_in_dim3A_174 = arith.constant 1 : i32
    %broadcast_in_dim3A_175 = vector.broadcast %broadcast_in_dim3A_174 : i32 to vector<16xi32>
    %lt3A_176 = arith.constant 0 : i32
    %lt3A_177 = vector.broadcast %lt3A_176 : i32 to vector<16xi32>
    %lt3A_178 = arith.cmpi slt, %broadcast_in_dim3A_175, %lt3A_177 : vector<16xi32>
    %add3A_179 = arith.constant 16 : i32
    %add3A_180 = vector.broadcast %add3A_179 : i32 to vector<16xi32>
    %add3A_181 = arith.addi %broadcast_in_dim3A_175, %add3A_180 : vector<16xi32>
    %select_n3A_182 = arith.select %lt3A_178, %add3A_181, %broadcast_in_dim3A_175 : vector<16xi1>, vector<16xi32>
    %broadcast_in_dim3A_183 = vector.shape_cast %select_n3A_182 : vector<16xi32> to vector<16x1xi32>
    %gather3A_184 = vector.shape_cast %broadcast_in_dim3A_183 : vector<16x1xi32> to vector<16xi32>
    %gather3A_185 = tpu.dynamic_gather %get3A_173[%gather3A_184] in [0] : vector<16xf32>, vector<16xi32> -> vector<16xf32>
    %scan3A_186 = arith.constant 0 : i32
    %scan3A_187 = arith.constant 0 : i32
    %scan3A_188 = arith.constant 64 : i32
    %scan3A_189 = arith.addi %scan3A_187, %scan3A_188 : i32
    %scan3A_190 = arith.constant 4 : i32
    %scan3A_191 = scf.for %scan3A_286 = %scan3A_187 to %scan3A_189 step %scan3A_190 iter_args(%scan3A_287 = %scan3A_186) -> (i32)  : i32 {
      %mul3A_288 = arith.constant 16 : i32
      %mul3A_289 = arith.muli %scan3A_286, %mul3A_288 : i32
      %get3A_290 = arith.constant 0 : i32
      %get3A_291 = arith.index_cast %get3A_290 : i32 to index
      %get3A_292 = arith.index_cast %mul3A_289 : i32 to index
      %get3A_293 = tpu.vector_load %arg15[%get3A_291, %get3A_292] {strides = array<i32>} : memref<1x1024xf32, #tpu.memory_space<vmem>>, vector<1x16xf32>,
      %get3A_294 = vector.shape_cast %get3A_293 : vector<1x16xf32> to vector<16xf32>
      %mul3A_295 = arith.mulf %gather3A_185, %get3A_294 : vector<16xf32>
      %get3A_296 = arith.constant 0 : i32
      %get3A_297 = arith.index_cast %get3A_296 : i32 to index
      %get3A_298 = arith.index_cast %mul3A_289 : i32 to index
      %get3A_299 = tpu.vector_load %arg16[%get3A_297, %get3A_298] {strides = array<i32>} : memref<1x1024xf32, #tpu.memory_space<vmem>>, vector<1x16xf32>,
      %get3A_300 = vector.shape_cast %get3A_299 : vector<1x16xf32> to vector<16xf32>
      %add3A_301 = arith.addf %mul3A_295, %get3A_300 : vector<16xf32>
      %get3A_302 = arith.constant 1 : i32
      %get3A_303 = arith.index_cast %get3A_302 : i32 to index
      %get3A_304 = arith.index_cast %mul3A_289 : i32 to index
      %get3A_305 = tpu.vector_load %arg17[%get3A_303, %get3A_304] {strides = array<i32>} : memref<2x1024xf32, #tpu.memory_space<vmem>>, vector<1x16xf32>,
      %get3A_306 = vector.shape_cast %get3A_305 : vector<1x16xf32> to vector<16xf32>
      %add3A_307 = arith.addf %add3A_301, %get3A_306 : vector<16xf32>
      %swap3A = arith.constant 5 : i32
      %swap3A_308 = arith.index_cast %swap3A : i32 to index
      %swap3A_309 = arith.index_cast %mul3A_289 : i32 to index
      %swap3A_310 = tpu.vector_load %arg13[%swap3A_308, %swap3A_309] {strides = array<i32>} : memref<8x1024xf32, #tpu.memory_space<vmem>>, vector<1x16xf32>,
      %swap3A_311 = vector.shape_cast %swap3A_310 : vector<1x16xf32> to vector<16xf32>
      %swap3A_312 = vector.shape_cast %add3A_307 : vector<16xf32> to vector<1x16xf32>
      tpu.vector_store %arg13[%swap3A_308, %swap3A_309], %swap3A_312 {strides = array<i32>} : memref<8x1024xf32, #tpu.memory_space<vmem>>, vector<1x16xf32>,
      %scan3A_313 = arith.constant 0 : i32
      %scan3A_314 = arith.constant 1 : i32
      %scan3A_315 = arith.addi %scan3A_286, %scan3A_314 : i32
      %mul3A_316 = arith.constant 16 : i32
      %mul3A_317 = arith.muli %scan3A_315, %mul3A_316 : i32
      %get3A_318 = arith.constant 0 : i32
      %get3A_319 = arith.index_cast %get3A_318 : i32 to index
      %get3A_320 = arith.index_cast %mul3A_317 : i32 to index
      %get3A_321 = tpu.vector_load %arg15[%get3A_319, %get3A_320] {strides = array<i32>} : memref<1x1024xf32, #tpu.memory_space<vmem>>, vector<1x16xf32>,
      %get3A_322 = vector.shape_cast %get3A_321 : vector<1x16xf32> to vector<16xf32>
      %mul3A_323 = arith.mulf %gather3A_185, %get3A_322 : vector<16xf32>
      %get3A_324 = arith.constant 0 : i32
      %get3A_325 = arith.index_cast %get3A_324 : i32 to index
      %get3A_326 = arith.index_cast %mul3A_317 : i32 to index
      %get3A_327 = tpu.vector_load %arg16[%get3A_325, %get3A_326] {strides = array<i32>} : memref<1x1024xf32, #tpu.memory_space<vmem>>, vector<1x16xf32>,
      %get3A_328 = vector.shape_cast %get3A_327 : vector<1x16xf32> to vector<16xf32>
      %add3A_329 = arith.addf %mul3A_323, %get3A_328 : vector<16xf32>
      %get3A_330 = arith.constant 1 : i32
      %get3A_331 = arith.index_cast %get3A_330 : i32 to index
      %get3A_332 = arith.index_cast %mul3A_317 : i32 to index
      %get3A_333 = tpu.vector_load %arg17[%get3A_331, %get3A_332] {strides = array<i32>} : memref<2x1024xf32, #tpu.memory_space<vmem>>, vector<1x16xf32>,
      %get3A_334 = vector.shape_cast %get3A_333 : vector<1x16xf32> to vector<16xf32>
      %add3A_335 = arith.addf %add3A_329, %get3A_334 : vector<16xf32>
      %swap3A_336 = arith.constant 5 : i32
      %swap3A_337 = arith.index_cast %swap3A_336 : i32 to index
      %swap3A_338 = arith.index_cast %mul3A_317 : i32 to index
      %swap3A_339 = tpu.vector_load %arg13[%swap3A_337, %swap3A_338] {strides = array<i32>} : memref<8x1024xf32, #tpu.memory_space<vmem>>, vector<1x16xf32>,
      %swap3A_340 = vector.shape_cast %swap3A_339 : vector<1x16xf32> to vector<16xf32>
      %swap3A_341 = vector.shape_cast %add3A_335 : vector<16xf32> to vector<1x16xf32>
      tpu.vector_store %arg13[%swap3A_337, %swap3A_338], %swap3A_341 {strides = array<i32>} : memref<8x1024xf32, #tpu.memory_space<vmem>>, vector<1x16xf32>,
      %scan3A_342 = arith.constant 0 : i32
      %scan3A_343 = arith.constant 2 : i32
      %scan3A_344 = arith.addi %scan3A_286, %scan3A_343 : i32
      %mul3A_345 = arith.constant 16 : i32
      %mul3A_346 = arith.muli %scan3A_344, %mul3A_345 : i32
      %get3A_347 = arith.constant 0 : i32
      %get3A_348 = arith.index_cast %get3A_347 : i32 to index
      %get3A_349 = arith.index_cast %mul3A_346 : i32 to index
      %get3A_350 = tpu.vector_load %arg15[%get3A_348, %get3A_349] {strides = array<i32>} : memref<1x1024xf32, #tpu.memory_space<vmem>>, vector<1x16xf32>,
      %get3A_351 = vector.shape_cast %get3A_350 : vector<1x16xf32> to vector<16xf32>
      %mul3A_352 = arith.mulf %gather3A_185, %get3A_351 : vector<16xf32>
      %get3A_353 = arith.constant 0 : i32
      %get3A_354 = arith.index_cast %get3A_353 : i32 to index
      %get3A_355 = arith.index_cast %mul3A_346 : i32 to index
      %get3A_356 = tpu.vector_load %arg16[%get3A_354, %get3A_355] {strides = array<i32>} : memref<1x1024xf32, #tpu.memory_space<vmem>>, vector<1x16xf32>,
      %get3A_357 = vector.shape_cast %get3A_356 : vector<1x16xf32> to vector<16xf32>
      %add3A_358 = arith.addf %mul3A_352, %get3A_357 : vector<16xf32>
      %get3A_359 = arith.constant 1 : i32
      %get3A_360 = arith.index_cast %get3A_359 : i32 to index
      %get3A_361 = arith.index_cast %mul3A_346 : i32 to index
      %get3A_362 = tpu.vector_load %arg17[%get3A_360, %get3A_361] {strides = array<i32>} : memref<2x1024xf32, #tpu.memory_space<vmem>>, vector<1x16xf32>,
      %get3A_363 = vector.shape_cast %get3A_362 : vector<1x16xf32> to vector<16xf32>
      %add3A_364 = arith.addf %add3A_358, %get3A_363 : vector<16xf32>
      %swap3A_365 = arith.constant 5 : i32
      %swap3A_366 = arith.index_cast %swap3A_365 : i32 to index
      %swap3A_367 = arith.index_cast %mul3A_346 : i32 to index
      %swap3A_368 = tpu.vector_load %arg13[%swap3A_366, %swap3A_367] {strides = array<i32>} : memref<8x1024xf32, #tpu.memory_space<vmem>>, vector<1x16xf32>,
      %swap3A_369 = vector.shape_cast %swap3A_368 : vector<1x16xf32> to vector<16xf32>
      %swap3A_370 = vector.shape_cast %add3A_364 : vector<16xf32> to vector<1x16xf32>
      tpu.vector_store %arg13[%swap3A_366, %swap3A_367], %swap3A_370 {strides = array<i32>} : memref<8x1024xf32, #tpu.memory_space<vmem>>, vector<1x16xf32>,
      %scan3A_371 = arith.constant 0 : i32
      %scan3A_372 = arith.constant 3 : i32
      %scan3A_373 = arith.addi %scan3A_286, %scan3A_372 : i32
      %mul3A_374 = arith.constant 16 : i32
      %mul3A_375 = arith.muli %scan3A_373, %mul3A_374 : i32
      %get3A_376 = arith.constant 0 : i32
      %get3A_377 = arith.index_cast %get3A_376 : i32 to index
      %get3A_378 = arith.index_cast %mul3A_375 : i32 to index
      %get3A_379 = tpu.vector_load %arg15[%get3A_377, %get3A_378] {strides = array<i32>} : memref<1x1024xf32, #tpu.memory_space<vmem>>, vector<1x16xf32>,
      %get3A_380 = vector.shape_cast %get3A_379 : vector<1x16xf32> to vector<16xf32>
      %mul3A_381 = arith.mulf %gather3A_185, %get3A_380 : vector<16xf32>
      %get3A_382 = arith.constant 0 : i32
      %get3A_383 = arith.index_cast %get3A_382 : i32 to index
      %get3A_384 = arith.index_cast %mul3A_375 : i32 to index
      %get3A_385 = tpu.vector_load %arg16[%get3A_383, %get3A_384] {strides = array<i32>} : memref<1x1024xf32, #tpu.memory_space<vmem>>, vector<1x16xf32>,
      %get3A_386 = vector.shape_cast %get3A_385 : vector<1x16xf32> to vector<16xf32>
      %add3A_387 = arith.addf %mul3A_381, %get3A_386 : vector<16xf32>
      %get3A_388 = arith.constant 1 : i32
      %get3A_389 = arith.index_cast %get3A_388 : i32 to index
      %get3A_390 = arith.index_cast %mul3A_375 : i32 to index
      %get3A_391 = tpu.vector_load %arg17[%get3A_389, %get3A_390] {strides = array<i32>} : memref<2x1024xf32, #tpu.memory_space<vmem>>, vector<1x16xf32>,
      %get3A_392 = vector.shape_cast %get3A_391 : vector<1x16xf32> to vector<16xf32>
      %add3A_393 = arith.addf %add3A_387, %get3A_392 : vector<16xf32>
      %swap3A_394 = arith.constant 5 : i32
      %swap3A_395 = arith.index_cast %swap3A_394 : i32 to index
      %swap3A_396 = arith.index_cast %mul3A_375 : i32 to index
      %swap3A_397 = tpu.vector_load %arg13[%swap3A_395, %swap3A_396] {strides = array<i32>} : memref<8x1024xf32, #tpu.memory_space<vmem>>, vector<1x16xf32>,
      %swap3A_398 = vector.shape_cast %swap3A_397 : vector<1x16xf32> to vector<16xf32>
      %swap3A_399 = vector.shape_cast %add3A_393 : vector<16xf32> to vector<1x16xf32>
      tpu.vector_store %arg13[%swap3A_395, %swap3A_396], %swap3A_399 {strides = array<i32>} : memref<8x1024xf32, #tpu.memory_space<vmem>>, vector<1x16xf32>,
      %scan3A_400 = arith.constant 0 : i32
      scf.yield %scan3A_400 : i32
    }
    %scan3A_192 = arith.constant 64 : i32
    %get3A_193 = arith.constant 0 : i32
    %get3A_194 = arith.index_cast %get3A_193 : i32 to index
    %get3A_195 = arith.constant 0 : index
    %get3A_196 = tpu.vector_load %arg14[%get3A_194, %get3A_195] {strides = array<i32>} : memref<1x16xf32, #tpu.memory_space<vmem>>, vector<1x16xf32>,
    %get3A_197 = vector.shape_cast %get3A_196 : vector<1x16xf32> to vector<16xf32>
    %broadcast_in_dim3A_198 = arith.constant 2 : i32
    %broadcast_in_dim3A_199 = vector.broadcast %broadcast_in_dim3A_198 : i32 to vector<16xi32>
    %lt3A_200 = arith.constant 0 : i32
    %lt3A_201 = vector.broadcast %lt3A_200 : i32 to vector<16xi32>
    %lt3A_202 = arith.cmpi slt, %broadcast_in_dim3A_199, %lt3A_201 : vector<16xi32>
    %add3A_203 = arith.constant 16 : i32
    %add3A_204 = vector.broadcast %add3A_203 : i32 to vector<16xi32>
    %add3A_205 = arith.addi %broadcast_in_dim3A_199, %add3A_204 : vector<16xi32>
    %select_n3A_206 = arith.select %lt3A_202, %add3A_205, %broadcast_in_dim3A_199 : vector<16xi1>, vector<16xi32>
    %broadcast_in_dim3A_207 = vector.shape_cast %select_n3A_206 : vector<16xi32> to vector<16x1xi32>
    %gather3A_208 = vector.shape_cast %broadcast_in_dim3A_207 : vector<16x1xi32> to vector<16xi32>
    %gather3A_209 = tpu.dynamic_gather %get3A_197[%gather3A_208] in [0] : vector<16xf32>, vector<16xi32> -> vector<16xf32>
    %scan3A_210 = arith.constant 0 : i32
    %scan3A_211 = arith.constant 0 : i32
    %scan3A_212 = arith.constant 64 : i32
    %scan3A_213 = arith.addi %scan3A_211, %scan3A_212 : i32
    %scan3A_214 = arith.constant 4 : i32
    %scan3A_215 = scf.for %scan3A_286 = %scan3A_211 to %scan3A_213 step %scan3A_214 iter_args(%scan3A_287 = %scan3A_210) -> (i32)  : i32 {
      %mul3A_288 = arith.constant 16 : i32
      %mul3A_289 = arith.muli %scan3A_286, %mul3A_288 : i32
      %get3A_290 = arith.constant 0 : i32
      %get3A_291 = arith.index_cast %get3A_290 : i32 to index
      %get3A_292 = arith.index_cast %mul3A_289 : i32 to index
      %get3A_293 = tpu.vector_load %arg15[%get3A_291, %get3A_292] {strides = array<i32>} : memref<1x1024xf32, #tpu.memory_space<vmem>>, vector<1x16xf32>,
      %get3A_294 = vector.shape_cast %get3A_293 : vector<1x16xf32> to vector<16xf32>
      %mul3A_295 = arith.mulf %gather3A_209, %get3A_294 : vector<16xf32>
      %get3A_296 = arith.constant 0 : i32
      %get3A_297 = arith.index_cast %get3A_296 : i32 to index
      %get3A_298 = arith.index_cast %mul3A_289 : i32 to index
      %get3A_299 = tpu.vector_load %arg16[%get3A_297, %get3A_298] {strides = array<i32>} : memref<1x1024xf32, #tpu.memory_space<vmem>>, vector<1x16xf32>,
      %get3A_300 = vector.shape_cast %get3A_299 : vector<1x16xf32> to vector<16xf32>
      %add3A_301 = arith.addf %mul3A_295, %get3A_300 : vector<16xf32>
      %get3A_302 = arith.constant 1 : i32
      %get3A_303 = arith.index_cast %get3A_302 : i32 to index
      %get3A_304 = arith.index_cast %mul3A_289 : i32 to index
      %get3A_305 = tpu.vector_load %arg17[%get3A_303, %get3A_304] {strides = array<i32>} : memref<2x1024xf32, #tpu.memory_space<vmem>>, vector<1x16xf32>,
      %get3A_306 = vector.shape_cast %get3A_305 : vector<1x16xf32> to vector<16xf32>
      %add3A_307 = arith.addf %add3A_301, %get3A_306 : vector<16xf32>
      %swap3A = arith.constant 6 : i32
      %swap3A_308 = arith.index_cast %swap3A : i32 to index
      %swap3A_309 = arith.index_cast %mul3A_289 : i32 to index
      %swap3A_310 = tpu.vector_load %arg13[%swap3A_308, %swap3A_309] {strides = array<i32>} : memref<8x1024xf32, #tpu.memory_space<vmem>>, vector<1x16xf32>,
      %swap3A_311 = vector.shape_cast %swap3A_310 : vector<1x16xf32> to vector<16xf32>
      %swap3A_312 = vector.shape_cast %add3A_307 : vector<16xf32> to vector<1x16xf32>
      tpu.vector_store %arg13[%swap3A_308, %swap3A_309], %swap3A_312 {strides = array<i32>} : memref<8x1024xf32, #tpu.memory_space<vmem>>, vector<1x16xf32>,
      %scan3A_313 = arith.constant 0 : i32
      %scan3A_314 = arith.constant 1 : i32
      %scan3A_315 = arith.addi %scan3A_286, %scan3A_314 : i32
      %mul3A_316 = arith.constant 16 : i32
      %mul3A_317 = arith.muli %scan3A_315, %mul3A_316 : i32
      %get3A_318 = arith.constant 0 : i32
      %get3A_319 = arith.index_cast %get3A_318 : i32 to index
      %get3A_320 = arith.index_cast %mul3A_317 : i32 to index
      %get3A_321 = tpu.vector_load %arg15[%get3A_319, %get3A_320] {strides = array<i32>} : memref<1x1024xf32, #tpu.memory_space<vmem>>, vector<1x16xf32>,
      %get3A_322 = vector.shape_cast %get3A_321 : vector<1x16xf32> to vector<16xf32>
      %mul3A_323 = arith.mulf %gather3A_209, %get3A_322 : vector<16xf32>
      %get3A_324 = arith.constant 0 : i32
      %get3A_325 = arith.index_cast %get3A_324 : i32 to index
      %get3A_326 = arith.index_cast %mul3A_317 : i32 to index
      %get3A_327 = tpu.vector_load %arg16[%get3A_325, %get3A_326] {strides = array<i32>} : memref<1x1024xf32, #tpu.memory_space<vmem>>, vector<1x16xf32>,
      %get3A_328 = vector.shape_cast %get3A_327 : vector<1x16xf32> to vector<16xf32>
      %add3A_329 = arith.addf %mul3A_323, %get3A_328 : vector<16xf32>
      %get3A_330 = arith.constant 1 : i32
      %get3A_331 = arith.index_cast %get3A_330 : i32 to index
      %get3A_332 = arith.index_cast %mul3A_317 : i32 to index
      %get3A_333 = tpu.vector_load %arg17[%get3A_331, %get3A_332] {strides = array<i32>} : memref<2x1024xf32, #tpu.memory_space<vmem>>, vector<1x16xf32>,
      %get3A_334 = vector.shape_cast %get3A_333 : vector<1x16xf32> to vector<16xf32>
      %add3A_335 = arith.addf %add3A_329, %get3A_334 : vector<16xf32>
      %swap3A_336 = arith.constant 6 : i32
      %swap3A_337 = arith.index_cast %swap3A_336 : i32 to index
      %swap3A_338 = arith.index_cast %mul3A_317 : i32 to index
      %swap3A_339 = tpu.vector_load %arg13[%swap3A_337, %swap3A_338] {strides = array<i32>} : memref<8x1024xf32, #tpu.memory_space<vmem>>, vector<1x16xf32>,
      %swap3A_340 = vector.shape_cast %swap3A_339 : vector<1x16xf32> to vector<16xf32>
      %swap3A_341 = vector.shape_cast %add3A_335 : vector<16xf32> to vector<1x16xf32>
      tpu.vector_store %arg13[%swap3A_337, %swap3A_338], %swap3A_341 {strides = array<i32>} : memref<8x1024xf32, #tpu.memory_space<vmem>>, vector<1x16xf32>,
      %scan3A_342 = arith.constant 0 : i32
      %scan3A_343 = arith.constant 2 : i32
      %scan3A_344 = arith.addi %scan3A_286, %scan3A_343 : i32
      %mul3A_345 = arith.constant 16 : i32
      %mul3A_346 = arith.muli %scan3A_344, %mul3A_345 : i32
      %get3A_347 = arith.constant 0 : i32
      %get3A_348 = arith.index_cast %get3A_347 : i32 to index
      %get3A_349 = arith.index_cast %mul3A_346 : i32 to index
      %get3A_350 = tpu.vector_load %arg15[%get3A_348, %get3A_349] {strides = array<i32>} : memref<1x1024xf32, #tpu.memory_space<vmem>>, vector<1x16xf32>,
      %get3A_351 = vector.shape_cast %get3A_350 : vector<1x16xf32> to vector<16xf32>
      %mul3A_352 = arith.mulf %gather3A_209, %get3A_351 : vector<16xf32>
      %get3A_353 = arith.constant 0 : i32
      %get3A_354 = arith.index_cast %get3A_353 : i32 to index
      %get3A_355 = arith.index_cast %mul3A_346 : i32 to index
      %get3A_356 = tpu.vector_load %arg16[%get3A_354, %get3A_355] {strides = array<i32>} : memref<1x1024xf32, #tpu.memory_space<vmem>>, vector<1x16xf32>,
      %get3A_357 = vector.shape_cast %get3A_356 : vector<1x16xf32> to vector<16xf32>
      %add3A_358 = arith.addf %mul3A_352, %get3A_357 : vector<16xf32>
      %get3A_359 = arith.constant 1 : i32
      %get3A_360 = arith.index_cast %get3A_359 : i32 to index
      %get3A_361 = arith.index_cast %mul3A_346 : i32 to index
      %get3A_362 = tpu.vector_load %arg17[%get3A_360, %get3A_361] {strides = array<i32>} : memref<2x1024xf32, #tpu.memory_space<vmem>>, vector<1x16xf32>,
      %get3A_363 = vector.shape_cast %get3A_362 : vector<1x16xf32> to vector<16xf32>
      %add3A_364 = arith.addf %add3A_358, %get3A_363 : vector<16xf32>
      %swap3A_365 = arith.constant 6 : i32
      %swap3A_366 = arith.index_cast %swap3A_365 : i32 to index
      %swap3A_367 = arith.index_cast %mul3A_346 : i32 to index
      %swap3A_368 = tpu.vector_load %arg13[%swap3A_366, %swap3A_367] {strides = array<i32>} : memref<8x1024xf32, #tpu.memory_space<vmem>>, vector<1x16xf32>,
      %swap3A_369 = vector.shape_cast %swap3A_368 : vector<1x16xf32> to vector<16xf32>
      %swap3A_370 = vector.shape_cast %add3A_364 : vector<16xf32> to vector<1x16xf32>
      tpu.vector_store %arg13[%swap3A_366, %swap3A_367], %swap3A_370 {strides = array<i32>} : memref<8x1024xf32, #tpu.memory_space<vmem>>, vector<1x16xf32>,
      %scan3A_371 = arith.constant 0 : i32
      %scan3A_372 = arith.constant 3 : i32
      %scan3A_373 = arith.addi %scan3A_286, %scan3A_372 : i32
      %mul3A_374 = arith.constant 16 : i32
      %mul3A_375 = arith.muli %scan3A_373, %mul3A_374 : i32
      %get3A_376 = arith.constant 0 : i32
      %get3A_377 = arith.index_cast %get3A_376 : i32 to index
      %get3A_378 = arith.index_cast %mul3A_375 : i32 to index
      %get3A_379 = tpu.vector_load %arg15[%get3A_377, %get3A_378] {strides = array<i32>} : memref<1x1024xf32, #tpu.memory_space<vmem>>, vector<1x16xf32>,
      %get3A_380 = vector.shape_cast %get3A_379 : vector<1x16xf32> to vector<16xf32>
      %mul3A_381 = arith.mulf %gather3A_209, %get3A_380 : vector<16xf32>
      %get3A_382 = arith.constant 0 : i32
      %get3A_383 = arith.index_cast %get3A_382 : i32 to index
      %get3A_384 = arith.index_cast %mul3A_375 : i32 to index
      %get3A_385 = tpu.vector_load %arg16[%get3A_383, %get3A_384] {strides = array<i32>} : memref<1x1024xf32, #tpu.memory_space<vmem>>, vector<1x16xf32>,
      %get3A_386 = vector.shape_cast %get3A_385 : vector<1x16xf32> to vector<16xf32>
      %add3A_387 = arith.addf %mul3A_381, %get3A_386 : vector<16xf32>
      %get3A_388 = arith.constant 1 : i32
      %get3A_389 = arith.index_cast %get3A_388 : i32 to index
      %get3A_390 = arith.index_cast %mul3A_375 : i32 to index
      %get3A_391 = tpu.vector_load %arg17[%get3A_389, %get3A_390] {strides = array<i32>} : memref<2x1024xf32, #tpu.memory_space<vmem>>, vector<1x16xf32>,
      %get3A_392 = vector.shape_cast %get3A_391 : vector<1x16xf32> to vector<16xf32>
      %add3A_393 = arith.addf %add3A_387, %get3A_392 : vector<16xf32>
      %swap3A_394 = arith.constant 6 : i32
      %swap3A_395 = arith.index_cast %swap3A_394 : i32 to index
      %swap3A_396 = arith.index_cast %mul3A_375 : i32 to index
      %swap3A_397 = tpu.vector_load %arg13[%swap3A_395, %swap3A_396] {strides = array<i32>} : memref<8x1024xf32, #tpu.memory_space<vmem>>, vector<1x16xf32>,
      %swap3A_398 = vector.shape_cast %swap3A_397 : vector<1x16xf32> to vector<16xf32>
      %swap3A_399 = vector.shape_cast %add3A_393 : vector<16xf32> to vector<1x16xf32>
      tpu.vector_store %arg13[%swap3A_395, %swap3A_396], %swap3A_399 {strides = array<i32>} : memref<8x1024xf32, #tpu.memory_space<vmem>>, vector<1x16xf32>,
      %scan3A_400 = arith.constant 0 : i32
      scf.yield %scan3A_400 : i32
    }
    %scan3A_216 = arith.constant 64 : i32
    %get3A_217 = arith.constant 0 : i32
    %get3A_218 = arith.index_cast %get3A_217 : i32 to index
    %get3A_219 = arith.constant 0 : index
    %get3A_220 = tpu.vector_load %arg14[%get3A_218, %get3A_219] {strides = array<i32>} : memref<1x16xf32, #tpu.memory_space<vmem>>, vector<1x16xf32>,
    %get3A_221 = vector.shape_cast %get3A_220 : vector<1x16xf32> to vector<16xf32>
    %broadcast_in_dim3A_222 = arith.constant 3 : i32
    %broadcast_in_dim3A_223 = vector.broadcast %broadcast_in_dim3A_222 : i32 to vector<16xi32>
    %lt3A_224 = arith.constant 0 : i32
    %lt3A_225 = vector.broadcast %lt3A_224 : i32 to vector<16xi32>
    %lt3A_226 = arith.cmpi slt, %broadcast_in_dim3A_223, %lt3A_225 : vector<16xi32>
    %add3A_227 = arith.constant 16 : i32
    %add3A_228 = vector.broadcast %add3A_227 : i32 to vector<16xi32>
    %add3A_229 = arith.addi %broadcast_in_dim3A_223, %add3A_228 : vector<16xi32>
    %select_n3A_230 = arith.select %lt3A_226, %add3A_229, %broadcast_in_dim3A_223 : vector<16xi1>, vector<16xi32>
    %broadcast_in_dim3A_231 = vector.shape_cast %select_n3A_230 : vector<16xi32> to vector<16x1xi32>
    %gather3A_232 = vector.shape_cast %broadcast_in_dim3A_231 : vector<16x1xi32> to vector<16xi32>
    %gather3A_233 = tpu.dynamic_gather %get3A_221[%gather3A_232] in [0] : vector<16xf32>, vector<16xi32> -> vector<16xf32>
    %scan3A_234 = arith.constant 0 : i32
    %scan3A_235 = arith.constant 0 : i32
    %scan3A_236 = arith.constant 64 : i32
    %scan3A_237 = arith.addi %scan3A_235, %scan3A_236 : i32
    %scan3A_238 = arith.constant 4 : i32
    %scan3A_239 = scf.for %scan3A_286 = %scan3A_235 to %scan3A_237 step %scan3A_238 iter_args(%scan3A_287 = %scan3A_234) -> (i32)  : i32 {
      %mul3A_288 = arith.constant 16 : i32
      %mul3A_289 = arith.muli %scan3A_286, %mul3A_288 : i32
      %get3A_290 = arith.constant 0 : i32
      %get3A_291 = arith.index_cast %get3A_290 : i32 to index
      %get3A_292 = arith.index_cast %mul3A_289 : i32 to index
      %get3A_293 = tpu.vector_load %arg15[%get3A_291, %get3A_292] {strides = array<i32>} : memref<1x1024xf32, #tpu.memory_space<vmem>>, vector<1x16xf32>,
      %get3A_294 = vector.shape_cast %get3A_293 : vector<1x16xf32> to vector<16xf32>
      %mul3A_295 = arith.mulf %gather3A_233, %get3A_294 : vector<16xf32>
      %get3A_296 = arith.constant 0 : i32
      %get3A_297 = arith.index_cast %get3A_296 : i32 to index
      %get3A_298 = arith.index_cast %mul3A_289 : i32 to index
      %get3A_299 = tpu.vector_load %arg16[%get3A_297, %get3A_298] {strides = array<i32>} : memref<1x1024xf32, #tpu.memory_space<vmem>>, vector<1x16xf32>,
      %get3A_300 = vector.shape_cast %get3A_299 : vector<1x16xf32> to vector<16xf32>
      %add3A_301 = arith.addf %mul3A_295, %get3A_300 : vector<16xf32>
      %get3A_302 = arith.constant 1 : i32
      %get3A_303 = arith.index_cast %get3A_302 : i32 to index
      %get3A_304 = arith.index_cast %mul3A_289 : i32 to index
      %get3A_305 = tpu.vector_load %arg17[%get3A_303, %get3A_304] {strides = array<i32>} : memref<2x1024xf32, #tpu.memory_space<vmem>>, vector<1x16xf32>,
      %get3A_306 = vector.shape_cast %get3A_305 : vector<1x16xf32> to vector<16xf32>
      %add3A_307 = arith.addf %add3A_301, %get3A_306 : vector<16xf32>
      %swap3A = arith.constant 7 : i32
      %swap3A_308 = arith.index_cast %swap3A : i32 to index
      %swap3A_309 = arith.index_cast %mul3A_289 : i32 to index
      %swap3A_310 = tpu.vector_load %arg13[%swap3A_308, %swap3A_309] {strides = array<i32>} : memref<8x1024xf32, #tpu.memory_space<vmem>>, vector<1x16xf32>,
      %swap3A_311 = vector.shape_cast %swap3A_310 : vector<1x16xf32> to vector<16xf32>
      %swap3A_312 = vector.shape_cast %add3A_307 : vector<16xf32> to vector<1x16xf32>
      tpu.vector_store %arg13[%swap3A_308, %swap3A_309], %swap3A_312 {strides = array<i32>} : memref<8x1024xf32, #tpu.memory_space<vmem>>, vector<1x16xf32>,
      %scan3A_313 = arith.constant 0 : i32
      %scan3A_314 = arith.constant 1 : i32
      %scan3A_315 = arith.addi %scan3A_286, %scan3A_314 : i32
      %mul3A_316 = arith.constant 16 : i32
      %mul3A_317 = arith.muli %scan3A_315, %mul3A_316 : i32
      %get3A_318 = arith.constant 0 : i32
      %get3A_319 = arith.index_cast %get3A_318 : i32 to index
      %get3A_320 = arith.index_cast %mul3A_317 : i32 to index
      %get3A_321 = tpu.vector_load %arg15[%get3A_319, %get3A_320] {strides = array<i32>} : memref<1x1024xf32, #tpu.memory_space<vmem>>, vector<1x16xf32>,
      %get3A_322 = vector.shape_cast %get3A_321 : vector<1x16xf32> to vector<16xf32>
      %mul3A_323 = arith.mulf %gather3A_233, %get3A_322 : vector<16xf32>
      %get3A_324 = arith.constant 0 : i32
      %get3A_325 = arith.index_cast %get3A_324 : i32 to index
      %get3A_326 = arith.index_cast %mul3A_317 : i32 to index
      %get3A_327 = tpu.vector_load %arg16[%get3A_325, %get3A_326] {strides = array<i32>} : memref<1x1024xf32, #tpu.memory_space<vmem>>, vector<1x16xf32>,
      %get3A_328 = vector.shape_cast %get3A_327 : vector<1x16xf32> to vector<16xf32>
      %add3A_329 = arith.addf %mul3A_323, %get3A_328 : vector<16xf32>
      %get3A_330 = arith.constant 1 : i32
      %get3A_331 = arith.index_cast %get3A_330 : i32 to index
      %get3A_332 = arith.index_cast %mul3A_317 : i32 to index
      %get3A_333 = tpu.vector_load %arg17[%get3A_331, %get3A_332] {strides = array<i32>} : memref<2x1024xf32, #tpu.memory_space<vmem>>, vector<1x16xf32>,
      %get3A_334 = vector.shape_cast %get3A_333 : vector<1x16xf32> to vector<16xf32>
      %add3A_335 = arith.addf %add3A_329, %get3A_334 : vector<16xf32>
      %swap3A_336 = arith.constant 7 : i32
      %swap3A_337 = arith.index_cast %swap3A_336 : i32 to index
      %swap3A_338 = arith.index_cast %mul3A_317 : i32 to index
      %swap3A_339 = tpu.vector_load %arg13[%swap3A_337, %swap3A_338] {strides = array<i32>} : memref<8x1024xf32, #tpu.memory_space<vmem>>, vector<1x16xf32>,
      %swap3A_340 = vector.shape_cast %swap3A_339 : vector<1x16xf32> to vector<16xf32>
      %swap3A_341 = vector.shape_cast %add3A_335 : vector<16xf32> to vector<1x16xf32>
      tpu.vector_store %arg13[%swap3A_337, %swap3A_338], %swap3A_341 {strides = array<i32>} : memref<8x1024xf32, #tpu.memory_space<vmem>>, vector<1x16xf32>,
      %scan3A_342 = arith.constant 0 : i32
      %scan3A_343 = arith.constant 2 : i32
      %scan3A_344 = arith.addi %scan3A_286, %scan3A_343 : i32
      %mul3A_345 = arith.constant 16 : i32
      %mul3A_346 = arith.muli %scan3A_344, %mul3A_345 : i32
      %get3A_347 = arith.constant 0 : i32
      %get3A_348 = arith.index_cast %get3A_347 : i32 to index
      %get3A_349 = arith.index_cast %mul3A_346 : i32 to index
      %get3A_350 = tpu.vector_load %arg15[%get3A_348, %get3A_349] {strides = array<i32>} : memref<1x1024xf32, #tpu.memory_space<vmem>>, vector<1x16xf32>,
      %get3A_351 = vector.shape_cast %get3A_350 : vector<1x16xf32> to vector<16xf32>
      %mul3A_352 = arith.mulf %gather3A_233, %get3A_351 : vector<16xf32>
      %get3A_353 = arith.constant 0 : i32
      %get3A_354 = arith.index_cast %get3A_353 : i32 to index
      %get3A_355 = arith.index_cast %mul3A_346 : i32 to index
      %get3A_356 = tpu.vector_load %arg16[%get3A_354, %get3A_355] {strides = array<i32>} : memref<1x1024xf32, #tpu.memory_space<vmem>>, vector<1x16xf32>,
      %get3A_357 = vector.shape_cast %get3A_356 : vector<1x16xf32> to vector<16xf32>
      %add3A_358 = arith.addf %mul3A_352, %get3A_357 : vector<16xf32>
      %get3A_359 = arith.constant 1 : i32
      %get3A_360 = arith.index_cast %get3A_359 : i32 to index
      %get3A_361 = arith.index_cast %mul3A_346 : i32 to index
      %get3A_362 = tpu.vector_load %arg17[%get3A_360, %get3A_361] {strides = array<i32>} : memref<2x1024xf32, #tpu.memory_space<vmem>>, vector<1x16xf32>,
      %get3A_363 = vector.shape_cast %get3A_362 : vector<1x16xf32> to vector<16xf32>
      %add3A_364 = arith.addf %add3A_358, %get3A_363 : vector<16xf32>
      %swap3A_365 = arith.constant 7 : i32
      %swap3A_366 = arith.index_cast %swap3A_365 : i32 to index
      %swap3A_367 = arith.index_cast %mul3A_346 : i32 to index
      %swap3A_368 = tpu.vector_load %arg13[%swap3A_366, %swap3A_367] {strides = array<i32>} : memref<8x1024xf32, #tpu.memory_space<vmem>>, vector<1x16xf32>,
      %swap3A_369 = vector.shape_cast %swap3A_368 : vector<1x16xf32> to vector<16xf32>
      %swap3A_370 = vector.shape_cast %add3A_364 : vector<16xf32> to vector<1x16xf32>
      tpu.vector_store %arg13[%swap3A_366, %swap3A_367], %swap3A_370 {strides = array<i32>} : memref<8x1024xf32, #tpu.memory_space<vmem>>, vector<1x16xf32>,
      %scan3A_371 = arith.constant 0 : i32
      %scan3A_372 = arith.constant 3 : i32
      %scan3A_373 = arith.addi %scan3A_286, %scan3A_372 : i32
      %mul3A_374 = arith.constant 16 : i32
      %mul3A_375 = arith.muli %scan3A_373, %mul3A_374 : i32
      %get3A_376 = arith.constant 0 : i32
      %get3A_377 = arith.index_cast %get3A_376 : i32 to index
      %get3A_378 = arith.index_cast %mul3A_375 : i32 to index
      %get3A_379 = tpu.vector_load %arg15[%get3A_377, %get3A_378] {strides = array<i32>} : memref<1x1024xf32, #tpu.memory_space<vmem>>, vector<1x16xf32>,
      %get3A_380 = vector.shape_cast %get3A_379 : vector<1x16xf32> to vector<16xf32>
      %mul3A_381 = arith.mulf %gather3A_233, %get3A_380 : vector<16xf32>
      %get3A_382 = arith.constant 0 : i32
      %get3A_383 = arith.index_cast %get3A_382 : i32 to index
      %get3A_384 = arith.index_cast %mul3A_375 : i32 to index
      %get3A_385 = tpu.vector_load %arg16[%get3A_383, %get3A_384] {strides = array<i32>} : memref<1x1024xf32, #tpu.memory_space<vmem>>, vector<1x16xf32>,
      %get3A_386 = vector.shape_cast %get3A_385 : vector<1x16xf32> to vector<16xf32>
      %add3A_387 = arith.addf %mul3A_381, %get3A_386 : vector<16xf32>
      %get3A_388 = arith.constant 1 : i32
      %get3A_389 = arith.index_cast %get3A_388 : i32 to index
      %get3A_390 = arith.index_cast %mul3A_375 : i32 to index
      %get3A_391 = tpu.vector_load %arg17[%get3A_389, %get3A_390] {strides = array<i32>} : memref<2x1024xf32, #tpu.memory_space<vmem>>, vector<1x16xf32>,
      %get3A_392 = vector.shape_cast %get3A_391 : vector<1x16xf32> to vector<16xf32>
      %add3A_393 = arith.addf %add3A_387, %get3A_392 : vector<16xf32>
      %swap3A_394 = arith.constant 7 : i32
      %swap3A_395 = arith.index_cast %swap3A_394 : i32 to index
      %swap3A_396 = arith.index_cast %mul3A_375 : i32 to index
      %swap3A_397 = tpu.vector_load %arg13[%swap3A_395, %swap3A_396] {strides = array<i32>} : memref<8x1024xf32, #tpu.memory_space<vmem>>, vector<1x16xf32>,
      %swap3A_398 = vector.shape_cast %swap3A_397 : vector<1x16xf32> to vector<16xf32>
      %swap3A_399 = vector.shape_cast %add3A_393 : vector<16xf32> to vector<1x16xf32>
      tpu.vector_store %arg13[%swap3A_395, %swap3A_396], %swap3A_399 {strides = array<i32>} : memref<8x1024xf32, #tpu.memory_space<vmem>>, vector<1x16xf32>,
      %scan3A_400 = arith.constant 0 : i32
      scf.yield %scan3A_400 : i32
    }
    %scan3A_240 = arith.constant 64 : i32
    %scan3A_241 = arith.constant 0 : i32
    %scan3A_242 = arith.constant 0 : i32
    %scan3A_243 = arith.constant 8 : i32
    %scan3A_244 = arith.addi %scan3A_242, %scan3A_243 : i32
    %scan3A_245 = arith.constant 1 : i32
    %scan3A_246 = scf.for %scan3A_286 = %scan3A_242 to %scan3A_244 step %scan3A_245 iter_args(%scan3A_287 = %scan3A_241) -> (i32)  : i32 {
      %mul3A_288 = arith.constant 2 : i32
      %mul3A_289 = arith.muli %mul3A_288, %scan3A_286 : i32
      %add3A_290 = arith.constant 0 : i32
      %add3A_291 = arith.addi %mul3A_289, %add3A_290 : i32
      %add3A_292 = arith.constant 1 : i32
      %add3A_293 = arith.addi %add3A_291, %add3A_292 : i32
      %lt3A_294 = arith.constant 16 : i32
      %lt3A_295 = arith.cmpi slt, %add3A_293, %lt3A_294 : i32
      %convert_element_type3A = arith.extui %lt3A_295 : i1 to i32
      %cond3A = arith.constant 0 : i32
      %cond3A_296 = arith.cmpi ne, %convert_element_type3A, %cond3A : i32
      scf.if %cond3A_296 {
        %add3A_633 = arith.constant 1 : i32
        %add3A_634 = arith.addi %add3A_291, %add3A_633 : i32
        %mul3A_635 = arith.constant 4 : i32
        %mul3A_636 = arith.muli %add3A_634, %mul3A_635 : i32
        %add3A_637 = arith.addi %mul3A_2, %mul3A_636 : i32
        %dma_start3A_638 = arith.constant 1 : i32
        %dma_start3A_639 = arith.constant 0 : i32
        %dma_start3A_640 = arith.constant 0 : i32
        %dma_start3A_641 = arith.constant 0 : i32
        %dma_start3A_642 = tpu.memref_slice %arg10[%dma_start3A_638, %dma_start3A_639, %dma_start3A_640, %dma_start3A_641] : memref<2x4x4x1024xf32, #tpu.memory_space<vmem>> -> memref<1x4x4x1024xf32, #tpu.memory_space<vmem>>
        %dma_start3A_643 = tpu.memref_squeeze %dma_start3A_642 : memref<1x4x4x1024xf32, #tpu.memory_space<vmem>> -> memref<4x4x1024xf32, #tpu.memory_space<vmem>>
        %dma_start3A_644 = arith.constant 0 : i32
        %dma_start3A_645 = arith.constant 0 : i32
        %dma_start3A_646 = tpu.memref_slice %arg2[%add3A_637, %dma_start3A_644, %dma_start3A_645] : memref<2048x4x1024xf32, #tpu.memory_space<hbm>> -> memref<4x4x1024xf32, #tpu.memory_space<hbm>>
        %dma_start3A_647 = arith.constant 0 : i32
        %dma_start3A_648 = arith.constant 0 : i32
        %dma_start3A_649 = arith.constant 0 : i32
        %dma_start3A_650 = tpu.memref_slice %arg10[%dma_start3A_638, %dma_start3A_647, %dma_start3A_648, %dma_start3A_649] : memref<2x4x4x1024xf32, #tpu.memory_space<vmem>> -> memref<1x4x4x1024xf32, #tpu.memory_space<vmem>>
        %dma_start3A_651 = tpu.memref_squeeze %dma_start3A_650 : memref<1x4x4x1024xf32, #tpu.memory_space<vmem>> -> memref<4x4x1024xf32, #tpu.memory_space<vmem>>
        %dma_start3A_652 = arith.constant 0 : i32
        %dma_start3A_653 = arith.constant 0 : i32
        %dma_start3A_654 = tpu.memref_slice %arg2[%add3A_637, %dma_start3A_652, %dma_start3A_653] : memref<2048x4x1024xf32, #tpu.memory_space<hbm>> -> memref<4x4x1024xf32, #tpu.memory_space<hbm>>
        tpu.enqueue_dma source(%dma_start3A_654 : memref<4x4x1024xf32, #tpu.memory_space<hbm>>) target(%dma_start3A_651 : memref<4x4x1024xf32, #tpu.memory_space<vmem>>) target_semaphore(%arg20 : memref<!tpu.dma_semaphore, #tpu.memory_space<semaphore_mem>>)
        %dma_start3A_655 = arith.constant 1 : i32
        %dma_start3A_656 = arith.constant 0 : i32
        %dma_start3A_657 = arith.constant 0 : i32
        %dma_start3A_658 = tpu.memref_slice %arg12[%dma_start3A_655, %dma_start3A_656, %dma_start3A_657] : memref<2x4x1024xf32, #tpu.memory_space<vmem>> -> memref<1x4x1024xf32, #tpu.memory_space<vmem>>
        %dma_start3A_659 = tpu.memref_squeeze %dma_start3A_658 : memref<1x4x1024xf32, #tpu.memory_space<vmem>> -> memref<4x1024xf32, #tpu.memory_space<vmem>>
        %dma_start3A_660 = arith.constant 0 : i32
        %dma_start3A_661 = tpu.memref_slice %arg3[%add3A_637, %dma_start3A_660] : memref<8192x1024xf32, #tpu.memory_space<hbm>> -> memref<4x1024xf32, #tpu.memory_space<hbm>>
        %dma_start3A_662 = arith.constant 0 : i32
        %dma_start3A_663 = arith.constant 0 : i32
        %dma_start3A_664 = tpu.memref_slice %arg12[%dma_start3A_655, %dma_start3A_662, %dma_start3A_663] : memref<2x4x1024xf32, #tpu.memory_space<vmem>> -> memref<1x4x1024xf32, #tpu.memory_space<vmem>>
        %dma_start3A_665 = tpu.memref_squeeze %dma_start3A_664 : memref<1x4x1024xf32, #tpu.memory_space<vmem>> -> memref<4x1024xf32, #tpu.memory_space<vmem>>
        %dma_start3A_666 = arith.constant 0 : i32
        %dma_start3A_667 = tpu.memref_slice %arg3[%add3A_637, %dma_start3A_666] : memref<8192x1024xf32, #tpu.memory_space<hbm>> -> memref<4x1024xf32, #tpu.memory_space<hbm>>
        tpu.enqueue_dma source(%dma_start3A_667 : memref<4x1024xf32, #tpu.memory_space<hbm>>) target(%dma_start3A_665 : memref<4x1024xf32, #tpu.memory_space<vmem>>) target_semaphore(%arg22 : memref<!tpu.dma_semaphore, #tpu.memory_space<semaphore_mem>>)
      } else {
      }
      %mul3A_297 = arith.constant 4 : i32
      %mul3A_298 = arith.muli %add3A_291, %mul3A_297 : i32
      %add3A_299 = arith.addi %mul3A_2, %mul3A_298 : i32
      %dma_wait3A_300 = arith.constant 0 : i32
      %dma_wait3A_301 = arith.constant 0 : i32
      %dma_wait3A_302 = arith.constant 0 : i32
      %dma_wait3A_303 = arith.constant 0 : i32
      %dma_wait3A_304 = tpu.memref_slice %arg10[%dma_wait3A_300, %dma_wait3A_301, %dma_wait3A_302, %dma_wait3A_303] : memref<2x4x4x1024xf32, #tpu.memory_space<vmem>> -> memref<1x4x4x1024xf32, #tpu.memory_space<vmem>>
      %dma_wait3A_305 = tpu.memref_squeeze %dma_wait3A_304 : memref<1x4x4x1024xf32, #tpu.memory_space<vmem>> -> memref<4x4x1024xf32, #tpu.memory_space<vmem>>
      %dma_wait3A_306 = arith.constant 0 : i32
      %dma_wait3A_307 = arith.constant 0 : i32
      %dma_wait3A_308 = tpu.memref_slice %arg2[%add3A_299, %dma_wait3A_306, %dma_wait3A_307] : memref<2048x4x1024xf32, #tpu.memory_space<hbm>> -> memref<4x4x1024xf32, #tpu.memory_space<hbm>>
      %dma_wait3A_309 = arith.constant 0 : i32
      %dma_wait3A_310 = arith.constant 0 : i32
      %dma_wait3A_311 = arith.constant 0 : i32
      %dma_wait3A_312 = tpu.memref_slice %arg10[%dma_wait3A_300, %dma_wait3A_309, %dma_wait3A_310, %dma_wait3A_311] : memref<2x4x4x1024xf32, #tpu.memory_space<vmem>> -> memref<1x4x4x1024xf32, #tpu.memory_space<vmem>>
      %dma_wait3A_313 = tpu.memref_squeeze %dma_wait3A_312 : memref<1x4x4x1024xf32, #tpu.memory_space<vmem>> -> memref<4x4x1024xf32, #tpu.memory_space<vmem>>
      %dma_wait3A_314 = arith.constant 0 : i32
      %dma_wait3A_315 = arith.constant 0 : i32
      %dma_wait3A_316 = tpu.memref_slice %arg2[%add3A_299, %dma_wait3A_314, %dma_wait3A_315] : memref<2048x4x1024xf32, #tpu.memory_space<hbm>> -> memref<4x4x1024xf32, #tpu.memory_space<hbm>>
      tpu.wait_dma2 semaphore(%arg19 : memref<!tpu.dma_semaphore, #tpu.memory_space<semaphore_mem>>) src(%dma_wait3A_316 : memref<4x4x1024xf32, #tpu.memory_space<hbm>>) dst(%dma_wait3A_313 : memref<4x4x1024xf32, #tpu.memory_space<vmem>>)
      %dma_wait3A_317 = arith.constant 0 : i32
      %dma_wait3A_318 = arith.constant 0 : i32
      %dma_wait3A_319 = arith.constant 0 : i32
      %dma_wait3A_320 = tpu.memref_slice %arg12[%dma_wait3A_317, %dma_wait3A_318, %dma_wait3A_319] : memref<2x4x1024xf32, #tpu.memory_space<vmem>> -> memref<1x4x1024xf32, #tpu.memory_space<vmem>>
      %dma_wait3A_321 = tpu.memref_squeeze %dma_wait3A_320 : memref<1x4x1024xf32, #tpu.memory_space<vmem>> -> memref<4x1024xf32, #tpu.memory_space<vmem>>
      %dma_wait3A_322 = arith.constant 0 : i32
      %dma_wait3A_323 = tpu.memref_slice %arg3[%add3A_299, %dma_wait3A_322] : memref<8192x1024xf32, #tpu.memory_space<hbm>> -> memref<4x1024xf32, #tpu.memory_space<hbm>>
      %dma_wait3A_324 = arith.constant 0 : i32
      %dma_wait3A_325 = arith.constant 0 : i32
      %dma_wait3A_326 = tpu.memref_slice %arg12[%dma_wait3A_317, %dma_wait3A_324, %dma_wait3A_325] : memref<2x4x1024xf32, #tpu.memory_space<vmem>> -> memref<1x4x1024xf32, #tpu.memory_space<vmem>>
      %dma_wait3A_327 = tpu.memref_squeeze %dma_wait3A_326 : memref<1x4x1024xf32, #tpu.memory_space<vmem>> -> memref<4x1024xf32, #tpu.memory_space<vmem>>
      %dma_wait3A_328 = arith.constant 0 : i32
      %dma_wait3A_329 = tpu.memref_slice %arg3[%add3A_299, %dma_wait3A_328] : memref<8192x1024xf32, #tpu.memory_space<hbm>> -> memref<4x1024xf32, #tpu.memory_space<hbm>>
      tpu.wait_dma2 semaphore(%arg21 : memref<!tpu.dma_semaphore, #tpu.memory_space<semaphore_mem>>) src(%dma_wait3A_329 : memref<4x1024xf32, #tpu.memory_space<hbm>>) dst(%dma_wait3A_327 : memref<4x1024xf32, #tpu.memory_space<vmem>>)
      %ge3A = arith.constant 2 : i32
      %ge3A_330 = arith.cmpi sge, %add3A_291, %ge3A : i32
      %convert_element_type3A_331 = arith.extui %ge3A_330 : i1 to i32
      %cond3A_332 = arith.constant 0 : i32
      %cond3A_333 = arith.cmpi ne, %convert_element_type3A_331, %cond3A_332 : i32
      scf.if %cond3A_333 {
        %sub3A = arith.constant 2 : i32
        %sub3A_633 = arith.subi %add3A_291, %sub3A : i32
        %mul3A_634 = arith.constant 4 : i32
        %mul3A_635 = arith.muli %sub3A_633, %mul3A_634 : i32
        %add3A_636 = arith.addi %mul3A_2, %mul3A_635 : i32
        %dma_wait3A_637 = arith.constant 0 : i32
        %dma_wait3A_638 = arith.constant 0 : i32
        %dma_wait3A_639 = arith.constant 0 : i32
        %dma_wait3A_640 = arith.constant 0 : i32
        %dma_wait3A_641 = tpu.memref_slice %arg11[%dma_wait3A_637, %dma_wait3A_638, %dma_wait3A_639, %dma_wait3A_640] : memref<2x4x4x1024xf32, #tpu.memory_space<vmem>> -> memref<1x4x4x1024xf32, #tpu.memory_space<vmem>>
        %dma_wait3A_642 = tpu.memref_squeeze %dma_wait3A_641 : memref<1x4x4x1024xf32, #tpu.memory_space<vmem>> -> memref<4x4x1024xf32, #tpu.memory_space<vmem>>
        %dma_wait3A_643 = arith.constant 0 : i32
        %dma_wait3A_644 = arith.constant 0 : i32
        %dma_wait3A_645 = tpu.memref_slice %arg9[%add3A_636, %dma_wait3A_643, %dma_wait3A_644] : memref<2048x4x1024xf32, #tpu.memory_space<hbm>> -> memref<4x4x1024xf32, #tpu.memory_space<hbm>>
        %dma_wait3A_646 = arith.constant 0 : i32
        %dma_wait3A_647 = arith.constant 0 : i32
        %dma_wait3A_648 = tpu.memref_slice %arg9[%add3A_636, %dma_wait3A_646, %dma_wait3A_647] : memref<2048x4x1024xf32, #tpu.memory_space<hbm>> -> memref<4x4x1024xf32, #tpu.memory_space<hbm>>
        %dma_wait3A_649 = arith.constant 0 : i32
        %dma_wait3A_650 = arith.constant 0 : i32
        %dma_wait3A_651 = arith.constant 0 : i32
        %dma_wait3A_652 = tpu.memref_slice %arg11[%dma_wait3A_637, %dma_wait3A_649, %dma_wait3A_650, %dma_wait3A_651] : memref<2x4x4x1024xf32, #tpu.memory_space<vmem>> -> memref<1x4x4x1024xf32, #tpu.memory_space<vmem>>
        %dma_wait3A_653 = tpu.memref_squeeze %dma_wait3A_652 : memref<1x4x4x1024xf32, #tpu.memory_space<vmem>> -> memref<4x4x1024xf32, #tpu.memory_space<vmem>>
        tpu.wait_dma2 semaphore(%arg23 : memref<!tpu.dma_semaphore, #tpu.memory_space<semaphore_mem>>) src(%dma_wait3A_653 : memref<4x4x1024xf32, #tpu.memory_space<vmem>>) dst(%dma_wait3A_648 : memref<4x4x1024xf32, #tpu.memory_space<hbm>>)
      } else {
      }
      %mul3A_334 = arith.constant 4 : i32
      %mul3A_335 = arith.muli %add3A_291, %mul3A_334 : i32
      %mul3A_336 = arith.constant 4 : i32
      %mul3A_337 = arith.muli %mul3A_335, %mul3A_336 : i32
      %get3A_338 = arith.index_cast %mul3A_337 : i32 to index
      %get3A_339 = tpu.vector_load %arg18[%get3A_338] {strides = array<i32>} : memref<256xi32, #tpu.memory_space<vmem>>, vector<16xi32>,
      %get3A_340 = vector.shape_cast %get3A_339 : vector<16xi32> to vector<16xi32>
      %slice3A = vector.extract_strided_slice %get3A_340 {offsets = [0], sizes = [1], strides = [1]} : vector<16xi32> to vector<1xi32>
      %squeeze3A = vector.extract %slice3A[0] : i32 from vector<1xi32>
      %mul3A_341 = arith.constant 4 : i32
      %mul3A_342 = arith.muli %squeeze3A, %mul3A_341 : i32
      %add3A_343 = arith.constant 0 : i32
      %add3A_344 = arith.addi %mul3A_342, %add3A_343 : i32
      %slice3A_345 = vector.extract_strided_slice %get3A_340 {offsets = [1], sizes = [1], strides = [1]} : vector<16xi32> to vector<1xi32>
      %squeeze3A_346 = vector.extract %slice3A_345[0] : i32 from vector<1xi32>
      %mul3A_347 = arith.constant 4 : i32
      %mul3A_348 = arith.muli %squeeze3A_346, %mul3A_347 : i32
      %add3A_349 = arith.constant 1 : i32
      %add3A_350 = arith.addi %mul3A_348, %add3A_349 : i32
      %slice3A_351 = vector.extract_strided_slice %get3A_340 {offsets = [2], sizes = [1], strides = [1]} : vector<16xi32> to vector<1xi32>
      %squeeze3A_352 = vector.extract %slice3A_351[0] : i32 from vector<1xi32>
      %mul3A_353 = arith.constant 4 : i32
      %mul3A_354 = arith.muli %squeeze3A_352, %mul3A_353 : i32
      %add3A_355 = arith.constant 2 : i32
      %add3A_356 = arith.addi %mul3A_354, %add3A_355 : i32
      %slice3A_357 = vector.extract_strided_slice %get3A_340 {offsets = [3], sizes = [1], strides = [1]} : vector<16xi32> to vector<1xi32>
      %squeeze3A_358 = vector.extract %slice3A_357[0] : i32 from vector<1xi32>
      %mul3A_359 = arith.constant 4 : i32
      %mul3A_360 = arith.muli %squeeze3A_358, %mul3A_359 : i32
      %add3A_361 = arith.constant 3 : i32
      %add3A_362 = arith.addi %mul3A_360, %add3A_361 : i32
      %slice3A_363 = vector.extract_strided_slice %get3A_340 {offsets = [4], sizes = [1], strides = [1]} : vector<16xi32> to vector<1xi32>
      %squeeze3A_364 = vector.extract %slice3A_363[0] : i32 from vector<1xi32>
      %mul3A_365 = arith.constant 4 : i32
      %mul3A_366 = arith.muli %squeeze3A_364, %mul3A_365 : i32
      %add3A_367 = arith.constant 0 : i32
      %add3A_368 = arith.addi %mul3A_366, %add3A_367 : i32
      %slice3A_369 = vector.extract_strided_slice %get3A_340 {offsets = [5], sizes = [1], strides = [1]} : vector<16xi32> to vector<1xi32>
      %squeeze3A_370 = vector.extract %slice3A_369[0] : i32 from vector<1xi32>
      %mul3A_371 = arith.constant 4 : i32
      %mul3A_372 = arith.muli %squeeze3A_370, %mul3A_371 : i32
      %add3A_373 = arith.constant 1 : i32
      %add3A_374 = arith.addi %mul3A_372, %add3A_373 : i32
      %slice3A_375 = vector.extract_strided_slice %get3A_340 {offsets = [6], sizes = [1], strides = [1]} : vector<16xi32> to vector<1xi32>
      %squeeze3A_376 = vector.extract %slice3A_375[0] : i32 from vector<1xi32>
      %mul3A_377 = arith.constant 4 : i32
      %mul3A_378 = arith.muli %squeeze3A_376, %mul3A_377 : i32
      %add3A_379 = arith.constant 2 : i32
      %add3A_380 = arith.addi %mul3A_378, %add3A_379 : i32
      %slice3A_381 = vector.extract_strided_slice %get3A_340 {offsets = [7], sizes = [1], strides = [1]} : vector<16xi32> to vector<1xi32>
      %squeeze3A_382 = vector.extract %slice3A_381[0] : i32 from vector<1xi32>
      %mul3A_383 = arith.constant 4 : i32
      %mul3A_384 = arith.muli %squeeze3A_382, %mul3A_383 : i32
      %add3A_385 = arith.constant 3 : i32
      %add3A_386 = arith.addi %mul3A_384, %add3A_385 : i32
      %slice3A_387 = vector.extract_strided_slice %get3A_340 {offsets = [8], sizes = [1], strides = [1]} : vector<16xi32> to vector<1xi32>
      %squeeze3A_388 = vector.extract %slice3A_387[0] : i32 from vector<1xi32>
      %mul3A_389 = arith.constant 4 : i32
      %mul3A_390 = arith.muli %squeeze3A_388, %mul3A_389 : i32
      %add3A_391 = arith.constant 0 : i32
      %add3A_392 = arith.addi %mul3A_390, %add3A_391 : i32
      %slice3A_393 = vector.extract_strided_slice %get3A_340 {offsets = [9], sizes = [1], strides = [1]} : vector<16xi32> to vector<1xi32>
      %squeeze3A_394 = vector.extract %slice3A_393[0] : i32 from vector<1xi32>
      %mul3A_395 = arith.constant 4 : i32
      %mul3A_396 = arith.muli %squeeze3A_394, %mul3A_395 : i32
      %add3A_397 = arith.constant 1 : i32
      %add3A_398 = arith.addi %mul3A_396, %add3A_397 : i32
      %slice3A_399 = vector.extract_strided_slice %get3A_340 {offsets = [10], sizes = [1], strides = [1]} : vector<16xi32> to vector<1xi32>
      %squeeze3A_400 = vector.extract %slice3A_399[0] : i32 from vector<1xi32>
      %mul3A_401 = arith.constant 4 : i32
      %mul3A_402 = arith.muli %squeeze3A_400, %mul3A_401 : i32
      %add3A_403 = arith.constant 2 : i32
      %add3A_404 = arith.addi %mul3A_402, %add3A_403 : i32
      %slice3A_405 = vector.extract_strided_slice %get3A_340 {offsets = [11], sizes = [1], strides = [1]} : vector<16xi32> to vector<1xi32>
      %squeeze3A_406 = vector.extract %slice3A_405[0] : i32 from vector<1xi32>
      %mul3A_407 = arith.constant 4 : i32
      %mul3A_408 = arith.muli %squeeze3A_406, %mul3A_407 : i32
      %add3A_409 = arith.constant 3 : i32
      %add3A_410 = arith.addi %mul3A_408, %add3A_409 : i32
      %slice3A_411 = vector.extract_strided_slice %get3A_340 {offsets = [12], sizes = [1], strides = [1]} : vector<16xi32> to vector<1xi32>
      %squeeze3A_412 = vector.extract %slice3A_411[0] : i32 from vector<1xi32>
      %mul3A_413 = arith.constant 4 : i32
      %mul3A_414 = arith.muli %squeeze3A_412, %mul3A_413 : i32
      %add3A_415 = arith.constant 0 : i32
      %add3A_416 = arith.addi %mul3A_414, %add3A_415 : i32
      %slice3A_417 = vector.extract_strided_slice %get3A_340 {offsets = [13], sizes = [1], strides = [1]} : vector<16xi32> to vector<1xi32>
      %squeeze3A_418 = vector.extract %slice3A_417[0] : i32 from vector<1xi32>
      %mul3A_419 = arith.constant 4 : i32
      %mul3A_420 = arith.muli %squeeze3A_418, %mul3A_419 : i32
      %add3A_421 = arith.constant 1 : i32
      %add3A_422 = arith.addi %mul3A_420, %add3A_421 : i32
      %slice3A_423 = vector.extract_strided_slice %get3A_340 {offsets = [14], sizes = [1], strides = [1]} : vector<16xi32> to vector<1xi32>
      %squeeze3A_424 = vector.extract %slice3A_423[0] : i32 from vector<1xi32>
      %mul3A_425 = arith.constant 4 : i32
      %mul3A_426 = arith.muli %squeeze3A_424, %mul3A_425 : i32
      %add3A_427 = arith.constant 2 : i32
      %add3A_428 = arith.addi %mul3A_426, %add3A_427 : i32
      %slice3A_429 = vector.extract_strided_slice %get3A_340 {offsets = [15], sizes = [1], strides = [1]} : vector<16xi32> to vector<1xi32>
      %squeeze3A_430 = vector.extract %slice3A_429[0] : i32 from vector<1xi32>
      %mul3A_431 = arith.constant 4 : i32
      %mul3A_432 = arith.muli %squeeze3A_430, %mul3A_431 : i32
      %add3A_433 = arith.constant 3 : i32
      %add3A_434 = arith.addi %mul3A_432, %add3A_433 : i32
      %parallel_loop3A = arith.constant 0 : i32
      %parallel_loop3A_435 = arith.constant 64 : i32
      %parallel_loop3A_436 = arith.constant 1 : i32
      scf.for %parallel_loop3A_633 = %parallel_loop3A to %parallel_loop3A_435 step %parallel_loop3A_436  : i32 {
        %parallel_loop3A_634 = arith.constant 16 : i32
        %parallel_loop3A_635 = arith.muli %parallel_loop3A_633, %parallel_loop3A_634 : i32
        %parallel_loop3A_636 = arith.constant 0 : i32
        %parallel_loop3A_637 = arith.constant 0 : i32
        %parallel_loop3A_638 = arith.index_cast %parallel_loop3A_636 : i32 to index
        %parallel_loop3A_639 = arith.index_cast %parallel_loop3A_637 : i32 to index
        %parallel_loop3A_640 = arith.index_cast %parallel_loop3A_635 : i32 to index
        %parallel_loop3A_641 = tpu.vector_load %arg12[%parallel_loop3A_638, %parallel_loop3A_639, %parallel_loop3A_640] {strides = array<i32>} : memref<2x4x1024xf32, #tpu.memory_space<vmem>>, vector<1x1x16xf32>,
        %parallel_loop3A_642 = vector.shape_cast %parallel_loop3A_641 : vector<1x1x16xf32> to vector<16xf32>
        %parallel_loop3A_643 = arith.constant 0 : i32
        %parallel_loop3A_644 = arith.constant 1 : i32
        %parallel_loop3A_645 = arith.index_cast %parallel_loop3A_643 : i32 to index
        %parallel_loop3A_646 = arith.index_cast %parallel_loop3A_644 : i32 to index
        %parallel_loop3A_647 = arith.index_cast %parallel_loop3A_635 : i32 to index
        %parallel_loop3A_648 = tpu.vector_load %arg12[%parallel_loop3A_645, %parallel_loop3A_646, %parallel_loop3A_647] {strides = array<i32>} : memref<2x4x1024xf32, #tpu.memory_space<vmem>>, vector<1x1x16xf32>,
        %parallel_loop3A_649 = vector.shape_cast %parallel_loop3A_648 : vector<1x1x16xf32> to vector<16xf32>
        %parallel_loop3A_650 = arith.constant 0 : i32
        %parallel_loop3A_651 = arith.constant 2 : i32
        %parallel_loop3A_652 = arith.index_cast %parallel_loop3A_650 : i32 to index
        %parallel_loop3A_653 = arith.index_cast %parallel_loop3A_651 : i32 to index
        %parallel_loop3A_654 = arith.index_cast %parallel_loop3A_635 : i32 to index
        %parallel_loop3A_655 = tpu.vector_load %arg12[%parallel_loop3A_652, %parallel_loop3A_653, %parallel_loop3A_654] {strides = array<i32>} : memref<2x4x1024xf32, #tpu.memory_space<vmem>>, vector<1x1x16xf32>,
        %parallel_loop3A_656 = vector.shape_cast %parallel_loop3A_655 : vector<1x1x16xf32> to vector<16xf32>
        %parallel_loop3A_657 = arith.constant 0 : i32
        %parallel_loop3A_658 = arith.constant 3 : i32
        %parallel_loop3A_659 = arith.index_cast %parallel_loop3A_657 : i32 to index
        %parallel_loop3A_660 = arith.index_cast %parallel_loop3A_658 : i32 to index
        %parallel_loop3A_661 = arith.index_cast %parallel_loop3A_635 : i32 to index
        %parallel_loop3A_662 = tpu.vector_load %arg12[%parallel_loop3A_659, %parallel_loop3A_660, %parallel_loop3A_661] {strides = array<i32>} : memref<2x4x1024xf32, #tpu.memory_space<vmem>>, vector<1x1x16xf32>,
        %parallel_loop3A_663 = vector.shape_cast %parallel_loop3A_662 : vector<1x1x16xf32> to vector<16xf32>
        %parallel_loop3A_664 = arith.constant 0 : i32
        %parallel_loop3A_665 = arith.constant 0 : i32
        %parallel_loop3A_666 = arith.constant 0 : i32
        %parallel_loop3A_667 = arith.index_cast %parallel_loop3A_664 : i32 to index
        %parallel_loop3A_668 = arith.index_cast %parallel_loop3A_665 : i32 to index
        %parallel_loop3A_669 = arith.index_cast %parallel_loop3A_666 : i32 to index
        %parallel_loop3A_670 = arith.index_cast %parallel_loop3A_635 : i32 to index
        %parallel_loop3A_671 = tpu.vector_load %arg10[%parallel_loop3A_667, %parallel_loop3A_668, %parallel_loop3A_669, %parallel_loop3A_670] {strides = array<i32>} : memref<2x4x4x1024xf32, #tpu.memory_space<vmem>>, vector<1x1x1x16xf32>,
        %parallel_loop3A_672 = vector.shape_cast %parallel_loop3A_671 : vector<1x1x1x16xf32> to vector<16xf32>
        %parallel_loop3A_673 = arith.addf %parallel_loop3A_672, %parallel_loop3A_642 : vector<16xf32>
        %parallel_loop3A_674 = arith.index_cast %add3A_344 : i32 to index
        %parallel_loop3A_675 = arith.index_cast %parallel_loop3A_635 : i32 to index
        %parallel_loop3A_676 = tpu.vector_load %arg13[%parallel_loop3A_674, %parallel_loop3A_675] {strides = array<i32>} : memref<8x1024xf32, #tpu.memory_space<vmem>>, vector<1x16xf32>,
        %parallel_loop3A_677 = vector.shape_cast %parallel_loop3A_676 : vector<1x16xf32> to vector<16xf32>
        %parallel_loop3A_678 = arith.addf %parallel_loop3A_673, %parallel_loop3A_677 : vector<16xf32>
        %parallel_loop3A_679 = arith.constant 0 : i32
        %parallel_loop3A_680 = arith.constant 0 : i32
        %parallel_loop3A_681 = arith.constant 0 : i32
        %parallel_loop3A_682 = arith.index_cast %parallel_loop3A_679 : i32 to index
        %parallel_loop3A_683 = arith.index_cast %parallel_loop3A_680 : i32 to index
        %parallel_loop3A_684 = arith.index_cast %parallel_loop3A_681 : i32 to index
        %parallel_loop3A_685 = arith.index_cast %parallel_loop3A_635 : i32 to index
        %parallel_loop3A_686 = tpu.vector_load %arg11[%parallel_loop3A_682, %parallel_loop3A_683, %parallel_loop3A_684, %parallel_loop3A_685] {strides = array<i32>} : memref<2x4x4x1024xf32, #tpu.memory_space<vmem>>, vector<1x1x1x16xf32>,
        %parallel_loop3A_687 = vector.shape_cast %parallel_loop3A_686 : vector<1x1x1x16xf32> to vector<16xf32>
        %parallel_loop3A_688 = vector.shape_cast %parallel_loop3A_678 : vector<16xf32> to vector<1x1x1x16xf32>
        tpu.vector_store %arg11[%parallel_loop3A_682, %parallel_loop3A_683, %parallel_loop3A_684, %parallel_loop3A_685], %parallel_loop3A_688 {strides = array<i32>} : memref<2x4x4x1024xf32, #tpu.memory_space<vmem>>, vector<1x1x1x16xf32>,
        %parallel_loop3A_689 = arith.constant 0 : i32
        %parallel_loop3A_690 = arith.constant 0 : i32
        %parallel_loop3A_691 = arith.constant 1 : i32
        %parallel_loop3A_692 = arith.index_cast %parallel_loop3A_689 : i32 to index
        %parallel_loop3A_693 = arith.index_cast %parallel_loop3A_690 : i32 to index
        %parallel_loop3A_694 = arith.index_cast %parallel_loop3A_691 : i32 to index
        %parallel_loop3A_695 = arith.index_cast %parallel_loop3A_635 : i32 to index
        %parallel_loop3A_696 = tpu.vector_load %arg10[%parallel_loop3A_692, %parallel_loop3A_693, %parallel_loop3A_694, %parallel_loop3A_695] {strides = array<i32>} : memref<2x4x4x1024xf32, #tpu.memory_space<vmem>>, vector<1x1x1x16xf32>,
        %parallel_loop3A_697 = vector.shape_cast %parallel_loop3A_696 : vector<1x1x1x16xf32> to vector<16xf32>
        %parallel_loop3A_698 = arith.addf %parallel_loop3A_697, %parallel_loop3A_642 : vector<16xf32>
        %parallel_loop3A_699 = arith.index_cast %add3A_350 : i32 to index
        %parallel_loop3A_700 = arith.index_cast %parallel_loop3A_635 : i32 to index
        %parallel_loop3A_701 = tpu.vector_load %arg13[%parallel_loop3A_699, %parallel_loop3A_700] {strides = array<i32>} : memref<8x1024xf32, #tpu.memory_space<vmem>>, vector<1x16xf32>,
        %parallel_loop3A_702 = vector.shape_cast %parallel_loop3A_701 : vector<1x16xf32> to vector<16xf32>
        %parallel_loop3A_703 = arith.addf %parallel_loop3A_698, %parallel_loop3A_702 : vector<16xf32>
        %parallel_loop3A_704 = arith.constant 0 : i32
        %parallel_loop3A_705 = arith.constant 0 : i32
        %parallel_loop3A_706 = arith.constant 1 : i32
        %parallel_loop3A_707 = arith.index_cast %parallel_loop3A_704 : i32 to index
        %parallel_loop3A_708 = arith.index_cast %parallel_loop3A_705 : i32 to index
        %parallel_loop3A_709 = arith.index_cast %parallel_loop3A_706 : i32 to index
        %parallel_loop3A_710 = arith.index_cast %parallel_loop3A_635 : i32 to index
        %parallel_loop3A_711 = tpu.vector_load %arg11[%parallel_loop3A_707, %parallel_loop3A_708, %parallel_loop3A_709, %parallel_loop3A_710] {strides = array<i32>} : memref<2x4x4x1024xf32, #tpu.memory_space<vmem>>, vector<1x1x1x16xf32>,
        %parallel_loop3A_712 = vector.shape_cast %parallel_loop3A_711 : vector<1x1x1x16xf32> to vector<16xf32>
        %parallel_loop3A_713 = vector.shape_cast %parallel_loop3A_703 : vector<16xf32> to vector<1x1x1x16xf32>
        tpu.vector_store %arg11[%parallel_loop3A_707, %parallel_loop3A_708, %parallel_loop3A_709, %parallel_loop3A_710], %parallel_loop3A_713 {strides = array<i32>} : memref<2x4x4x1024xf32, #tpu.memory_space<vmem>>, vector<1x1x1x16xf32>,
        %parallel_loop3A_714 = arith.constant 0 : i32
        %parallel_loop3A_715 = arith.constant 0 : i32
        %parallel_loop3A_716 = arith.constant 2 : i32
        %parallel_loop3A_717 = arith.index_cast %parallel_loop3A_714 : i32 to index
        %parallel_loop3A_718 = arith.index_cast %parallel_loop3A_715 : i32 to index
        %parallel_loop3A_719 = arith.index_cast %parallel_loop3A_716 : i32 to index
        %parallel_loop3A_720 = arith.index_cast %parallel_loop3A_635 : i32 to index
        %parallel_loop3A_721 = tpu.vector_load %arg10[%parallel_loop3A_717, %parallel_loop3A_718, %parallel_loop3A_719, %parallel_loop3A_720] {strides = array<i32>} : memref<2x4x4x1024xf32, #tpu.memory_space<vmem>>, vector<1x1x1x16xf32>,
        %parallel_loop3A_722 = vector.shape_cast %parallel_loop3A_721 : vector<1x1x1x16xf32> to vector<16xf32>
        %parallel_loop3A_723 = arith.addf %parallel_loop3A_722, %parallel_loop3A_642 : vector<16xf32>
        %parallel_loop3A_724 = arith.index_cast %add3A_356 : i32 to index
        %parallel_loop3A_725 = arith.index_cast %parallel_loop3A_635 : i32 to index
        %parallel_loop3A_726 = tpu.vector_load %arg13[%parallel_loop3A_724, %parallel_loop3A_725] {strides = array<i32>} : memref<8x1024xf32, #tpu.memory_space<vmem>>, vector<1x16xf32>,
        %parallel_loop3A_727 = vector.shape_cast %parallel_loop3A_726 : vector<1x16xf32> to vector<16xf32>
        %parallel_loop3A_728 = arith.addf %parallel_loop3A_723, %parallel_loop3A_727 : vector<16xf32>
        %parallel_loop3A_729 = arith.constant 0 : i32
        %parallel_loop3A_730 = arith.constant 0 : i32
        %parallel_loop3A_731 = arith.constant 2 : i32
        %parallel_loop3A_732 = arith.index_cast %parallel_loop3A_729 : i32 to index
        %parallel_loop3A_733 = arith.index_cast %parallel_loop3A_730 : i32 to index
        %parallel_loop3A_734 = arith.index_cast %parallel_loop3A_731 : i32 to index
        %parallel_loop3A_735 = arith.index_cast %parallel_loop3A_635 : i32 to index
        %parallel_loop3A_736 = tpu.vector_load %arg11[%parallel_loop3A_732, %parallel_loop3A_733, %parallel_loop3A_734, %parallel_loop3A_735] {strides = array<i32>} : memref<2x4x4x1024xf32, #tpu.memory_space<vmem>>, vector<1x1x1x16xf32>,
        %parallel_loop3A_737 = vector.shape_cast %parallel_loop3A_736 : vector<1x1x1x16xf32> to vector<16xf32>
        %parallel_loop3A_738 = vector.shape_cast %parallel_loop3A_728 : vector<16xf32> to vector<1x1x1x16xf32>
        tpu.vector_store %arg11[%parallel_loop3A_732, %parallel_loop3A_733, %parallel_loop3A_734, %parallel_loop3A_735], %parallel_loop3A_738 {strides = array<i32>} : memref<2x4x4x1024xf32, #tpu.memory_space<vmem>>, vector<1x1x1x16xf32>,
        %parallel_loop3A_739 = arith.constant 0 : i32
        %parallel_loop3A_740 = arith.constant 0 : i32
        %parallel_loop3A_741 = arith.constant 3 : i32
        %parallel_loop3A_742 = arith.index_cast %parallel_loop3A_739 : i32 to index
        %parallel_loop3A_743 = arith.index_cast %parallel_loop3A_740 : i32 to index
        %parallel_loop3A_744 = arith.index_cast %parallel_loop3A_741 : i32 to index
        %parallel_loop3A_745 = arith.index_cast %parallel_loop3A_635 : i32 to index
        %parallel_loop3A_746 = tpu.vector_load %arg10[%parallel_loop3A_742, %parallel_loop3A_743, %parallel_loop3A_744, %parallel_loop3A_745] {strides = array<i32>} : memref<2x4x4x1024xf32, #tpu.memory_space<vmem>>, vector<1x1x1x16xf32>,
        %parallel_loop3A_747 = vector.shape_cast %parallel_loop3A_746 : vector<1x1x1x16xf32> to vector<16xf32>
        %parallel_loop3A_748 = arith.addf %parallel_loop3A_747, %parallel_loop3A_642 : vector<16xf32>
        %parallel_loop3A_749 = arith.index_cast %add3A_362 : i32 to index
        %parallel_loop3A_750 = arith.index_cast %parallel_loop3A_635 : i32 to index
        %parallel_loop3A_751 = tpu.vector_load %arg13[%parallel_loop3A_749, %parallel_loop3A_750] {strides = array<i32>} : memref<8x1024xf32, #tpu.memory_space<vmem>>, vector<1x16xf32>,
        %parallel_loop3A_752 = vector.shape_cast %parallel_loop3A_751 : vector<1x16xf32> to vector<16xf32>
        %parallel_loop3A_753 = arith.addf %parallel_loop3A_748, %parallel_loop3A_752 : vector<16xf32>
        %parallel_loop3A_754 = arith.constant 0 : i32
        %parallel_loop3A_755 = arith.constant 0 : i32
        %parallel_loop3A_756 = arith.constant 3 : i32
        %parallel_loop3A_757 = arith.index_cast %parallel_loop3A_754 : i32 to index
        %parallel_loop3A_758 = arith.index_cast %parallel_loop3A_755 : i32 to index
        %parallel_loop3A_759 = arith.index_cast %parallel_loop3A_756 : i32 to index
        %parallel_loop3A_760 = arith.index_cast %parallel_loop3A_635 : i32 to index
        %parallel_loop3A_761 = tpu.vector_load %arg11[%parallel_loop3A_757, %parallel_loop3A_758, %parallel_loop3A_759, %parallel_loop3A_760] {strides = array<i32>} : memref<2x4x4x1024xf32, #tpu.memory_space<vmem>>, vector<1x1x1x16xf32>,
        %parallel_loop3A_762 = vector.shape_cast %parallel_loop3A_761 : vector<1x1x1x16xf32> to vector<16xf32>
        %parallel_loop3A_763 = vector.shape_cast %parallel_loop3A_753 : vector<16xf32> to vector<1x1x1x16xf32>
        tpu.vector_store %arg11[%parallel_loop3A_757, %parallel_loop3A_758, %parallel_loop3A_759, %parallel_loop3A_760], %parallel_loop3A_763 {strides = array<i32>} : memref<2x4x4x1024xf32, #tpu.memory_space<vmem>>, vector<1x1x1x16xf32>,
        %parallel_loop3A_764 = arith.constant 0 : i32
        %parallel_loop3A_765 = arith.constant 1 : i32
        %parallel_loop3A_766 = arith.constant 0 : i32
        %parallel_loop3A_767 = arith.index_cast %parallel_loop3A_764 : i32 to index
        %parallel_loop3A_768 = arith.index_cast %parallel_loop3A_765 : i32 to index
        %parallel_loop3A_769 = arith.index_cast %parallel_loop3A_766 : i32 to index
        %parallel_loop3A_770 = arith.index_cast %parallel_loop3A_635 : i32 to index
        %parallel_loop3A_771 = tpu.vector_load %arg10[%parallel_loop3A_767, %parallel_loop3A_768, %parallel_loop3A_769, %parallel_loop3A_770] {strides = array<i32>} : memref<2x4x4x1024xf32, #tpu.memory_space<vmem>>, vector<1x1x1x16xf32>,
        %parallel_loop3A_772 = vector.shape_cast %parallel_loop3A_771 : vector<1x1x1x16xf32> to vector<16xf32>
        %parallel_loop3A_773 = arith.addf %parallel_loop3A_772, %parallel_loop3A_649 : vector<16xf32>
        %parallel_loop3A_774 = arith.index_cast %add3A_368 : i32 to index
        %parallel_loop3A_775 = arith.index_cast %parallel_loop3A_635 : i32 to index
        %parallel_loop3A_776 = tpu.vector_load %arg13[%parallel_loop3A_774, %parallel_loop3A_775] {strides = array<i32>} : memref<8x1024xf32, #tpu.memory_space<vmem>>, vector<1x16xf32>,
        %parallel_loop3A_777 = vector.shape_cast %parallel_loop3A_776 : vector<1x16xf32> to vector<16xf32>
        %parallel_loop3A_778 = arith.addf %parallel_loop3A_773, %parallel_loop3A_777 : vector<16xf32>
        %parallel_loop3A_779 = arith.constant 0 : i32
        %parallel_loop3A_780 = arith.constant 1 : i32
        %parallel_loop3A_781 = arith.constant 0 : i32
        %parallel_loop3A_782 = arith.index_cast %parallel_loop3A_779 : i32 to index
        %parallel_loop3A_783 = arith.index_cast %parallel_loop3A_780 : i32 to index
        %parallel_loop3A_784 = arith.index_cast %parallel_loop3A_781 : i32 to index
        %parallel_loop3A_785 = arith.index_cast %parallel_loop3A_635 : i32 to index
        %parallel_loop3A_786 = tpu.vector_load %arg11[%parallel_loop3A_782, %parallel_loop3A_783, %parallel_loop3A_784, %parallel_loop3A_785] {strides = array<i32>} : memref<2x4x4x1024xf32, #tpu.memory_space<vmem>>, vector<1x1x1x16xf32>,
        %parallel_loop3A_787 = vector.shape_cast %parallel_loop3A_786 : vector<1x1x1x16xf32> to vector<16xf32>
        %parallel_loop3A_788 = vector.shape_cast %parallel_loop3A_778 : vector<16xf32> to vector<1x1x1x16xf32>
        tpu.vector_store %arg11[%parallel_loop3A_782, %parallel_loop3A_783, %parallel_loop3A_784, %parallel_loop3A_785], %parallel_loop3A_788 {strides = array<i32>} : memref<2x4x4x1024xf32, #tpu.memory_space<vmem>>, vector<1x1x1x16xf32>,
        %parallel_loop3A_789 = arith.constant 0 : i32
        %parallel_loop3A_790 = arith.constant 1 : i32
        %parallel_loop3A_791 = arith.constant 1 : i32
        %parallel_loop3A_792 = arith.index_cast %parallel_loop3A_789 : i32 to index
        %parallel_loop3A_793 = arith.index_cast %parallel_loop3A_790 : i32 to index
        %parallel_loop3A_794 = arith.index_cast %parallel_loop3A_791 : i32 to index
        %parallel_loop3A_795 = arith.index_cast %parallel_loop3A_635 : i32 to index
        %parallel_loop3A_796 = tpu.vector_load %arg10[%parallel_loop3A_792, %parallel_loop3A_793, %parallel_loop3A_794, %parallel_loop3A_795] {strides = array<i32>} : memref<2x4x4x1024xf32, #tpu.memory_space<vmem>>, vector<1x1x1x16xf32>,
        %parallel_loop3A_797 = vector.shape_cast %parallel_loop3A_796 : vector<1x1x1x16xf32> to vector<16xf32>
        %parallel_loop3A_798 = arith.addf %parallel_loop3A_797, %parallel_loop3A_649 : vector<16xf32>
        %parallel_loop3A_799 = arith.index_cast %add3A_374 : i32 to index
        %parallel_loop3A_800 = arith.index_cast %parallel_loop3A_635 : i32 to index
        %parallel_loop3A_801 = tpu.vector_load %arg13[%parallel_loop3A_799, %parallel_loop3A_800] {strides = array<i32>} : memref<8x1024xf32, #tpu.memory_space<vmem>>, vector<1x16xf32>,
        %parallel_loop3A_802 = vector.shape_cast %parallel_loop3A_801 : vector<1x16xf32> to vector<16xf32>
        %parallel_loop3A_803 = arith.addf %parallel_loop3A_798, %parallel_loop3A_802 : vector<16xf32>
        %parallel_loop3A_804 = arith.constant 0 : i32
        %parallel_loop3A_805 = arith.constant 1 : i32
        %parallel_loop3A_806 = arith.constant 1 : i32
        %parallel_loop3A_807 = arith.index_cast %parallel_loop3A_804 : i32 to index
        %parallel_loop3A_808 = arith.index_cast %parallel_loop3A_805 : i32 to index
        %parallel_loop3A_809 = arith.index_cast %parallel_loop3A_806 : i32 to index
        %parallel_loop3A_810 = arith.index_cast %parallel_loop3A_635 : i32 to index
        %parallel_loop3A_811 = tpu.vector_load %arg11[%parallel_loop3A_807, %parallel_loop3A_808, %parallel_loop3A_809, %parallel_loop3A_810] {strides = array<i32>} : memref<2x4x4x1024xf32, #tpu.memory_space<vmem>>, vector<1x1x1x16xf32>,
        %parallel_loop3A_812 = vector.shape_cast %parallel_loop3A_811 : vector<1x1x1x16xf32> to vector<16xf32>
        %parallel_loop3A_813 = vector.shape_cast %parallel_loop3A_803 : vector<16xf32> to vector<1x1x1x16xf32>
        tpu.vector_store %arg11[%parallel_loop3A_807, %parallel_loop3A_808, %parallel_loop3A_809, %parallel_loop3A_810], %parallel_loop3A_813 {strides = array<i32>} : memref<2x4x4x1024xf32, #tpu.memory_space<vmem>>, vector<1x1x1x16xf32>,
        %parallel_loop3A_814 = arith.constant 0 : i32
        %parallel_loop3A_815 = arith.constant 1 : i32
        %parallel_loop3A_816 = arith.constant 2 : i32
        %parallel_loop3A_817 = arith.index_cast %parallel_loop3A_814 : i32 to index
        %parallel_loop3A_818 = arith.index_cast %parallel_loop3A_815 : i32 to index
        %parallel_loop3A_819 = arith.index_cast %parallel_loop3A_816 : i32 to index
        %parallel_loop3A_820 = arith.index_cast %parallel_loop3A_635 : i32 to index
        %parallel_loop3A_821 = tpu.vector_load %arg10[%parallel_loop3A_817, %parallel_loop3A_818, %parallel_loop3A_819, %parallel_loop3A_820] {strides = array<i32>} : memref<2x4x4x1024xf32, #tpu.memory_space<vmem>>, vector<1x1x1x16xf32>,
        %parallel_loop3A_822 = vector.shape_cast %parallel_loop3A_821 : vector<1x1x1x16xf32> to vector<16xf32>
        %parallel_loop3A_823 = arith.addf %parallel_loop3A_822, %parallel_loop3A_649 : vector<16xf32>
        %parallel_loop3A_824 = arith.index_cast %add3A_380 : i32 to index
        %parallel_loop3A_825 = arith.index_cast %parallel_loop3A_635 : i32 to index
        %parallel_loop3A_826 = tpu.vector_load %arg13[%parallel_loop3A_824, %parallel_loop3A_825] {strides = array<i32>} : memref<8x1024xf32, #tpu.memory_space<vmem>>, vector<1x16xf32>,
        %parallel_loop3A_827 = vector.shape_cast %parallel_loop3A_826 : vector<1x16xf32> to vector<16xf32>
        %parallel_loop3A_828 = arith.addf %parallel_loop3A_823, %parallel_loop3A_827 : vector<16xf32>
        %parallel_loop3A_829 = arith.constant 0 : i32
        %parallel_loop3A_830 = arith.constant 1 : i32
        %parallel_loop3A_831 = arith.constant 2 : i32
        %parallel_loop3A_832 = arith.index_cast %parallel_loop3A_829 : i32 to index
        %parallel_loop3A_833 = arith.index_cast %parallel_loop3A_830 : i32 to index
        %parallel_loop3A_834 = arith.index_cast %parallel_loop3A_831 : i32 to index
        %parallel_loop3A_835 = arith.index_cast %parallel_loop3A_635 : i32 to index
        %parallel_loop3A_836 = tpu.vector_load %arg11[%parallel_loop3A_832, %parallel_loop3A_833, %parallel_loop3A_834, %parallel_loop3A_835] {strides = array<i32>} : memref<2x4x4x1024xf32, #tpu.memory_space<vmem>>, vector<1x1x1x16xf32>,
        %parallel_loop3A_837 = vector.shape_cast %parallel_loop3A_836 : vector<1x1x1x16xf32> to vector<16xf32>
        %parallel_loop3A_838 = vector.shape_cast %parallel_loop3A_828 : vector<16xf32> to vector<1x1x1x16xf32>
        tpu.vector_store %arg11[%parallel_loop3A_832, %parallel_loop3A_833, %parallel_loop3A_834, %parallel_loop3A_835], %parallel_loop3A_838 {strides = array<i32>} : memref<2x4x4x1024xf32, #tpu.memory_space<vmem>>, vector<1x1x1x16xf32>,
        %parallel_loop3A_839 = arith.constant 0 : i32
        %parallel_loop3A_840 = arith.constant 1 : i32
        %parallel_loop3A_841 = arith.constant 3 : i32
        %parallel_loop3A_842 = arith.index_cast %parallel_loop3A_839 : i32 to index
        %parallel_loop3A_843 = arith.index_cast %parallel_loop3A_840 : i32 to index
        %parallel_loop3A_844 = arith.index_cast %parallel_loop3A_841 : i32 to index
        %parallel_loop3A_845 = arith.index_cast %parallel_loop3A_635 : i32 to index
        %parallel_loop3A_846 = tpu.vector_load %arg10[%parallel_loop3A_842, %parallel_loop3A_843, %parallel_loop3A_844, %parallel_loop3A_845] {strides = array<i32>} : memref<2x4x4x1024xf32, #tpu.memory_space<vmem>>, vector<1x1x1x16xf32>,
        %parallel_loop3A_847 = vector.shape_cast %parallel_loop3A_846 : vector<1x1x1x16xf32> to vector<16xf32>
        %parallel_loop3A_848 = arith.addf %parallel_loop3A_847, %parallel_loop3A_649 : vector<16xf32>
        %parallel_loop3A_849 = arith.index_cast %add3A_386 : i32 to index
        %parallel_loop3A_850 = arith.index_cast %parallel_loop3A_635 : i32 to index
        %parallel_loop3A_851 = tpu.vector_load %arg13[%parallel_loop3A_849, %parallel_loop3A_850] {strides = array<i32>} : memref<8x1024xf32, #tpu.memory_space<vmem>>, vector<1x16xf32>,
        %parallel_loop3A_852 = vector.shape_cast %parallel_loop3A_851 : vector<1x16xf32> to vector<16xf32>
        %parallel_loop3A_853 = arith.addf %parallel_loop3A_848, %parallel_loop3A_852 : vector<16xf32>
        %parallel_loop3A_854 = arith.constant 0 : i32
        %parallel_loop3A_855 = arith.constant 1 : i32
        %parallel_loop3A_856 = arith.constant 3 : i32
        %parallel_loop3A_857 = arith.index_cast %parallel_loop3A_854 : i32 to index
        %parallel_loop3A_858 = arith.index_cast %parallel_loop3A_855 : i32 to index
        %parallel_loop3A_859 = arith.index_cast %parallel_loop3A_856 : i32 to index
        %parallel_loop3A_860 = arith.index_cast %parallel_loop3A_635 : i32 to index
        %parallel_loop3A_861 = tpu.vector_load %arg11[%parallel_loop3A_857, %parallel_loop3A_858, %parallel_loop3A_859, %parallel_loop3A_860] {strides = array<i32>} : memref<2x4x4x1024xf32, #tpu.memory_space<vmem>>, vector<1x1x1x16xf32>,
        %parallel_loop3A_862 = vector.shape_cast %parallel_loop3A_861 : vector<1x1x1x16xf32> to vector<16xf32>
        %parallel_loop3A_863 = vector.shape_cast %parallel_loop3A_853 : vector<16xf32> to vector<1x1x1x16xf32>
        tpu.vector_store %arg11[%parallel_loop3A_857, %parallel_loop3A_858, %parallel_loop3A_859, %parallel_loop3A_860], %parallel_loop3A_863 {strides = array<i32>} : memref<2x4x4x1024xf32, #tpu.memory_space<vmem>>, vector<1x1x1x16xf32>,
        %parallel_loop3A_864 = arith.constant 0 : i32
        %parallel_loop3A_865 = arith.constant 2 : i32
        %parallel_loop3A_866 = arith.constant 0 : i32
        %parallel_loop3A_867 = arith.index_cast %parallel_loop3A_864 : i32 to index
        %parallel_loop3A_868 = arith.index_cast %parallel_loop3A_865 : i32 to index
        %parallel_loop3A_869 = arith.index_cast %parallel_loop3A_866 : i32 to index
        %parallel_loop3A_870 = arith.index_cast %parallel_loop3A_635 : i32 to index
        %parallel_loop3A_871 = tpu.vector_load %arg10[%parallel_loop3A_867, %parallel_loop3A_868, %parallel_loop3A_869, %parallel_loop3A_870] {strides = array<i32>} : memref<2x4x4x1024xf32, #tpu.memory_space<vmem>>, vector<1x1x1x16xf32>,
        %parallel_loop3A_872 = vector.shape_cast %parallel_loop3A_871 : vector<1x1x1x16xf32> to vector<16xf32>
        %parallel_loop3A_873 = arith.addf %parallel_loop3A_872, %parallel_loop3A_656 : vector<16xf32>
        %parallel_loop3A_874 = arith.index_cast %add3A_392 : i32 to index
        %parallel_loop3A_875 = arith.index_cast %parallel_loop3A_635 : i32 to index
        %parallel_loop3A_876 = tpu.vector_load %arg13[%parallel_loop3A_874, %parallel_loop3A_875] {strides = array<i32>} : memref<8x1024xf32, #tpu.memory_space<vmem>>, vector<1x16xf32>,
        %parallel_loop3A_877 = vector.shape_cast %parallel_loop3A_876 : vector<1x16xf32> to vector<16xf32>
        %parallel_loop3A_878 = arith.addf %parallel_loop3A_873, %parallel_loop3A_877 : vector<16xf32>
        %parallel_loop3A_879 = arith.constant 0 : i32
        %parallel_loop3A_880 = arith.constant 2 : i32
        %parallel_loop3A_881 = arith.constant 0 : i32
        %parallel_loop3A_882 = arith.index_cast %parallel_loop3A_879 : i32 to index
        %parallel_loop3A_883 = arith.index_cast %parallel_loop3A_880 : i32 to index
        %parallel_loop3A_884 = arith.index_cast %parallel_loop3A_881 : i32 to index
        %parallel_loop3A_885 = arith.index_cast %parallel_loop3A_635 : i32 to index
        %parallel_loop3A_886 = tpu.vector_load %arg11[%parallel_loop3A_882, %parallel_loop3A_883, %parallel_loop3A_884, %parallel_loop3A_885] {strides = array<i32>} : memref<2x4x4x1024xf32, #tpu.memory_space<vmem>>, vector<1x1x1x16xf32>,
        %parallel_loop3A_887 = vector.shape_cast %parallel_loop3A_886 : vector<1x1x1x16xf32> to vector<16xf32>
        %parallel_loop3A_888 = vector.shape_cast %parallel_loop3A_878 : vector<16xf32> to vector<1x1x1x16xf32>
        tpu.vector_store %arg11[%parallel_loop3A_882, %parallel_loop3A_883, %parallel_loop3A_884, %parallel_loop3A_885], %parallel_loop3A_888 {strides = array<i32>} : memref<2x4x4x1024xf32, #tpu.memory_space<vmem>>, vector<1x1x1x16xf32>,
        %parallel_loop3A_889 = arith.constant 0 : i32
        %parallel_loop3A_890 = arith.constant 2 : i32
        %parallel_loop3A_891 = arith.constant 1 : i32
        %parallel_loop3A_892 = arith.index_cast %parallel_loop3A_889 : i32 to index
        %parallel_loop3A_893 = arith.index_cast %parallel_loop3A_890 : i32 to index
        %parallel_loop3A_894 = arith.index_cast %parallel_loop3A_891 : i32 to index
        %parallel_loop3A_895 = arith.index_cast %parallel_loop3A_635 : i32 to index
        %parallel_loop3A_896 = tpu.vector_load %arg10[%parallel_loop3A_892, %parallel_loop3A_893, %parallel_loop3A_894, %parallel_loop3A_895] {strides = array<i32>} : memref<2x4x4x1024xf32, #tpu.memory_space<vmem>>, vector<1x1x1x16xf32>,
        %parallel_loop3A_897 = vector.shape_cast %parallel_loop3A_896 : vector<1x1x1x16xf32> to vector<16xf32>
        %parallel_loop3A_898 = arith.addf %parallel_loop3A_897, %parallel_loop3A_656 : vector<16xf32>
        %parallel_loop3A_899 = arith.index_cast %add3A_398 : i32 to index
        %parallel_loop3A_900 = arith.index_cast %parallel_loop3A_635 : i32 to index
        %parallel_loop3A_901 = tpu.vector_load %arg13[%parallel_loop3A_899, %parallel_loop3A_900] {strides = array<i32>} : memref<8x1024xf32, #tpu.memory_space<vmem>>, vector<1x16xf32>,
        %parallel_loop3A_902 = vector.shape_cast %parallel_loop3A_901 : vector<1x16xf32> to vector<16xf32>
        %parallel_loop3A_903 = arith.addf %parallel_loop3A_898, %parallel_loop3A_902 : vector<16xf32>
        %parallel_loop3A_904 = arith.constant 0 : i32
        %parallel_loop3A_905 = arith.constant 2 : i32
        %parallel_loop3A_906 = arith.constant 1 : i32
        %parallel_loop3A_907 = arith.index_cast %parallel_loop3A_904 : i32 to index
        %parallel_loop3A_908 = arith.index_cast %parallel_loop3A_905 : i32 to index
        %parallel_loop3A_909 = arith.index_cast %parallel_loop3A_906 : i32 to index
        %parallel_loop3A_910 = arith.index_cast %parallel_loop3A_635 : i32 to index
        %parallel_loop3A_911 = tpu.vector_load %arg11[%parallel_loop3A_907, %parallel_loop3A_908, %parallel_loop3A_909, %parallel_loop3A_910] {strides = array<i32>} : memref<2x4x4x1024xf32, #tpu.memory_space<vmem>>, vector<1x1x1x16xf32>,
        %parallel_loop3A_912 = vector.shape_cast %parallel_loop3A_911 : vector<1x1x1x16xf32> to vector<16xf32>
        %parallel_loop3A_913 = vector.shape_cast %parallel_loop3A_903 : vector<16xf32> to vector<1x1x1x16xf32>
        tpu.vector_store %arg11[%parallel_loop3A_907, %parallel_loop3A_908, %parallel_loop3A_909, %parallel_loop3A_910], %parallel_loop3A_913 {strides = array<i32>} : memref<2x4x4x1024xf32, #tpu.memory_space<vmem>>, vector<1x1x1x16xf32>,
        %parallel_loop3A_914 = arith.constant 0 : i32
        %parallel_loop3A_915 = arith.constant 2 : i32
        %parallel_loop3A_916 = arith.constant 2 : i32
        %parallel_loop3A_917 = arith.index_cast %parallel_loop3A_914 : i32 to index
        %parallel_loop3A_918 = arith.index_cast %parallel_loop3A_915 : i32 to index
        %parallel_loop3A_919 = arith.index_cast %parallel_loop3A_916 : i32 to index
        %parallel_loop3A_920 = arith.index_cast %parallel_loop3A_635 : i32 to index
        %parallel_loop3A_921 = tpu.vector_load %arg10[%parallel_loop3A_917, %parallel_loop3A_918, %parallel_loop3A_919, %parallel_loop3A_920] {strides = array<i32>} : memref<2x4x4x1024xf32, #tpu.memory_space<vmem>>, vector<1x1x1x16xf32>,
        %parallel_loop3A_922 = vector.shape_cast %parallel_loop3A_921 : vector<1x1x1x16xf32> to vector<16xf32>
        %parallel_loop3A_923 = arith.addf %parallel_loop3A_922, %parallel_loop3A_656 : vector<16xf32>
        %parallel_loop3A_924 = arith.index_cast %add3A_404 : i32 to index
        %parallel_loop3A_925 = arith.index_cast %parallel_loop3A_635 : i32 to index
        %parallel_loop3A_926 = tpu.vector_load %arg13[%parallel_loop3A_924, %parallel_loop3A_925] {strides = array<i32>} : memref<8x1024xf32, #tpu.memory_space<vmem>>, vector<1x16xf32>,
        %parallel_loop3A_927 = vector.shape_cast %parallel_loop3A_926 : vector<1x16xf32> to vector<16xf32>
        %parallel_loop3A_928 = arith.addf %parallel_loop3A_923, %parallel_loop3A_927 : vector<16xf32>
        %parallel_loop3A_929 = arith.constant 0 : i32
        %parallel_loop3A_930 = arith.constant 2 : i32
        %parallel_loop3A_931 = arith.constant 2 : i32
        %parallel_loop3A_932 = arith.index_cast %parallel_loop3A_929 : i32 to index
        %parallel_loop3A_933 = arith.index_cast %parallel_loop3A_930 : i32 to index
        %parallel_loop3A_934 = arith.index_cast %parallel_loop3A_931 : i32 to index
        %parallel_loop3A_935 = arith.index_cast %parallel_loop3A_635 : i32 to index
        %parallel_loop3A_936 = tpu.vector_load %arg11[%parallel_loop3A_932, %parallel_loop3A_933, %parallel_loop3A_934, %parallel_loop3A_935] {strides = array<i32>} : memref<2x4x4x1024xf32, #tpu.memory_space<vmem>>, vector<1x1x1x16xf32>,
        %parallel_loop3A_937 = vector.shape_cast %parallel_loop3A_936 : vector<1x1x1x16xf32> to vector<16xf32>
        %parallel_loop3A_938 = vector.shape_cast %parallel_loop3A_928 : vector<16xf32> to vector<1x1x1x16xf32>
        tpu.vector_store %arg11[%parallel_loop3A_932, %parallel_loop3A_933, %parallel_loop3A_934, %parallel_loop3A_935], %parallel_loop3A_938 {strides = array<i32>} : memref<2x4x4x1024xf32, #tpu.memory_space<vmem>>, vector<1x1x1x16xf32>,
        %parallel_loop3A_939 = arith.constant 0 : i32
        %parallel_loop3A_940 = arith.constant 2 : i32
        %parallel_loop3A_941 = arith.constant 3 : i32
        %parallel_loop3A_942 = arith.index_cast %parallel_loop3A_939 : i32 to index
        %parallel_loop3A_943 = arith.index_cast %parallel_loop3A_940 : i32 to index
        %parallel_loop3A_944 = arith.index_cast %parallel_loop3A_941 : i32 to index
        %parallel_loop3A_945 = arith.index_cast %parallel_loop3A_635 : i32 to index
        %parallel_loop3A_946 = tpu.vector_load %arg10[%parallel_loop3A_942, %parallel_loop3A_943, %parallel_loop3A_944, %parallel_loop3A_945] {strides = array<i32>} : memref<2x4x4x1024xf32, #tpu.memory_space<vmem>>, vector<1x1x1x16xf32>,
        %parallel_loop3A_947 = vector.shape_cast %parallel_loop3A_946 : vector<1x1x1x16xf32> to vector<16xf32>
        %parallel_loop3A_948 = arith.addf %parallel_loop3A_947, %parallel_loop3A_656 : vector<16xf32>
        %parallel_loop3A_949 = arith.index_cast %add3A_410 : i32 to index
        %parallel_loop3A_950 = arith.index_cast %parallel_loop3A_635 : i32 to index
        %parallel_loop3A_951 = tpu.vector_load %arg13[%parallel_loop3A_949, %parallel_loop3A_950] {strides = array<i32>} : memref<8x1024xf32, #tpu.memory_space<vmem>>, vector<1x16xf32>,
        %parallel_loop3A_952 = vector.shape_cast %parallel_loop3A_951 : vector<1x16xf32> to vector<16xf32>
        %parallel_loop3A_953 = arith.addf %parallel_loop3A_948, %parallel_loop3A_952 : vector<16xf32>
        %parallel_loop3A_954 = arith.constant 0 : i32
        %parallel_loop3A_955 = arith.constant 2 : i32
        %parallel_loop3A_956 = arith.constant 3 : i32
        %parallel_loop3A_957 = arith.index_cast %parallel_loop3A_954 : i32 to index
        %parallel_loop3A_958 = arith.index_cast %parallel_loop3A_955 : i32 to index
        %parallel_loop3A_959 = arith.index_cast %parallel_loop3A_956 : i32 to index
        %parallel_loop3A_960 = arith.index_cast %parallel_loop3A_635 : i32 to index
        %parallel_loop3A_961 = tpu.vector_load %arg11[%parallel_loop3A_957, %parallel_loop3A_958, %parallel_loop3A_959, %parallel_loop3A_960] {strides = array<i32>} : memref<2x4x4x1024xf32, #tpu.memory_space<vmem>>, vector<1x1x1x16xf32>,
        %parallel_loop3A_962 = vector.shape_cast %parallel_loop3A_961 : vector<1x1x1x16xf32> to vector<16xf32>
        %parallel_loop3A_963 = vector.shape_cast %parallel_loop3A_953 : vector<16xf32> to vector<1x1x1x16xf32>
        tpu.vector_store %arg11[%parallel_loop3A_957, %parallel_loop3A_958, %parallel_loop3A_959, %parallel_loop3A_960], %parallel_loop3A_963 {strides = array<i32>} : memref<2x4x4x1024xf32, #tpu.memory_space<vmem>>, vector<1x1x1x16xf32>,
        %parallel_loop3A_964 = arith.constant 0 : i32
        %parallel_loop3A_965 = arith.constant 3 : i32
        %parallel_loop3A_966 = arith.constant 0 : i32
        %parallel_loop3A_967 = arith.index_cast %parallel_loop3A_964 : i32 to index
        %parallel_loop3A_968 = arith.index_cast %parallel_loop3A_965 : i32 to index
        %parallel_loop3A_969 = arith.index_cast %parallel_loop3A_966 : i32 to index
        %parallel_loop3A_970 = arith.index_cast %parallel_loop3A_635 : i32 to index
        %parallel_loop3A_971 = tpu.vector_load %arg10[%parallel_loop3A_967, %parallel_loop3A_968, %parallel_loop3A_969, %parallel_loop3A_970] {strides = array<i32>} : memref<2x4x4x1024xf32, #tpu.memory_space<vmem>>, vector<1x1x1x16xf32>,
        %parallel_loop3A_972 = vector.shape_cast %parallel_loop3A_971 : vector<1x1x1x16xf32> to vector<16xf32>
        %parallel_loop3A_973 = arith.addf %parallel_loop3A_972, %parallel_loop3A_663 : vector<16xf32>
        %parallel_loop3A_974 = arith.index_cast %add3A_416 : i32 to index
        %parallel_loop3A_975 = arith.index_cast %parallel_loop3A_635 : i32 to index
        %parallel_loop3A_976 = tpu.vector_load %arg13[%parallel_loop3A_974, %parallel_loop3A_975] {strides = array<i32>} : memref<8x1024xf32, #tpu.memory_space<vmem>>, vector<1x16xf32>,
        %parallel_loop3A_977 = vector.shape_cast %parallel_loop3A_976 : vector<1x16xf32> to vector<16xf32>
        %parallel_loop3A_978 = arith.addf %parallel_loop3A_973, %parallel_loop3A_977 : vector<16xf32>
        %parallel_loop3A_979 = arith.constant 0 : i32
        %parallel_loop3A_980 = arith.constant 3 : i32
        %parallel_loop3A_981 = arith.constant 0 : i32
        %parallel_loop3A_982 = arith.index_cast %parallel_loop3A_979 : i32 to index
        %parallel_loop3A_983 = arith.index_cast %parallel_loop3A_980 : i32 to index
        %parallel_loop3A_984 = arith.index_cast %parallel_loop3A_981 : i32 to index
        %parallel_loop3A_985 = arith.index_cast %parallel_loop3A_635 : i32 to index
        %parallel_loop3A_986 = tpu.vector_load %arg11[%parallel_loop3A_982, %parallel_loop3A_983, %parallel_loop3A_984, %parallel_loop3A_985] {strides = array<i32>} : memref<2x4x4x1024xf32, #tpu.memory_space<vmem>>, vector<1x1x1x16xf32>,
        %parallel_loop3A_987 = vector.shape_cast %parallel_loop3A_986 : vector<1x1x1x16xf32> to vector<16xf32>
        %parallel_loop3A_988 = vector.shape_cast %parallel_loop3A_978 : vector<16xf32> to vector<1x1x1x16xf32>
        tpu.vector_store %arg11[%parallel_loop3A_982, %parallel_loop3A_983, %parallel_loop3A_984, %parallel_loop3A_985], %parallel_loop3A_988 {strides = array<i32>} : memref<2x4x4x1024xf32, #tpu.memory_space<vmem>>, vector<1x1x1x16xf32>,
        %parallel_loop3A_989 = arith.constant 0 : i32
        %parallel_loop3A_990 = arith.constant 3 : i32
        %parallel_loop3A_991 = arith.constant 1 : i32
        %parallel_loop3A_992 = arith.index_cast %parallel_loop3A_989 : i32 to index
        %parallel_loop3A_993 = arith.index_cast %parallel_loop3A_990 : i32 to index
        %parallel_loop3A_994 = arith.index_cast %parallel_loop3A_991 : i32 to index
        %parallel_loop3A_995 = arith.index_cast %parallel_loop3A_635 : i32 to index
        %parallel_loop3A_996 = tpu.vector_load %arg10[%parallel_loop3A_992, %parallel_loop3A_993, %parallel_loop3A_994, %parallel_loop3A_995] {strides = array<i32>} : memref<2x4x4x1024xf32, #tpu.memory_space<vmem>>, vector<1x1x1x16xf32>,
        %parallel_loop3A_997 = vector.shape_cast %parallel_loop3A_996 : vector<1x1x1x16xf32> to vector<16xf32>
        %parallel_loop3A_998 = arith.addf %parallel_loop3A_997, %parallel_loop3A_663 : vector<16xf32>
        %parallel_loop3A_999 = arith.index_cast %add3A_422 : i32 to index
        %parallel_loop3A_1000 = arith.index_cast %parallel_loop3A_635 : i32 to index
        %parallel_loop3A_1001 = tpu.vector_load %arg13[%parallel_loop3A_999, %parallel_loop3A_1000] {strides = array<i32>} : memref<8x1024xf32, #tpu.memory_space<vmem>>, vector<1x16xf32>,
        %parallel_loop3A_1002 = vector.shape_cast %parallel_loop3A_1001 : vector<1x16xf32> to vector<16xf32>
        %parallel_loop3A_1003 = arith.addf %parallel_loop3A_998, %parallel_loop3A_1002 : vector<16xf32>
        %parallel_loop3A_1004 = arith.constant 0 : i32
        %parallel_loop3A_1005 = arith.constant 3 : i32
        %parallel_loop3A_1006 = arith.constant 1 : i32
        %parallel_loop3A_1007 = arith.index_cast %parallel_loop3A_1004 : i32 to index
        %parallel_loop3A_1008 = arith.index_cast %parallel_loop3A_1005 : i32 to index
        %parallel_loop3A_1009 = arith.index_cast %parallel_loop3A_1006 : i32 to index
        %parallel_loop3A_1010 = arith.index_cast %parallel_loop3A_635 : i32 to index
        %parallel_loop3A_1011 = tpu.vector_load %arg11[%parallel_loop3A_1007, %parallel_loop3A_1008, %parallel_loop3A_1009, %parallel_loop3A_1010] {strides = array<i32>} : memref<2x4x4x1024xf32, #tpu.memory_space<vmem>>, vector<1x1x1x16xf32>,
        %parallel_loop3A_1012 = vector.shape_cast %parallel_loop3A_1011 : vector<1x1x1x16xf32> to vector<16xf32>
        %parallel_loop3A_1013 = vector.shape_cast %parallel_loop3A_1003 : vector<16xf32> to vector<1x1x1x16xf32>
        tpu.vector_store %arg11[%parallel_loop3A_1007, %parallel_loop3A_1008, %parallel_loop3A_1009, %parallel_loop3A_1010], %parallel_loop3A_1013 {strides = array<i32>} : memref<2x4x4x1024xf32, #tpu.memory_space<vmem>>, vector<1x1x1x16xf32>,
        %parallel_loop3A_1014 = arith.constant 0 : i32
        %parallel_loop3A_1015 = arith.constant 3 : i32
        %parallel_loop3A_1016 = arith.constant 2 : i32
        %parallel_loop3A_1017 = arith.index_cast %parallel_loop3A_1014 : i32 to index
        %parallel_loop3A_1018 = arith.index_cast %parallel_loop3A_1015 : i32 to index
        %parallel_loop3A_1019 = arith.index_cast %parallel_loop3A_1016 : i32 to index
        %parallel_loop3A_1020 = arith.index_cast %parallel_loop3A_635 : i32 to index
        %parallel_loop3A_1021 = tpu.vector_load %arg10[%parallel_loop3A_1017, %parallel_loop3A_1018, %parallel_loop3A_1019, %parallel_loop3A_1020] {strides = array<i32>} : memref<2x4x4x1024xf32, #tpu.memory_space<vmem>>, vector<1x1x1x16xf32>,
        %parallel_loop3A_1022 = vector.shape_cast %parallel_loop3A_1021 : vector<1x1x1x16xf32> to vector<16xf32>
        %parallel_loop3A_1023 = arith.addf %parallel_loop3A_1022, %parallel_loop3A_663 : vector<16xf32>
        %parallel_loop3A_1024 = arith.index_cast %add3A_428 : i32 to index
        %parallel_loop3A_1025 = arith.index_cast %parallel_loop3A_635 : i32 to index
        %parallel_loop3A_1026 = tpu.vector_load %arg13[%parallel_loop3A_1024, %parallel_loop3A_1025] {strides = array<i32>} : memref<8x1024xf32, #tpu.memory_space<vmem>>, vector<1x16xf32>,
        %parallel_loop3A_1027 = vector.shape_cast %parallel_loop3A_1026 : vector<1x16xf32> to vector<16xf32>
        %parallel_loop3A_1028 = arith.addf %parallel_loop3A_1023, %parallel_loop3A_1027 : vector<16xf32>
        %parallel_loop3A_1029 = arith.constant 0 : i32
        %parallel_loop3A_1030 = arith.constant 3 : i32
        %parallel_loop3A_1031 = arith.constant 2 : i32
        %parallel_loop3A_1032 = arith.index_cast %parallel_loop3A_1029 : i32 to index
        %parallel_loop3A_1033 = arith.index_cast %parallel_loop3A_1030 : i32 to index
        %parallel_loop3A_1034 = arith.index_cast %parallel_loop3A_1031 : i32 to index
        %parallel_loop3A_1035 = arith.index_cast %parallel_loop3A_635 : i32 to index
        %parallel_loop3A_1036 = tpu.vector_load %arg11[%parallel_loop3A_1032, %parallel_loop3A_1033, %parallel_loop3A_1034, %parallel_loop3A_1035] {strides = array<i32>} : memref<2x4x4x1024xf32, #tpu.memory_space<vmem>>, vector<1x1x1x16xf32>,
        %parallel_loop3A_1037 = vector.shape_cast %parallel_loop3A_1036 : vector<1x1x1x16xf32> to vector<16xf32>
        %parallel_loop3A_1038 = vector.shape_cast %parallel_loop3A_1028 : vector<16xf32> to vector<1x1x1x16xf32>
        tpu.vector_store %arg11[%parallel_loop3A_1032, %parallel_loop3A_1033, %parallel_loop3A_1034, %parallel_loop3A_1035], %parallel_loop3A_1038 {strides = array<i32>} : memref<2x4x4x1024xf32, #tpu.memory_space<vmem>>, vector<1x1x1x16xf32>,
        %parallel_loop3A_1039 = arith.constant 0 : i32
        %parallel_loop3A_1040 = arith.constant 3 : i32
        %parallel_loop3A_1041 = arith.constant 3 : i32
        %parallel_loop3A_1042 = arith.index_cast %parallel_loop3A_1039 : i32 to index
        %parallel_loop3A_1043 = arith.index_cast %parallel_loop3A_1040 : i32 to index
        %parallel_loop3A_1044 = arith.index_cast %parallel_loop3A_1041 : i32 to index
        %parallel_loop3A_1045 = arith.index_cast %parallel_loop3A_635 : i32 to index
        %parallel_loop3A_1046 = tpu.vector_load %arg10[%parallel_loop3A_1042, %parallel_loop3A_1043, %parallel_loop3A_1044, %parallel_loop3A_1045] {strides = array<i32>} : memref<2x4x4x1024xf32, #tpu.memory_space<vmem>>, vector<1x1x1x16xf32>,
        %parallel_loop3A_1047 = vector.shape_cast %parallel_loop3A_1046 : vector<1x1x1x16xf32> to vector<16xf32>
        %parallel_loop3A_1048 = arith.addf %parallel_loop3A_1047, %parallel_loop3A_663 : vector<16xf32>
        %parallel_loop3A_1049 = arith.index_cast %add3A_434 : i32 to index
        %parallel_loop3A_1050 = arith.index_cast %parallel_loop3A_635 : i32 to index
        %parallel_loop3A_1051 = tpu.vector_load %arg13[%parallel_loop3A_1049, %parallel_loop3A_1050] {strides = array<i32>} : memref<8x1024xf32, #tpu.memory_space<vmem>>, vector<1x16xf32>,
        %parallel_loop3A_1052 = vector.shape_cast %parallel_loop3A_1051 : vector<1x16xf32> to vector<16xf32>
        %parallel_loop3A_1053 = arith.addf %parallel_loop3A_1048, %parallel_loop3A_1052 : vector<16xf32>
        %parallel_loop3A_1054 = arith.constant 0 : i32
        %parallel_loop3A_1055 = arith.constant 3 : i32
        %parallel_loop3A_1056 = arith.constant 3 : i32
        %parallel_loop3A_1057 = arith.index_cast %parallel_loop3A_1054 : i32 to index
        %parallel_loop3A_1058 = arith.index_cast %parallel_loop3A_1055 : i32 to index
        %parallel_loop3A_1059 = arith.index_cast %parallel_loop3A_1056 : i32 to index
        %parallel_loop3A_1060 = arith.index_cast %parallel_loop3A_635 : i32 to index
        %parallel_loop3A_1061 = tpu.vector_load %arg11[%parallel_loop3A_1057, %parallel_loop3A_1058, %parallel_loop3A_1059, %parallel_loop3A_1060] {strides = array<i32>} : memref<2x4x4x1024xf32, #tpu.memory_space<vmem>>, vector<1x1x1x16xf32>,
        %parallel_loop3A_1062 = vector.shape_cast %parallel_loop3A_1061 : vector<1x1x1x16xf32> to vector<16xf32>
        %parallel_loop3A_1063 = vector.shape_cast %parallel_loop3A_1053 : vector<16xf32> to vector<1x1x1x16xf32>
        tpu.vector_store %arg11[%parallel_loop3A_1057, %parallel_loop3A_1058, %parallel_loop3A_1059, %parallel_loop3A_1060], %parallel_loop3A_1063 {strides = array<i32>} : memref<2x4x4x1024xf32, #tpu.memory_space<vmem>>, vector<1x1x1x16xf32>,
      } {sc.loop_unroll_factor = 4 : i64, sc.parallel_access}
      %mul3A_437 = arith.constant 4 : i32
      %mul3A_438 = arith.muli %add3A_291, %mul3A_437 : i32
      %add3A_439 = arith.addi %mul3A_2, %mul3A_438 : i32
      %dma_start3A_440 = arith.constant 0 : i32
      %dma_start3A_441 = arith.constant 0 : i32
      %dma_start3A_442 = arith.constant 0 : i32
      %dma_start3A_443 = arith.constant 0 : i32
      %dma_start3A_444 = tpu.memref_slice %arg11[%dma_start3A_440, %dma_start3A_441, %dma_start3A_442, %dma_start3A_443] : memref<2x4x4x1024xf32, #tpu.memory_space<vmem>> -> memref<1x4x4x1024xf32, #tpu.memory_space<vmem>>
      %dma_start3A_445 = tpu.memref_squeeze %dma_start3A_444 : memref<1x4x4x1024xf32, #tpu.memory_space<vmem>> -> memref<4x4x1024xf32, #tpu.memory_space<vmem>>
      %dma_start3A_446 = arith.constant 0 : i32
      %dma_start3A_447 = arith.constant 0 : i32
      %dma_start3A_448 = tpu.memref_slice %arg9[%add3A_439, %dma_start3A_446, %dma_start3A_447] : memref<2048x4x1024xf32, #tpu.memory_space<hbm>> -> memref<4x4x1024xf32, #tpu.memory_space<hbm>>
      %dma_start3A_449 = arith.constant 0 : i32
      %dma_start3A_450 = arith.constant 0 : i32
      %dma_start3A_451 = tpu.memref_slice %arg9[%add3A_439, %dma_start3A_449, %dma_start3A_450] : memref<2048x4x1024xf32, #tpu.memory_space<hbm>> -> memref<4x4x1024xf32, #tpu.memory_space<hbm>>
      %dma_start3A_452 = arith.constant 0 : i32
      %dma_start3A_453 = arith.constant 0 : i32
      %dma_start3A_454 = arith.constant 0 : i32
      %dma_start3A_455 = tpu.memref_slice %arg11[%dma_start3A_440, %dma_start3A_452, %dma_start3A_453, %dma_start3A_454] : memref<2x4x4x1024xf32, #tpu.memory_space<vmem>> -> memref<1x4x4x1024xf32, #tpu.memory_space<vmem>>
      %dma_start3A_456 = tpu.memref_squeeze %dma_start3A_455 : memref<1x4x4x1024xf32, #tpu.memory_space<vmem>> -> memref<4x4x1024xf32, #tpu.memory_space<vmem>>
      tpu.enqueue_dma source(%dma_start3A_456 : memref<4x4x1024xf32, #tpu.memory_space<vmem>>) target(%dma_start3A_451 : memref<4x4x1024xf32, #tpu.memory_space<hbm>>) target_semaphore(%arg23 : memref<!tpu.dma_semaphore, #tpu.memory_space<semaphore_mem>>)
      %mul3A_457 = arith.constant 2 : i32
      %mul3A_458 = arith.muli %mul3A_457, %scan3A_286 : i32
      %add3A_459 = arith.constant 1 : i32
      %add3A_460 = arith.addi %mul3A_458, %add3A_459 : i32
      %add3A_461 = arith.constant 1 : i32
      %add3A_462 = arith.addi %add3A_460, %add3A_461 : i32
      %lt3A_463 = arith.constant 16 : i32
      %lt3A_464 = arith.cmpi slt, %add3A_462, %lt3A_463 : i32
      %convert_element_type3A_465 = arith.extui %lt3A_464 : i1 to i32
      %cond3A_466 = arith.constant 0 : i32
      %cond3A_467 = arith.cmpi ne, %convert_element_type3A_465, %cond3A_466 : i32
      scf.if %cond3A_467 {
        %add3A_633 = arith.constant 1 : i32
        %add3A_634 = arith.addi %add3A_460, %add3A_633 : i32
        %mul3A_635 = arith.constant 4 : i32
        %mul3A_636 = arith.muli %add3A_634, %mul3A_635 : i32
        %add3A_637 = arith.addi %mul3A_2, %mul3A_636 : i32
        %dma_start3A_638 = arith.constant 0 : i32
        %dma_start3A_639 = arith.constant 0 : i32
        %dma_start3A_640 = arith.constant 0 : i32
        %dma_start3A_641 = arith.constant 0 : i32
        %dma_start3A_642 = tpu.memref_slice %arg10[%dma_start3A_638, %dma_start3A_639, %dma_start3A_640, %dma_start3A_641] : memref<2x4x4x1024xf32, #tpu.memory_space<vmem>> -> memref<1x4x4x1024xf32, #tpu.memory_space<vmem>>
        %dma_start3A_643 = tpu.memref_squeeze %dma_start3A_642 : memref<1x4x4x1024xf32, #tpu.memory_space<vmem>> -> memref<4x4x1024xf32, #tpu.memory_space<vmem>>
        %dma_start3A_644 = arith.constant 0 : i32
        %dma_start3A_645 = arith.constant 0 : i32
        %dma_start3A_646 = tpu.memref_slice %arg2[%add3A_637, %dma_start3A_644, %dma_start3A_645] : memref<2048x4x1024xf32, #tpu.memory_space<hbm>> -> memref<4x4x1024xf32, #tpu.memory_space<hbm>>
        %dma_start3A_647 = arith.constant 0 : i32
        %dma_start3A_648 = arith.constant 0 : i32
        %dma_start3A_649 = arith.constant 0 : i32
        %dma_start3A_650 = tpu.memref_slice %arg10[%dma_start3A_638, %dma_start3A_647, %dma_start3A_648, %dma_start3A_649] : memref<2x4x4x1024xf32, #tpu.memory_space<vmem>> -> memref<1x4x4x1024xf32, #tpu.memory_space<vmem>>
        %dma_start3A_651 = tpu.memref_squeeze %dma_start3A_650 : memref<1x4x4x1024xf32, #tpu.memory_space<vmem>> -> memref<4x4x1024xf32, #tpu.memory_space<vmem>>
        %dma_start3A_652 = arith.constant 0 : i32
        %dma_start3A_653 = arith.constant 0 : i32
        %dma_start3A_654 = tpu.memref_slice %arg2[%add3A_637, %dma_start3A_652, %dma_start3A_653] : memref<2048x4x1024xf32, #tpu.memory_space<hbm>> -> memref<4x4x1024xf32, #tpu.memory_space<hbm>>
        tpu.enqueue_dma source(%dma_start3A_654 : memref<4x4x1024xf32, #tpu.memory_space<hbm>>) target(%dma_start3A_651 : memref<4x4x1024xf32, #tpu.memory_space<vmem>>) target_semaphore(%arg19 : memref<!tpu.dma_semaphore, #tpu.memory_space<semaphore_mem>>)
        %dma_start3A_655 = arith.constant 0 : i32
        %dma_start3A_656 = arith.constant 0 : i32
        %dma_start3A_657 = arith.constant 0 : i32
        %dma_start3A_658 = tpu.memref_slice %arg12[%dma_start3A_655, %dma_start3A_656, %dma_start3A_657] : memref<2x4x1024xf32, #tpu.memory_space<vmem>> -> memref<1x4x1024xf32, #tpu.memory_space<vmem>>
        %dma_start3A_659 = tpu.memref_squeeze %dma_start3A_658 : memref<1x4x1024xf32, #tpu.memory_space<vmem>> -> memref<4x1024xf32, #tpu.memory_space<vmem>>
        %dma_start3A_660 = arith.constant 0 : i32
        %dma_start3A_661 = tpu.memref_slice %arg3[%add3A_637, %dma_start3A_660] : memref<8192x1024xf32, #tpu.memory_space<hbm>> -> memref<4x1024xf32, #tpu.memory_space<hbm>>
        %dma_start3A_662 = arith.constant 0 : i32
        %dma_start3A_663 = arith.constant 0 : i32
        %dma_start3A_664 = tpu.memref_slice %arg12[%dma_start3A_655, %dma_start3A_662, %dma_start3A_663] : memref<2x4x1024xf32, #tpu.memory_space<vmem>> -> memref<1x4x1024xf32, #tpu.memory_space<vmem>>
        %dma_start3A_665 = tpu.memref_squeeze %dma_start3A_664 : memref<1x4x1024xf32, #tpu.memory_space<vmem>> -> memref<4x1024xf32, #tpu.memory_space<vmem>>
        %dma_start3A_666 = arith.constant 0 : i32
        %dma_start3A_667 = tpu.memref_slice %arg3[%add3A_637, %dma_start3A_666] : memref<8192x1024xf32, #tpu.memory_space<hbm>> -> memref<4x1024xf32, #tpu.memory_space<hbm>>
        tpu.enqueue_dma source(%dma_start3A_667 : memref<4x1024xf32, #tpu.memory_space<hbm>>) target(%dma_start3A_665 : memref<4x1024xf32, #tpu.memory_space<vmem>>) target_semaphore(%arg21 : memref<!tpu.dma_semaphore, #tpu.memory_space<semaphore_mem>>)
      } else {
      }
      %mul3A_468 = arith.constant 4 : i32
      %mul3A_469 = arith.muli %add3A_460, %mul3A_468 : i32
      %add3A_470 = arith.addi %mul3A_2, %mul3A_469 : i32
      %dma_wait3A_471 = arith.constant 1 : i32
      %dma_wait3A_472 = arith.constant 0 : i32
      %dma_wait3A_473 = arith.constant 0 : i32
      %dma_wait3A_474 = arith.constant 0 : i32
      %dma_wait3A_475 = tpu.memref_slice %arg10[%dma_wait3A_471, %dma_wait3A_472, %dma_wait3A_473, %dma_wait3A_474] : memref<2x4x4x1024xf32, #tpu.memory_space<vmem>> -> memref<1x4x4x1024xf32, #tpu.memory_space<vmem>>
      %dma_wait3A_476 = tpu.memref_squeeze %dma_wait3A_475 : memref<1x4x4x1024xf32, #tpu.memory_space<vmem>> -> memref<4x4x1024xf32, #tpu.memory_space<vmem>>
      %dma_wait3A_477 = arith.constant 0 : i32
      %dma_wait3A_478 = arith.constant 0 : i32
      %dma_wait3A_479 = tpu.memref_slice %arg2[%add3A_470, %dma_wait3A_477, %dma_wait3A_478] : memref<2048x4x1024xf32, #tpu.memory_space<hbm>> -> memref<4x4x1024xf32, #tpu.memory_space<hbm>>
      %dma_wait3A_480 = arith.constant 0 : i32
      %dma_wait3A_481 = arith.constant 0 : i32
      %dma_wait3A_482 = arith.constant 0 : i32
      %dma_wait3A_483 = tpu.memref_slice %arg10[%dma_wait3A_471, %dma_wait3A_480, %dma_wait3A_481, %dma_wait3A_482] : memref<2x4x4x1024xf32, #tpu.memory_space<vmem>> -> memref<1x4x4x1024xf32, #tpu.memory_space<vmem>>
      %dma_wait3A_484 = tpu.memref_squeeze %dma_wait3A_483 : memref<1x4x4x1024xf32, #tpu.memory_space<vmem>> -> memref<4x4x1024xf32, #tpu.memory_space<vmem>>
      %dma_wait3A_485 = arith.constant 0 : i32
      %dma_wait3A_486 = arith.constant 0 : i32
      %dma_wait3A_487 = tpu.memref_slice %arg2[%add3A_470, %dma_wait3A_485, %dma_wait3A_486] : memref<2048x4x1024xf32, #tpu.memory_space<hbm>> -> memref<4x4x1024xf32, #tpu.memory_space<hbm>>
      tpu.wait_dma2 semaphore(%arg20 : memref<!tpu.dma_semaphore, #tpu.memory_space<semaphore_mem>>) src(%dma_wait3A_487 : memref<4x4x1024xf32, #tpu.memory_space<hbm>>) dst(%dma_wait3A_484 : memref<4x4x1024xf32, #tpu.memory_space<vmem>>)
      %dma_wait3A_488 = arith.constant 1 : i32
      %dma_wait3A_489 = arith.constant 0 : i32
      %dma_wait3A_490 = arith.constant 0 : i32
      %dma_wait3A_491 = tpu.memref_slice %arg12[%dma_wait3A_488, %dma_wait3A_489, %dma_wait3A_490] : memref<2x4x1024xf32, #tpu.memory_space<vmem>> -> memref<1x4x1024xf32, #tpu.memory_space<vmem>>
      %dma_wait3A_492 = tpu.memref_squeeze %dma_wait3A_491 : memref<1x4x1024xf32, #tpu.memory_space<vmem>> -> memref<4x1024xf32, #tpu.memory_space<vmem>>
      %dma_wait3A_493 = arith.constant 0 : i32
      %dma_wait3A_494 = tpu.memref_slice %arg3[%add3A_470, %dma_wait3A_493] : memref<8192x1024xf32, #tpu.memory_space<hbm>> -> memref<4x1024xf32, #tpu.memory_space<hbm>>
      %dma_wait3A_495 = arith.constant 0 : i32
      %dma_wait3A_496 = arith.constant 0 : i32
      %dma_wait3A_497 = tpu.memref_slice %arg12[%dma_wait3A_488, %dma_wait3A_495, %dma_wait3A_496] : memref<2x4x1024xf32, #tpu.memory_space<vmem>> -> memref<1x4x1024xf32, #tpu.memory_space<vmem>>
      %dma_wait3A_498 = tpu.memref_squeeze %dma_wait3A_497 : memref<1x4x1024xf32, #tpu.memory_space<vmem>> -> memref<4x1024xf32, #tpu.memory_space<vmem>>
      %dma_wait3A_499 = arith.constant 0 : i32
      %dma_wait3A_500 = tpu.memref_slice %arg3[%add3A_470, %dma_wait3A_499] : memref<8192x1024xf32, #tpu.memory_space<hbm>> -> memref<4x1024xf32, #tpu.memory_space<hbm>>
      tpu.wait_dma2 semaphore(%arg22 : memref<!tpu.dma_semaphore, #tpu.memory_space<semaphore_mem>>) src(%dma_wait3A_500 : memref<4x1024xf32, #tpu.memory_space<hbm>>) dst(%dma_wait3A_498 : memref<4x1024xf32, #tpu.memory_space<vmem>>)
      %ge3A_501 = arith.constant 2 : i32
      %ge3A_502 = arith.cmpi sge, %add3A_460, %ge3A_501 : i32
      %convert_element_type3A_503 = arith.extui %ge3A_502 : i1 to i32
      %cond3A_504 = arith.constant 0 : i32
      %cond3A_505 = arith.cmpi ne, %convert_element_type3A_503, %cond3A_504 : i32
      scf.if %cond3A_505 {
        %sub3A = arith.constant 2 : i32
        %sub3A_633 = arith.subi %add3A_460, %sub3A : i32
        %mul3A_634 = arith.constant 4 : i32
        %mul3A_635 = arith.muli %sub3A_633, %mul3A_634 : i32
        %add3A_636 = arith.addi %mul3A_2, %mul3A_635 : i32
        %dma_wait3A_637 = arith.constant 1 : i32
        %dma_wait3A_638 = arith.constant 0 : i32
        %dma_wait3A_639 = arith.constant 0 : i32
        %dma_wait3A_640 = arith.constant 0 : i32
        %dma_wait3A_641 = tpu.memref_slice %arg11[%dma_wait3A_637, %dma_wait3A_638, %dma_wait3A_639, %dma_wait3A_640] : memref<2x4x4x1024xf32, #tpu.memory_space<vmem>> -> memref<1x4x4x1024xf32, #tpu.memory_space<vmem>>
        %dma_wait3A_642 = tpu.memref_squeeze %dma_wait3A_641 : memref<1x4x4x1024xf32, #tpu.memory_space<vmem>> -> memref<4x4x1024xf32, #tpu.memory_space<vmem>>
        %dma_wait3A_643 = arith.constant 0 : i32
        %dma_wait3A_644 = arith.constant 0 : i32
        %dma_wait3A_645 = tpu.memref_slice %arg9[%add3A_636, %dma_wait3A_643, %dma_wait3A_644] : memref<2048x4x1024xf32, #tpu.memory_space<hbm>> -> memref<4x4x1024xf32, #tpu.memory_space<hbm>>
        %dma_wait3A_646 = arith.constant 0 : i32
        %dma_wait3A_647 = arith.constant 0 : i32
        %dma_wait3A_648 = tpu.memref_slice %arg9[%add3A_636, %dma_wait3A_646, %dma_wait3A_647] : memref<2048x4x1024xf32, #tpu.memory_space<hbm>> -> memref<4x4x1024xf32, #tpu.memory_space<hbm>>
        %dma_wait3A_649 = arith.constant 0 : i32
        %dma_wait3A_650 = arith.constant 0 : i32
        %dma_wait3A_651 = arith.constant 0 : i32
        %dma_wait3A_652 = tpu.memref_slice %arg11[%dma_wait3A_637, %dma_wait3A_649, %dma_wait3A_650, %dma_wait3A_651] : memref<2x4x4x1024xf32, #tpu.memory_space<vmem>> -> memref<1x4x4x1024xf32, #tpu.memory_space<vmem>>
        %dma_wait3A_653 = tpu.memref_squeeze %dma_wait3A_652 : memref<1x4x4x1024xf32, #tpu.memory_space<vmem>> -> memref<4x4x1024xf32, #tpu.memory_space<vmem>>
        tpu.wait_dma2 semaphore(%arg24 : memref<!tpu.dma_semaphore, #tpu.memory_space<semaphore_mem>>) src(%dma_wait3A_653 : memref<4x4x1024xf32, #tpu.memory_space<vmem>>) dst(%dma_wait3A_648 : memref<4x4x1024xf32, #tpu.memory_space<hbm>>)
      } else {
      }
      %mul3A_506 = arith.constant 4 : i32
      %mul3A_507 = arith.muli %add3A_460, %mul3A_506 : i32
      %mul3A_508 = arith.constant 4 : i32
      %mul3A_509 = arith.muli %mul3A_507, %mul3A_508 : i32
      %get3A_510 = arith.index_cast %mul3A_509 : i32 to index
      %get3A_511 = tpu.vector_load %arg18[%get3A_510] {strides = array<i32>} : memref<256xi32, #tpu.memory_space<vmem>>, vector<16xi32>,
      %get3A_512 = vector.shape_cast %get3A_511 : vector<16xi32> to vector<16xi32>
      %slice3A_513 = vector.extract_strided_slice %get3A_512 {offsets = [0], sizes = [1], strides = [1]} : vector<16xi32> to vector<1xi32>
      %squeeze3A_514 = vector.extract %slice3A_513[0] : i32 from vector<1xi32>
      %mul3A_515 = arith.constant 4 : i32
      %mul3A_516 = arith.muli %squeeze3A_514, %mul3A_515 : i32
      %add3A_517 = arith.constant 0 : i32
      %add3A_518 = arith.addi %mul3A_516, %add3A_517 : i32
      %slice3A_519 = vector.extract_strided_slice %get3A_512 {offsets = [1], sizes = [1], strides = [1]} : vector<16xi32> to vector<1xi32>
      %squeeze3A_520 = vector.extract %slice3A_519[0] : i32 from vector<1xi32>
      %mul3A_521 = arith.constant 4 : i32
      %mul3A_522 = arith.muli %squeeze3A_520, %mul3A_521 : i32
      %add3A_523 = arith.constant 1 : i32
      %add3A_524 = arith.addi %mul3A_522, %add3A_523 : i32
      %slice3A_525 = vector.extract_strided_slice %get3A_512 {offsets = [2], sizes = [1], strides = [1]} : vector<16xi32> to vector<1xi32>
      %squeeze3A_526 = vector.extract %slice3A_525[0] : i32 from vector<1xi32>
      %mul3A_527 = arith.constant 4 : i32
      %mul3A_528 = arith.muli %squeeze3A_526, %mul3A_527 : i32
      %add3A_529 = arith.constant 2 : i32
      %add3A_530 = arith.addi %mul3A_528, %add3A_529 : i32
      %slice3A_531 = vector.extract_strided_slice %get3A_512 {offsets = [3], sizes = [1], strides = [1]} : vector<16xi32> to vector<1xi32>
      %squeeze3A_532 = vector.extract %slice3A_531[0] : i32 from vector<1xi32>
      %mul3A_533 = arith.constant 4 : i32
      %mul3A_534 = arith.muli %squeeze3A_532, %mul3A_533 : i32
      %add3A_535 = arith.constant 3 : i32
      %add3A_536 = arith.addi %mul3A_534, %add3A_535 : i32
      %slice3A_537 = vector.extract_strided_slice %get3A_512 {offsets = [4], sizes = [1], strides = [1]} : vector<16xi32> to vector<1xi32>
      %squeeze3A_538 = vector.extract %slice3A_537[0] : i32 from vector<1xi32>
      %mul3A_539 = arith.constant 4 : i32
      %mul3A_540 = arith.muli %squeeze3A_538, %mul3A_539 : i32
      %add3A_541 = arith.constant 0 : i32
      %add3A_542 = arith.addi %mul3A_540, %add3A_541 : i32
      %slice3A_543 = vector.extract_strided_slice %get3A_512 {offsets = [5], sizes = [1], strides = [1]} : vector<16xi32> to vector<1xi32>
      %squeeze3A_544 = vector.extract %slice3A_543[0] : i32 from vector<1xi32>
      %mul3A_545 = arith.constant 4 : i32
      %mul3A_546 = arith.muli %squeeze3A_544, %mul3A_545 : i32
      %add3A_547 = arith.constant 1 : i32
      %add3A_548 = arith.addi %mul3A_546, %add3A_547 : i32
      %slice3A_549 = vector.extract_strided_slice %get3A_512 {offsets = [6], sizes = [1], strides = [1]} : vector<16xi32> to vector<1xi32>
      %squeeze3A_550 = vector.extract %slice3A_549[0] : i32 from vector<1xi32>
      %mul3A_551 = arith.constant 4 : i32
      %mul3A_552 = arith.muli %squeeze3A_550, %mul3A_551 : i32
      %add3A_553 = arith.constant 2 : i32
      %add3A_554 = arith.addi %mul3A_552, %add3A_553 : i32
      %slice3A_555 = vector.extract_strided_slice %get3A_512 {offsets = [7], sizes = [1], strides = [1]} : vector<16xi32> to vector<1xi32>
      %squeeze3A_556 = vector.extract %slice3A_555[0] : i32 from vector<1xi32>
      %mul3A_557 = arith.constant 4 : i32
      %mul3A_558 = arith.muli %squeeze3A_556, %mul3A_557 : i32
      %add3A_559 = arith.constant 3 : i32
      %add3A_560 = arith.addi %mul3A_558, %add3A_559 : i32
      %slice3A_561 = vector.extract_strided_slice %get3A_512 {offsets = [8], sizes = [1], strides = [1]} : vector<16xi32> to vector<1xi32>
      %squeeze3A_562 = vector.extract %slice3A_561[0] : i32 from vector<1xi32>
      %mul3A_563 = arith.constant 4 : i32
      %mul3A_564 = arith.muli %squeeze3A_562, %mul3A_563 : i32
      %add3A_565 = arith.constant 0 : i32
      %add3A_566 = arith.addi %mul3A_564, %add3A_565 : i32
      %slice3A_567 = vector.extract_strided_slice %get3A_512 {offsets = [9], sizes = [1], strides = [1]} : vector<16xi32> to vector<1xi32>
      %squeeze3A_568 = vector.extract %slice3A_567[0] : i32 from vector<1xi32>
      %mul3A_569 = arith.constant 4 : i32
      %mul3A_570 = arith.muli %squeeze3A_568, %mul3A_569 : i32
      %add3A_571 = arith.constant 1 : i32
      %add3A_572 = arith.addi %mul3A_570, %add3A_571 : i32
      %slice3A_573 = vector.extract_strided_slice %get3A_512 {offsets = [10], sizes = [1], strides = [1]} : vector<16xi32> to vector<1xi32>
      %squeeze3A_574 = vector.extract %slice3A_573[0] : i32 from vector<1xi32>
      %mul3A_575 = arith.constant 4 : i32
      %mul3A_576 = arith.muli %squeeze3A_574, %mul3A_575 : i32
      %add3A_577 = arith.constant 2 : i32
      %add3A_578 = arith.addi %mul3A_576, %add3A_577 : i32
      %slice3A_579 = vector.extract_strided_slice %get3A_512 {offsets = [11], sizes = [1], strides = [1]} : vector<16xi32> to vector<1xi32>
      %squeeze3A_580 = vector.extract %slice3A_579[0] : i32 from vector<1xi32>
      %mul3A_581 = arith.constant 4 : i32
      %mul3A_582 = arith.muli %squeeze3A_580, %mul3A_581 : i32
      %add3A_583 = arith.constant 3 : i32
      %add3A_584 = arith.addi %mul3A_582, %add3A_583 : i32
      %slice3A_585 = vector.extract_strided_slice %get3A_512 {offsets = [12], sizes = [1], strides = [1]} : vector<16xi32> to vector<1xi32>
      %squeeze3A_586 = vector.extract %slice3A_585[0] : i32 from vector<1xi32>
      %mul3A_587 = arith.constant 4 : i32
      %mul3A_588 = arith.muli %squeeze3A_586, %mul3A_587 : i32
      %add3A_589 = arith.constant 0 : i32
      %add3A_590 = arith.addi %mul3A_588, %add3A_589 : i32
      %slice3A_591 = vector.extract_strided_slice %get3A_512 {offsets = [13], sizes = [1], strides = [1]} : vector<16xi32> to vector<1xi32>
      %squeeze3A_592 = vector.extract %slice3A_591[0] : i32 from vector<1xi32>
      %mul3A_593 = arith.constant 4 : i32
      %mul3A_594 = arith.muli %squeeze3A_592, %mul3A_593 : i32
      %add3A_595 = arith.constant 1 : i32
      %add3A_596 = arith.addi %mul3A_594, %add3A_595 : i32
      %slice3A_597 = vector.extract_strided_slice %get3A_512 {offsets = [14], sizes = [1], strides = [1]} : vector<16xi32> to vector<1xi32>
      %squeeze3A_598 = vector.extract %slice3A_597[0] : i32 from vector<1xi32>
      %mul3A_599 = arith.constant 4 : i32
      %mul3A_600 = arith.muli %squeeze3A_598, %mul3A_599 : i32
      %add3A_601 = arith.constant 2 : i32
      %add3A_602 = arith.addi %mul3A_600, %add3A_601 : i32
      %slice3A_603 = vector.extract_strided_slice %get3A_512 {offsets = [15], sizes = [1], strides = [1]} : vector<16xi32> to vector<1xi32>
      %squeeze3A_604 = vector.extract %slice3A_603[0] : i32 from vector<1xi32>
      %mul3A_605 = arith.constant 4 : i32
      %mul3A_606 = arith.muli %squeeze3A_604, %mul3A_605 : i32
      %add3A_607 = arith.constant 3 : i32
      %add3A_608 = arith.addi %mul3A_606, %add3A_607 : i32
      %parallel_loop3A_609 = arith.constant 0 : i32
      %parallel_loop3A_610 = arith.constant 64 : i32
      %parallel_loop3A_611 = arith.constant 1 : i32
      scf.for %parallel_loop3A_633 = %parallel_loop3A_609 to %parallel_loop3A_610 step %parallel_loop3A_611  : i32 {
        %parallel_loop3A_634 = arith.constant 16 : i32
        %parallel_loop3A_635 = arith.muli %parallel_loop3A_633, %parallel_loop3A_634 : i32
        %parallel_loop3A_636 = arith.constant 1 : i32
        %parallel_loop3A_637 = arith.constant 0 : i32
        %parallel_loop3A_638 = arith.index_cast %parallel_loop3A_636 : i32 to index
        %parallel_loop3A_639 = arith.index_cast %parallel_loop3A_637 : i32 to index
        %parallel_loop3A_640 = arith.index_cast %parallel_loop3A_635 : i32 to index
        %parallel_loop3A_641 = tpu.vector_load %arg12[%parallel_loop3A_638, %parallel_loop3A_639, %parallel_loop3A_640] {strides = array<i32>} : memref<2x4x1024xf32, #tpu.memory_space<vmem>>, vector<1x1x16xf32>,
        %parallel_loop3A_642 = vector.shape_cast %parallel_loop3A_641 : vector<1x1x16xf32> to vector<16xf32>
        %parallel_loop3A_643 = arith.constant 1 : i32
        %parallel_loop3A_644 = arith.constant 1 : i32
        %parallel_loop3A_645 = arith.index_cast %parallel_loop3A_643 : i32 to index
        %parallel_loop3A_646 = arith.index_cast %parallel_loop3A_644 : i32 to index
        %parallel_loop3A_647 = arith.index_cast %parallel_loop3A_635 : i32 to index
        %parallel_loop3A_648 = tpu.vector_load %arg12[%parallel_loop3A_645, %parallel_loop3A_646, %parallel_loop3A_647] {strides = array<i32>} : memref<2x4x1024xf32, #tpu.memory_space<vmem>>, vector<1x1x16xf32>,
        %parallel_loop3A_649 = vector.shape_cast %parallel_loop3A_648 : vector<1x1x16xf32> to vector<16xf32>
        %parallel_loop3A_650 = arith.constant 1 : i32
        %parallel_loop3A_651 = arith.constant 2 : i32
        %parallel_loop3A_652 = arith.index_cast %parallel_loop3A_650 : i32 to index
        %parallel_loop3A_653 = arith.index_cast %parallel_loop3A_651 : i32 to index
        %parallel_loop3A_654 = arith.index_cast %parallel_loop3A_635 : i32 to index
        %parallel_loop3A_655 = tpu.vector_load %arg12[%parallel_loop3A_652, %parallel_loop3A_653, %parallel_loop3A_654] {strides = array<i32>} : memref<2x4x1024xf32, #tpu.memory_space<vmem>>, vector<1x1x16xf32>,
        %parallel_loop3A_656 = vector.shape_cast %parallel_loop3A_655 : vector<1x1x16xf32> to vector<16xf32>
        %parallel_loop3A_657 = arith.constant 1 : i32
        %parallel_loop3A_658 = arith.constant 3 : i32
        %parallel_loop3A_659 = arith.index_cast %parallel_loop3A_657 : i32 to index
        %parallel_loop3A_660 = arith.index_cast %parallel_loop3A_658 : i32 to index
        %parallel_loop3A_661 = arith.index_cast %parallel_loop3A_635 : i32 to index
        %parallel_loop3A_662 = tpu.vector_load %arg12[%parallel_loop3A_659, %parallel_loop3A_660, %parallel_loop3A_661] {strides = array<i32>} : memref<2x4x1024xf32, #tpu.memory_space<vmem>>, vector<1x1x16xf32>,
        %parallel_loop3A_663 = vector.shape_cast %parallel_loop3A_662 : vector<1x1x16xf32> to vector<16xf32>
        %parallel_loop3A_664 = arith.constant 1 : i32
        %parallel_loop3A_665 = arith.constant 0 : i32
        %parallel_loop3A_666 = arith.constant 0 : i32
        %parallel_loop3A_667 = arith.index_cast %parallel_loop3A_664 : i32 to index
        %parallel_loop3A_668 = arith.index_cast %parallel_loop3A_665 : i32 to index
        %parallel_loop3A_669 = arith.index_cast %parallel_loop3A_666 : i32 to index
        %parallel_loop3A_670 = arith.index_cast %parallel_loop3A_635 : i32 to index
        %parallel_loop3A_671 = tpu.vector_load %arg10[%parallel_loop3A_667, %parallel_loop3A_668, %parallel_loop3A_669, %parallel_loop3A_670] {strides = array<i32>} : memref<2x4x4x1024xf32, #tpu.memory_space<vmem>>, vector<1x1x1x16xf32>,
        %parallel_loop3A_672 = vector.shape_cast %parallel_loop3A_671 : vector<1x1x1x16xf32> to vector<16xf32>
        %parallel_loop3A_673 = arith.addf %parallel_loop3A_672, %parallel_loop3A_642 : vector<16xf32>
        %parallel_loop3A_674 = arith.index_cast %add3A_518 : i32 to index
        %parallel_loop3A_675 = arith.index_cast %parallel_loop3A_635 : i32 to index
        %parallel_loop3A_676 = tpu.vector_load %arg13[%parallel_loop3A_674, %parallel_loop3A_675] {strides = array<i32>} : memref<8x1024xf32, #tpu.memory_space<vmem>>, vector<1x16xf32>,
        %parallel_loop3A_677 = vector.shape_cast %parallel_loop3A_676 : vector<1x16xf32> to vector<16xf32>
        %parallel_loop3A_678 = arith.addf %parallel_loop3A_673, %parallel_loop3A_677 : vector<16xf32>
        %parallel_loop3A_679 = arith.constant 1 : i32
        %parallel_loop3A_680 = arith.constant 0 : i32
        %parallel_loop3A_681 = arith.constant 0 : i32
        %parallel_loop3A_682 = arith.index_cast %parallel_loop3A_679 : i32 to index
        %parallel_loop3A_683 = arith.index_cast %parallel_loop3A_680 : i32 to index
        %parallel_loop3A_684 = arith.index_cast %parallel_loop3A_681 : i32 to index
        %parallel_loop3A_685 = arith.index_cast %parallel_loop3A_635 : i32 to index
        %parallel_loop3A_686 = tpu.vector_load %arg11[%parallel_loop3A_682, %parallel_loop3A_683, %parallel_loop3A_684, %parallel_loop3A_685] {strides = array<i32>} : memref<2x4x4x1024xf32, #tpu.memory_space<vmem>>, vector<1x1x1x16xf32>,
        %parallel_loop3A_687 = vector.shape_cast %parallel_loop3A_686 : vector<1x1x1x16xf32> to vector<16xf32>
        %parallel_loop3A_688 = vector.shape_cast %parallel_loop3A_678 : vector<16xf32> to vector<1x1x1x16xf32>
        tpu.vector_store %arg11[%parallel_loop3A_682, %parallel_loop3A_683, %parallel_loop3A_684, %parallel_loop3A_685], %parallel_loop3A_688 {strides = array<i32>} : memref<2x4x4x1024xf32, #tpu.memory_space<vmem>>, vector<1x1x1x16xf32>,
        %parallel_loop3A_689 = arith.constant 1 : i32
        %parallel_loop3A_690 = arith.constant 0 : i32
        %parallel_loop3A_691 = arith.constant 1 : i32
        %parallel_loop3A_692 = arith.index_cast %parallel_loop3A_689 : i32 to index
        %parallel_loop3A_693 = arith.index_cast %parallel_loop3A_690 : i32 to index
        %parallel_loop3A_694 = arith.index_cast %parallel_loop3A_691 : i32 to index
        %parallel_loop3A_695 = arith.index_cast %parallel_loop3A_635 : i32 to index
        %parallel_loop3A_696 = tpu.vector_load %arg10[%parallel_loop3A_692, %parallel_loop3A_693, %parallel_loop3A_694, %parallel_loop3A_695] {strides = array<i32>} : memref<2x4x4x1024xf32, #tpu.memory_space<vmem>>, vector<1x1x1x16xf32>,
        %parallel_loop3A_697 = vector.shape_cast %parallel_loop3A_696 : vector<1x1x1x16xf32> to vector<16xf32>
        %parallel_loop3A_698 = arith.addf %parallel_loop3A_697, %parallel_loop3A_642 : vector<16xf32>
        %parallel_loop3A_699 = arith.index_cast %add3A_524 : i32 to index
        %parallel_loop3A_700 = arith.index_cast %parallel_loop3A_635 : i32 to index
        %parallel_loop3A_701 = tpu.vector_load %arg13[%parallel_loop3A_699, %parallel_loop3A_700] {strides = array<i32>} : memref<8x1024xf32, #tpu.memory_space<vmem>>, vector<1x16xf32>,
        %parallel_loop3A_702 = vector.shape_cast %parallel_loop3A_701 : vector<1x16xf32> to vector<16xf32>
        %parallel_loop3A_703 = arith.addf %parallel_loop3A_698, %parallel_loop3A_702 : vector<16xf32>
        %parallel_loop3A_704 = arith.constant 1 : i32
        %parallel_loop3A_705 = arith.constant 0 : i32
        %parallel_loop3A_706 = arith.constant 1 : i32
        %parallel_loop3A_707 = arith.index_cast %parallel_loop3A_704 : i32 to index
        %parallel_loop3A_708 = arith.index_cast %parallel_loop3A_705 : i32 to index
        %parallel_loop3A_709 = arith.index_cast %parallel_loop3A_706 : i32 to index
        %parallel_loop3A_710 = arith.index_cast %parallel_loop3A_635 : i32 to index
        %parallel_loop3A_711 = tpu.vector_load %arg11[%parallel_loop3A_707, %parallel_loop3A_708, %parallel_loop3A_709, %parallel_loop3A_710] {strides = array<i32>} : memref<2x4x4x1024xf32, #tpu.memory_space<vmem>>, vector<1x1x1x16xf32>,
        %parallel_loop3A_712 = vector.shape_cast %parallel_loop3A_711 : vector<1x1x1x16xf32> to vector<16xf32>
        %parallel_loop3A_713 = vector.shape_cast %parallel_loop3A_703 : vector<16xf32> to vector<1x1x1x16xf32>
        tpu.vector_store %arg11[%parallel_loop3A_707, %parallel_loop3A_708, %parallel_loop3A_709, %parallel_loop3A_710], %parallel_loop3A_713 {strides = array<i32>} : memref<2x4x4x1024xf32, #tpu.memory_space<vmem>>, vector<1x1x1x16xf32>,
        %parallel_loop3A_714 = arith.constant 1 : i32
        %parallel_loop3A_715 = arith.constant 0 : i32
        %parallel_loop3A_716 = arith.constant 2 : i32
        %parallel_loop3A_717 = arith.index_cast %parallel_loop3A_714 : i32 to index
        %parallel_loop3A_718 = arith.index_cast %parallel_loop3A_715 : i32 to index
        %parallel_loop3A_719 = arith.index_cast %parallel_loop3A_716 : i32 to index
        %parallel_loop3A_720 = arith.index_cast %parallel_loop3A_635 : i32 to index
        %parallel_loop3A_721 = tpu.vector_load %arg10[%parallel_loop3A_717, %parallel_loop3A_718, %parallel_loop3A_719, %parallel_loop3A_720] {strides = array<i32>} : memref<2x4x4x1024xf32, #tpu.memory_space<vmem>>, vector<1x1x1x16xf32>,
        %parallel_loop3A_722 = vector.shape_cast %parallel_loop3A_721 : vector<1x1x1x16xf32> to vector<16xf32>
        %parallel_loop3A_723 = arith.addf %parallel_loop3A_722, %parallel_loop3A_642 : vector<16xf32>
        %parallel_loop3A_724 = arith.index_cast %add3A_530 : i32 to index
        %parallel_loop3A_725 = arith.index_cast %parallel_loop3A_635 : i32 to index
        %parallel_loop3A_726 = tpu.vector_load %arg13[%parallel_loop3A_724, %parallel_loop3A_725] {strides = array<i32>} : memref<8x1024xf32, #tpu.memory_space<vmem>>, vector<1x16xf32>,
        %parallel_loop3A_727 = vector.shape_cast %parallel_loop3A_726 : vector<1x16xf32> to vector<16xf32>
        %parallel_loop3A_728 = arith.addf %parallel_loop3A_723, %parallel_loop3A_727 : vector<16xf32>
        %parallel_loop3A_729 = arith.constant 1 : i32
        %parallel_loop3A_730 = arith.constant 0 : i32
        %parallel_loop3A_731 = arith.constant 2 : i32
        %parallel_loop3A_732 = arith.index_cast %parallel_loop3A_729 : i32 to index
        %parallel_loop3A_733 = arith.index_cast %parallel_loop3A_730 : i32 to index
        %parallel_loop3A_734 = arith.index_cast %parallel_loop3A_731 : i32 to index
        %parallel_loop3A_735 = arith.index_cast %parallel_loop3A_635 : i32 to index
        %parallel_loop3A_736 = tpu.vector_load %arg11[%parallel_loop3A_732, %parallel_loop3A_733, %parallel_loop3A_734, %parallel_loop3A_735] {strides = array<i32>} : memref<2x4x4x1024xf32, #tpu.memory_space<vmem>>, vector<1x1x1x16xf32>,
        %parallel_loop3A_737 = vector.shape_cast %parallel_loop3A_736 : vector<1x1x1x16xf32> to vector<16xf32>
        %parallel_loop3A_738 = vector.shape_cast %parallel_loop3A_728 : vector<16xf32> to vector<1x1x1x16xf32>
        tpu.vector_store %arg11[%parallel_loop3A_732, %parallel_loop3A_733, %parallel_loop3A_734, %parallel_loop3A_735], %parallel_loop3A_738 {strides = array<i32>} : memref<2x4x4x1024xf32, #tpu.memory_space<vmem>>, vector<1x1x1x16xf32>,
        %parallel_loop3A_739 = arith.constant 1 : i32
        %parallel_loop3A_740 = arith.constant 0 : i32
        %parallel_loop3A_741 = arith.constant 3 : i32
        %parallel_loop3A_742 = arith.index_cast %parallel_loop3A_739 : i32 to index
        %parallel_loop3A_743 = arith.index_cast %parallel_loop3A_740 : i32 to index
        %parallel_loop3A_744 = arith.index_cast %parallel_loop3A_741 : i32 to index
        %parallel_loop3A_745 = arith.index_cast %parallel_loop3A_635 : i32 to index
        %parallel_loop3A_746 = tpu.vector_load %arg10[%parallel_loop3A_742, %parallel_loop3A_743, %parallel_loop3A_744, %parallel_loop3A_745] {strides = array<i32>} : memref<2x4x4x1024xf32, #tpu.memory_space<vmem>>, vector<1x1x1x16xf32>,
        %parallel_loop3A_747 = vector.shape_cast %parallel_loop3A_746 : vector<1x1x1x16xf32> to vector<16xf32>
        %parallel_loop3A_748 = arith.addf %parallel_loop3A_747, %parallel_loop3A_642 : vector<16xf32>
        %parallel_loop3A_749 = arith.index_cast %add3A_536 : i32 to index
        %parallel_loop3A_750 = arith.index_cast %parallel_loop3A_635 : i32 to index
        %parallel_loop3A_751 = tpu.vector_load %arg13[%parallel_loop3A_749, %parallel_loop3A_750] {strides = array<i32>} : memref<8x1024xf32, #tpu.memory_space<vmem>>, vector<1x16xf32>,
        %parallel_loop3A_752 = vector.shape_cast %parallel_loop3A_751 : vector<1x16xf32> to vector<16xf32>
        %parallel_loop3A_753 = arith.addf %parallel_loop3A_748, %parallel_loop3A_752 : vector<16xf32>
        %parallel_loop3A_754 = arith.constant 1 : i32
        %parallel_loop3A_755 = arith.constant 0 : i32
        %parallel_loop3A_756 = arith.constant 3 : i32
        %parallel_loop3A_757 = arith.index_cast %parallel_loop3A_754 : i32 to index
        %parallel_loop3A_758 = arith.index_cast %parallel_loop3A_755 : i32 to index
        %parallel_loop3A_759 = arith.index_cast %parallel_loop3A_756 : i32 to index
        %parallel_loop3A_760 = arith.index_cast %parallel_loop3A_635 : i32 to index
        %parallel_loop3A_761 = tpu.vector_load %arg11[%parallel_loop3A_757, %parallel_loop3A_758, %parallel_loop3A_759, %parallel_loop3A_760] {strides = array<i32>} : memref<2x4x4x1024xf32, #tpu.memory_space<vmem>>, vector<1x1x1x16xf32>,
        %parallel_loop3A_762 = vector.shape_cast %parallel_loop3A_761 : vector<1x1x1x16xf32> to vector<16xf32>
        %parallel_loop3A_763 = vector.shape_cast %parallel_loop3A_753 : vector<16xf32> to vector<1x1x1x16xf32>
        tpu.vector_store %arg11[%parallel_loop3A_757, %parallel_loop3A_758, %parallel_loop3A_759, %parallel_loop3A_760], %parallel_loop3A_763 {strides = array<i32>} : memref<2x4x4x1024xf32, #tpu.memory_space<vmem>>, vector<1x1x1x16xf32>,
        %parallel_loop3A_764 = arith.constant 1 : i32
        %parallel_loop3A_765 = arith.constant 1 : i32
        %parallel_loop3A_766 = arith.constant 0 : i32
        %parallel_loop3A_767 = arith.index_cast %parallel_loop3A_764 : i32 to index
        %parallel_loop3A_768 = arith.index_cast %parallel_loop3A_765 : i32 to index
        %parallel_loop3A_769 = arith.index_cast %parallel_loop3A_766 : i32 to index
        %parallel_loop3A_770 = arith.index_cast %parallel_loop3A_635 : i32 to index
        %parallel_loop3A_771 = tpu.vector_load %arg10[%parallel_loop3A_767, %parallel_loop3A_768, %parallel_loop3A_769, %parallel_loop3A_770] {strides = array<i32>} : memref<2x4x4x1024xf32, #tpu.memory_space<vmem>>, vector<1x1x1x16xf32>,
        %parallel_loop3A_772 = vector.shape_cast %parallel_loop3A_771 : vector<1x1x1x16xf32> to vector<16xf32>
        %parallel_loop3A_773 = arith.addf %parallel_loop3A_772, %parallel_loop3A_649 : vector<16xf32>
        %parallel_loop3A_774 = arith.index_cast %add3A_542 : i32 to index
        %parallel_loop3A_775 = arith.index_cast %parallel_loop3A_635 : i32 to index
        %parallel_loop3A_776 = tpu.vector_load %arg13[%parallel_loop3A_774, %parallel_loop3A_775] {strides = array<i32>} : memref<8x1024xf32, #tpu.memory_space<vmem>>, vector<1x16xf32>,
        %parallel_loop3A_777 = vector.shape_cast %parallel_loop3A_776 : vector<1x16xf32> to vector<16xf32>
        %parallel_loop3A_778 = arith.addf %parallel_loop3A_773, %parallel_loop3A_777 : vector<16xf32>
        %parallel_loop3A_779 = arith.constant 1 : i32
        %parallel_loop3A_780 = arith.constant 1 : i32
        %parallel_loop3A_781 = arith.constant 0 : i32
        %parallel_loop3A_782 = arith.index_cast %parallel_loop3A_779 : i32 to index
        %parallel_loop3A_783 = arith.index_cast %parallel_loop3A_780 : i32 to index
        %parallel_loop3A_784 = arith.index_cast %parallel_loop3A_781 : i32 to index
        %parallel_loop3A_785 = arith.index_cast %parallel_loop3A_635 : i32 to index
        %parallel_loop3A_786 = tpu.vector_load %arg11[%parallel_loop3A_782, %parallel_loop3A_783, %parallel_loop3A_784, %parallel_loop3A_785] {strides = array<i32>} : memref<2x4x4x1024xf32, #tpu.memory_space<vmem>>, vector<1x1x1x16xf32>,
        %parallel_loop3A_787 = vector.shape_cast %parallel_loop3A_786 : vector<1x1x1x16xf32> to vector<16xf32>
        %parallel_loop3A_788 = vector.shape_cast %parallel_loop3A_778 : vector<16xf32> to vector<1x1x1x16xf32>
        tpu.vector_store %arg11[%parallel_loop3A_782, %parallel_loop3A_783, %parallel_loop3A_784, %parallel_loop3A_785], %parallel_loop3A_788 {strides = array<i32>} : memref<2x4x4x1024xf32, #tpu.memory_space<vmem>>, vector<1x1x1x16xf32>,
        %parallel_loop3A_789 = arith.constant 1 : i32
        %parallel_loop3A_790 = arith.constant 1 : i32
        %parallel_loop3A_791 = arith.constant 1 : i32
        %parallel_loop3A_792 = arith.index_cast %parallel_loop3A_789 : i32 to index
        %parallel_loop3A_793 = arith.index_cast %parallel_loop3A_790 : i32 to index
        %parallel_loop3A_794 = arith.index_cast %parallel_loop3A_791 : i32 to index
        %parallel_loop3A_795 = arith.index_cast %parallel_loop3A_635 : i32 to index
        %parallel_loop3A_796 = tpu.vector_load %arg10[%parallel_loop3A_792, %parallel_loop3A_793, %parallel_loop3A_794, %parallel_loop3A_795] {strides = array<i32>} : memref<2x4x4x1024xf32, #tpu.memory_space<vmem>>, vector<1x1x1x16xf32>,
        %parallel_loop3A_797 = vector.shape_cast %parallel_loop3A_796 : vector<1x1x1x16xf32> to vector<16xf32>
        %parallel_loop3A_798 = arith.addf %parallel_loop3A_797, %parallel_loop3A_649 : vector<16xf32>
        %parallel_loop3A_799 = arith.index_cast %add3A_548 : i32 to index
        %parallel_loop3A_800 = arith.index_cast %parallel_loop3A_635 : i32 to index
        %parallel_loop3A_801 = tpu.vector_load %arg13[%parallel_loop3A_799, %parallel_loop3A_800] {strides = array<i32>} : memref<8x1024xf32, #tpu.memory_space<vmem>>, vector<1x16xf32>,
        %parallel_loop3A_802 = vector.shape_cast %parallel_loop3A_801 : vector<1x16xf32> to vector<16xf32>
        %parallel_loop3A_803 = arith.addf %parallel_loop3A_798, %parallel_loop3A_802 : vector<16xf32>
        %parallel_loop3A_804 = arith.constant 1 : i32
        %parallel_loop3A_805 = arith.constant 1 : i32
        %parallel_loop3A_806 = arith.constant 1 : i32
        %parallel_loop3A_807 = arith.index_cast %parallel_loop3A_804 : i32 to index
        %parallel_loop3A_808 = arith.index_cast %parallel_loop3A_805 : i32 to index
        %parallel_loop3A_809 = arith.index_cast %parallel_loop3A_806 : i32 to index
        %parallel_loop3A_810 = arith.index_cast %parallel_loop3A_635 : i32 to index
        %parallel_loop3A_811 = tpu.vector_load %arg11[%parallel_loop3A_807, %parallel_loop3A_808, %parallel_loop3A_809, %parallel_loop3A_810] {strides = array<i32>} : memref<2x4x4x1024xf32, #tpu.memory_space<vmem>>, vector<1x1x1x16xf32>,
        %parallel_loop3A_812 = vector.shape_cast %parallel_loop3A_811 : vector<1x1x1x16xf32> to vector<16xf32>
        %parallel_loop3A_813 = vector.shape_cast %parallel_loop3A_803 : vector<16xf32> to vector<1x1x1x16xf32>
        tpu.vector_store %arg11[%parallel_loop3A_807, %parallel_loop3A_808, %parallel_loop3A_809, %parallel_loop3A_810], %parallel_loop3A_813 {strides = array<i32>} : memref<2x4x4x1024xf32, #tpu.memory_space<vmem>>, vector<1x1x1x16xf32>,
        %parallel_loop3A_814 = arith.constant 1 : i32
        %parallel_loop3A_815 = arith.constant 1 : i32
        %parallel_loop3A_816 = arith.constant 2 : i32
        %parallel_loop3A_817 = arith.index_cast %parallel_loop3A_814 : i32 to index
        %parallel_loop3A_818 = arith.index_cast %parallel_loop3A_815 : i32 to index
        %parallel_loop3A_819 = arith.index_cast %parallel_loop3A_816 : i32 to index
        %parallel_loop3A_820 = arith.index_cast %parallel_loop3A_635 : i32 to index
        %parallel_loop3A_821 = tpu.vector_load %arg10[%parallel_loop3A_817, %parallel_loop3A_818, %parallel_loop3A_819, %parallel_loop3A_820] {strides = array<i32>} : memref<2x4x4x1024xf32, #tpu.memory_space<vmem>>, vector<1x1x1x16xf32>,
        %parallel_loop3A_822 = vector.shape_cast %parallel_loop3A_821 : vector<1x1x1x16xf32> to vector<16xf32>
        %parallel_loop3A_823 = arith.addf %parallel_loop3A_822, %parallel_loop3A_649 : vector<16xf32>
        %parallel_loop3A_824 = arith.index_cast %add3A_554 : i32 to index
        %parallel_loop3A_825 = arith.index_cast %parallel_loop3A_635 : i32 to index
        %parallel_loop3A_826 = tpu.vector_load %arg13[%parallel_loop3A_824, %parallel_loop3A_825] {strides = array<i32>} : memref<8x1024xf32, #tpu.memory_space<vmem>>, vector<1x16xf32>,
        %parallel_loop3A_827 = vector.shape_cast %parallel_loop3A_826 : vector<1x16xf32> to vector<16xf32>
        %parallel_loop3A_828 = arith.addf %parallel_loop3A_823, %parallel_loop3A_827 : vector<16xf32>
        %parallel_loop3A_829 = arith.constant 1 : i32
        %parallel_loop3A_830 = arith.constant 1 : i32
        %parallel_loop3A_831 = arith.constant 2 : i32
        %parallel_loop3A_832 = arith.index_cast %parallel_loop3A_829 : i32 to index
        %parallel_loop3A_833 = arith.index_cast %parallel_loop3A_830 : i32 to index
        %parallel_loop3A_834 = arith.index_cast %parallel_loop3A_831 : i32 to index
        %parallel_loop3A_835 = arith.index_cast %parallel_loop3A_635 : i32 to index
        %parallel_loop3A_836 = tpu.vector_load %arg11[%parallel_loop3A_832, %parallel_loop3A_833, %parallel_loop3A_834, %parallel_loop3A_835] {strides = array<i32>} : memref<2x4x4x1024xf32, #tpu.memory_space<vmem>>, vector<1x1x1x16xf32>,
        %parallel_loop3A_837 = vector.shape_cast %parallel_loop3A_836 : vector<1x1x1x16xf32> to vector<16xf32>
        %parallel_loop3A_838 = vector.shape_cast %parallel_loop3A_828 : vector<16xf32> to vector<1x1x1x16xf32>
        tpu.vector_store %arg11[%parallel_loop3A_832, %parallel_loop3A_833, %parallel_loop3A_834, %parallel_loop3A_835], %parallel_loop3A_838 {strides = array<i32>} : memref<2x4x4x1024xf32, #tpu.memory_space<vmem>>, vector<1x1x1x16xf32>,
        %parallel_loop3A_839 = arith.constant 1 : i32
        %parallel_loop3A_840 = arith.constant 1 : i32
        %parallel_loop3A_841 = arith.constant 3 : i32
        %parallel_loop3A_842 = arith.index_cast %parallel_loop3A_839 : i32 to index
        %parallel_loop3A_843 = arith.index_cast %parallel_loop3A_840 : i32 to index
        %parallel_loop3A_844 = arith.index_cast %parallel_loop3A_841 : i32 to index
        %parallel_loop3A_845 = arith.index_cast %parallel_loop3A_635 : i32 to index
        %parallel_loop3A_846 = tpu.vector_load %arg10[%parallel_loop3A_842, %parallel_loop3A_843, %parallel_loop3A_844, %parallel_loop3A_845] {strides = array<i32>} : memref<2x4x4x1024xf32, #tpu.memory_space<vmem>>, vector<1x1x1x16xf32>,
        %parallel_loop3A_847 = vector.shape_cast %parallel_loop3A_846 : vector<1x1x1x16xf32> to vector<16xf32>
        %parallel_loop3A_848 = arith.addf %parallel_loop3A_847, %parallel_loop3A_649 : vector<16xf32>
        %parallel_loop3A_849 = arith.index_cast %add3A_560 : i32 to index
        %parallel_loop3A_850 = arith.index_cast %parallel_loop3A_635 : i32 to index
        %parallel_loop3A_851 = tpu.vector_load %arg13[%parallel_loop3A_849, %parallel_loop3A_850] {strides = array<i32>} : memref<8x1024xf32, #tpu.memory_space<vmem>>, vector<1x16xf32>,
        %parallel_loop3A_852 = vector.shape_cast %parallel_loop3A_851 : vector<1x16xf32> to vector<16xf32>
        %parallel_loop3A_853 = arith.addf %parallel_loop3A_848, %parallel_loop3A_852 : vector<16xf32>
        %parallel_loop3A_854 = arith.constant 1 : i32
        %parallel_loop3A_855 = arith.constant 1 : i32
        %parallel_loop3A_856 = arith.constant 3 : i32
        %parallel_loop3A_857 = arith.index_cast %parallel_loop3A_854 : i32 to index
        %parallel_loop3A_858 = arith.index_cast %parallel_loop3A_855 : i32 to index
        %parallel_loop3A_859 = arith.index_cast %parallel_loop3A_856 : i32 to index
        %parallel_loop3A_860 = arith.index_cast %parallel_loop3A_635 : i32 to index
        %parallel_loop3A_861 = tpu.vector_load %arg11[%parallel_loop3A_857, %parallel_loop3A_858, %parallel_loop3A_859, %parallel_loop3A_860] {strides = array<i32>} : memref<2x4x4x1024xf32, #tpu.memory_space<vmem>>, vector<1x1x1x16xf32>,
        %parallel_loop3A_862 = vector.shape_cast %parallel_loop3A_861 : vector<1x1x1x16xf32> to vector<16xf32>
        %parallel_loop3A_863 = vector.shape_cast %parallel_loop3A_853 : vector<16xf32> to vector<1x1x1x16xf32>
        tpu.vector_store %arg11[%parallel_loop3A_857, %parallel_loop3A_858, %parallel_loop3A_859, %parallel_loop3A_860], %parallel_loop3A_863 {strides = array<i32>} : memref<2x4x4x1024xf32, #tpu.memory_space<vmem>>, vector<1x1x1x16xf32>,
        %parallel_loop3A_864 = arith.constant 1 : i32
        %parallel_loop3A_865 = arith.constant 2 : i32
        %parallel_loop3A_866 = arith.constant 0 : i32
        %parallel_loop3A_867 = arith.index_cast %parallel_loop3A_864 : i32 to index
        %parallel_loop3A_868 = arith.index_cast %parallel_loop3A_865 : i32 to index
        %parallel_loop3A_869 = arith.index_cast %parallel_loop3A_866 : i32 to index
        %parallel_loop3A_870 = arith.index_cast %parallel_loop3A_635 : i32 to index
        %parallel_loop3A_871 = tpu.vector_load %arg10[%parallel_loop3A_867, %parallel_loop3A_868, %parallel_loop3A_869, %parallel_loop3A_870] {strides = array<i32>} : memref<2x4x4x1024xf32, #tpu.memory_space<vmem>>, vector<1x1x1x16xf32>,
        %parallel_loop3A_872 = vector.shape_cast %parallel_loop3A_871 : vector<1x1x1x16xf32> to vector<16xf32>
        %parallel_loop3A_873 = arith.addf %parallel_loop3A_872, %parallel_loop3A_656 : vector<16xf32>
        %parallel_loop3A_874 = arith.index_cast %add3A_566 : i32 to index
        %parallel_loop3A_875 = arith.index_cast %parallel_loop3A_635 : i32 to index
        %parallel_loop3A_876 = tpu.vector_load %arg13[%parallel_loop3A_874, %parallel_loop3A_875] {strides = array<i32>} : memref<8x1024xf32, #tpu.memory_space<vmem>>, vector<1x16xf32>,
        %parallel_loop3A_877 = vector.shape_cast %parallel_loop3A_876 : vector<1x16xf32> to vector<16xf32>
        %parallel_loop3A_878 = arith.addf %parallel_loop3A_873, %parallel_loop3A_877 : vector<16xf32>
        %parallel_loop3A_879 = arith.constant 1 : i32
        %parallel_loop3A_880 = arith.constant 2 : i32
        %parallel_loop3A_881 = arith.constant 0 : i32
        %parallel_loop3A_882 = arith.index_cast %parallel_loop3A_879 : i32 to index
        %parallel_loop3A_883 = arith.index_cast %parallel_loop3A_880 : i32 to index
        %parallel_loop3A_884 = arith.index_cast %parallel_loop3A_881 : i32 to index
        %parallel_loop3A_885 = arith.index_cast %parallel_loop3A_635 : i32 to index
        %parallel_loop3A_886 = tpu.vector_load %arg11[%parallel_loop3A_882, %parallel_loop3A_883, %parallel_loop3A_884, %parallel_loop3A_885] {strides = array<i32>} : memref<2x4x4x1024xf32, #tpu.memory_space<vmem>>, vector<1x1x1x16xf32>,
        %parallel_loop3A_887 = vector.shape_cast %parallel_loop3A_886 : vector<1x1x1x16xf32> to vector<16xf32>
        %parallel_loop3A_888 = vector.shape_cast %parallel_loop3A_878 : vector<16xf32> to vector<1x1x1x16xf32>
        tpu.vector_store %arg11[%parallel_loop3A_882, %parallel_loop3A_883, %parallel_loop3A_884, %parallel_loop3A_885], %parallel_loop3A_888 {strides = array<i32>} : memref<2x4x4x1024xf32, #tpu.memory_space<vmem>>, vector<1x1x1x16xf32>,
        %parallel_loop3A_889 = arith.constant 1 : i32
        %parallel_loop3A_890 = arith.constant 2 : i32
        %parallel_loop3A_891 = arith.constant 1 : i32
        %parallel_loop3A_892 = arith.index_cast %parallel_loop3A_889 : i32 to index
        %parallel_loop3A_893 = arith.index_cast %parallel_loop3A_890 : i32 to index
        %parallel_loop3A_894 = arith.index_cast %parallel_loop3A_891 : i32 to index
        %parallel_loop3A_895 = arith.index_cast %parallel_loop3A_635 : i32 to index
        %parallel_loop3A_896 = tpu.vector_load %arg10[%parallel_loop3A_892, %parallel_loop3A_893, %parallel_loop3A_894, %parallel_loop3A_895] {strides = array<i32>} : memref<2x4x4x1024xf32, #tpu.memory_space<vmem>>, vector<1x1x1x16xf32>,
        %parallel_loop3A_897 = vector.shape_cast %parallel_loop3A_896 : vector<1x1x1x16xf32> to vector<16xf32>
        %parallel_loop3A_898 = arith.addf %parallel_loop3A_897, %parallel_loop3A_656 : vector<16xf32>
        %parallel_loop3A_899 = arith.index_cast %add3A_572 : i32 to index
        %parallel_loop3A_900 = arith.index_cast %parallel_loop3A_635 : i32 to index
        %parallel_loop3A_901 = tpu.vector_load %arg13[%parallel_loop3A_899, %parallel_loop3A_900] {strides = array<i32>} : memref<8x1024xf32, #tpu.memory_space<vmem>>, vector<1x16xf32>,
        %parallel_loop3A_902 = vector.shape_cast %parallel_loop3A_901 : vector<1x16xf32> to vector<16xf32>
        %parallel_loop3A_903 = arith.addf %parallel_loop3A_898, %parallel_loop3A_902 : vector<16xf32>
        %parallel_loop3A_904 = arith.constant 1 : i32
        %parallel_loop3A_905 = arith.constant 2 : i32
        %parallel_loop3A_906 = arith.constant 1 : i32
        %parallel_loop3A_907 = arith.index_cast %parallel_loop3A_904 : i32 to index
        %parallel_loop3A_908 = arith.index_cast %parallel_loop3A_905 : i32 to index
        %parallel_loop3A_909 = arith.index_cast %parallel_loop3A_906 : i32 to index
        %parallel_loop3A_910 = arith.index_cast %parallel_loop3A_635 : i32 to index
        %parallel_loop3A_911 = tpu.vector_load %arg11[%parallel_loop3A_907, %parallel_loop3A_908, %parallel_loop3A_909, %parallel_loop3A_910] {strides = array<i32>} : memref<2x4x4x1024xf32, #tpu.memory_space<vmem>>, vector<1x1x1x16xf32>,
        %parallel_loop3A_912 = vector.shape_cast %parallel_loop3A_911 : vector<1x1x1x16xf32> to vector<16xf32>
        %parallel_loop3A_913 = vector.shape_cast %parallel_loop3A_903 : vector<16xf32> to vector<1x1x1x16xf32>
        tpu.vector_store %arg11[%parallel_loop3A_907, %parallel_loop3A_908, %parallel_loop3A_909, %parallel_loop3A_910], %parallel_loop3A_913 {strides = array<i32>} : memref<2x4x4x1024xf32, #tpu.memory_space<vmem>>, vector<1x1x1x16xf32>,
        %parallel_loop3A_914 = arith.constant 1 : i32
        %parallel_loop3A_915 = arith.constant 2 : i32
        %parallel_loop3A_916 = arith.constant 2 : i32
        %parallel_loop3A_917 = arith.index_cast %parallel_loop3A_914 : i32 to index
        %parallel_loop3A_918 = arith.index_cast %parallel_loop3A_915 : i32 to index
        %parallel_loop3A_919 = arith.index_cast %parallel_loop3A_916 : i32 to index
        %parallel_loop3A_920 = arith.index_cast %parallel_loop3A_635 : i32 to index
        %parallel_loop3A_921 = tpu.vector_load %arg10[%parallel_loop3A_917, %parallel_loop3A_918, %parallel_loop3A_919, %parallel_loop3A_920] {strides = array<i32>} : memref<2x4x4x1024xf32, #tpu.memory_space<vmem>>, vector<1x1x1x16xf32>,
        %parallel_loop3A_922 = vector.shape_cast %parallel_loop3A_921 : vector<1x1x1x16xf32> to vector<16xf32>
        %parallel_loop3A_923 = arith.addf %parallel_loop3A_922, %parallel_loop3A_656 : vector<16xf32>
        %parallel_loop3A_924 = arith.index_cast %add3A_578 : i32 to index
        %parallel_loop3A_925 = arith.index_cast %parallel_loop3A_635 : i32 to index
        %parallel_loop3A_926 = tpu.vector_load %arg13[%parallel_loop3A_924, %parallel_loop3A_925] {strides = array<i32>} : memref<8x1024xf32, #tpu.memory_space<vmem>>, vector<1x16xf32>,
        %parallel_loop3A_927 = vector.shape_cast %parallel_loop3A_926 : vector<1x16xf32> to vector<16xf32>
        %parallel_loop3A_928 = arith.addf %parallel_loop3A_923, %parallel_loop3A_927 : vector<16xf32>
        %parallel_loop3A_929 = arith.constant 1 : i32
        %parallel_loop3A_930 = arith.constant 2 : i32
        %parallel_loop3A_931 = arith.constant 2 : i32
        %parallel_loop3A_932 = arith.index_cast %parallel_loop3A_929 : i32 to index
        %parallel_loop3A_933 = arith.index_cast %parallel_loop3A_930 : i32 to index
        %parallel_loop3A_934 = arith.index_cast %parallel_loop3A_931 : i32 to index
        %parallel_loop3A_935 = arith.index_cast %parallel_loop3A_635 : i32 to index
        %parallel_loop3A_936 = tpu.vector_load %arg11[%parallel_loop3A_932, %parallel_loop3A_933, %parallel_loop3A_934, %parallel_loop3A_935] {strides = array<i32>} : memref<2x4x4x1024xf32, #tpu.memory_space<vmem>>, vector<1x1x1x16xf32>,
        %parallel_loop3A_937 = vector.shape_cast %parallel_loop3A_936 : vector<1x1x1x16xf32> to vector<16xf32>
        %parallel_loop3A_938 = vector.shape_cast %parallel_loop3A_928 : vector<16xf32> to vector<1x1x1x16xf32>
        tpu.vector_store %arg11[%parallel_loop3A_932, %parallel_loop3A_933, %parallel_loop3A_934, %parallel_loop3A_935], %parallel_loop3A_938 {strides = array<i32>} : memref<2x4x4x1024xf32, #tpu.memory_space<vmem>>, vector<1x1x1x16xf32>,
        %parallel_loop3A_939 = arith.constant 1 : i32
        %parallel_loop3A_940 = arith.constant 2 : i32
        %parallel_loop3A_941 = arith.constant 3 : i32
        %parallel_loop3A_942 = arith.index_cast %parallel_loop3A_939 : i32 to index
        %parallel_loop3A_943 = arith.index_cast %parallel_loop3A_940 : i32 to index
        %parallel_loop3A_944 = arith.index_cast %parallel_loop3A_941 : i32 to index
        %parallel_loop3A_945 = arith.index_cast %parallel_loop3A_635 : i32 to index
        %parallel_loop3A_946 = tpu.vector_load %arg10[%parallel_loop3A_942, %parallel_loop3A_943, %parallel_loop3A_944, %parallel_loop3A_945] {strides = array<i32>} : memref<2x4x4x1024xf32, #tpu.memory_space<vmem>>, vector<1x1x1x16xf32>,
        %parallel_loop3A_947 = vector.shape_cast %parallel_loop3A_946 : vector<1x1x1x16xf32> to vector<16xf32>
        %parallel_loop3A_948 = arith.addf %parallel_loop3A_947, %parallel_loop3A_656 : vector<16xf32>
        %parallel_loop3A_949 = arith.index_cast %add3A_584 : i32 to index
        %parallel_loop3A_950 = arith.index_cast %parallel_loop3A_635 : i32 to index
        %parallel_loop3A_951 = tpu.vector_load %arg13[%parallel_loop3A_949, %parallel_loop3A_950] {strides = array<i32>} : memref<8x1024xf32, #tpu.memory_space<vmem>>, vector<1x16xf32>,
        %parallel_loop3A_952 = vector.shape_cast %parallel_loop3A_951 : vector<1x16xf32> to vector<16xf32>
        %parallel_loop3A_953 = arith.addf %parallel_loop3A_948, %parallel_loop3A_952 : vector<16xf32>
        %parallel_loop3A_954 = arith.constant 1 : i32
        %parallel_loop3A_955 = arith.constant 2 : i32
        %parallel_loop3A_956 = arith.constant 3 : i32
        %parallel_loop3A_957 = arith.index_cast %parallel_loop3A_954 : i32 to index
        %parallel_loop3A_958 = arith.index_cast %parallel_loop3A_955 : i32 to index
        %parallel_loop3A_959 = arith.index_cast %parallel_loop3A_956 : i32 to index
        %parallel_loop3A_960 = arith.index_cast %parallel_loop3A_635 : i32 to index
        %parallel_loop3A_961 = tpu.vector_load %arg11[%parallel_loop3A_957, %parallel_loop3A_958, %parallel_loop3A_959, %parallel_loop3A_960] {strides = array<i32>} : memref<2x4x4x1024xf32, #tpu.memory_space<vmem>>, vector<1x1x1x16xf32>,
        %parallel_loop3A_962 = vector.shape_cast %parallel_loop3A_961 : vector<1x1x1x16xf32> to vector<16xf32>
        %parallel_loop3A_963 = vector.shape_cast %parallel_loop3A_953 : vector<16xf32> to vector<1x1x1x16xf32>
        tpu.vector_store %arg11[%parallel_loop3A_957, %parallel_loop3A_958, %parallel_loop3A_959, %parallel_loop3A_960], %parallel_loop3A_963 {strides = array<i32>} : memref<2x4x4x1024xf32, #tpu.memory_space<vmem>>, vector<1x1x1x16xf32>,
        %parallel_loop3A_964 = arith.constant 1 : i32
        %parallel_loop3A_965 = arith.constant 3 : i32
        %parallel_loop3A_966 = arith.constant 0 : i32
        %parallel_loop3A_967 = arith.index_cast %parallel_loop3A_964 : i32 to index
        %parallel_loop3A_968 = arith.index_cast %parallel_loop3A_965 : i32 to index
        %parallel_loop3A_969 = arith.index_cast %parallel_loop3A_966 : i32 to index
        %parallel_loop3A_970 = arith.index_cast %parallel_loop3A_635 : i32 to index
        %parallel_loop3A_971 = tpu.vector_load %arg10[%parallel_loop3A_967, %parallel_loop3A_968, %parallel_loop3A_969, %parallel_loop3A_970] {strides = array<i32>} : memref<2x4x4x1024xf32, #tpu.memory_space<vmem>>, vector<1x1x1x16xf32>,
        %parallel_loop3A_972 = vector.shape_cast %parallel_loop3A_971 : vector<1x1x1x16xf32> to vector<16xf32>
        %parallel_loop3A_973 = arith.addf %parallel_loop3A_972, %parallel_loop3A_663 : vector<16xf32>
        %parallel_loop3A_974 = arith.index_cast %add3A_590 : i32 to index
        %parallel_loop3A_975 = arith.index_cast %parallel_loop3A_635 : i32 to index
        %parallel_loop3A_976 = tpu.vector_load %arg13[%parallel_loop3A_974, %parallel_loop3A_975] {strides = array<i32>} : memref<8x1024xf32, #tpu.memory_space<vmem>>, vector<1x16xf32>,
        %parallel_loop3A_977 = vector.shape_cast %parallel_loop3A_976 : vector<1x16xf32> to vector<16xf32>
        %parallel_loop3A_978 = arith.addf %parallel_loop3A_973, %parallel_loop3A_977 : vector<16xf32>
        %parallel_loop3A_979 = arith.constant 1 : i32
        %parallel_loop3A_980 = arith.constant 3 : i32
        %parallel_loop3A_981 = arith.constant 0 : i32
        %parallel_loop3A_982 = arith.index_cast %parallel_loop3A_979 : i32 to index
        %parallel_loop3A_983 = arith.index_cast %parallel_loop3A_980 : i32 to index
        %parallel_loop3A_984 = arith.index_cast %parallel_loop3A_981 : i32 to index
        %parallel_loop3A_985 = arith.index_cast %parallel_loop3A_635 : i32 to index
        %parallel_loop3A_986 = tpu.vector_load %arg11[%parallel_loop3A_982, %parallel_loop3A_983, %parallel_loop3A_984, %parallel_loop3A_985] {strides = array<i32>} : memref<2x4x4x1024xf32, #tpu.memory_space<vmem>>, vector<1x1x1x16xf32>,
        %parallel_loop3A_987 = vector.shape_cast %parallel_loop3A_986 : vector<1x1x1x16xf32> to vector<16xf32>
        %parallel_loop3A_988 = vector.shape_cast %parallel_loop3A_978 : vector<16xf32> to vector<1x1x1x16xf32>
        tpu.vector_store %arg11[%parallel_loop3A_982, %parallel_loop3A_983, %parallel_loop3A_984, %parallel_loop3A_985], %parallel_loop3A_988 {strides = array<i32>} : memref<2x4x4x1024xf32, #tpu.memory_space<vmem>>, vector<1x1x1x16xf32>,
        %parallel_loop3A_989 = arith.constant 1 : i32
        %parallel_loop3A_990 = arith.constant 3 : i32
        %parallel_loop3A_991 = arith.constant 1 : i32
        %parallel_loop3A_992 = arith.index_cast %parallel_loop3A_989 : i32 to index
        %parallel_loop3A_993 = arith.index_cast %parallel_loop3A_990 : i32 to index
        %parallel_loop3A_994 = arith.index_cast %parallel_loop3A_991 : i32 to index
        %parallel_loop3A_995 = arith.index_cast %parallel_loop3A_635 : i32 to index
        %parallel_loop3A_996 = tpu.vector_load %arg10[%parallel_loop3A_992, %parallel_loop3A_993, %parallel_loop3A_994, %parallel_loop3A_995] {strides = array<i32>} : memref<2x4x4x1024xf32, #tpu.memory_space<vmem>>, vector<1x1x1x16xf32>,
        %parallel_loop3A_997 = vector.shape_cast %parallel_loop3A_996 : vector<1x1x1x16xf32> to vector<16xf32>
        %parallel_loop3A_998 = arith.addf %parallel_loop3A_997, %parallel_loop3A_663 : vector<16xf32>
        %parallel_loop3A_999 = arith.index_cast %add3A_596 : i32 to index
        %parallel_loop3A_1000 = arith.index_cast %parallel_loop3A_635 : i32 to index
        %parallel_loop3A_1001 = tpu.vector_load %arg13[%parallel_loop3A_999, %parallel_loop3A_1000] {strides = array<i32>} : memref<8x1024xf32, #tpu.memory_space<vmem>>, vector<1x16xf32>,
        %parallel_loop3A_1002 = vector.shape_cast %parallel_loop3A_1001 : vector<1x16xf32> to vector<16xf32>
        %parallel_loop3A_1003 = arith.addf %parallel_loop3A_998, %parallel_loop3A_1002 : vector<16xf32>
        %parallel_loop3A_1004 = arith.constant 1 : i32
        %parallel_loop3A_1005 = arith.constant 3 : i32
        %parallel_loop3A_1006 = arith.constant 1 : i32
        %parallel_loop3A_1007 = arith.index_cast %parallel_loop3A_1004 : i32 to index
        %parallel_loop3A_1008 = arith.index_cast %parallel_loop3A_1005 : i32 to index
        %parallel_loop3A_1009 = arith.index_cast %parallel_loop3A_1006 : i32 to index
        %parallel_loop3A_1010 = arith.index_cast %parallel_loop3A_635 : i32 to index
        %parallel_loop3A_1011 = tpu.vector_load %arg11[%parallel_loop3A_1007, %parallel_loop3A_1008, %parallel_loop3A_1009, %parallel_loop3A_1010] {strides = array<i32>} : memref<2x4x4x1024xf32, #tpu.memory_space<vmem>>, vector<1x1x1x16xf32>,
        %parallel_loop3A_1012 = vector.shape_cast %parallel_loop3A_1011 : vector<1x1x1x16xf32> to vector<16xf32>
        %parallel_loop3A_1013 = vector.shape_cast %parallel_loop3A_1003 : vector<16xf32> to vector<1x1x1x16xf32>
        tpu.vector_store %arg11[%parallel_loop3A_1007, %parallel_loop3A_1008, %parallel_loop3A_1009, %parallel_loop3A_1010], %parallel_loop3A_1013 {strides = array<i32>} : memref<2x4x4x1024xf32, #tpu.memory_space<vmem>>, vector<1x1x1x16xf32>,
        %parallel_loop3A_1014 = arith.constant 1 : i32
        %parallel_loop3A_1015 = arith.constant 3 : i32
        %parallel_loop3A_1016 = arith.constant 2 : i32
        %parallel_loop3A_1017 = arith.index_cast %parallel_loop3A_1014 : i32 to index
        %parallel_loop3A_1018 = arith.index_cast %parallel_loop3A_1015 : i32 to index
        %parallel_loop3A_1019 = arith.index_cast %parallel_loop3A_1016 : i32 to index
        %parallel_loop3A_1020 = arith.index_cast %parallel_loop3A_635 : i32 to index
        %parallel_loop3A_1021 = tpu.vector_load %arg10[%parallel_loop3A_1017, %parallel_loop3A_1018, %parallel_loop3A_1019, %parallel_loop3A_1020] {strides = array<i32>} : memref<2x4x4x1024xf32, #tpu.memory_space<vmem>>, vector<1x1x1x16xf32>,
        %parallel_loop3A_1022 = vector.shape_cast %parallel_loop3A_1021 : vector<1x1x1x16xf32> to vector<16xf32>
        %parallel_loop3A_1023 = arith.addf %parallel_loop3A_1022, %parallel_loop3A_663 : vector<16xf32>
        %parallel_loop3A_1024 = arith.index_cast %add3A_602 : i32 to index
        %parallel_loop3A_1025 = arith.index_cast %parallel_loop3A_635 : i32 to index
        %parallel_loop3A_1026 = tpu.vector_load %arg13[%parallel_loop3A_1024, %parallel_loop3A_1025] {strides = array<i32>} : memref<8x1024xf32, #tpu.memory_space<vmem>>, vector<1x16xf32>,
        %parallel_loop3A_1027 = vector.shape_cast %parallel_loop3A_1026 : vector<1x16xf32> to vector<16xf32>
        %parallel_loop3A_1028 = arith.addf %parallel_loop3A_1023, %parallel_loop3A_1027 : vector<16xf32>
        %parallel_loop3A_1029 = arith.constant 1 : i32
        %parallel_loop3A_1030 = arith.constant 3 : i32
        %parallel_loop3A_1031 = arith.constant 2 : i32
        %parallel_loop3A_1032 = arith.index_cast %parallel_loop3A_1029 : i32 to index
        %parallel_loop3A_1033 = arith.index_cast %parallel_loop3A_1030 : i32 to index
        %parallel_loop3A_1034 = arith.index_cast %parallel_loop3A_1031 : i32 to index
        %parallel_loop3A_1035 = arith.index_cast %parallel_loop3A_635 : i32 to index
        %parallel_loop3A_1036 = tpu.vector_load %arg11[%parallel_loop3A_1032, %parallel_loop3A_1033, %parallel_loop3A_1034, %parallel_loop3A_1035] {strides = array<i32>} : memref<2x4x4x1024xf32, #tpu.memory_space<vmem>>, vector<1x1x1x16xf32>,
        %parallel_loop3A_1037 = vector.shape_cast %parallel_loop3A_1036 : vector<1x1x1x16xf32> to vector<16xf32>
        %parallel_loop3A_1038 = vector.shape_cast %parallel_loop3A_1028 : vector<16xf32> to vector<1x1x1x16xf32>
        tpu.vector_store %arg11[%parallel_loop3A_1032, %parallel_loop3A_1033, %parallel_loop3A_1034, %parallel_loop3A_1035], %parallel_loop3A_1038 {strides = array<i32>} : memref<2x4x4x1024xf32, #tpu.memory_space<vmem>>, vector<1x1x1x16xf32>,
        %parallel_loop3A_1039 = arith.constant 1 : i32
        %parallel_loop3A_1040 = arith.constant 3 : i32
        %parallel_loop3A_1041 = arith.constant 3 : i32
        %parallel_loop3A_1042 = arith.index_cast %parallel_loop3A_1039 : i32 to index
        %parallel_loop3A_1043 = arith.index_cast %parallel_loop3A_1040 : i32 to index
        %parallel_loop3A_1044 = arith.index_cast %parallel_loop3A_1041 : i32 to index
        %parallel_loop3A_1045 = arith.index_cast %parallel_loop3A_635 : i32 to index
        %parallel_loop3A_1046 = tpu.vector_load %arg10[%parallel_loop3A_1042, %parallel_loop3A_1043, %parallel_loop3A_1044, %parallel_loop3A_1045] {strides = array<i32>} : memref<2x4x4x1024xf32, #tpu.memory_space<vmem>>, vector<1x1x1x16xf32>,
        %parallel_loop3A_1047 = vector.shape_cast %parallel_loop3A_1046 : vector<1x1x1x16xf32> to vector<16xf32>
        %parallel_loop3A_1048 = arith.addf %parallel_loop3A_1047, %parallel_loop3A_663 : vector<16xf32>
        %parallel_loop3A_1049 = arith.index_cast %add3A_608 : i32 to index
        %parallel_loop3A_1050 = arith.index_cast %parallel_loop3A_635 : i32 to index
        %parallel_loop3A_1051 = tpu.vector_load %arg13[%parallel_loop3A_1049, %parallel_loop3A_1050] {strides = array<i32>} : memref<8x1024xf32, #tpu.memory_space<vmem>>, vector<1x16xf32>,
        %parallel_loop3A_1052 = vector.shape_cast %parallel_loop3A_1051 : vector<1x16xf32> to vector<16xf32>
        %parallel_loop3A_1053 = arith.addf %parallel_loop3A_1048, %parallel_loop3A_1052 : vector<16xf32>
        %parallel_loop3A_1054 = arith.constant 1 : i32
        %parallel_loop3A_1055 = arith.constant 3 : i32
        %parallel_loop3A_1056 = arith.constant 3 : i32
        %parallel_loop3A_1057 = arith.index_cast %parallel_loop3A_1054 : i32 to index
        %parallel_loop3A_1058 = arith.index_cast %parallel_loop3A_1055 : i32 to index
        %parallel_loop3A_1059 = arith.index_cast %parallel_loop3A_1056 : i32 to index
        %parallel_loop3A_1060 = arith.index_cast %parallel_loop3A_635 : i32 to index
        %parallel_loop3A_1061 = tpu.vector_load %arg11[%parallel_loop3A_1057, %parallel_loop3A_1058, %parallel_loop3A_1059, %parallel_loop3A_1060] {strides = array<i32>} : memref<2x4x4x1024xf32, #tpu.memory_space<vmem>>, vector<1x1x1x16xf32>,
        %parallel_loop3A_1062 = vector.shape_cast %parallel_loop3A_1061 : vector<1x1x1x16xf32> to vector<16xf32>
        %parallel_loop3A_1063 = vector.shape_cast %parallel_loop3A_1053 : vector<16xf32> to vector<1x1x1x16xf32>
        tpu.vector_store %arg11[%parallel_loop3A_1057, %parallel_loop3A_1058, %parallel_loop3A_1059, %parallel_loop3A_1060], %parallel_loop3A_1063 {strides = array<i32>} : memref<2x4x4x1024xf32, #tpu.memory_space<vmem>>, vector<1x1x1x16xf32>,
      } {sc.loop_unroll_factor = 4 : i64, sc.parallel_access}
      %mul3A_612 = arith.constant 4 : i32
      %mul3A_613 = arith.muli %add3A_460, %mul3A_612 : i32
      %add3A_614 = arith.addi %mul3A_2, %mul3A_613 : i32
      %dma_start3A_615 = arith.constant 1 : i32
      %dma_start3A_616 = arith.constant 0 : i32
      %dma_start3A_617 = arith.constant 0 : i32
      %dma_start3A_618 = arith.constant 0 : i32
      %dma_start3A_619 = tpu.memref_slice %arg11[%dma_start3A_615, %dma_start3A_616, %dma_start3A_617, %dma_start3A_618] : memref<2x4x4x1024xf32, #tpu.memory_space<vmem>> -> memref<1x4x4x1024xf32, #tpu.memory_space<vmem>>
      %dma_start3A_620 = tpu.memref_squeeze %dma_start3A_619 : memref<1x4x4x1024xf32, #tpu.memory_space<vmem>> -> memref<4x4x1024xf32, #tpu.memory_space<vmem>>
      %dma_start3A_621 = arith.constant 0 : i32
      %dma_start3A_622 = arith.constant 0 : i32
      %dma_start3A_623 = tpu.memref_slice %arg9[%add3A_614, %dma_start3A_621, %dma_start3A_622] : memref<2048x4x1024xf32, #tpu.memory_space<hbm>> -> memref<4x4x1024xf32, #tpu.memory_space<hbm>>
      %dma_start3A_624 = arith.constant 0 : i32
      %dma_start3A_625 = arith.constant 0 : i32
      %dma_start3A_626 = tpu.memref_slice %arg9[%add3A_614, %dma_start3A_624, %dma_start3A_625] : memref<2048x4x1024xf32, #tpu.memory_space<hbm>> -> memref<4x4x1024xf32, #tpu.memory_space<hbm>>
      %dma_start3A_627 = arith.constant 0 : i32
      %dma_start3A_628 = arith.constant 0 : i32
      %dma_start3A_629 = arith.constant 0 : i32
      %dma_start3A_630 = tpu.memref_slice %arg11[%dma_start3A_615, %dma_start3A_627, %dma_start3A_628, %dma_start3A_629] : memref<2x4x4x1024xf32, #tpu.memory_space<vmem>> -> memref<1x4x4x1024xf32, #tpu.memory_space<vmem>>
      %dma_start3A_631 = tpu.memref_squeeze %dma_start3A_630 : memref<1x4x4x1024xf32, #tpu.memory_space<vmem>> -> memref<4x4x1024xf32, #tpu.memory_space<vmem>>
      tpu.enqueue_dma source(%dma_start3A_631 : memref<4x4x1024xf32, #tpu.memory_space<vmem>>) target(%dma_start3A_626 : memref<4x4x1024xf32, #tpu.memory_space<hbm>>) target_semaphore(%arg24 : memref<!tpu.dma_semaphore, #tpu.memory_space<semaphore_mem>>)
      %scan3A_632 = arith.constant 0 : i32
      scf.yield %scan3A_632 : i32
    }
    %scan3A_247 = arith.constant 8 : i32
    %add3A_248 = arith.constant 56 : i32
    %add3A_249 = arith.addi %mul3A_2, %add3A_248 : i32
    %dma_wait3A_250 = arith.constant 0 : i32
    %dma_wait3A_251 = arith.constant 0 : i32
    %dma_wait3A_252 = arith.constant 0 : i32
    %dma_wait3A_253 = arith.constant 0 : i32
    %dma_wait3A_254 = tpu.memref_slice %arg11[%dma_wait3A_250, %dma_wait3A_251, %dma_wait3A_252, %dma_wait3A_253] : memref<2x4x4x1024xf32, #tpu.memory_space<vmem>> -> memref<1x4x4x1024xf32, #tpu.memory_space<vmem>>
    %dma_wait3A_255 = tpu.memref_squeeze %dma_wait3A_254 : memref<1x4x4x1024xf32, #tpu.memory_space<vmem>> -> memref<4x4x1024xf32, #tpu.memory_space<vmem>>
    %dma_wait3A_256 = arith.constant 0 : i32
    %dma_wait3A_257 = arith.constant 0 : i32
    %dma_wait3A_258 = tpu.memref_slice %arg9[%add3A_249, %dma_wait3A_256, %dma_wait3A_257] : memref<2048x4x1024xf32, #tpu.memory_space<hbm>> -> memref<4x4x1024xf32, #tpu.memory_space<hbm>>
    %dma_wait3A_259 = arith.constant 0 : i32
    %dma_wait3A_260 = arith.constant 0 : i32
    %dma_wait3A_261 = tpu.memref_slice %arg9[%add3A_249, %dma_wait3A_259, %dma_wait3A_260] : memref<2048x4x1024xf32, #tpu.memory_space<hbm>> -> memref<4x4x1024xf32, #tpu.memory_space<hbm>>
    %dma_wait3A_262 = arith.constant 0 : i32
    %dma_wait3A_263 = arith.constant 0 : i32
    %dma_wait3A_264 = arith.constant 0 : i32
    %dma_wait3A_265 = tpu.memref_slice %arg11[%dma_wait3A_250, %dma_wait3A_262, %dma_wait3A_263, %dma_wait3A_264] : memref<2x4x4x1024xf32, #tpu.memory_space<vmem>> -> memref<1x4x4x1024xf32, #tpu.memory_space<vmem>>
    %dma_wait3A_266 = tpu.memref_squeeze %dma_wait3A_265 : memref<1x4x4x1024xf32, #tpu.memory_space<vmem>> -> memref<4x4x1024xf32, #tpu.memory_space<vmem>>
    tpu.wait_dma2 semaphore(%arg23 : memref<!tpu.dma_semaphore, #tpu.memory_space<semaphore_mem>>) src(%dma_wait3A_266 : memref<4x4x1024xf32, #tpu.memory_space<vmem>>) dst(%dma_wait3A_261 : memref<4x4x1024xf32, #tpu.memory_space<hbm>>)
    %add3A_267 = arith.constant 60 : i32
    %add3A_268 = arith.addi %mul3A_2, %add3A_267 : i32
    %dma_wait3A_269 = arith.constant 1 : i32
    %dma_wait3A_270 = arith.constant 0 : i32
    %dma_wait3A_271 = arith.constant 0 : i32
    %dma_wait3A_272 = arith.constant 0 : i32
    %dma_wait3A_273 = tpu.memref_slice %arg11[%dma_wait3A_269, %dma_wait3A_270, %dma_wait3A_271, %dma_wait3A_272] : memref<2x4x4x1024xf32, #tpu.memory_space<vmem>> -> memref<1x4x4x1024xf32, #tpu.memory_space<vmem>>
    %dma_wait3A_274 = tpu.memref_squeeze %dma_wait3A_273 : memref<1x4x4x1024xf32, #tpu.memory_space<vmem>> -> memref<4x4x1024xf32, #tpu.memory_space<vmem>>
    %dma_wait3A_275 = arith.constant 0 : i32
    %dma_wait3A_276 = arith.constant 0 : i32
    %dma_wait3A_277 = tpu.memref_slice %arg9[%add3A_268, %dma_wait3A_275, %dma_wait3A_276] : memref<2048x4x1024xf32, #tpu.memory_space<hbm>> -> memref<4x4x1024xf32, #tpu.memory_space<hbm>>
    %dma_wait3A_278 = arith.constant 0 : i32
    %dma_wait3A_279 = arith.constant 0 : i32
    %dma_wait3A_280 = tpu.memref_slice %arg9[%add3A_268, %dma_wait3A_278, %dma_wait3A_279] : memref<2048x4x1024xf32, #tpu.memory_space<hbm>> -> memref<4x4x1024xf32, #tpu.memory_space<hbm>>
    %dma_wait3A_281 = arith.constant 0 : i32
    %dma_wait3A_282 = arith.constant 0 : i32
    %dma_wait3A_283 = arith.constant 0 : i32
    %dma_wait3A_284 = tpu.memref_slice %arg11[%dma_wait3A_269, %dma_wait3A_281, %dma_wait3A_282, %dma_wait3A_283] : memref<2x4x4x1024xf32, #tpu.memory_space<vmem>> -> memref<1x4x4x1024xf32, #tpu.memory_space<vmem>>
    %dma_wait3A_285 = tpu.memref_squeeze %dma_wait3A_284 : memref<1x4x4x1024xf32, #tpu.memory_space<vmem>> -> memref<4x4x1024xf32, #tpu.memory_space<vmem>>
    tpu.wait_dma2 semaphore(%arg24 : memref<!tpu.dma_semaphore, #tpu.memory_space<semaphore_mem>>) src(%dma_wait3A_285 : memref<4x4x1024xf32, #tpu.memory_space<vmem>>) dst(%dma_wait3A_280 : memref<4x4x1024xf32, #tpu.memory_space<hbm>>)
    return
  }
}

</mosaic_0001>

<sc_bundles>
// kernel: kernel.3.cloned.1.call-start
scs
__scs_entry_jumppad:
0x0: {  	(pc) =	sbr.rel $0x88, $3  }
0x1: {  	(tag) =	ssettag $0x0;
	lr =	simm.s32 $0x1  }
0x2: {  	[smem:$0x3F9A] =	sst lr;
	_ =	strace $0xD0000000  }
0x3: {  	_ = 	snop  }
0x4: {  	_ = 	snop  }
0x5: {  	_ = 	snop  }
0x6: {  	_ = 	snop  }
0x7: {  	_ = 	snop  }
__scs_overlays_trampoline_lowered:
0x8: {  	[smem:$0x3FA9] =	sst s0  }
0x9: {  	[smem:$0x3FAA] =	sst s1  }
0xa: {  	[smem:$0x3FAB] =	sst s2  }
0xb: {  	[smem:$0x3FAC] =	sst s3  }
0xc: {  	[smem:$0x3FAD] =	sst s4  }
0xd: {  	[smem:$0x3FAE] =	sst s5  }
0xe: {  	[smem:$0x3FAF] =	sst s6  }
0xf: {  	[smem:$0x3FB0] =	sst s7  }
0x10: {  	[smem:$0x3FB1] =	sst s8  }
0x11: {  	[smem:$0x3FB2] =	sst s9;
	s0 =	simm.s32 @!p0 $0x0  }
0x12: {  	s1 =	sld [smem:$0x3F98];
	s0 =	simm.s32 @p0 $0x1  }
0x13: {  	[smem:$0x3FB3] =	sst s0;
	s0 =	simm.s32 @!p1 $0x0  }
0x14: {  	s2 =	sld [smem:$0x3F97];
	s0 =	simm.s32 @p1 $0x1  }
0x15: {  	[smem:$0x3FB4] =	sst s0;
	s0 =	simm.s32 @!p2 $0x0  }
0x16: {  	s3 =	sld [smem:$0x3FDB];
	s0 =	simm.s32 @p2 $0x1  }
0x17: {  	s4 =	simm.s32 $0x1BF5;
	[smem:$0x3FB6] =	sst s0  }
0x18: {  	s0 =	sld [smem:$0x3F99];
	_ =	swait.ge [sflag:s4], $0x0  }
0x19: {  	s7 =	sld [smem:$0x3F9A]  }
0x1a: {  	s8 =	sadd.s32 $0xFFFFE003, lr  }
0x1b: {  	s9 =	sadd.s32 $0xFFFFFEF7, lr;
	s5 =	simm.s32 $0xFFFFFFFF;
	p2 =	slt.u32 s8, $0xFFFFF086  }
0x1c: {  	p1 =	slt.u32 s9, $0xF7A;
	s5 =	simm.s32 @!p2 $0x0  }
0x1d: {  	s5 =	simm.s32 @p1 $0x1;
	p0 =	seq.s32 s7, s2  }
0x1e: {  	s7 =	smul.u32 @!p0 $0xF7A, s2;
	p2 =	seq.s32 @!p0 s5, $0x0  }
0x1f: {  	s9 =	smul.u32 $0xF7A, s1;
	s8 =	simm.s32 @!p0 $0x1BF5;
	p2 =	por !p2, p0  }
0x20: {  	[sflag:s8] =	ssyncset.s32 @!p0 $0xFFFFF086;
	s6 =	sadd.s32 @!p0 s3, s7;
	s7 =	simm.s32 @!p0 $0x108  }
0x21: {  	s3 =	sadd.s32 s3, s9;
	s6 =	sadd.s32 @!p0 $0x88, s6;
	s7 =	simm.s32 @p2 $0x1082  }
0x22: {  	[simem:s7], [sflag:s8] =	dma.local @!p0 [hbm:s6], $0xF7A  }
0x23: {  	s9 =	sor.u32 $0xD0000000, s2;
	s6 =	simm.s32 $0x108;
	_ =	swait.ge @!p0 [sflag:s8], $0x0  }
0x24: {  	s3 =	sadd.s32 $0x88, s3;
	s6 =	simm.s32 @!p1 $0x1082;
	[sflag:s4] =	ssyncset.s32 $0xFFFFF086  }
0x25: {  	[simem:s6], [sflag:s4] =	dma.local [hbm:s3], $0xF7A  }
0x26: {  	[smem:$0x3F9A] =	sst s1;
	(tag) =	ssettag s2;
	_ =	strace s9  }
0x27: {  	s1 =	sld [smem:$0x3FAA]  }
0x28: {  	s2 =	sld [smem:$0x3FAB]  }
0x29: {  	s4 =	sld [smem:$0x3FAD]  }
0x2a: {  	p0 =	seq.s32 s5, $0x0;
	s5 =	sld [smem:$0x3FAE]  }
0x2b: {  	s6 =	sld [smem:$0x3FAF]  }
0x2c: {  	s7 =	sld [smem:$0x3FB0]  }
0x2d: {  	s3 =	simm.s32 $0x108;
	s8 =	sld [smem:$0x3FB1]  }
0x2e: {  	s3 =	simm.s32 @!p0 $0x1082;
	s9 =	sld [smem:$0x3FB2]  }
0x2f: {  	lr =	sadd.s32 s0, s3;
	s0 =	sld [smem:$0x3FA9]  }
0x30: {  	s3 =	sld [smem:$0x3FAC]  }
0x31: {  	[smem:$0x3FB5] =	sst s10  }
0x32: {  	s10 =	sld [smem:$0x3FB3];
	_ =	sdelay $0x3  }
0x33: {  	p0 =	seq.s32 s10, $0x1;
	s10 =	sld [smem:$0x3FB5];
	_ =	sdelay $0x3  }
0x34: {  	[smem:$0x3FB5] =	sst s10  }
0x35: {  	s10 =	sld [smem:$0x3FB4];
	_ =	sdelay $0x3  }
0x36: {  	p1 =	seq.s32 s10, $0x1;
	s10 =	sld [smem:$0x3FB5];
	_ =	sdelay $0x3  }
0x37: {  	[smem:$0x3FB5] =	sst s10  }
0x38: {  	s10 =	sld [smem:$0x3FB6]  }
0x39: {  	_ = 	snop;
	(pc) =	sbr.ind lr, $3  }
0x3a: {  	_ = 	snop  }
0x3b: {  	_ = 	snop  }
0x3c: {  	p2 =	seq.s32 s10, $0x1;
	s10 =	sld [smem:$0x3FB5]  }
0x3d: {  	_ =	shalt  }
0x3e: {  	_ =	shalt  }
0x3f: {  	_ =	shalt  }
0x40: {  	_ =	shalt  }
0x41: {  	_ =	shalt  }
0x42: {  	_ =	shalt  }
0x43: {  	_ =	shalt  }
0x44: {  	_ =	shalt  }
0x45: {  	_ =	shalt  }
0x46: {  	_ =	shalt  }
0x47: {  	_ =	shalt  }
0x48: {  	_ =	shalt  }
0x49: {  	_ =	shalt  }
0x4a: {  	_ =	shalt  }
0x4b: {  	_ =	shalt  }
0x4c: {  	_ =	shalt  }
0x4d: {  	_ =	shalt  }
0x4e: {  	_ =	shalt  }
0x4f: {  	_ =	shalt  }
0x50: {  	_ =	shalt  }
0x51: {  	_ =	shalt  }
0x52: {  	_ =	shalt  }
0x53: {  	_ =	shalt  }
0x54: {  	_ =	shalt  }
0x55: {  	_ =	shalt  }
0x56: {  	_ =	shalt  }
0x57: {  	_ =	shalt  }
0x58: {  	_ =	shalt  }
0x59: {  	_ =	shalt  }
0x5a: {  	_ =	shalt  }
0x5b: {  	_ =	shalt  }
0x5c: {  	_ =	shalt  }
0x5d: {  	_ =	shalt  }
0x5e: {  	_ =	shalt  }
0x5f: {  	_ =	shalt  }
0x60: {  	_ =	shalt  }
0x61: {  	_ =	shalt  }
0x62: {  	_ =	shalt  }
0x63: {  	_ =	shalt  }
0x64: {  	_ =	shalt  }
0x65: {  	_ =	shalt  }
0x66: {  	_ =	shalt  }
0x67: {  	_ =	shalt  }
0x68: {  	_ =	shalt  }
0x69: {  	_ =	shalt  }
0x6a: {  	_ =	shalt  }
0x6b: {  	_ =	shalt  }
0x6c: {  	_ =	shalt  }
0x6d: {  	_ =	shalt  }
0x6e: {  	_ =	shalt  }
0x6f: {  	_ =	shalt  }
0x70: {  	_ =	shalt  }
0x71: {  	_ =	shalt  }
0x72: {  	_ =	shalt  }
0x73: {  	_ =	shalt  }
0x74: {  	_ =	shalt  }
0x75: {  	_ =	shalt  }
0x76: {  	_ =	shalt  }
0x77: {  	_ =	shalt  }
0x78: {  	_ =	shalt  }
0x79: {  	_ =	shalt  }
0x7a: {  	_ =	shalt  }
0x7b: {  	_ =	shalt  }
0x7c: {  	_ =	shalt  }
0x7d: {  	_ =	shalt  }
0x7e: {  	_ =	shalt  }
0x7f: {  	_ =	shalt  }
0x80: {  	_ =	shalt  }
0x81: {  	_ =	shalt  }
0x82: {  	_ =	shalt  }
0x83: {  	_ =	shalt  }
0x84: {  	_ =	shalt  }
0x85: {  	_ =	shalt  }
0x86: {  	_ =	shalt  }
0x87: {  	_ =	shalt  }
.Lfunc_end0:
.L_simem_size_0:
called_computation_lowered:
.L_overlay_start_0:
0x88: {  	s2 =	sld [smem:$0x3FD9]  }
0x89: {  	s3 =	sld [smem:$0x3FFE];
	_ =	sdelay $0x1  }
0x8a: {  	s1 =	srdreg.scid  }
0x8b: {  	s0 =	sand.u32 $0x1, s1  }
0x8c: {  	s17 =	sshll.u32 s0, $0xA;
	s2 =	sadd.s32 s3, s2  }
0x8d: {  	s2 =	sadd.s32 s2, s17  }
0x8e: {  	[smem:$0x3FC1] =	sst s2  }
0x8f: {  	_ = 	snop  }
0x90: {  	s2 =	sld [smem:$0x3FC9]  }
0x91: {  	s18 =	sld [smem:$0x3FC8]  }
0x92: {  	s4 =	sld [smem:$0x3FC6]  }
0x93: {  	s5 =	sld [smem:$0x3FC5]  }
0x94: {  	s6 =	sld [smem:$0x3FC4]  }
0x95: {  	s7 =	sld [smem:$0x3FC3]  }
0x96: {  	s8 =	sld [smem:$0x3FD0];
	(tm) =	ssettm $0x1  }
0x97: {  	s9 =	sld [smem:$0x3FFB];
	_ =	sdelay $0x3  }
0x98: {  	_ =	strace s9  }
0x99: {  	s9 =	sld [smem:$0x3FFC];
	_ =	sdelay $0x3  }
0x9a: {  	_ =	strace s9  }
0x9b: {  	s9 =	sld [smem:$0x3FFD];
	_ =	sdelay $0x3  }
0x9c: {  	_ =	strace s9  }
0x9d: {  	_ =	strace $0x8FFFFFFF  }
0x9e: {  	s19 =	sld [smem:$0x3FDB];
	_ =	sdelay $0x1  }
0x9f: {  	s10 =	simm.s32 $_scs_section_size  }
0xa0: {  	s11 =	simm.s32 $_size__tile_overlayer_lowered;
	s12 =	simm.s32 $_tile_overlayer_lowered  }
0xa1: {  	s22 =	simm.s32 $0x1BFF;
	s21 =	sshll.u32 s12, $0x1;
	s9 =	sadd.s32 s10, s19  }
0xa2: {  	s13 =	simm.s32 $0x0;
	s20 =	sshll.u32 s11, $0x1;
	s11 =	sadd.s32 s21, s9  }
0xa3: {  	[timem:s13], [sflag:s22] =	dma.local [hbm:s11], s20  }
0xa4: {  	_ =	swait.ge [sflag:s22], s20  }
0xa5: {  	s10 =	ssub.s32 $0x0, s20;
	[sflag:s22] =	ssyncset.done $0x0  }
0xa6: {  	[sflag:s22] =	ssyncadd.s32 s10;
	_ =	sdelay $0x1  }
0xa7: {  	s23 =	simm.s32 $0x1B8B  }
0xa8: {  	_ =	swait.ge [sflag:s23], $0x1  }
0xa9: {  	[sflag:s23] =	ssyncset.done $0x0  }
0xaa: {  	s25 =	simm.s32 $0x1B8E;
	s24 =	sld [smem:$0x3FFE];
	[sflag:s23] =	ssyncadd.s32 $0xFFFFFFFF  }
0xab: {  	s26 =	simm.s32 $execute0_lowered;
	[smem:$0x3FD2] =	sst s25  }
0xac: {  	s11 =	sshll.u32 s26, $0x1;
	_ =	strace $0x80000046;
	[dreg:$0x1] =	wrdreg $0xFFFFFFFF  }
0xad: {  	s28 =	simm.s32 $_size_execute0_lowered;
	s9 =	sadd.s32 s9, s11;
	[dreg:$0x0] =	wrdreg $0x0  }
0xae: {  	s11 =	sshll.u32 s28, $0x1;
	[dreg:$0x2] =	wrdreg s9  }
0xaf: {  	[dreg:$0x3] =	wrdreg s11  }
0xb0: {  	[dreg:$0x4] =	wrdreg $0xC0  }
0xb1: {  	_ =	task [dreg:s13], $0x5FFFF  }
0xb2: {  	[dreg:$0x1] =	wrdreg $0xFFFFFFFF  }
0xb3: {  	[dreg:$0x0] =	wrdreg $0x60  }
0xb4: {  	[dreg:$0x2] =	wrdreg s2  }
0xb5: {  	[dreg:$0x3] =	wrdreg s7  }
0xb6: {  	[dreg:$0x4] =	wrdreg s24  }
0xb7: {  	[dreg:$0x5] =	wrdreg s18  }
0xb8: {  	[dreg:$0x6] =	wrdreg s4  }
0xb9: {  	[dreg:$0x7] =	wrdreg s5  }
0xba: {  	[dreg:$0x8] =	wrdreg s6  }
0xbb: {  	[dreg:$0x9] =	wrdreg s8  }
0xbc: {  	[dreg:$0xa] =	wrdreg $0x9  }
0xbd: {  	_ =	task.clear_ibuf [dreg:s13], $0xBFFFF;
	_ =	strace $0x90000046  }
0xbe: {  	s29 =	simm.s32 $0x9;
	_ =	strace $0x80000048  }
0xbf: {  	_ =	swait.ge [sflag:s29], $0x1  }
0xc0: {  	[sflag:s29] =	ssyncadd.s32 $0xFFFFFFFF  }
0xc1: {  	_ =	strace $0x90000048  }
0xc2: {  	_ =	sfence  }
0xc3: {  	s30 =	sld [smem:$0x0];
	_ =	sdelay $0x2  }
0xc4: {  	s31 =	sshll.u32 s1, $0xD;
	s1 =	sshrl.u32 s1, $0x2  }
0xc5: {  	s3 =	sand.u32 $0x4000, s31;
	s1 =	sadd.s32 s1, s30  }
0xc6: {  	s0 =	sor.u32 s3, s0;
	s1 =	sshll.u32 s1, $0x11  }
0xc7: {  	s0 =	sor.u32 s1, s0  }
0xc8: {  	s0 =	sadd.s32 $0x8F2B, s0  }
0xc9: {  	[sflag:s0] =	ssyncadd.remote.s32 $0x1  }
0xca: {  	_ =	sfence.sel $0xFFFF  }
0xcb: {  	[dreg:$0x0] =	wrdreg $0xFFFFFFFF;
	(pc) =	sbr.abs _section_cstart, $3  }
0xcc: {  	[dreg:$0x1] =	wrdreg $0xFFFFFFFF  }
0xcd: {  	_ =	task.clear_ibuf [dreg:s13], $0x2FFFF;
	_ =	strace $0x9FFFFFFF  }
0xce: {  	(tm) =	ssettm $0x7FFFFFFF  }
0xcf: {  	_ =	shalt  }
tec
execute0_lowered:
.L_overlay_start_1:
0x0: {  	(tag) =	ssettag $0x1  }
0x1: {  	s18 =	rddreg [dreg:$0x0]  }
0x2: {  	s6 =	rddreg [dreg:$0x1]  }
0x3: {  	s0 =	rddreg [dreg:$0x2];
	s1 =	srdreg.scid  }
0x4: {  	s3 =	stileid.u32;
	s2 =	rddreg [dreg:$0x7]  }
0x5: {  	s19 =	simm.s32 $0x0;
	s1 =	sand.u32 $0x1, s1;
	s3 =	sshll.u32 s3, $0x1  }
0x6: {  	[smem:$0x7FF] =	sst s19;
	s29 =	sadd.s32 $0x40, s6;
	s3 =	sor.u32 s1, s3  }
0x7: {  	_ =	strace $0x80000047;
	[smem:$0x7F9] =	sst s29;
	s4 =	sshll.u32 s3, $0x5  }
0x8: {  	s28 =	sshll.u32 s3, $0xF;
	s5 =	sshll.u32 s3, $0xD;
	s3 =	sshll.u32 s3, $0x6  }
0x9: {  	s7 =	sadd.s32 s18, s28;
	[smem:$0x7FA] =	sst s3  }
0xa: {  	s1 =	ssub.s32 $0x2, s1;
	s5 =	sadd.s32 s6, s5;
	[smem:$0x7F6] =	sst s7  }
0xb: {  	s26 =	sshrl.u32 s1, $0x1;
	s30 =	sor.u32 $0x8, s3;
	[smem:$0x7F7] =	sst s5  }
0xc: {  	s0 =	sadd.s32 s4, s0;
	s20 =	sadd.s32 s2, s28;
	[smem:$0x7FB] =	sst s30  }
0xd: {  	s1 =	ssub.s32 s1, s26;
	s0 =	sadd.s32 $0x400, s0;
	[smem:$0x7FD] =	sst s20  }
0xe: {  	v0 =	vimm.s32 $0x0;
	s31 =	smax.u32 s1, $0x1;
	[smem:$0x7F8] =	sst s0  }
0xf: {  	v1 =	vimm.s32 $0x1;
	v2 =	vimm.s32 $0x2;
	v3 =	vimm.s32 $0x3;
	s2 =	simm.s32 $0x0;
	[smem:$0x7FC] =	sst s31  }
.LBB2_1:
0x10: {  	s0 =	sld [smem:$0x7F6];
	_ =	sdelay $0x1  }
0x11: {  	s4 =	sld [smem:$0x7F7];
	s1 =	simm.s32 $0x200  }
0x12: {  	[tilespmem:s19], [sflag:$0x1] =	stream.linear.gather [hbm4b:s0+s19], $0x4000, $0x38;
	[tilespmem:$0x15180] =	vst v63  }
0x13: {  	s5 =	simm.s32 $0x400;
	s3 =	simm.s32 $0x10000;
	s6 =	sld [smem:$0x7F8]  }
0x14: {  	[tilespmem:s3], [sflag:$0x3] =	stream.strided.gather [hbm4b:s4+s1], $0x1000, s5, s1, $0x38;
	[tilespmem:$0x15180] =	vst v63  }
0x15: {  	[smem:$0x7F5] =	sst s2;
	s7 =	simm.s32 $0x15080  }
0x16: {  	[tilespmem:s7], [sflag:$0x7] =	stream.linear.gather [hbm4b:s6+s19], $0x100, $0x38;
	[tilespmem:$0x15180] =	vst v63  }
0x17: {  	s8 =	rddreg [dreg:$0x3];
	s9 =	simm.s32 $0x14000  }
0x18: {  	[tilespmem:s9], [sflag:$0x8] =	stream.linear.gather [hbm4b:s8+s19], $0x4, $0x38;
	[tilespmem:$0x15180] =	vst v63  }
0x19: {  	s10 =	rddreg [dreg:$0x4];
	s0 =	simm.s32 $0x14080  }
0x1a: {  	[tilespmem:s0], [sflag:$0x9] =	stream.linear.gather [hbm4b:s10+s19], $0x400, $0x38;
	[tilespmem:$0x15180] =	vst v63  }
0x1b: {  	s11 =	rddreg [dreg:$0x5];
	s1 =	simm.s32 $0x14480  }
0x1c: {  	[tilespmem:s1], [sflag:$0xA] =	stream.linear.gather [hbm4b:s11+s19], $0x400, $0x38;
	[tilespmem:$0x15180] =	vst v63  }
0x1d: {  	s12 =	rddreg [dreg:$0x6];
	s13 =	simm.s32 $0x14880;
	s14 =	simm.s32 $0x8  }
0x1e: {  	[tilespmem:s13], [sflag:$0xB] =	stream.linear.gather [hbm4b:s12+s19], $0x800, $0x38;
	[tilespmem:$0x15180] =	vst v63  }
0x1f: {  	_ =	swait.ge [sflag:s14], $0x4  }
0x20: {  	[sflag:s14] =	ssyncset.done $0x0  }
0x21: {  	s15 =	simm.s32 $0x9;
	[sflag:s14] =	ssyncadd.s32 $0xFFFFFFFC  }
0x22: {  	_ =	swait.ge [sflag:s15], $0x400  }
0x23: {  	[sflag:s15] =	ssyncset.done $0x0  }
0x24: {  	s16 =	simm.s32 $0xA;
	[sflag:s15] =	ssyncadd.s32 $0xFFFFFC00  }
0x25: {  	_ =	swait.ge [sflag:s16], $0x400  }
0x26: {  	[sflag:s16] =	ssyncset.done $0x0  }
0x27: {  	s17 =	simm.s32 $0xB;
	[sflag:s16] =	ssyncadd.s32 $0xFFFFFC00  }
0x28: {  	_ =	swait.ge [sflag:s17], $0x800  }
0x29: {  	[sflag:s17] =	ssyncset.done $0x0  }
0x2a: {  	s20 =	simm.s32 $0x7;
	[sflag:s17] =	ssyncadd.s32 $0xFFFFF800  }
0x2b: {  	_ =	swait.ge [sflag:s20], $0x100  }
0x2c: {  	[sflag:s20] =	ssyncset.done $0x0  }
0x2d: {  	[sflag:s20] =	ssyncadd.s32 $0xFFFFFF00  }
0x2e: {  	v4 =	vld [tilespmem:$0x14000];
	_ =	sdelay $0x1  }
0x2f: {  	s21 =	simm.s32 $0x0;
	v5 =	vld [tilespmem:s0+$0x0]  }
0x30: {  	s2 =	sand.u32 $0xFFFFFF00, s21  }
0x31: {  	s22 =	sand.u32 $0x40, s19;
	s2 =	sadd.s32 $0x14880, s2;
	v6 =	vld [tilespmem:s1+$0x0]  }
0x32: {  	s4 =	sor.u32 s22, s2;
	v4 =	vperm.xlane v4, v0  }
0x33: {  	v7 =	vld [tilespmem:s4+$0x0]  }
0x34: {  	v5 =	vmul.f32 v5, v4;
	_ =	sdelay $0x1  }
0x35: {  	s23 =	simm.s32 $0x0;
	v5 =	vadd.f32 v6, v5  }
0x36: {  	s4 =	sand.u32 $0x3FFFFC00, s23  }
0x37: {  	s4 =	sadd.s32 $0x12000, s4;
	v5 =	vadd.f32 v7, v5  }
0x38: {  	s5 =	sor.u32 $0x10, s22;
	s7 =	sand.u32 $0x380, s19;
	s6 =	sor.u32 s22, s4  }
0x39: {  	s24 =	sor.u32 s7, s5;
	[tilespmem:s6+$0x0] =	vst v5  }
0x3a: {  	v5 =	vld [tilespmem:s24+$0x14080];
	_ =	sdelay $0x1  }
0x3b: {  	v6 =	vld [tilespmem:s24+$0x14480]  }
0x3c: {  	s25 =	sor.u32 s5, s2  }
0x3d: {  	v7 =	vld [tilespmem:s25+$0x0]  }
0x3e: {  	v5 =	vmul.f32 v5, v4;
	_ =	sdelay $0x1  }
0x3f: {  	v5 =	vadd.f32 v6, v5;
	_ =	sdelay $0x1  }
0x40: {  	v5 =	vadd.f32 v7, v5  }
0x41: {  	s26 =	sor.u32 $0x20, s22;
	s5 =	sor.u32 s5, s4  }
0x42: {  	s28 =	sor.u32 s7, s26;
	[tilespmem:s5+$0x0] =	vst v5  }
0x43: {  	v5 =	vld [tilespmem:s28+$0x14080];
	_ =	sdelay $0x1  }
0x44: {  	v6 =	vld [tilespmem:s28+$0x14480]  }
0x45: {  	s29 =	sor.u32 s26, s2  }
0x46: {  	v7 =	vld [tilespmem:s29+$0x0]  }
0x47: {  	v5 =	vmul.f32 v5, v4;
	_ =	sdelay $0x1  }
0x48: {  	v5 =	vadd.f32 v6, v5;
	_ =	sdelay $0x1  }
0x49: {  	v5 =	vadd.f32 v7, v5  }
0x4a: {  	s3 =	sor.u32 $0x30, s22;
	s30 =	sor.u32 s26, s4  }
0x4b: {  	s31 =	sor.u32 s7, s3;
	[tilespmem:s30+$0x0] =	vst v5  }
0x4c: {  	v5 =	vld [tilespmem:s31+$0x14080];
	_ =	sdelay $0x1  }
0x4d: {  	v6 =	vld [tilespmem:s31+$0x14480]  }
0x4e: {  	s2 =	sor.u32 s3, s2  }
0x4f: {  	v7 =	vld [tilespmem:s2+$0x0]  }
0x50: {  	v5 =	vmul.f32 v5, v4;
	_ =	sdelay $0x1  }
0x51: {  	v5 =	vadd.f32 v6, v5;
	_ =	sdelay $0x1  }
0x52: {  	s4 =	sor.u32 s3, s4;
	s3 =	simm.s32 $0x0;
	s2 =	simm.s32 $0x0;
	v5 =	vadd.f32 v7, v5  }
.LBB2_2:
0x53: {  	s2 =	sadd.s32 $0x4, s2  }
0x54: {  	s0 =	sadd.s32 $0x40, s0;
	s5 =	sshll.u32 s2, $0x7;
	p0 =	slt.u32 s2, $0x3C;
	[tilespmem:s4+$0x0] =	vst v5  }
0x55: {  	v5 =	vld [tilespmem:s0+$0x0];
	s4 =	sshra.s32 s5, $0x2;
	s6 =	sand.u32 $0x3FFFFC00, s5  }
0x56: {  	s3 =	sadd.s32 $0x40, s3;
	s1 =	sadd.s32 $0x40, s1;
	s4 =	sand.u32 $0xFFFFFF00, s4  }
0x57: {  	s5 =	sand.u32 $0x40, s3;
	v6 =	vld [tilespmem:s1+$0x0];
	s4 =	sadd.s32 $0x14880, s4  }
0x58: {  	s8 =	sor.u32 $0x10, s5;
	s7 =	sor.u32 s5, s4  }
0x59: {  	v7 =	vld [tilespmem:s7+$0x0];
	s7 =	sor.u32 s8, s4  }
0x5a: {  	v5 =	vmul.f32 v5, v4;
	_ =	sdelay $0x1  }
0x5b: {  	v5 =	vadd.f32 v6, v5;
	_ =	sdelay $0x1  }
0x5c: {  	s6 =	sadd.s32 $0x12000, s6;
	v5 =	vadd.f32 v7, v5  }
0x5d: {  	s10 =	sand.u32 $0x380, s3;
	s9 =	sor.u32 s5, s6;
	s11 =	sor.u32 s8, s6  }
0x5e: {  	s8 =	sor.u32 s10, s8;
	[tilespmem:s9+$0x0] =	vst v5  }
0x5f: {  	v5 =	vld [tilespmem:s8+$0x14080];
	_ =	sdelay $0x1  }
0x60: {  	v6 =	vld [tilespmem:s8+$0x14480];
	_ =	sdelay $0x1  }
0x61: {  	v7 =	vld [tilespmem:s7+$0x0]  }
0x62: {  	v5 =	vmul.f32 v5, v4;
	_ =	sdelay $0x1  }
0x63: {  	v5 =	vadd.f32 v6, v5;
	_ =	sdelay $0x1  }
0x64: {  	v5 =	vadd.f32 v7, v5  }
0x65: {  	s7 =	sor.u32 $0x20, s5  }
0x66: {  	s8 =	sor.u32 s10, s7;
	s9 =	sor.u32 s7, s4;
	s7 =	sor.u32 s7, s6;
	[tilespmem:s11+$0x0] =	vst v5  }
0x67: {  	v5 =	vld [tilespmem:s8+$0x14080];
	_ =	sdelay $0x1  }
0x68: {  	v6 =	vld [tilespmem:s8+$0x14480];
	_ =	sdelay $0x1  }
0x69: {  	v7 =	vld [tilespmem:s9+$0x0]  }
0x6a: {  	v5 =	vmul.f32 v5, v4;
	_ =	sdelay $0x1  }
0x6b: {  	v5 =	vadd.f32 v6, v5;
	_ =	sdelay $0x1  }
0x6c: {  	v5 =	vadd.f32 v7, v5  }
0x6d: {  	s5 =	sor.u32 $0x30, s5  }
0x6e: {  	s8 =	sor.u32 s5, s4;
	s4 =	sor.u32 s5, s6;
	[tilespmem:s7+$0x0] =	vst v5;
	s7 =	sor.u32 s10, s5  }
0x6f: {  	v5 =	vld [tilespmem:s7+$0x14080]  }
0x70: {  	v6 =	vld [tilespmem:s7+$0x14480]  }
0x71: {  	v7 =	vld [tilespmem:s8+$0x0];
	_ =	sdelay $0x2  }
.Ltmp0:
0x72: {  	v5 =	vmul.f32 v5, v4;
	(pc) =	sbr.rel @p0 .LBB2_2-.Ltmp0, $3  }
0x73: {  	_ = 	snop  }
0x74: {  	v5 =	vadd.f32 v6, v5;
	_ =	sdelay $0x1  }
0x75: {  	v5 =	vadd.f32 v7, v5  }
0x76: {  	_ = 	snop  }
0x77: {  	[tilespmem:s4+$0x0] =	vst v5  }
0x78: {  	v4 =	vld [tilespmem:$0x14000]  }
0x79: {  	s0 =	simm.s32 $0x14080  }
0x7a: {  	s3 =	simm.s32 $0x0;
	v5 =	vld [tilespmem:s0+$0x0]  }
0x7b: {  	s1 =	simm.s32 $0x0;
	s2 =	simm.s32 $0x14480;
	s3 =	sand.u32 $0xFFFFFF00, s3  }
0x7c: {  	s22 =	sand.u32 $0x40, s1;
	v6 =	vld [tilespmem:s2+$0x0];
	s3 =	sadd.s32 $0x14880, s3  }
0x7d: {  	s5 =	sor.u32 s22, s3;
	v4 =	vperm.xlane v4, v1  }
0x7e: {  	v7 =	vld [tilespmem:s5+$0x0]  }
0x7f: {  	v5 =	vmul.f32 v5, v4;
	_ =	sdelay $0x1  }
0x80: {  	s23 =	simm.s32 $0x0;
	v5 =	vadd.f32 v6, v5  }
0x81: {  	s5 =	sand.u32 $0x3FFFFC00, s23  }
0x82: {  	s5 =	sadd.s32 $0x12000, s5;
	v5 =	vadd.f32 v7, v5  }
0x83: {  	s8 =	sand.u32 $0x380, s1;
	s6 =	sor.u32 $0x10, s22;
	s7 =	sor.u32 s22, s5  }
0x84: {  	s24 =	sor.u32 s8, s6;
	[tilespmem:s7+$0x80] =	vst v5  }
0x85: {  	v5 =	vld [tilespmem:s24+$0x14080];
	_ =	sdelay $0x1  }
0x86: {  	v6 =	vld [tilespmem:s24+$0x14480]  }
0x87: {  	s25 =	sor.u32 s6, s3  }
0x88: {  	v7 =	vld [tilespmem:s25+$0x0]  }
0x89: {  	v5 =	vmul.f32 v5, v4;
	_ =	sdelay $0x1  }
0x8a: {  	v5 =	vadd.f32 v6, v5;
	_ =	sdelay $0x1  }
0x8b: {  	v5 =	vadd.f32 v7, v5  }
0x8c: {  	s26 =	sor.u32 $0x20, s22;
	s6 =	sor.u32 s6, s5  }
0x8d: {  	s28 =	sor.u32 s8, s26;
	[tilespmem:s6+$0x80] =	vst v5  }
0x8e: {  	v5 =	vld [tilespmem:s28+$0x14080];
	_ =	sdelay $0x1  }
0x8f: {  	v6 =	vld [tilespmem:s28+$0x14480]  }
0x90: {  	s29 =	sor.u32 s26, s3  }
0x91: {  	v7 =	vld [tilespmem:s29+$0x0]  }
0x92: {  	v5 =	vmul.f32 v5, v4;
	_ =	sdelay $0x1  }
0x93: {  	v5 =	vadd.f32 v6, v5;
	_ =	sdelay $0x1  }
0x94: {  	v5 =	vadd.f32 v7, v5  }
0x95: {  	s4 =	sor.u32 $0x30, s22;
	s30 =	sor.u32 s26, s5  }
0x96: {  	s31 =	sor.u32 s8, s4;
	[tilespmem:s30+$0x80] =	vst v5  }
0x97: {  	v5 =	vld [tilespmem:s31+$0x14080];
	_ =	sdelay $0x1  }
0x98: {  	v6 =	vld [tilespmem:s31+$0x14480]  }
0x99: {  	s3 =	sor.u32 s4, s3  }
0x9a: {  	v7 =	vld [tilespmem:s3+$0x0]  }
0x9b: {  	v5 =	vmul.f32 v5, v4;
	_ =	sdelay $0x1  }
0x9c: {  	v5 =	vadd.f32 v6, v5;
	_ =	sdelay $0x1  }
0x9d: {  	s4 =	sor.u32 s4, s5;
	s3 =	simm.s32 $0x0;
	v5 =	vadd.f32 v7, v5  }
.LBB2_4:
0x9e: {  	s3 =	sadd.s32 $0x4, s3  }
0x9f: {  	s0 =	sadd.s32 $0x40, s0;
	s5 =	sshll.u32 s3, $0x7;
	p0 =	slt.u32 s3, $0x3C;
	[tilespmem:s4+$0x80] =	vst v5  }
0xa0: {  	v5 =	vld [tilespmem:s0+$0x0];
	s4 =	sshra.s32 s5, $0x2;
	s6 =	sand.u32 $0x3FFFFC00, s5  }
0xa1: {  	s1 =	sadd.s32 $0x40, s1;
	s2 =	sadd.s32 $0x40, s2;
	s4 =	sand.u32 $0xFFFFFF00, s4  }
0xa2: {  	s5 =	sand.u32 $0x40, s1;
	v6 =	vld [tilespmem:s2+$0x0];
	s4 =	sadd.s32 $0x14880, s4  }
0xa3: {  	s8 =	sor.u32 $0x10, s5;
	s7 =	sor.u32 s5, s4  }
0xa4: {  	v7 =	vld [tilespmem:s7+$0x0];
	s7 =	sor.u32 s8, s4  }
0xa5: {  	v5 =	vmul.f32 v5, v4;
	_ =	sdelay $0x1  }
0xa6: {  	v5 =	vadd.f32 v6, v5;
	_ =	sdelay $0x1  }
0xa7: {  	s6 =	sadd.s32 $0x12000, s6;
	v5 =	vadd.f32 v7, v5  }
0xa8: {  	s10 =	sand.u32 $0x380, s1;
	s9 =	sor.u32 s5, s6;
	s11 =	sor.u32 s8, s6  }
0xa9: {  	s8 =	sor.u32 s10, s8;
	[tilespmem:s9+$0x80] =	vst v5  }
0xaa: {  	v5 =	vld [tilespmem:s8+$0x14080];
	_ =	sdelay $0x1  }
0xab: {  	v6 =	vld [tilespmem:s8+$0x14480];
	_ =	sdelay $0x1  }
0xac: {  	v7 =	vld [tilespmem:s7+$0x0]  }
0xad: {  	v5 =	vmul.f32 v5, v4;
	_ =	sdelay $0x1  }
0xae: {  	v5 =	vadd.f32 v6, v5;
	_ =	sdelay $0x1  }
0xaf: {  	v5 =	vadd.f32 v7, v5  }
0xb0: {  	s7 =	sor.u32 $0x20, s5  }
0xb1: {  	s8 =	sor.u32 s10, s7;
	s9 =	sor.u32 s7, s4;
	s7 =	sor.u32 s7, s6;
	[tilespmem:s11+$0x80] =	vst v5  }
0xb2: {  	v5 =	vld [tilespmem:s8+$0x14080];
	_ =	sdelay $0x1  }
0xb3: {  	v6 =	vld [tilespmem:s8+$0x14480];
	_ =	sdelay $0x1  }
0xb4: {  	v7 =	vld [tilespmem:s9+$0x0]  }
0xb5: {  	v5 =	vmul.f32 v5, v4;
	_ =	sdelay $0x1  }
0xb6: {  	v5 =	vadd.f32 v6, v5;
	_ =	sdelay $0x1  }
0xb7: {  	v5 =	vadd.f32 v7, v5  }
0xb8: {  	s5 =	sor.u32 $0x30, s5  }
0xb9: {  	s8 =	sor.u32 s5, s4;
	s4 =	sor.u32 s5, s6;
	[tilespmem:s7+$0x80] =	vst v5;
	s7 =	sor.u32 s10, s5  }
0xba: {  	v5 =	vld [tilespmem:s7+$0x14080]  }
0xbb: {  	v6 =	vld [tilespmem:s7+$0x14480]  }
0xbc: {  	v7 =	vld [tilespmem:s8+$0x0];
	_ =	sdelay $0x2  }
.Ltmp1:
0xbd: {  	v5 =	vmul.f32 v5, v4;
	(pc) =	sbr.rel @p0 .LBB2_4-.Ltmp1, $3  }
0xbe: {  	_ = 	snop  }
0xbf: {  	v5 =	vadd.f32 v6, v5;
	_ =	sdelay $0x1  }
0xc0: {  	v5 =	vadd.f32 v7, v5  }
0xc1: {  	_ = 	snop  }
0xc2: {  	[tilespmem:s4+$0x80] =	vst v5  }
0xc3: {  	v4 =	vld [tilespmem:$0x14000]  }
0xc4: {  	s0 =	simm.s32 $0x14080  }
0xc5: {  	s3 =	simm.s32 $0x0;
	v5 =	vld [tilespmem:s0+$0x0]  }
0xc6: {  	s1 =	simm.s32 $0x0;
	s2 =	simm.s32 $0x14480;
	s3 =	sand.u32 $0xFFFFFF00, s3  }
0xc7: {  	s22 =	sand.u32 $0x40, s1;
	v6 =	vld [tilespmem:s2+$0x0];
	s3 =	sadd.s32 $0x14880, s3  }
0xc8: {  	s5 =	sor.u32 s22, s3;
	v4 =	vperm.xlane v4, v2  }
0xc9: {  	v7 =	vld [tilespmem:s5+$0x0]  }
0xca: {  	v5 =	vmul.f32 v5, v4;
	_ =	sdelay $0x1  }
0xcb: {  	s23 =	simm.s32 $0x0;
	v5 =	vadd.f32 v6, v5  }
0xcc: {  	s5 =	sand.u32 $0x3FFFFC00, s23  }
0xcd: {  	s5 =	sadd.s32 $0x12000, s5;
	v5 =	vadd.f32 v7, v5  }
0xce: {  	s8 =	sand.u32 $0x380, s1;
	s6 =	sor.u32 $0x10, s22;
	s7 =	sor.u32 s22, s5  }
0xcf: {  	s24 =	sor.u32 s8, s6;
	[tilespmem:s7+$0x100] =	vst v5  }
0xd0: {  	v5 =	vld [tilespmem:s24+$0x14080];
	_ =	sdelay $0x1  }
0xd1: {  	v6 =	vld [tilespmem:s24+$0x14480]  }
0xd2: {  	s25 =	sor.u32 s6, s3  }
0xd3: {  	v7 =	vld [tilespmem:s25+$0x0]  }
0xd4: {  	v5 =	vmul.f32 v5, v4;
	_ =	sdelay $0x1  }
0xd5: {  	v5 =	vadd.f32 v6, v5;
	_ =	sdelay $0x1  }
0xd6: {  	v5 =	vadd.f32 v7, v5  }
0xd7: {  	s26 =	sor.u32 $0x20, s22;
	s6 =	sor.u32 s6, s5  }
0xd8: {  	s28 =	sor.u32 s8, s26;
	[tilespmem:s6+$0x100] =	vst v5  }
0xd9: {  	v5 =	vld [tilespmem:s28+$0x14080];
	_ =	sdelay $0x1  }
0xda: {  	v6 =	vld [tilespmem:s28+$0x14480]  }
0xdb: {  	s29 =	sor.u32 s26, s3  }
0xdc: {  	v7 =	vld [tilespmem:s29+$0x0]  }
0xdd: {  	v5 =	vmul.f32 v5, v4;
	_ =	sdelay $0x1  }
0xde: {  	v5 =	vadd.f32 v6, v5;
	_ =	sdelay $0x1  }
0xdf: {  	v5 =	vadd.f32 v7, v5  }
0xe0: {  	s4 =	sor.u32 $0x30, s22;
	s30 =	sor.u32 s26, s5  }
0xe1: {  	s31 =	sor.u32 s8, s4;
	[tilespmem:s30+$0x100] =	vst v5  }
0xe2: {  	v5 =	vld [tilespmem:s31+$0x14080];
	_ =	sdelay $0x1  }
0xe3: {  	v6 =	vld [tilespmem:s31+$0x14480]  }
0xe4: {  	s3 =	sor.u32 s4, s3  }
0xe5: {  	v7 =	vld [tilespmem:s3+$0x0]  }
0xe6: {  	v5 =	vmul.f32 v5, v4;
	_ =	sdelay $0x1  }
0xe7: {  	v5 =	vadd.f32 v6, v5;
	_ =	sdelay $0x1  }
0xe8: {  	s4 =	sor.u32 s4, s5;
	s3 =	simm.s32 $0x0;
	v5 =	vadd.f32 v7, v5  }
.LBB2_6:
0xe9: {  	s3 =	sadd.s32 $0x4, s3  }
0xea: {  	s0 =	sadd.s32 $0x40, s0;
	s5 =	sshll.u32 s3, $0x7;
	p0 =	slt.u32 s3, $0x3C;
	[tilespmem:s4+$0x100] =	vst v5  }
0xeb: {  	v5 =	vld [tilespmem:s0+$0x0];
	s4 =	sshra.s32 s5, $0x2;
	s6 =	sand.u32 $0x3FFFFC00, s5  }
0xec: {  	s1 =	sadd.s32 $0x40, s1;
	s2 =	sadd.s32 $0x40, s2;
	s4 =	sand.u32 $0xFFFFFF00, s4  }
0xed: {  	s5 =	sand.u32 $0x40, s1;
	v6 =	vld [tilespmem:s2+$0x0];
	s4 =	sadd.s32 $0x14880, s4  }
0xee: {  	s8 =	sor.u32 $0x10, s5;
	s7 =	sor.u32 s5, s4  }
0xef: {  	v7 =	vld [tilespmem:s7+$0x0];
	s7 =	sor.u32 s8, s4  }
0xf0: {  	v5 =	vmul.f32 v5, v4;
	_ =	sdelay $0x1  }
0xf1: {  	v5 =	vadd.f32 v6, v5;
	_ =	sdelay $0x1  }
0xf2: {  	s6 =	sadd.s32 $0x12000, s6;
	v5 =	vadd.f32 v7, v5  }
0xf3: {  	s10 =	sand.u32 $0x380, s1;
	s9 =	sor.u32 s5, s6;
	s11 =	sor.u32 s8, s6  }
0xf4: {  	s8 =	sor.u32 s10, s8;
	[tilespmem:s9+$0x100] =	vst v5  }
0xf5: {  	v5 =	vld [tilespmem:s8+$0x14080];
	_ =	sdelay $0x1  }
0xf6: {  	v6 =	vld [tilespmem:s8+$0x14480];
	_ =	sdelay $0x1  }
0xf7: {  	v7 =	vld [tilespmem:s7+$0x0]  }
0xf8: {  	v5 =	vmul.f32 v5, v4;
	_ =	sdelay $0x1  }
0xf9: {  	v5 =	vadd.f32 v6, v5;
	_ =	sdelay $0x1  }
0xfa: {  	v5 =	vadd.f32 v7, v5  }
0xfb: {  	s7 =	sor.u32 $0x20, s5  }
0xfc: {  	s8 =	sor.u32 s10, s7;
	s9 =	sor.u32 s7, s4;
	s7 =	sor.u32 s7, s6;
	[tilespmem:s11+$0x100] =	vst v5  }
0xfd: {  	v5 =	vld [tilespmem:s8+$0x14080];
	_ =	sdelay $0x1  }
0xfe: {  	v6 =	vld [tilespmem:s8+$0x14480];
	_ =	sdelay $0x1  }
0xff: {  	v7 =	vld [tilespmem:s9+$0x0]  }
0x100: {  	v5 =	vmul.f32 v5, v4;
	_ =	sdelay $0x1  }
0x101: {  	v5 =	vadd.f32 v6, v5;
	_ =	sdelay $0x1  }
0x102: {  	v5 =	vadd.f32 v7, v5  }
0x103: {  	s5 =	sor.u32 $0x30, s5  }
0x104: {  	s8 =	sor.u32 s5, s4;
	s4 =	sor.u32 s5, s6;
	[tilespmem:s7+$0x100] =	vst v5;
	s7 =	sor.u32 s10, s5  }
0x105: {  	v5 =	vld [tilespmem:s7+$0x14080]  }
0x106: {  	v6 =	vld [tilespmem:s7+$0x14480]  }
0x107: {  	v7 =	vld [tilespmem:s8+$0x0];
	_ =	sdelay $0x2  }
.Ltmp2:
0x108: {  	v5 =	vmul.f32 v5, v4;
	(pc) =	sbr.rel @p0 .LBB2_6-.Ltmp2, $3  }
0x109: {  	_ = 	snop  }
0x10a: {  	v5 =	vadd.f32 v6, v5;
	_ =	sdelay $0x1  }
0x10b: {  	v5 =	vadd.f32 v7, v5  }
0x10c: {  	_ = 	snop  }
0x10d: {  	[tilespmem:s4+$0x100] =	vst v5  }
0x10e: {  	v4 =	vld [tilespmem:$0x14000]  }
0x10f: {  	s0 =	simm.s32 $0x14080  }
0x110: {  	s3 =	simm.s32 $0x0;
	v5 =	vld [tilespmem:s0+$0x0]  }
0x111: {  	s1 =	simm.s32 $0x0;
	s2 =	simm.s32 $0x14480;
	s3 =	sand.u32 $0xFFFFFF00, s3  }
0x112: {  	s22 =	sand.u32 $0x40, s1;
	v6 =	vld [tilespmem:s2+$0x0];
	s3 =	sadd.s32 $0x14880, s3  }
0x113: {  	s5 =	sor.u32 s22, s3;
	v4 =	vperm.xlane v4, v3  }
0x114: {  	v7 =	vld [tilespmem:s5+$0x0]  }
0x115: {  	v5 =	vmul.f32 v5, v4;
	_ =	sdelay $0x1  }
0x116: {  	s23 =	simm.s32 $0x0;
	v5 =	vadd.f32 v6, v5  }
0x117: {  	s5 =	sand.u32 $0x3FFFFC00, s23  }
0x118: {  	s5 =	sadd.s32 $0x12000, s5;
	v5 =	vadd.f32 v7, v5  }
0x119: {  	s8 =	sand.u32 $0x380, s1;
	s6 =	sor.u32 $0x10, s22;
	s7 =	sor.u32 s22, s5  }
0x11a: {  	s24 =	sor.u32 s8, s6;
	[tilespmem:s7+$0x180] =	vst v5  }
0x11b: {  	v5 =	vld [tilespmem:s24+$0x14080];
	_ =	sdelay $0x1  }
0x11c: {  	v6 =	vld [tilespmem:s24+$0x14480]  }
0x11d: {  	s25 =	sor.u32 s6, s3  }
0x11e: {  	v7 =	vld [tilespmem:s25+$0x0]  }
0x11f: {  	v5 =	vmul.f32 v5, v4;
	_ =	sdelay $0x1  }
0x120: {  	v5 =	vadd.f32 v6, v5;
	_ =	sdelay $0x1  }
0x121: {  	v5 =	vadd.f32 v7, v5  }
0x122: {  	s26 =	sor.u32 $0x20, s22;
	s6 =	sor.u32 s6, s5  }
0x123: {  	s28 =	sor.u32 s8, s26;
	[tilespmem:s6+$0x180] =	vst v5  }
0x124: {  	v5 =	vld [tilespmem:s28+$0x14080];
	_ =	sdelay $0x1  }
0x125: {  	v6 =	vld [tilespmem:s28+$0x14480]  }
0x126: {  	s29 =	sor.u32 s26, s3  }
0x127: {  	v7 =	vld [tilespmem:s29+$0x0]  }
0x128: {  	v5 =	vmul.f32 v5, v4;
	_ =	sdelay $0x1  }
0x129: {  	v5 =	vadd.f32 v6, v5;
	_ =	sdelay $0x1  }
0x12a: {  	v5 =	vadd.f32 v7, v5  }
0x12b: {  	s4 =	sor.u32 $0x30, s22;
	s30 =	sor.u32 s26, s5  }
0x12c: {  	s31 =	sor.u32 s8, s4;
	[tilespmem:s30+$0x180] =	vst v5  }
0x12d: {  	v5 =	vld [tilespmem:s31+$0x14080];
	_ =	sdelay $0x1  }
0x12e: {  	v6 =	vld [tilespmem:s31+$0x14480]  }
0x12f: {  	s3 =	sor.u32 s4, s3  }
0x130: {  	v7 =	vld [tilespmem:s3+$0x0]  }
0x131: {  	v5 =	vmul.f32 v5, v4;
	_ =	sdelay $0x1  }
0x132: {  	v5 =	vadd.f32 v6, v5;
	_ =	sdelay $0x1  }
0x133: {  	s4 =	sor.u32 s4, s5;
	s3 =	simm.s32 $0x0;
	v5 =	vadd.f32 v7, v5  }
.LBB2_8:
0x134: {  	s3 =	sadd.s32 $0x4, s3  }
0x135: {  	s0 =	sadd.s32 $0x40, s0;
	s5 =	sshll.u32 s3, $0x7;
	p0 =	slt.u32 s3, $0x3C;
	[tilespmem:s4+$0x180] =	vst v5  }
0x136: {  	v5 =	vld [tilespmem:s0+$0x0];
	s4 =	sshra.s32 s5, $0x2;
	s6 =	sand.u32 $0x3FFFFC00, s5  }
0x137: {  	s1 =	sadd.s32 $0x40, s1;
	s2 =	sadd.s32 $0x40, s2;
	s4 =	sand.u32 $0xFFFFFF00, s4  }
0x138: {  	s5 =	sand.u32 $0x40, s1;
	v6 =	vld [tilespmem:s2+$0x0];
	s4 =	sadd.s32 $0x14880, s4  }
0x139: {  	s8 =	sor.u32 $0x10, s5;
	s7 =	sor.u32 s5, s4  }
0x13a: {  	v7 =	vld [tilespmem:s7+$0x0];
	s7 =	sor.u32 s8, s4  }
0x13b: {  	v5 =	vmul.f32 v5, v4;
	_ =	sdelay $0x1  }
0x13c: {  	v5 =	vadd.f32 v6, v5;
	_ =	sdelay $0x1  }
0x13d: {  	s6 =	sadd.s32 $0x12000, s6;
	v5 =	vadd.f32 v7, v5  }
0x13e: {  	s10 =	sand.u32 $0x380, s1;
	s9 =	sor.u32 s5, s6;
	s11 =	sor.u32 s8, s6  }
0x13f: {  	s8 =	sor.u32 s10, s8;
	[tilespmem:s9+$0x180] =	vst v5  }
0x140: {  	v5 =	vld [tilespmem:s8+$0x14080];
	_ =	sdelay $0x1  }
0x141: {  	v6 =	vld [tilespmem:s8+$0x14480];
	_ =	sdelay $0x1  }
0x142: {  	v7 =	vld [tilespmem:s7+$0x0]  }
0x143: {  	v5 =	vmul.f32 v5, v4;
	_ =	sdelay $0x1  }
0x144: {  	v5 =	vadd.f32 v6, v5;
	_ =	sdelay $0x1  }
0x145: {  	v5 =	vadd.f32 v7, v5  }
0x146: {  	s7 =	sor.u32 $0x20, s5  }
0x147: {  	s8 =	sor.u32 s10, s7;
	s9 =	sor.u32 s7, s4;
	s7 =	sor.u32 s7, s6;
	[tilespmem:s11+$0x180] =	vst v5  }
0x148: {  	v5 =	vld [tilespmem:s8+$0x14080];
	_ =	sdelay $0x1  }
0x149: {  	v6 =	vld [tilespmem:s8+$0x14480];
	_ =	sdelay $0x1  }
0x14a: {  	v7 =	vld [tilespmem:s9+$0x0]  }
0x14b: {  	v5 =	vmul.f32 v5, v4;
	_ =	sdelay $0x1  }
0x14c: {  	v5 =	vadd.f32 v6, v5;
	_ =	sdelay $0x1  }
0x14d: {  	v5 =	vadd.f32 v7, v5  }
0x14e: {  	s5 =	sor.u32 $0x30, s5  }
0x14f: {  	s8 =	sor.u32 s5, s4;
	s4 =	sor.u32 s5, s6;
	[tilespmem:s7+$0x180] =	vst v5;
	s7 =	sor.u32 s10, s5  }
0x150: {  	v5 =	vld [tilespmem:s7+$0x14080]  }
0x151: {  	v6 =	vld [tilespmem:s7+$0x14480]  }
0x152: {  	v7 =	vld [tilespmem:s8+$0x0];
	_ =	sdelay $0x2  }
.Ltmp3:
0x153: {  	v5 =	vmul.f32 v5, v4;
	(pc) =	sbr.rel @p0 .LBB2_8-.Ltmp3, $3  }
0x154: {  	_ = 	snop  }
0x155: {  	v5 =	vadd.f32 v6, v5;
	_ =	sdelay $0x1  }
0x156: {  	v5 =	vadd.f32 v7, v5  }
0x157: {  	_ = 	snop  }
0x158: {  	[tilespmem:s4+$0x180] =	vst v5  }
0x159: {  	v4 =	vld [tilespmem:$0x14000]  }
0x15a: {  	s0 =	simm.s32 $0x14080  }
0x15b: {  	s3 =	simm.s32 $0x0;
	v5 =	vld [tilespmem:s0+$0x0]  }
0x15c: {  	s1 =	simm.s32 $0x0;
	s2 =	simm.s32 $0x14480;
	s3 =	sand.u32 $0xFFFFFF00, s3  }
0x15d: {  	s22 =	sand.u32 $0x40, s1;
	v6 =	vld [tilespmem:s2+$0x0];
	s3 =	sadd.s32 $0x14880, s3  }
0x15e: {  	s5 =	sor.u32 s22, s3;
	v4 =	vperm.xlane v4, v0  }
0x15f: {  	v7 =	vld [tilespmem:s5+$0x80]  }
0x160: {  	v5 =	vmul.f32 v5, v4;
	_ =	sdelay $0x1  }
0x161: {  	s23 =	simm.s32 $0x0;
	v5 =	vadd.f32 v6, v5  }
0x162: {  	s5 =	sand.u32 $0x3FFFFC00, s23  }
0x163: {  	s5 =	sadd.s32 $0x12000, s5;
	v5 =	vadd.f32 v7, v5  }
0x164: {  	s8 =	sand.u32 $0x380, s1;
	s6 =	sor.u32 $0x10, s22;
	s7 =	sor.u32 s22, s5  }
0x165: {  	s24 =	sor.u32 s8, s6;
	[tilespmem:s7+$0x200] =	vst v5  }
0x166: {  	v5 =	vld [tilespmem:s24+$0x14080];
	_ =	sdelay $0x1  }
0x167: {  	v6 =	vld [tilespmem:s24+$0x14480]  }
0x168: {  	s25 =	sor.u32 s6, s3  }
0x169: {  	v7 =	vld [tilespmem:s25+$0x80]  }
0x16a: {  	v5 =	vmul.f32 v5, v4;
	_ =	sdelay $0x1  }
0x16b: {  	v5 =	vadd.f32 v6, v5;
	_ =	sdelay $0x1  }
0x16c: {  	v5 =	vadd.f32 v7, v5  }
0x16d: {  	s26 =	sor.u32 $0x20, s22;
	s6 =	sor.u32 s6, s5  }
0x16e: {  	s28 =	sor.u32 s8, s26;
	[tilespmem:s6+$0x200] =	vst v5  }
0x16f: {  	v5 =	vld [tilespmem:s28+$0x14080];
	_ =	sdelay $0x1  }
0x170: {  	v6 =	vld [tilespmem:s28+$0x14480]  }
0x171: {  	s29 =	sor.u32 s26, s3  }
0x172: {  	v7 =	vld [tilespmem:s29+$0x80]  }
0x173: {  	v5 =	vmul.f32 v5, v4;
	_ =	sdelay $0x1  }
0x174: {  	v5 =	vadd.f32 v6, v5;
	_ =	sdelay $0x1  }
0x175: {  	v5 =	vadd.f32 v7, v5  }
0x176: {  	s4 =	sor.u32 $0x30, s22;
	s30 =	sor.u32 s26, s5  }
0x177: {  	s31 =	sor.u32 s8, s4;
	[tilespmem:s30+$0x200] =	vst v5  }
0x178: {  	v5 =	vld [tilespmem:s31+$0x14080];
	_ =	sdelay $0x1  }
0x179: {  	v6 =	vld [tilespmem:s31+$0x14480]  }
0x17a: {  	s3 =	sor.u32 s4, s3  }
0x17b: {  	v7 =	vld [tilespmem:s3+$0x80]  }
0x17c: {  	v5 =	vmul.f32 v5, v4;
	_ =	sdelay $0x1  }
0x17d: {  	v5 =	vadd.f32 v6, v5;
	_ =	sdelay $0x1  }
0x17e: {  	s4 =	sor.u32 s4, s5;
	s3 =	simm.s32 $0x0;
	v5 =	vadd.f32 v7, v5  }
.LBB2_10:
0x17f: {  	s3 =	sadd.s32 $0x4, s3  }
0x180: {  	s0 =	sadd.s32 $0x40, s0;
	s5 =	sshll.u32 s3, $0x7;
	p0 =	slt.u32 s3, $0x3C;
	[tilespmem:s4+$0x200] =	vst v5  }
0x181: {  	v5 =	vld [tilespmem:s0+$0x0];
	s4 =	sshra.s32 s5, $0x2;
	s6 =	sand.u32 $0x3FFFFC00, s5  }
0x182: {  	s1 =	sadd.s32 $0x40, s1;
	s2 =	sadd.s32 $0x40, s2;
	s4 =	sand.u32 $0xFFFFFF00, s4  }
0x183: {  	s5 =	sand.u32 $0x40, s1;
	v6 =	vld [tilespmem:s2+$0x0];
	s4 =	sadd.s32 $0x14880, s4  }
0x184: {  	s8 =	sor.u32 $0x10, s5;
	s7 =	sor.u32 s5, s4  }
0x185: {  	v7 =	vld [tilespmem:s7+$0x80];
	s7 =	sor.u32 s8, s4  }
0x186: {  	v5 =	vmul.f32 v5, v4;
	_ =	sdelay $0x1  }
0x187: {  	v5 =	vadd.f32 v6, v5;
	_ =	sdelay $0x1  }
0x188: {  	s6 =	sadd.s32 $0x12000, s6;
	v5 =	vadd.f32 v7, v5  }
0x189: {  	s10 =	sand.u32 $0x380, s1;
	s9 =	sor.u32 s5, s6;
	s11 =	sor.u32 s8, s6  }
0x18a: {  	s8 =	sor.u32 s10, s8;
	[tilespmem:s9+$0x200] =	vst v5  }
0x18b: {  	v5 =	vld [tilespmem:s8+$0x14080];
	_ =	sdelay $0x1  }
0x18c: {  	v6 =	vld [tilespmem:s8+$0x14480];
	_ =	sdelay $0x1  }
0x18d: {  	v7 =	vld [tilespmem:s7+$0x80]  }
0x18e: {  	v5 =	vmul.f32 v5, v4;
	_ =	sdelay $0x1  }
0x18f: {  	v5 =	vadd.f32 v6, v5;
	_ =	sdelay $0x1  }
0x190: {  	v5 =	vadd.f32 v7, v5  }
0x191: {  	s7 =	sor.u32 $0x20, s5  }
0x192: {  	s8 =	sor.u32 s10, s7;
	s9 =	sor.u32 s7, s4;
	s7 =	sor.u32 s7, s6;
	[tilespmem:s11+$0x200] =	vst v5  }
0x193: {  	v5 =	vld [tilespmem:s8+$0x14080];
	_ =	sdelay $0x1  }
0x194: {  	v6 =	vld [tilespmem:s8+$0x14480];
	_ =	sdelay $0x1  }
0x195: {  	v7 =	vld [tilespmem:s9+$0x80]  }
0x196: {  	v5 =	vmul.f32 v5, v4;
	_ =	sdelay $0x1  }
0x197: {  	v5 =	vadd.f32 v6, v5;
	_ =	sdelay $0x1  }
0x198: {  	v5 =	vadd.f32 v7, v5  }
0x199: {  	s5 =	sor.u32 $0x30, s5  }
0x19a: {  	s8 =	sor.u32 s5, s4;
	s4 =	sor.u32 s5, s6;
	[tilespmem:s7+$0x200] =	vst v5;
	s7 =	sor.u32 s10, s5  }
0x19b: {  	v5 =	vld [tilespmem:s7+$0x14080]  }
0x19c: {  	v6 =	vld [tilespmem:s7+$0x14480]  }
0x19d: {  	v7 =	vld [tilespmem:s8+$0x80];
	_ =	sdelay $0x2  }
.Ltmp4:
0x19e: {  	v5 =	vmul.f32 v5, v4;
	(pc) =	sbr.rel @p0 .LBB2_10-.Ltmp4, $3  }
0x19f: {  	_ = 	snop  }
0x1a0: {  	v5 =	vadd.f32 v6, v5;
	_ =	sdelay $0x1  }
0x1a1: {  	v5 =	vadd.f32 v7, v5  }
0x1a2: {  	_ = 	snop  }
0x1a3: {  	[tilespmem:s4+$0x200] =	vst v5  }
0x1a4: {  	v4 =	vld [tilespmem:$0x14000]  }
0x1a5: {  	s0 =	simm.s32 $0x14080  }
0x1a6: {  	s3 =	simm.s32 $0x0;
	v5 =	vld [tilespmem:s0+$0x0]  }
0x1a7: {  	s1 =	simm.s32 $0x0;
	s2 =	simm.s32 $0x14480;
	s3 =	sand.u32 $0xFFFFFF00, s3  }
0x1a8: {  	s22 =	sand.u32 $0x40, s1;
	v6 =	vld [tilespmem:s2+$0x0];
	s3 =	sadd.s32 $0x14880, s3  }
0x1a9: {  	s5 =	sor.u32 s22, s3;
	v4 =	vperm.xlane v4, v1  }
0x1aa: {  	v7 =	vld [tilespmem:s5+$0x80]  }
0x1ab: {  	v5 =	vmul.f32 v5, v4;
	_ =	sdelay $0x1  }
0x1ac: {  	s23 =	simm.s32 $0x0;
	v5 =	vadd.f32 v6, v5  }
0x1ad: {  	s5 =	sand.u32 $0x3FFFFC00, s23  }
0x1ae: {  	s5 =	sadd.s32 $0x12000, s5;
	v5 =	vadd.f32 v7, v5  }
0x1af: {  	s8 =	sand.u32 $0x380, s1;
	s6 =	sor.u32 $0x10, s22;
	s7 =	sor.u32 s22, s5  }
0x1b0: {  	s24 =	sor.u32 s8, s6;
	[tilespmem:s7+$0x280] =	vst v5  }
0x1b1: {  	v5 =	vld [tilespmem:s24+$0x14080];
	_ =	sdelay $0x1  }
0x1b2: {  	v6 =	vld [tilespmem:s24+$0x14480]  }
0x1b3: {  	s25 =	sor.u32 s6, s3  }
0x1b4: {  	v7 =	vld [tilespmem:s25+$0x80]  }
0x1b5: {  	v5 =	vmul.f32 v5, v4;
	_ =	sdelay $0x1  }
0x1b6: {  	v5 =	vadd.f32 v6, v5;
	_ =	sdelay $0x1  }
0x1b7: {  	v5 =	vadd.f32 v7, v5  }
0x1b8: {  	s26 =	sor.u32 $0x20, s22;
	s6 =	sor.u32 s6, s5  }
0x1b9: {  	s28 =	sor.u32 s8, s26;
	[tilespmem:s6+$0x280] =	vst v5  }
0x1ba: {  	v5 =	vld [tilespmem:s28+$0x14080];
	_ =	sdelay $0x1  }
0x1bb: {  	v6 =	vld [tilespmem:s28+$0x14480]  }
0x1bc: {  	s29 =	sor.u32 s26, s3  }
0x1bd: {  	v7 =	vld [tilespmem:s29+$0x80]  }
0x1be: {  	v5 =	vmul.f32 v5, v4;
	_ =	sdelay $0x1  }
0x1bf: {  	v5 =	vadd.f32 v6, v5;
	_ =	sdelay $0x1  }
0x1c0: {  	v5 =	vadd.f32 v7, v5  }
0x1c1: {  	s4 =	sor.u32 $0x30, s22;
	s30 =	sor.u32 s26, s5  }
0x1c2: {  	s31 =	sor.u32 s8, s4;
	[tilespmem:s30+$0x280] =	vst v5  }
0x1c3: {  	v5 =	vld [tilespmem:s31+$0x14080];
	_ =	sdelay $0x1  }
0x1c4: {  	v6 =	vld [tilespmem:s31+$0x14480]  }
0x1c5: {  	s3 =	sor.u32 s4, s3  }
0x1c6: {  	v7 =	vld [tilespmem:s3+$0x80]  }
0x1c7: {  	v5 =	vmul.f32 v5, v4;
	_ =	sdelay $0x1  }
0x1c8: {  	v5 =	vadd.f32 v6, v5;
	_ =	sdelay $0x1  }
0x1c9: {  	s4 =	sor.u32 s4, s5;
	s3 =	simm.s32 $0x0;
	v5 =	vadd.f32 v7, v5  }
.LBB2_12:
0x1ca: {  	s3 =	sadd.s32 $0x4, s3  }
0x1cb: {  	s0 =	sadd.s32 $0x40, s0;
	s5 =	sshll.u32 s3, $0x7;
	p0 =	slt.u32 s3, $0x3C;
	[tilespmem:s4+$0x280] =	vst v5  }
0x1cc: {  	v5 =	vld [tilespmem:s0+$0x0];
	s4 =	sshra.s32 s5, $0x2;
	s6 =	sand.u32 $0x3FFFFC00, s5  }
0x1cd: {  	s1 =	sadd.s32 $0x40, s1;
	s2 =	sadd.s32 $0x40, s2;
	s4 =	sand.u32 $0xFFFFFF00, s4  }
0x1ce: {  	s5 =	sand.u32 $0x40, s1;
	v6 =	vld [tilespmem:s2+$0x0];
	s4 =	sadd.s32 $0x14880, s4  }
0x1cf: {  	s8 =	sor.u32 $0x10, s5;
	s7 =	sor.u32 s5, s4  }
0x1d0: {  	v7 =	vld [tilespmem:s7+$0x80];
	s7 =	sor.u32 s8, s4  }
0x1d1: {  	v5 =	vmul.f32 v5, v4;
	_ =	sdelay $0x1  }
0x1d2: {  	v5 =	vadd.f32 v6, v5;
	_ =	sdelay $0x1  }
0x1d3: {  	s6 =	sadd.s32 $0x12000, s6;
	v5 =	vadd.f32 v7, v5  }
0x1d4: {  	s10 =	sand.u32 $0x380, s1;
	s9 =	sor.u32 s5, s6;
	s11 =	sor.u32 s8, s6  }
0x1d5: {  	s8 =	sor.u32 s10, s8;
	[tilespmem:s9+$0x280] =	vst v5  }
0x1d6: {  	v5 =	vld [tilespmem:s8+$0x14080];
	_ =	sdelay $0x1  }
0x1d7: {  	v6 =	vld [tilespmem:s8+$0x14480];
	_ =	sdelay $0x1  }
0x1d8: {  	v7 =	vld [tilespmem:s7+$0x80]  }
0x1d9: {  	v5 =	vmul.f32 v5, v4;
	_ =	sdelay $0x1  }
0x1da: {  	v5 =	vadd.f32 v6, v5;
	_ =	sdelay $0x1  }
0x1db: {  	v5 =	vadd.f32 v7, v5  }
0x1dc: {  	s7 =	sor.u32 $0x20, s5  }
0x1dd: {  	s8 =	sor.u32 s10, s7;
	s9 =	sor.u32 s7, s4;
	s7 =	sor.u32 s7, s6;
	[tilespmem:s11+$0x280] =	vst v5  }
0x1de: {  	v5 =	vld [tilespmem:s8+$0x14080];
	_ =	sdelay $0x1  }
0x1df: {  	v6 =	vld [tilespmem:s8+$0x14480];
	_ =	sdelay $0x1  }
0x1e0: {  	v7 =	vld [tilespmem:s9+$0x80]  }
0x1e1: {  	v5 =	vmul.f32 v5, v4;
	_ =	sdelay $0x1  }
0x1e2: {  	v5 =	vadd.f32 v6, v5;
	_ =	sdelay $0x1  }
0x1e3: {  	v5 =	vadd.f32 v7, v5  }
0x1e4: {  	s5 =	sor.u32 $0x30, s5  }
0x1e5: {  	s8 =	sor.u32 s5, s4;
	s4 =	sor.u32 s5, s6;
	[tilespmem:s7+$0x280] =	vst v5;
	s7 =	sor.u32 s10, s5  }
0x1e6: {  	v5 =	vld [tilespmem:s7+$0x14080]  }
0x1e7: {  	v6 =	vld [tilespmem:s7+$0x14480]  }
0x1e8: {  	v7 =	vld [tilespmem:s8+$0x80];
	_ =	sdelay $0x2  }
.Ltmp5:
0x1e9: {  	v5 =	vmul.f32 v5, v4;
	(pc) =	sbr.rel @p0 .LBB2_12-.Ltmp5, $3  }
0x1ea: {  	_ = 	snop  }
0x1eb: {  	v5 =	vadd.f32 v6, v5;
	_ =	sdelay $0x1  }
0x1ec: {  	v5 =	vadd.f32 v7, v5  }
0x1ed: {  	_ = 	snop  }
0x1ee: {  	[tilespmem:s4+$0x280] =	vst v5  }
0x1ef: {  	v4 =	vld [tilespmem:$0x14000]  }
0x1f0: {  	s0 =	simm.s32 $0x14080  }
0x1f1: {  	s3 =	simm.s32 $0x0;
	v5 =	vld [tilespmem:s0+$0x0]  }
0x1f2: {  	s1 =	simm.s32 $0x0;
	s2 =	simm.s32 $0x14480;
	s3 =	sand.u32 $0xFFFFFF00, s3  }
0x1f3: {  	s22 =	sand.u32 $0x40, s1;
	v6 =	vld [tilespmem:s2+$0x0];
	s3 =	sadd.s32 $0x14880, s3  }
0x1f4: {  	s5 =	sor.u32 s22, s3;
	v4 =	vperm.xlane v4, v2  }
0x1f5: {  	v7 =	vld [tilespmem:s5+$0x80]  }
0x1f6: {  	v5 =	vmul.f32 v5, v4;
	_ =	sdelay $0x1  }
0x1f7: {  	s23 =	simm.s32 $0x0;
	v5 =	vadd.f32 v6, v5  }
0x1f8: {  	s5 =	sand.u32 $0x3FFFFC00, s23  }
0x1f9: {  	s5 =	sadd.s32 $0x12000, s5;
	v5 =	vadd.f32 v7, v5  }
0x1fa: {  	s8 =	sand.u32 $0x380, s1;
	s6 =	sor.u32 $0x10, s22;
	s7 =	sor.u32 s22, s5  }
0x1fb: {  	s24 =	sor.u32 s8, s6;
	[tilespmem:s7+$0x300] =	vst v5  }
0x1fc: {  	v5 =	vld [tilespmem:s24+$0x14080];
	_ =	sdelay $0x1  }
0x1fd: {  	v6 =	vld [tilespmem:s24+$0x14480]  }
0x1fe: {  	s25 =	sor.u32 s6, s3  }
0x1ff: {  	v7 =	vld [tilespmem:s25+$0x80]  }
0x200: {  	v5 =	vmul.f32 v5, v4;
	_ =	sdelay $0x1  }
0x201: {  	v5 =	vadd.f32 v6, v5;
	_ =	sdelay $0x1  }
0x202: {  	v5 =	vadd.f32 v7, v5  }
0x203: {  	s26 =	sor.u32 $0x20, s22;
	s6 =	sor.u32 s6, s5  }
0x204: {  	s28 =	sor.u32 s8, s26;
	[tilespmem:s6+$0x300] =	vst v5  }
0x205: {  	v5 =	vld [tilespmem:s28+$0x14080];
	_ =	sdelay $0x1  }
0x206: {  	v6 =	vld [tilespmem:s28+$0x14480]  }
0x207: {  	s29 =	sor.u32 s26, s3  }
0x208: {  	v7 =	vld [tilespmem:s29+$0x80]  }
0x209: {  	v5 =	vmul.f32 v5, v4;
	_ =	sdelay $0x1  }
0x20a: {  	v5 =	vadd.f32 v6, v5;
	_ =	sdelay $0x1  }
0x20b: {  	v5 =	vadd.f32 v7, v5  }
0x20c: {  	s4 =	sor.u32 $0x30, s22;
	s30 =	sor.u32 s26, s5  }
0x20d: {  	s31 =	sor.u32 s8, s4;
	[tilespmem:s30+$0x300] =	vst v5  }
0x20e: {  	v5 =	vld [tilespmem:s31+$0x14080];
	_ =	sdelay $0x1  }
0x20f: {  	v6 =	vld [tilespmem:s31+$0x14480]  }
0x210: {  	s3 =	sor.u32 s4, s3  }
0x211: {  	v7 =	vld [tilespmem:s3+$0x80]  }
0x212: {  	v5 =	vmul.f32 v5, v4;
	_ =	sdelay $0x1  }
0x213: {  	v5 =	vadd.f32 v6, v5;
	_ =	sdelay $0x1  }
0x214: {  	s4 =	sor.u32 s4, s5;
	s3 =	simm.s32 $0x0;
	v5 =	vadd.f32 v7, v5  }
.LBB2_14:
0x215: {  	s3 =	sadd.s32 $0x4, s3  }
0x216: {  	s0 =	sadd.s32 $0x40, s0;
	s5 =	sshll.u32 s3, $0x7;
	p0 =	slt.u32 s3, $0x3C;
	[tilespmem:s4+$0x300] =	vst v5  }
0x217: {  	v5 =	vld [tilespmem:s0+$0x0];
	s4 =	sshra.s32 s5, $0x2;
	s6 =	sand.u32 $0x3FFFFC00, s5  }
0x218: {  	s1 =	sadd.s32 $0x40, s1;
	s2 =	sadd.s32 $0x40, s2;
	s4 =	sand.u32 $0xFFFFFF00, s4  }
0x219: {  	s5 =	sand.u32 $0x40, s1;
	v6 =	vld [tilespmem:s2+$0x0];
	s4 =	sadd.s32 $0x14880, s4  }
0x21a: {  	s8 =	sor.u32 $0x10, s5;
	s7 =	sor.u32 s5, s4  }
0x21b: {  	v7 =	vld [tilespmem:s7+$0x80];
	s7 =	sor.u32 s8, s4  }
0x21c: {  	v5 =	vmul.f32 v5, v4;
	_ =	sdelay $0x1  }
0x21d: {  	v5 =	vadd.f32 v6, v5;
	_ =	sdelay $0x1  }
0x21e: {  	s6 =	sadd.s32 $0x12000, s6;
	v5 =	vadd.f32 v7, v5  }
0x21f: {  	s10 =	sand.u32 $0x380, s1;
	s9 =	sor.u32 s5, s6;
	s11 =	sor.u32 s8, s6  }
0x220: {  	s8 =	sor.u32 s10, s8;
	[tilespmem:s9+$0x300] =	vst v5  }
0x221: {  	v5 =	vld [tilespmem:s8+$0x14080];
	_ =	sdelay $0x1  }
0x222: {  	v6 =	vld [tilespmem:s8+$0x14480];
	_ =	sdelay $0x1  }
0x223: {  	v7 =	vld [tilespmem:s7+$0x80]  }
0x224: {  	v5 =	vmul.f32 v5, v4;
	_ =	sdelay $0x1  }
0x225: {  	v5 =	vadd.f32 v6, v5;
	_ =	sdelay $0x1  }
0x226: {  	v5 =	vadd.f32 v7, v5  }
0x227: {  	s7 =	sor.u32 $0x20, s5  }
0x228: {  	s8 =	sor.u32 s10, s7;
	s9 =	sor.u32 s7, s4;
	s7 =	sor.u32 s7, s6;
	[tilespmem:s11+$0x300] =	vst v5  }
0x229: {  	v5 =	vld [tilespmem:s8+$0x14080];
	_ =	sdelay $0x1  }
0x22a: {  	v6 =	vld [tilespmem:s8+$0x14480];
	_ =	sdelay $0x1  }
0x22b: {  	v7 =	vld [tilespmem:s9+$0x80]  }
0x22c: {  	v5 =	vmul.f32 v5, v4;
	_ =	sdelay $0x1  }
0x22d: {  	v5 =	vadd.f32 v6, v5;
	_ =	sdelay $0x1  }
0x22e: {  	v5 =	vadd.f32 v7, v5  }
0x22f: {  	s5 =	sor.u32 $0x30, s5  }
0x230: {  	s8 =	sor.u32 s5, s4;
	s4 =	sor.u32 s5, s6;
	[tilespmem:s7+$0x300] =	vst v5;
	s7 =	sor.u32 s10, s5  }
0x231: {  	v5 =	vld [tilespmem:s7+$0x14080]  }
0x232: {  	v6 =	vld [tilespmem:s7+$0x14480]  }
0x233: {  	v7 =	vld [tilespmem:s8+$0x80];
	_ =	sdelay $0x2  }
.Ltmp6:
0x234: {  	v5 =	vmul.f32 v5, v4;
	(pc) =	sbr.rel @p0 .LBB2_14-.Ltmp6, $3  }
0x235: {  	_ = 	snop  }
0x236: {  	v5 =	vadd.f32 v6, v5;
	_ =	sdelay $0x1  }
0x237: {  	v5 =	vadd.f32 v7, v5  }
0x238: {  	_ = 	snop  }
0x239: {  	[tilespmem:s4+$0x300] =	vst v5  }
0x23a: {  	v4 =	vld [tilespmem:$0x14000]  }
0x23b: {  	s0 =	simm.s32 $0x14080  }
0x23c: {  	s2 =	simm.s32 $0x0;
	v5 =	vld [tilespmem:s0+$0x0]  }
0x23d: {  	s21 =	simm.s32 $0x0;
	s1 =	simm.s32 $0x14480;
	s2 =	sand.u32 $0xFFFFFF00, s2  }
0x23e: {  	s3 =	sand.u32 $0x40, s21;
	v6 =	vld [tilespmem:s1+$0x0];
	s2 =	sadd.s32 $0x14880, s2  }
0x23f: {  	s22 =	sor.u32 s3, s2;
	v4 =	vperm.xlane v4, v3  }
0x240: {  	v7 =	vld [tilespmem:s22+$0x80]  }
0x241: {  	v5 =	vmul.f32 v5, v4;
	_ =	sdelay $0x1  }
0x242: {  	s23 =	simm.s32 $0x0;
	v5 =	vadd.f32 v6, v5  }
0x243: {  	s4 =	sand.u32 $0x3FFFFC00, s23  }
0x244: {  	s4 =	sadd.s32 $0x12000, s4;
	v5 =	vadd.f32 v7, v5  }
0x245: {  	s7 =	sand.u32 $0x380, s21;
	s5 =	sor.u32 $0x10, s3;
	s6 =	sor.u32 s3, s4  }
0x246: {  	s24 =	sor.u32 s7, s5;
	[tilespmem:s6+$0x380] =	vst v5  }
0x247: {  	v5 =	vld [tilespmem:s24+$0x14080];
	_ =	sdelay $0x1  }
0x248: {  	v6 =	vld [tilespmem:s24+$0x14480]  }
0x249: {  	s25 =	sor.u32 s5, s2  }
0x24a: {  	v7 =	vld [tilespmem:s25+$0x80]  }
0x24b: {  	v5 =	vmul.f32 v5, v4;
	_ =	sdelay $0x1  }
0x24c: {  	v5 =	vadd.f32 v6, v5;
	_ =	sdelay $0x1  }
0x24d: {  	v5 =	vadd.f32 v7, v5  }
0x24e: {  	s26 =	sor.u32 $0x20, s3;
	s5 =	sor.u32 s5, s4  }
0x24f: {  	s28 =	sor.u32 s7, s26;
	[tilespmem:s5+$0x380] =	vst v5  }
0x250: {  	v5 =	vld [tilespmem:s28+$0x14080];
	_ =	sdelay $0x1  }
0x251: {  	v6 =	vld [tilespmem:s28+$0x14480]  }
0x252: {  	s29 =	sor.u32 s26, s2  }
0x253: {  	v7 =	vld [tilespmem:s29+$0x80]  }
0x254: {  	v5 =	vmul.f32 v5, v4;
	_ =	sdelay $0x1  }
0x255: {  	v5 =	vadd.f32 v6, v5;
	_ =	sdelay $0x1  }
0x256: {  	v5 =	vadd.f32 v7, v5  }
0x257: {  	s30 =	sor.u32 s26, s4;
	s3 =	sor.u32 $0x30, s3  }
0x258: {  	s31 =	sor.u32 s7, s3;
	[tilespmem:s30+$0x380] =	vst v5  }
0x259: {  	v5 =	vld [tilespmem:s31+$0x14080];
	_ =	sdelay $0x1  }
0x25a: {  	v6 =	vld [tilespmem:s31+$0x14480]  }
0x25b: {  	s2 =	sor.u32 s3, s2  }
0x25c: {  	v7 =	vld [tilespmem:s2+$0x80]  }
0x25d: {  	v5 =	vmul.f32 v5, v4;
	_ =	sdelay $0x1  }
0x25e: {  	v5 =	vadd.f32 v6, v5;
	_ =	sdelay $0x1  }
0x25f: {  	s4 =	sor.u32 s3, s4;
	s3 =	simm.s32 $0x0;
	s2 =	simm.s32 $0x0;
	v5 =	vadd.f32 v7, v5  }
.LBB2_16:
0x260: {  	s2 =	sadd.s32 $0x4, s2  }
0x261: {  	s0 =	sadd.s32 $0x40, s0;
	s5 =	sshll.u32 s2, $0x7;
	p0 =	slt.u32 s2, $0x3C;
	[tilespmem:s4+$0x380] =	vst v5  }
0x262: {  	v5 =	vld [tilespmem:s0+$0x0];
	s4 =	sshra.s32 s5, $0x2;
	s6 =	sand.u32 $0x3FFFFC00, s5  }
0x263: {  	s3 =	sadd.s32 $0x40, s3;
	s1 =	sadd.s32 $0x40, s1;
	s4 =	sand.u32 $0xFFFFFF00, s4  }
0x264: {  	s5 =	sand.u32 $0x40, s3;
	v6 =	vld [tilespmem:s1+$0x0];
	s4 =	sadd.s32 $0x14880, s4  }
0x265: {  	s8 =	sor.u32 $0x10, s5;
	s7 =	sor.u32 s5, s4  }
0x266: {  	v7 =	vld [tilespmem:s7+$0x80];
	s7 =	sor.u32 s8, s4  }
0x267: {  	v5 =	vmul.f32 v5, v4;
	_ =	sdelay $0x1  }
0x268: {  	v5 =	vadd.f32 v6, v5;
	_ =	sdelay $0x1  }
0x269: {  	s6 =	sadd.s32 $0x12000, s6;
	v5 =	vadd.f32 v7, v5  }
0x26a: {  	s10 =	sand.u32 $0x380, s3;
	s9 =	sor.u32 s5, s6;
	s11 =	sor.u32 s8, s6  }
0x26b: {  	s8 =	sor.u32 s10, s8;
	[tilespmem:s9+$0x380] =	vst v5  }
0x26c: {  	v5 =	vld [tilespmem:s8+$0x14080];
	_ =	sdelay $0x1  }
0x26d: {  	v6 =	vld [tilespmem:s8+$0x14480];
	_ =	sdelay $0x1  }
0x26e: {  	v7 =	vld [tilespmem:s7+$0x80]  }
0x26f: {  	v5 =	vmul.f32 v5, v4;
	_ =	sdelay $0x1  }
0x270: {  	v5 =	vadd.f32 v6, v5;
	_ =	sdelay $0x1  }
0x271: {  	v5 =	vadd.f32 v7, v5  }
0x272: {  	s7 =	sor.u32 $0x20, s5  }
0x273: {  	s8 =	sor.u32 s10, s7;
	s9 =	sor.u32 s7, s4;
	s7 =	sor.u32 s7, s6;
	[tilespmem:s11+$0x380] =	vst v5  }
0x274: {  	v5 =	vld [tilespmem:s8+$0x14080];
	_ =	sdelay $0x1  }
0x275: {  	v6 =	vld [tilespmem:s8+$0x14480];
	_ =	sdelay $0x1  }
0x276: {  	v7 =	vld [tilespmem:s9+$0x80]  }
0x277: {  	v5 =	vmul.f32 v5, v4;
	_ =	sdelay $0x1  }
0x278: {  	v5 =	vadd.f32 v6, v5;
	_ =	sdelay $0x1  }
0x279: {  	v5 =	vadd.f32 v7, v5  }
0x27a: {  	s5 =	sor.u32 $0x30, s5  }
0x27b: {  	s8 =	sor.u32 s5, s4;
	s4 =	sor.u32 s5, s6;
	[tilespmem:s7+$0x380] =	vst v5;
	s7 =	sor.u32 s10, s5  }
0x27c: {  	v5 =	vld [tilespmem:s7+$0x14080]  }
0x27d: {  	v6 =	vld [tilespmem:s7+$0x14480]  }
0x27e: {  	v7 =	vld [tilespmem:s8+$0x80];
	_ =	sdelay $0x2  }
.Ltmp7:
0x27f: {  	v5 =	vmul.f32 v5, v4;
	(pc) =	sbr.rel @p0 .LBB2_16-.Ltmp7, $3  }
0x280: {  	_ = 	snop  }
0x281: {  	v5 =	vadd.f32 v6, v5;
	_ =	sdelay $0x1  }
0x282: {  	v5 =	vadd.f32 v7, v5  }
0x283: {  	_ = 	snop  }
0x284: {  	[tilespmem:s4+$0x380] =	vst v5  }
.LBB2_18:
0x285: {  	s1 =	sld [smem:$0x7FA]  }
0x286: {  	s0 =	sshllo.u32 s21, $0x1  }
0x287: {  	[smem:$0x7F3] =	sst s0;
	s0 =	sshll.u32 s0, $0x2  }
0x288: {  	s0 =	sadd.s32 s1, s0  }
0x289: {  	s1 =	sshll.u32 s0, $0x9  }
0x28a: {  	s2 =	simm.s32 $0x4000;
	s1 =	sand.u32 $0x1FFFF800, s1  }
0x28b: {  	s0 =	sshll.u32 s0, $0x7;
	s1 =	sadd.s32 s18, s1;
	s18 =	sld [smem:$0x7F9]  }
0x28c: {  	s20 =	simm.s32 $0x400;
	s3 =	simm.s32 $0x11000;
	s0 =	sand.u32 $0x1FFFFC00, s0  }
0x28d: {  	[tilespmem:s2], [sflag:$0x2] =	stream.linear.gather [hbm4b:s1+s19], $0x4000, $0x38;
	[tilespmem:$0x15180] =	vst v63  }
0x28e: {  	s22 =	simm.s32 $0x1;
	s19 =	simm.s32 $0x200;
	s0 =	sadd.s32 s0, s18  }
0x28f: {  	[tilespmem:s3], [sflag:$0x4] =	stream.strided.gather [hbm4b:s0+s19], $0x1000, s20, s19, $0x38;
	[tilespmem:$0x15180] =	vst v63  }
0x290: {  	_ =	swait.ge [sflag:s22], $0x4000  }
0x291: {  	[sflag:s22] =	ssyncset.done $0x0  }
0x292: {  	s23 =	simm.s32 $0x3;
	[sflag:s22] =	ssyncadd.s32 $0xFFFFC000  }
0x293: {  	_ =	swait.ge [sflag:s23], $0x1000  }
0x294: {  	p0 =	seq.s32 s21, $0x0;
	[sflag:s23] =	ssyncset.done $0x0  }
0x295: {  	s0 =	simm.s32 @!p0 $0x5;
	[sflag:s23] =	ssyncadd.s32 $0xFFFFF000  }
0x296: {  	_ =	swait.ge @!p0 [sflag:s0], $0x4000  }
0x297: {  	s24 =	sshll.u32 s21, $0x5;
	[sflag:s0] =	ssyncset.done @!p0 $0x0  }
0x298: {  	s25 =	sand.u32 $0x3FFFFFE0, s24;
	[sflag:s0] =	ssyncadd.s32 @!p0 $0xFFFFC000  }
0x299: {  	v4 =	vld [tilespmem:s25+$0x15080];
	_ =	sdelay $0x4  }
0x29a: {  	(v2sf) =	vpush v4, $0x0  }
0x29b: {  	(v2sf) =	vpush v4, $0x1  }
0x29c: {  	(v2sf) =	vpush v4, $0x2;
	_ =	sdelay $0x1  }
0x29d: {  	(v2sf) =	vpush v4, $0x3;
	_ =	sdelay $0x1  }
0x29e: {  	(v2sf) =	vpush v4, $0x4;
	_ =	sdelay $0x1  }
0x29f: {  	(v2sf) =	vpush v4, $0x5;
	_ =	sdelay $0x2  }
0x2a0: {  	(v2sf) =	vpush v4, $0x6;
	_ =	sdelay $0x1  }
0x2a1: {  	(v2sf) =	vpush v4, $0x7;
	_ =	sdelay $0x1  }
0x2a2: {  	s4 =	spop (v2sf)  }
0x2a3: {  	[smem:$0x7F4] =	sst s21;
	(v2sf) =	vpush v4, $0x8;
	s7 =	spop (v2sf)  }
0x2a4: {  	s9 =	sshll.u32 s4, $0x9;
	s4 =	sshll.u32 s4, $0xC;
	s8 =	spop (v2sf)  }
0x2a5: {  	s17 =	sshll.u32 s7, $0x9;
	s9 =	sand.u32 $0x200, s9;
	s4 =	sand.u32 $0xFFFFE000, s4  }
0x2a6: {  	(v2sf) =	vpush v4, $0x9;
	s7 =	sshll.u32 s7, $0xC;
	s13 =	spop (v2sf);
	s18 =	sshll.u32 s8, $0x9  }
0x2a7: {  	s4 =	sor.u32 s9, s4;
	s26 =	sand.u32 $0x200, s17;
	s7 =	sand.u32 $0xFFFFE000, s7  }
0x2a8: {  	(v2sf) =	vpush v4, $0xA;
	s8 =	sshll.u32 s8, $0xC;
	s14 =	spop (v2sf);
	s19 =	sshll.u32 s13, $0x9  }
0x2a9: {  	(v2sf) =	vpush v4, $0xB;
	s17 =	sor.u32 s26, s7;
	s4 =	sadd.s32 $0x12000, s4;
	s18 =	sand.u32 $0x200, s18  }
0x2aa: {  	(v2sf) =	vpush v4, $0xC;
	s8 =	sand.u32 $0xFFFFE000, s8;
	s13 =	sshll.u32 s13, $0xC;
	s15 =	spop (v2sf)  }
0x2ab: {  	(v2sf) =	vpush v4, $0xD;
	s20 =	sshll.u32 s14, $0x9;
	[dreg:$0x9] =	wrdreg s4;
	s17 =	sadd.s32 $0x12000, s17  }
0x2ac: {  	(v2sf) =	vpush v4, $0xE;
	s19 =	sand.u32 $0x200, s19;
	s13 =	sand.u32 $0xFFFFE000, s13;
	s14 =	sshll.u32 s14, $0xC  }
0x2ad: {  	s16 =	spop (v2sf);
	s21 =	sshll.u32 s15, $0x9;
	[dreg:$0xa] =	wrdreg s17  }
0x2ae: {  	s17 =	sor.u32 s18, s8;
	s13 =	sor.u32 s19, s13;
	s20 =	sand.u32 $0x200, s20  }
0x2af: {  	s14 =	sand.u32 $0xFFFFE000, s14;
	s15 =	sshll.u32 s15, $0xC;
	s12 =	spop (v2sf)  }
0x2b0: {  	s22 =	sshll.u32 s16, $0x9;
	s17 =	sadd.s32 $0x12000, s17;
	s13 =	sadd.s32 $0x12000, s13  }
0x2b1: {  	s14 =	sor.u32 s20, s14;
	s26 =	sand.u32 $0x200, s21;
	s15 =	sand.u32 $0xFFFFE000, s15  }
0x2b2: {  	s20 =	sshll.u32 s16, $0xC;
	s6 =	spop (v2sf);
	[dreg:$0xb] =	wrdreg s17  }
0x2b3: {  	s23 =	sshll.u32 s12, $0x9;
	[dreg:$0xc] =	wrdreg s13;
	s14 =	sadd.s32 $0x12000, s14  }
0x2b4: {  	s18 =	sor.u32 s26, s15;
	s21 =	sand.u32 $0x200, s22;
	s12 =	sshll.u32 s12, $0xC  }
0x2b5: {  	s5 =	spop (v2sf);
	s24 =	sshll.u32 s6, $0x9;
	[dreg:$0xd] =	wrdreg s14  }
0x2b6: {  	s19 =	sadd.s32 $0x12000, s18;
	s14 =	sand.u32 $0xFFFFE000, s20;
	s22 =	sand.u32 $0x200, s23  }
0x2b7: {  	s12 =	sand.u32 $0xFFFFE000, s12;
	s6 =	sshll.u32 s6, $0xC;
	s3 =	spop (v2sf)  }
0x2b8: {  	s25 =	sshll.u32 s5, $0x9;
	s14 =	sor.u32 s21, s14;
	s2 =	spop (v2sf)  }
0x2b9: {  	[dreg:$0xe] =	wrdreg s19;
	s12 =	sor.u32 s22, s12;
	s1 =	spop (v2sf)  }
0x2ba: {  	s24 =	sand.u32 $0x200, s24;
	s6 =	sand.u32 $0xFFFFE000, s6;
	s0 =	spop (v2sf)  }
0x2bb: {  	s5 =	sshll.u32 s5, $0xC;
	s21 =	simm.s32 $0x0;
	s4 =	spop (v2sf);
	(v2sf) =	vpush v4, $0xF  }
0x2bc: {  	s22 =	simm.s32 $0x0;
	s11 =	sshll.u32 s3, $0x9;
	s23 =	sadd.s32 $0x12000, s14  }
0x2bd: {  	s12 =	sadd.s32 $0x12000, s12;
	s6 =	sor.u32 s24, s6;
	s26 =	sand.u32 $0x200, s25  }
0x2be: {  	s5 =	sand.u32 $0xFFFFE000, s5;
	s3 =	sshll.u32 s3, $0xC;
	[dreg:$0xf] =	wrdreg s23  }
0x2bf: {  	s30 =	sand.u32 $0x40, s21;
	s10 =	sshll.u32 s2, $0x9;
	[dreg:$0x10] =	wrdreg s12  }
0x2c0: {  	s6 =	sadd.s32 $0x12000, s6;
	s5 =	sor.u32 s26, s5;
	s13 =	sand.u32 $0x200, s11  }
0x2c1: {  	s3 =	sand.u32 $0xFFFFE000, s3;
	s2 =	sshll.u32 s2, $0xC;
	s9 =	sshll.u32 s1, $0x9  }
0x2c2: {  	[dreg:$0x11] =	wrdreg s6;
	s5 =	sadd.s32 $0x12000, s5;
	s3 =	sor.u32 s13, s3  }
0x2c3: {  	s14 =	sand.u32 $0x200, s10;
	s2 =	sand.u32 $0xFFFFE000, s2;
	s1 =	sshll.u32 s1, $0xC  }
0x2c4: {  	s7 =	sshll.u32 s0, $0x9;
	[dreg:$0x12] =	wrdreg s5;
	s3 =	sadd.s32 $0x12000, s3  }
0x2c5: {  	s2 =	sor.u32 s14, s2;
	s15 =	sand.u32 $0x200, s9;
	s1 =	sand.u32 $0xFFFFE000, s1  }
0x2c6: {  	s0 =	sshll.u32 s0, $0xC;
	s2 =	sadd.s32 $0x12000, s2;
	s1 =	sor.u32 s15, s1  }
0x2c7: {  	s16 =	sand.u32 $0x200, s7;
	s0 =	sand.u32 $0xFFFFE000, s0;
	s8 =	sshll.u32 s4, $0x9  }
0x2c8: {  	[dreg:$0x14] =	wrdreg s2;
	s1 =	sadd.s32 $0x12000, s1;
	s0 =	sor.u32 s16, s0  }
0x2c9: {  	s19 =	sshll.u32 s4, $0xC;
	[dreg:$0x15] =	wrdreg s1;
	s0 =	sadd.s32 $0x12000, s0  }
0x2ca: {  	s20 =	sand.u32 $0x200, s8;
	[dreg:$0x16] =	wrdreg s0;
	s17 =	spop (v2sf)  }
0x2cb: {  	s0 =	sand.u32 $0xFFFFE000, s19;
	s18 =	sshll.u32 s17, $0x9;
	s2 =	sshll.u32 s17, $0xC  }
0x2cc: {  	s0 =	sor.u32 s20, s0;
	s1 =	sand.u32 $0x200, s18;
	s2 =	sand.u32 $0xFFFFE000, s2  }
0x2cd: {  	[dreg:$0x13] =	wrdreg s3;
	s0 =	sadd.s32 $0x12000, s0;
	s1 =	sor.u32 s1, s2  }
0x2ce: {  	[dreg:$0x17] =	wrdreg s0;
	s0 =	sor.u32 $0x30, s30;
	s1 =	sadd.s32 $0x12000, s1  }
0x2cf: {  	[dreg:$0x18] =	wrdreg s1;
	s1 =	sor.u32 s22, s0  }
0x2d0: {  	s23 =	rddreg [dreg:$0x9];
	v4 =	vld [tilespmem:s1+$0x10000]  }
0x2d1: {  	s3 =	sadd.s32 $0x0, s23;
	v5 =	vld [tilespmem:s1+$0x0]  }
0x2d2: {  	s24 =	sadd.s32 s0, s3  }
0x2d3: {  	v6 =	vld [tilespmem:s24+$0x0]  }
0x2d4: {  	s8 =	sor.u32 s30, s22  }
0x2d5: {  	s29 =	sor.u32 $0x10, s30;
	v7 =	vld [tilespmem:s8+$0x10000]  }
0x2d6: {  	s15 =	sor.u32 s22, s29;
	v8 =	vld [tilespmem:s8+$0x0];
	v5 =	vadd.f32 v5, v4  }
0x2d7: {  	s25 =	rddreg [dreg:$0xa];
	v9 =	vld [tilespmem:s15+$0x10000]  }
0x2d8: {  	s6 =	sor.u32 $0x20, s30;
	s4 =	sadd.s32 $0x0, s25;
	v10 =	vld [tilespmem:s15+$0x0];
	v5 =	vadd.f32 v6, v5  }
0x2d9: {  	s26 =	sadd.s32 $0x80, s4;
	s17 =	sor.u32 s22, s6;
	v6 =	vld [tilespmem:s1+$0x80]  }
0x2da: {  	s4 =	sadd.s32 s0, s26;
	v11 =	vld [tilespmem:s17+$0x10000];
	[tilespmem:s1+$0x8000] =	vst v5  }
0x2db: {  	s7 =	sadd.s32 s30, s3;
	v5 =	vld [tilespmem:s4+$0x0]  }
0x2dc: {  	s9 =	sadd.s32 s29, s3;
	v12 =	vld [tilespmem:s7+$0x0]  }
0x2dd: {  	v13 =	vld [tilespmem:s9+$0x0]  }
0x2de: {  	v14 =	vld [tilespmem:s17+$0x0];
	v6 =	vadd.f32 v6, v4  }
0x2df: {  	s3 =	sadd.s32 s6, s3;
	v8 =	vadd.f32 v8, v7;
	s10 =	rddreg [dreg:$0xb]  }
0x2e0: {  	v15 =	vld [tilespmem:s3+$0x0];
	v10 =	vadd.f32 v10, v9;
	s11 =	sadd.s32 $0x0, s10;
	v5 =	vadd.f32 v5, v6  }
0x2e1: {  	s3 =	sadd.s32 $0x100, s11;
	v6 =	vadd.f32 v12, v8;
	v8 =	vld [tilespmem:s1+$0x100]  }
0x2e2: {  	v10 =	vadd.f32 v13, v10;
	v13 =	vld [tilespmem:s8+$0x80];
	s12 =	sadd.s32 s0, s3;
	[tilespmem:s1+$0x8080] =	vst v5  }
0x2e3: {  	v5 =	vadd.f32 v14, v11;
	[tilespmem:s8+$0x8000] =	vst v6;
	v6 =	vld [tilespmem:s12+$0x0]  }
0x2e4: {  	[tilespmem:s15+$0x8000] =	vst v10;
	v10 =	vld [tilespmem:s17+$0x80]  }
0x2e5: {  	s13 =	sadd.s32 s30, s26;
	v12 =	vld [tilespmem:s15+$0x80];
	v5 =	vadd.f32 v15, v5  }
0x2e6: {  	s16 =	sadd.s32 s29, s26;
	v14 =	vld [tilespmem:s13+$0x0];
	v8 =	vadd.f32 v8, v4  }
0x2e7: {  	s2 =	sadd.s32 s6, s26;
	s14 =	rddreg [dreg:$0xc];
	v15 =	vld [tilespmem:s16+$0x0];
	[tilespmem:s17+$0x8000] =	vst v5  }
0x2e8: {  	s18 =	sadd.s32 $0x0, s14;
	v5 =	vld [tilespmem:s2+$0x0];
	v6 =	vadd.f32 v6, v8  }
0x2e9: {  	s2 =	sadd.s32 $0x180, s18;
	v8 =	vadd.f32 v13, v7;
	v13 =	vld [tilespmem:s1+$0x180]  }
0x2ea: {  	v16 =	vld [tilespmem:s8+$0x100];
	v12 =	vadd.f32 v12, v9;
	s19 =	sadd.s32 s0, s2;
	[tilespmem:s1+$0x8100] =	vst v6  }
0x2eb: {  	v6 =	vadd.f32 v10, v11;
	v8 =	vadd.f32 v14, v8;
	v10 =	vld [tilespmem:s19+$0x0]  }
0x2ec: {  	v12 =	vadd.f32 v15, v12;
	v15 =	vld [tilespmem:s17+$0x100]  }
0x2ed: {  	s20 =	sadd.s32 s30, s3;
	v14 =	vld [tilespmem:s15+$0x100];
	[tilespmem:s8+$0x8080] =	vst v8  }
0x2ee: {  	v5 =	vadd.f32 v5, v6;
	v6 =	vld [tilespmem:s20+$0x0];
	v4 =	vadd.f32 v13, v4  }
0x2ef: {  	s21 =	sadd.s32 s29, s3;
	[tilespmem:s15+$0x8080] =	vst v12;
	v12 =	vld [tilespmem:s8+$0x180]  }
0x2f0: {  	s3 =	sadd.s32 s6, s3;
	v8 =	vld [tilespmem:s21+$0x0];
	[tilespmem:s17+$0x8080] =	vst v5;
	v4 =	vadd.f32 v10, v4  }
0x2f1: {  	v5 =	vld [tilespmem:s3+$0x0];
	v10 =	vadd.f32 v16, v7  }
0x2f2: {  	s23 =	sor.u32 $0x1000, s1;
	v13 =	vld [tilespmem:s1+$0x10080];
	s22 =	rddreg [dreg:$0xd];
	[tilespmem:s1+$0x8180] =	vst v4  }
0x2f3: {  	s3 =	sadd.s32 $0x0, s22;
	v4 =	vadd.f32 v14, v9;
	v6 =	vadd.f32 v6, v10;
	v10 =	vld [tilespmem:s23+$0x0]  }
0x2f4: {  	s24 =	sadd.s32 s0, s3;
	v14 =	vadd.f32 v15, v11;
	v15 =	vld [tilespmem:s15+$0x180]  }
0x2f5: {  	s25 =	sadd.s32 s30, s2;
	v4 =	vadd.f32 v8, v4;
	[tilespmem:s8+$0x8100] =	vst v6;
	v6 =	vld [tilespmem:s24+$0x0]  }
0x2f6: {  	v5 =	vadd.f32 v5, v14;
	v8 =	vld [tilespmem:s25+$0x0]  }
0x2f7: {  	s26 =	sadd.s32 s29, s2;
	v14 =	vld [tilespmem:s17+$0x180];
	[tilespmem:s15+$0x8100] =	vst v4  }
0x2f8: {  	s2 =	sadd.s32 s6, s2;
	[tilespmem:s17+$0x8100] =	vst v5;
	v4 =	vld [tilespmem:s26+$0x0];
	v5 =	vadd.f32 v10, v13  }
0x2f9: {  	v7 =	vadd.f32 v12, v7;
	v12 =	vld [tilespmem:s2+$0x0]  }
0x2fa: {  	v15 =	vadd.f32 v15, v9;
	v9 =	vld [tilespmem:s15+$0x10080];
	v5 =	vadd.f32 v6, v5  }
0x2fb: {  	s4 =	rddreg [dreg:$0xe];
	v10 =	vld [tilespmem:s8+$0x10080];
	v7 =	vadd.f32 v8, v7  }
0x2fc: {  	s5 =	sor.u32 $0x1080, s1;
	s2 =	sadd.s32 $0x0, s4;
	v6 =	vld [tilespmem:s17+$0x10080];
	[tilespmem:s1+$0x9000] =	vst v5  }
0x2fd: {  	s7 =	sor.u32 $0x1000, s8;
	s2 =	sadd.s32 $0x80, s2;
	v8 =	vadd.f32 v14, v11;
	[tilespmem:s8+$0x8180] =	vst v7;
	v4 =	vadd.f32 v4, v15;
	v5 =	vld [tilespmem:s5+$0x0]  }
0x2fe: {  	s9 =	sadd.s32 s0, s2;
	v7 =	vld [tilespmem:s7+$0x0]  }
0x2ff: {  	s12 =	sadd.s32 s30, s3;
	v8 =	vadd.f32 v12, v8;
	[tilespmem:s15+$0x8180] =	vst v4;
	v4 =	vld [tilespmem:s9+$0x0]  }
0x300: {  	s10 =	sor.u32 $0x1000, s15;
	v12 =	vld [tilespmem:s12+$0x0]  }
0x301: {  	s11 =	sor.u32 $0x1000, s17;
	[tilespmem:s17+$0x8180] =	vst v8;
	v11 =	vld [tilespmem:s10+$0x0]  }
0x302: {  	s13 =	sadd.s32 s29, s3;
	v8 =	vld [tilespmem:s11+$0x0];
	v5 =	vadd.f32 v5, v13  }
0x303: {  	s3 =	sadd.s32 s6, s3;
	v14 =	vld [tilespmem:s13+$0x0]  }
0x304: {  	v15 =	vld [tilespmem:s3+$0x0];
	v16 =	vadd.f32 v4, v5  }
0x305: {  	s14 =	rddreg [dreg:$0xf];
	v7 =	vadd.f32 v7, v10  }
0x306: {  	s18 =	sor.u32 $0x1100, s1;
	s16 =	sadd.s32 $0x0, s14;
	v11 =	vadd.f32 v11, v9;
	[tilespmem:s1+$0x9080] =	vst v16  }
0x307: {  	s4 =	sadd.s32 $0x100, s16;
	v8 =	vadd.f32 v8, v6;
	v12 =	vadd.f32 v12, v7;
	v16 =	vld [tilespmem:s18+$0x0]  }
0x308: {  	s3 =	sadd.s32 s0, s4;
	v11 =	vadd.f32 v14, v11  }
0x309: {  	s19 =	sor.u32 $0x1080, s8;
	[tilespmem:s8+$0x9000] =	vst v12;
	v8 =	vadd.f32 v15, v8;
	v12 =	vld [tilespmem:s3+$0x0]  }
0x30a: {  	s20 =	sor.u32 $0x1080, s15;
	[tilespmem:s15+$0x9000] =	vst v11;
	v11 =	vld [tilespmem:s19+$0x0]  }
0x30b: {  	s21 =	sor.u32 $0x1080, s17;
	[tilespmem:s17+$0x9000] =	vst v8;
	v8 =	vld [tilespmem:s20+$0x0]  }
0x30c: {  	s22 =	sadd.s32 s30, s2;
	v14 =	vld [tilespmem:s21+$0x0];
	v15 =	vadd.f32 v16, v13  }
0x30d: {  	s23 =	sadd.s32 s29, s2;
	v16 =	vld [tilespmem:s22+$0x0]  }
0x30e: {  	v17 =	vld [tilespmem:s23+$0x0];
	v12 =	vadd.f32 v12, v15  }
0x30f: {  	s2 =	sadd.s32 s6, s2;
	s24 =	rddreg [dreg:$0x10]  }
0x310: {  	s26 =	sor.u32 $0x1180, s1;
	s25 =	sadd.s32 $0x0, s24;
	v11 =	vadd.f32 v11, v10;
	v15 =	vld [tilespmem:s2+$0x0];
	[tilespmem:s1+$0x9100] =	vst v12  }
0x311: {  	s3 =	sadd.s32 $0x180, s25;
	v8 =	vadd.f32 v8, v9;
	v12 =	vld [tilespmem:s26+$0x0]  }
0x312: {  	s2 =	sadd.s32 s0, s3;
	v11 =	vadd.f32 v16, v11  }
0x313: {  	v14 =	vadd.f32 v14, v6;
	v16 =	vadd.f32 v17, v8;
	v17 =	vld [tilespmem:s2+$0x0]  }
0x314: {  	s7 =	sor.u32 $0x1100, s8;
	[tilespmem:s8+$0x9080] =	vst v11  }
0x315: {  	s9 =	sor.u32 $0x1100, s15;
	v11 =	vadd.f32 v15, v14;
	[tilespmem:s15+$0x9080] =	vst v16;
	v14 =	vld [tilespmem:s7+$0x0]  }
0x316: {  	v15 =	vld [tilespmem:s9+$0x0];
	v12 =	vadd.f32 v12, v13  }
0x317: {  	s10 =	sadd.s32 s30, s4  }
0x318: {  	s11 =	sadd.s32 s29, s4;
	[tilespmem:s17+$0x9080] =	vst v11;
	v11 =	vld [tilespmem:s10+$0x0];
	v12 =	vadd.f32 v17, v12  }
0x319: {  	v13 =	vld [tilespmem:s11+$0x0]  }
0x31a: {  	s13 =	sor.u32 $0x2000, s1;
	v16 =	vld [tilespmem:s1+$0x10100];
	s12 =	rddreg [dreg:$0x11];
	[tilespmem:s1+$0x9180] =	vst v12  }
0x31b: {  	s14 =	sor.u32 $0x1100, s17;
	s2 =	sadd.s32 $0x0, s12;
	v14 =	vadd.f32 v14, v10;
	v12 =	vadd.f32 v15, v9;
	v15 =	vld [tilespmem:s13+$0x0]  }
0x31c: {  	v17 =	vld [tilespmem:s14+$0x0];
	s16 =	sadd.s32 s0, s2  }
0x31d: {  	s4 =	sadd.s32 s6, s4;
	v11 =	vadd.f32 v11, v14;
	v14 =	vld [tilespmem:s16+$0x0]  }
0x31e: {  	v12 =	vadd.f32 v13, v12;
	v13 =	vld [tilespmem:s4+$0x0]  }
0x31f: {  	s18 =	sor.u32 $0x1180, s8;
	[tilespmem:s8+$0x9100] =	vst v11  }
0x320: {  	s19 =	sor.u32 $0x1180, s15;
	v18 =	vld [tilespmem:s18+$0x0];
	[tilespmem:s15+$0x9100] =	vst v12;
	v11 =	vadd.f32 v15, v16  }
0x321: {  	s20 =	sadd.s32 s30, s3;
	v12 =	vld [tilespmem:s19+$0x0];
	v15 =	vadd.f32 v17, v6  }
0x322: {  	s21 =	sadd.s32 s29, s3;
	v17 =	vld [tilespmem:s20+$0x0];
	v14 =	vadd.f32 v14, v11  }
0x323: {  	s22 =	rddreg [dreg:$0x12];
	v19 =	vld [tilespmem:s21+$0x0];
	v13 =	vadd.f32 v13, v15  }
0x324: {  	v5 =	vld [tilespmem:s15+$0x10100];
	s24 =	sor.u32 $0x2080, s1;
	s23 =	sadd.s32 $0x0, s22;
	[tilespmem:s1+$0xA000] =	vst v14  }
0x325: {  	s25 =	sor.u32 $0x1180, s17;
	s4 =	sadd.s32 $0x80, s23;
	v10 =	vadd.f32 v18, v10;
	[tilespmem:s17+$0x9100] =	vst v13;
	v13 =	vld [tilespmem:s24+$0x0]  }
0x326: {  	s26 =	sadd.s32 s0, s4;
	v9 =	vadd.f32 v12, v9;
	v12 =	vld [tilespmem:s25+$0x0]  }
0x327: {  	s3 =	sadd.s32 s6, s3;
	v10 =	vadd.f32 v17, v10;
	v14 =	vld [tilespmem:s26+$0x0]  }
0x328: {  	v15 =	vld [tilespmem:s3+$0x0];
	v9 =	vadd.f32 v19, v9  }
0x329: {  	s7 =	sor.u32 $0x2000, s8;
	v11 =	vld [tilespmem:s8+$0x10100];
	[tilespmem:s8+$0x9180] =	vst v10  }
0x32a: {  	s9 =	sor.u32 $0x2000, s15;
	v10 =	vld [tilespmem:s7+$0x0];
	[tilespmem:s15+$0x9180] =	vst v9;
	v9 =	vadd.f32 v13, v16  }
0x32b: {  	s10 =	sadd.s32 s30, s2;
	v13 =	vld [tilespmem:s9+$0x0];
	v6 =	vadd.f32 v12, v6  }
0x32c: {  	s11 =	sadd.s32 s29, s2;
	v12 =	vld [tilespmem:s10+$0x0];
	v9 =	vadd.f32 v14, v9  }
0x32d: {  	s12 =	rddreg [dreg:$0x13];
	v14 =	vld [tilespmem:s11+$0x0];
	v6 =	vadd.f32 v15, v6  }
0x32e: {  	v4 =	vld [tilespmem:s17+$0x10100];
	s14 =	sor.u32 $0x2100, s1;
	s13 =	sadd.s32 $0x0, s12;
	[tilespmem:s1+$0xA080] =	vst v9  }
0x32f: {  	s16 =	sor.u32 $0x2000, s17;
	s5 =	sadd.s32 $0x100, s13;
	v9 =	vadd.f32 v10, v11;
	[tilespmem:s17+$0x9180] =	vst v6;
	v6 =	vld [tilespmem:s14+$0x0]  }
0x330: {  	s3 =	sadd.s32 s0, s5;
	v10 =	vadd.f32 v13, v5;
	v13 =	vld [tilespmem:s16+$0x0]  }
0x331: {  	s2 =	sadd.s32 s6, s2;
	v9 =	vadd.f32 v12, v9;
	v12 =	vld [tilespmem:s3+$0x0]  }
0x332: {  	v10 =	vadd.f32 v14, v10;
	v14 =	vld [tilespmem:s2+$0x0]  }
0x333: {  	s18 =	sor.u32 $0x2080, s8;
	[tilespmem:s8+$0xA000] =	vst v9  }
0x334: {  	s19 =	sor.u32 $0x2080, s15;
	v9 =	vld [tilespmem:s18+$0x0];
	[tilespmem:s15+$0xA000] =	vst v10;
	v6 =	vadd.f32 v6, v16  }
0x335: {  	s20 =	sadd.s32 s30, s4;
	v10 =	vld [tilespmem:s19+$0x0];
	v13 =	vadd.f32 v13, v4  }
0x336: {  	s21 =	sadd.s32 s29, s4;
	v15 =	vld [tilespmem:s20+$0x0];
	v6 =	vadd.f32 v12, v6  }
0x337: {  	s22 =	rddreg [dreg:$0x14];
	v12 =	vld [tilespmem:s21+$0x0];
	v13 =	vadd.f32 v14, v13  }
0x338: {  	s24 =	sor.u32 $0x2180, s1;
	s23 =	sadd.s32 $0x0, s22;
	[tilespmem:s1+$0xA100] =	vst v6  }
0x339: {  	s25 =	sor.u32 $0x2080, s17;
	s26 =	sadd.s32 $0x180, s23;
	v6 =	vadd.f32 v9, v11;
	[tilespmem:s17+$0xA000] =	vst v13;
	v9 =	vld [tilespmem:s24+$0x0]  }
0x33a: {  	s2 =	sadd.s32 s0, s26;
	v10 =	vadd.f32 v10, v5;
	v13 =	vld [tilespmem:s25+$0x0]  }
0x33b: {  	s4 =	sadd.s32 s6, s4;
	v14 =	vld [tilespmem:s2+$0x0];
	v6 =	vadd.f32 v15, v6  }
0x33c: {  	v10 =	vadd.f32 v12, v10;
	v12 =	vld [tilespmem:s4+$0x0]  }
0x33d: {  	s7 =	sor.u32 $0x2100, s8;
	[tilespmem:s8+$0xA080] =	vst v6  }
0x33e: {  	s9 =	sor.u32 $0x2100, s15;
	v6 =	vld [tilespmem:s7+$0x0];
	[tilespmem:s15+$0xA080] =	vst v10;
	v9 =	vadd.f32 v9, v16  }
0x33f: {  	s10 =	sadd.s32 s30, s5;
	v10 =	vld [tilespmem:s9+$0x0];
	v13 =	vadd.f32 v13, v4  }
0x340: {  	s11 =	sadd.s32 s29, s5;
	v15 =	vld [tilespmem:s10+$0x0];
	v14 =	vadd.f32 v14, v9  }
0x341: {  	v16 =	vld [tilespmem:s11+$0x0];
	v12 =	vadd.f32 v12, v13  }
0x342: {  	s13 =	sor.u32 $0x3000, s1;
	s12 =	rddreg [dreg:$0x15];
	v9 =	vld [tilespmem:s1+$0x10180];
	[tilespmem:s1+$0xA180] =	vst v14  }
0x343: {  	s14 =	sor.u32 $0x2100, s17;
	s2 =	sadd.s32 $0x0, s12;
	v6 =	vadd.f32 v6, v11;
	[tilespmem:s17+$0xA080] =	vst v12;
	v12 =	vld [tilespmem:s13+$0x0]  }
0x344: {  	s16 =	sadd.s32 s0, s2;
	v10 =	vadd.f32 v10, v5;
	v13 =	vld [tilespmem:s14+$0x0]  }
0x345: {  	s5 =	sadd.s32 s6, s5;
	v14 =	vld [tilespmem:s16+$0x0];
	v6 =	vadd.f32 v15, v6  }
0x346: {  	v15 =	vld [tilespmem:s5+$0x0];
	v10 =	vadd.f32 v16, v10  }
0x347: {  	s18 =	sor.u32 $0x2180, s8;
	[tilespmem:s8+$0xA100] =	vst v6  }
0x348: {  	s19 =	sor.u32 $0x2180, s15;
	v6 =	vld [tilespmem:s18+$0x0];
	[tilespmem:s15+$0xA100] =	vst v10;
	v10 =	vadd.f32 v12, v9  }
0x349: {  	s20 =	sadd.s32 s30, s26;
	v12 =	vld [tilespmem:s19+$0x0];
	v13 =	vadd.f32 v13, v4  }
0x34a: {  	s22 =	sadd.s32 s29, s26;
	v16 =	vld [tilespmem:s20+$0x0];
	v14 =	vadd.f32 v14, v10  }
0x34b: {  	s21 =	rddreg [dreg:$0x16];
	v17 =	vld [tilespmem:s22+$0x0];
	v13 =	vadd.f32 v15, v13  }
0x34c: {  	v7 =	vld [tilespmem:s15+$0x10180];
	s24 =	sor.u32 $0x3080, s1;
	s23 =	sadd.s32 $0x0, s21;
	[tilespmem:s1+$0xB000] =	vst v14  }
0x34d: {  	s25 =	sor.u32 $0x2180, s17;
	s5 =	sadd.s32 $0x80, s23;
	v6 =	vadd.f32 v6, v11;
	[tilespmem:s17+$0xA100] =	vst v13;
	v11 =	vld [tilespmem:s24+$0x0]  }
0x34e: {  	s4 =	sadd.s32 s0, s5;
	v5 =	vadd.f32 v12, v5;
	v12 =	vld [tilespmem:s25+$0x0]  }
0x34f: {  	s3 =	sadd.s32 s6, s26;
	v13 =	vld [tilespmem:s4+$0x0];
	v6 =	vadd.f32 v16, v6  }
0x350: {  	v14 =	vld [tilespmem:s3+$0x0];
	v5 =	vadd.f32 v17, v5  }
0x351: {  	v8 =	vld [tilespmem:s17+$0x10180];
	[tilespmem:s8+$0xA180] =	vst v6  }
0x352: {  	s26 =	sor.u32 $0x3000, s8;
	v10 =	vld [tilespmem:s8+$0x10180];
	[tilespmem:s15+$0xA180] =	vst v5;
	v5 =	vadd.f32 v11, v9  }
0x353: {  	s7 =	sadd.s32 s30, s2;
	v6 =	vld [tilespmem:s26+$0x0];
	v4 =	vadd.f32 v12, v4  }
0x354: {  	s9 =	sor.u32 $0x3000, s15;
	v11 =	vld [tilespmem:s7+$0x0];
	v5 =	vadd.f32 v13, v5  }
0x355: {  	s11 =	sadd.s32 s29, s2;
	s10 =	rddreg [dreg:$0x17];
	v12 =	vld [tilespmem:s9+$0x0];
	v4 =	vadd.f32 v14, v4  }
0x356: {  	s13 =	sor.u32 $0x3100, s1;
	s18 =	simm.s32 $0x40;
	s12 =	sadd.s32 $0x0, s10;
	v13 =	vld [tilespmem:s11+$0x0];
	[tilespmem:s1+$0xB080] =	vst v5  }
0x357: {  	s14 =	sor.u32 $0x3000, s17;
	s4 =	sadd.s32 $0x100, s12;
	s12 =	sand.u32 $0x40, s18;
	[tilespmem:s17+$0xA180] =	vst v4;
	v4 =	vld [tilespmem:s13+$0x0]  }
0x358: {  	s2 =	sadd.s32 s6, s2;
	s20 =	simm.s32 $0x0;
	s19 =	sor.u32 $0x30, s12;
	v5 =	vadd.f32 v6, v10;
	v6 =	vld [tilespmem:s14+$0x0]  }
0x359: {  	s7 =	sor.u32 s20, s19;
	v19 =	vld [tilespmem:s2+$0x0]  }
0x35a: {  	s21 =	rddreg [dreg:$0x9];
	s3 =	sadd.s32 s0, s4;
	v14 =	vld [tilespmem:s7+$0x10000]  }
0x35b: {  	v5 =	vadd.f32 v11, v5;
	v11 =	vadd.f32 v12, v7;
	v12 =	vld [tilespmem:s3+$0x0];
	s3 =	sadd.s32 $0x0, s21  }
0x35c: {  	v46 =	vld [tilespmem:s7+$0x100];
	s21 =	sadd.s32 s12, s3  }
0x35d: {  	s16 =	sor.u32 $0x3080, s8;
	[tilespmem:s8+$0xB000] =	vst v5;
	v5 =	vadd.f32 v13, v11;
	v24 =	vld [tilespmem:s21+$0x0]  }
0x35e: {  	v17 =	vld [tilespmem:s16+$0x0]  }
0x35f: {  	s26 =	sadd.s32 s30, s5;
	s22 =	rddreg [dreg:$0x18];
	v4 =	vadd.f32 v4, v9;
	[tilespmem:s15+$0xB000] =	vst v5;
	v5 =	vld [tilespmem:s7+$0x0]  }
0x360: {  	s25 =	sadd.s32 s19, s3;
	v18 =	vld [tilespmem:s26+$0x0]  }
0x361: {  	s16 =	sor.u32 s12, s20;
	v4 =	vadd.f32 v12, v4;
	v12 =	vld [tilespmem:s25+$0x0]  }
0x362: {  	v15 =	vld [tilespmem:s16+$0x0]  }
0x363: {  	s24 =	sor.u32 $0x3080, s15;
	s26 =	sor.u32 $0x20, s12;
	v27 =	vld [tilespmem:s16+$0x80]  }
0x364: {  	v13 =	vld [tilespmem:s24+$0x0];
	s24 =	sor.u32 s20, s26;
	v5 =	vadd.f32 v5, v14  }
0x365: {  	s25 =	sor.u32 $0x10, s12;
	v23 =	vld [tilespmem:s24+$0x10000]  }
0x366: {  	s14 =	rddreg [dreg:$0xa];
	s23 =	sor.u32 s20, s25;
	[tilespmem:s1+$0xB100] =	vst v4;
	v4 =	vld [tilespmem:s16+$0x10000];
	v5 =	vadd.f32 v12, v5  }
0x367: {  	s20 =	sadd.s32 $0x0, s14;
	v16 =	vld [tilespmem:s23+$0x10000]  }
0x368: {  	s10 =	sadd.s32 $0x80, s20;
	[tilespmem:s7+$0x8000] =	vst v5;
	v5 =	vld [tilespmem:s7+$0x80]  }
0x369: {  	v20 =	vld [tilespmem:s23+$0x0];
	s2 =	sadd.s32 s19, s10  }
0x36a: {  	v22 =	vld [tilespmem:s2+$0x0]  }
0x36b: {  	s9 =	sadd.s32 $0x0, s22;
	v21 =	vld [tilespmem:s24+$0x0];
	s22 =	sadd.s32 s25, s3  }
0x36c: {  	s3 =	sadd.s32 s26, s3;
	v25 =	vld [tilespmem:s22+$0x0];
	v15 =	vadd.f32 v15, v4  }
0x36d: {  	s13 =	sor.u32 $0x3180, s1;
	v26 =	vld [tilespmem:s3+$0x0];
	s2 =	sadd.s32 $0x180, s9;
	v5 =	vadd.f32 v5, v14  }
0x36e: {  	v11 =	vld [tilespmem:s13+$0x0];
	s13 =	rddreg [dreg:$0xb];
	s0 =	sadd.s32 s0, s2;
	v15 =	vadd.f32 v24, v15  }
0x36f: {  	v20 =	vadd.f32 v20, v16;
	v12 =	vld [tilespmem:s0+$0x0];
	s0 =	sadd.s32 $0x0, s13;
	v5 =	vadd.f32 v22, v5  }
0x370: {  	v47 =	vld [tilespmem:s23+$0x80];
	s20 =	sadd.s32 s12, s10;
	v21 =	vadd.f32 v21, v23;
	s0 =	sadd.s32 $0x100, s0;
	[tilespmem:s16+$0x8000] =	vst v15  }
0x371: {  	v20 =	vadd.f32 v25, v20;
	s14 =	sadd.s32 s19, s0;
	v49 =	vld [tilespmem:s20+$0x0];
	[tilespmem:s7+$0x8080] =	vst v5  }
0x372: {  	v15 =	vadd.f32 v26, v21;
	v48 =	vld [tilespmem:s14+$0x0]  }
0x373: {  	s21 =	sadd.s32 s25, s10;
	[tilespmem:s23+$0x8000] =	vst v20;
	v5 =	vld [tilespmem:s24+$0x80]  }
0x374: {  	s10 =	sadd.s32 s26, s10;
	v50 =	vld [tilespmem:s21+$0x0];
	s22 =	rddreg [dreg:$0xc];
	[tilespmem:s24+$0x8000] =	vst v15  }
0x375: {  	v22 =	vadd.f32 v46, v14;
	v15 =	vld [tilespmem:s10+$0x0]  }
0x376: {  	v53 =	vld [tilespmem:s7+$0x180];
	v51 =	vadd.f32 v27, v4  }
0x377: {  	v59 =	vld [tilespmem:s7+$0x10080];
	v24 =	vadd.f32 v47, v16;
	s10 =	sadd.s32 $0x0, s22;
	v21 =	vadd.f32 v48, v22  }
0x378: {  	v52 =	vld [tilespmem:s16+$0x100];
	v20 =	vadd.f32 v49, v51;
	s3 =	sadd.s32 $0x180, s10;
	v5 =	vadd.f32 v5, v23  }
0x379: {  	v28 =	vld [tilespmem:s23+$0x100];
	s11 =	sadd.s32 s19, s3;
	[tilespmem:s7+$0x8100] =	vst v21  }
0x37a: {  	s13 =	sadd.s32 s12, s0;
	v24 =	vadd.f32 v50, v24;
	[tilespmem:s16+$0x8080] =	vst v20;
	v5 =	vadd.f32 v15, v5;
	v15 =	vld [tilespmem:s11+$0x0]  }
0x37b: {  	v20 =	vld [tilespmem:s13+$0x0]  }
0x37c: {  	v54 =	vld [tilespmem:s24+$0x100];
	s14 =	sadd.s32 s25, s0;
	[tilespmem:s23+$0x8080] =	vst v24  }
0x37d: {  	v14 =	vadd.f32 v53, v14;
	s0 =	sadd.s32 s26, s0;
	v55 =	vld [tilespmem:s14+$0x0];
	[tilespmem:s24+$0x8080] =	vst v5  }
0x37e: {  	v56 =	vadd.f32 v52, v4;
	v5 =	vld [tilespmem:s0+$0x0]  }
0x37f: {  	v57 =	vld [tilespmem:s16+$0x180];
	v14 =	vadd.f32 v15, v14  }
0x380: {  	v61 =	vld [tilespmem:s24+$0x180];
	v20 =	vadd.f32 v20, v56;
	v15 =	vadd.f32 v28, v16  }
0x381: {  	v58 =	vld [tilespmem:s23+$0x180];
	v60 =	vadd.f32 v54, v23;
	s21 =	sor.u32 $0x1000, s7;
	s20 =	rddreg [dreg:$0xd];
	[tilespmem:s7+$0x8180] =	vst v14  }
0x382: {  	s22 =	sadd.s32 s12, s3;
	[tilespmem:s16+$0x8100] =	vst v20;
	s0 =	sadd.s32 $0x0, s20;
	v14 =	vadd.f32 v55, v15;
	v15 =	vld [tilespmem:s21+$0x0]  }
0x383: {  	v20 =	vld [tilespmem:s22+$0x0];
	s11 =	sadd.s32 s19, s0;
	v5 =	vadd.f32 v5, v60  }
0x384: {  	s13 =	sadd.s32 s25, s3;
	[tilespmem:s23+$0x8100] =	vst v14;
	v14 =	vld [tilespmem:s11+$0x0]  }
0x385: {  	v6 =	vadd.f32 v6, v8;
	[tilespmem:s24+$0x8100] =	vst v5;
	v5 =	vld [tilespmem:s13+$0x0]  }
0x386: {  	v63 =	vld [tilespmem:s16+$0x10080];
	v4 =	vadd.f32 v57, v4;
	s3 =	sadd.s32 s26, s3  }
0x387: {  	v19 =	vadd.f32 v19, v6;
	v62 =	vld [tilespmem:s3+$0x0];
	v15 =	vadd.f32 v15, v59  }
0x388: {  	v6 =	vld [tilespmem:s24+$0x10180];
	v16 =	vadd.f32 v58, v16;
	v4 =	vadd.f32 v20, v4  }
0x389: {  	v21 =	vld [tilespmem:s23+$0x10080];
	v15 =	vadd.f32 v14, v15  }
0x38a: {  	v23 =	vadd.f32 v61, v23;
	v20 =	vld [tilespmem:s24+$0x10080];
	s14 =	rddreg [dreg:$0xe];
	[tilespmem:s16+$0x8180] =	vst v4;
	s13 =	sadd.s32 s12, s0;
	v4 =	vadd.f32 v5, v16  }
0x38b: {  	s21 =	sor.u32 $0x1080, s7;
	s3 =	sadd.s32 $0x0, s14;
	v34 =	vld [tilespmem:s13+$0x0];
	[tilespmem:s7+$0x9000] =	vst v15  }
0x38c: {  	s20 =	sor.u32 $0x1000, s16;
	s3 =	sadd.s32 $0x80, s3;
	v15 =	vadd.f32 v62, v23;
	[tilespmem:s23+$0x8180] =	vst v4;
	v4 =	vld [tilespmem:s21+$0x0]  }
0x38d: {  	s10 =	sadd.s32 s19, s3;
	v5 =	vld [tilespmem:s20+$0x0]  }
0x38e: {  	[tilespmem:s24+$0x8180] =	vst v15;
	v15 =	vld [tilespmem:s10+$0x0]  }
0x38f: {  	v14 =	vld [tilespmem:s16+$0x10100]  }
0x390: {  	s22 =	sor.u32 $0x1000, s23;
	v16 =	vld [tilespmem:s23+$0x10100]  }
0x391: {  	s14 =	sadd.s32 s25, s0;
	v32 =	vld [tilespmem:s22+$0x0];
	v4 =	vadd.f32 v4, v59  }
0x392: {  	s11 =	sor.u32 $0x1000, s24;
	v35 =	vld [tilespmem:s14+$0x0]  }
0x393: {  	s0 =	sadd.s32 s26, s0;
	v33 =	vld [tilespmem:s11+$0x0];
	v5 =	vadd.f32 v5, v63;
	v29 =	vadd.f32 v15, v4  }
0x394: {  	s20 =	rddreg [dreg:$0xf];
	v36 =	vld [tilespmem:s0+$0x0]  }
0x395: {  	s22 =	sor.u32 $0x1100, s7;
	s21 =	sadd.s32 $0x0, s20;
	v25 =	vadd.f32 v34, v5;
	v5 =	vld [tilespmem:s23+$0x10180];
	[tilespmem:s7+$0x9080] =	vst v29  }
0x396: {  	s0 =	sadd.s32 $0x100, s21;
	v23 =	vadd.f32 v32, v21;
	v29 =	vld [tilespmem:s22+$0x0]  }
0x397: {  	s10 =	sadd.s32 s19, s0;
	v15 =	vld [tilespmem:s24+$0x10100]  }
0x398: {  	v23 =	vadd.f32 v35, v23;
	v37 =	vld [tilespmem:s10+$0x0]  }
0x399: {  	s11 =	sor.u32 $0x1080, s16;
	[tilespmem:s16+$0x9000] =	vst v25;
	v4 =	vld [tilespmem:s16+$0x10180];
	v24 =	vadd.f32 v33, v20  }
0x39a: {  	s13 =	sor.u32 $0x1080, s23;
	v38 =	vld [tilespmem:s11+$0x0];
	[tilespmem:s23+$0x9000] =	vst v23  }
0x39b: {  	s20 =	sadd.s32 s12, s3;
	v24 =	vadd.f32 v36, v24;
	v39 =	vld [tilespmem:s13+$0x0];
	v41 =	vadd.f32 v29, v59  }
0x39c: {  	s21 =	sadd.s32 s25, s3;
	v42 =	vld [tilespmem:s20+$0x0]  }
0x39d: {  	s14 =	sor.u32 $0x1080, s24;
	v30 =	vld [tilespmem:s21+$0x0];
	[tilespmem:s24+$0x9000] =	vst v24;
	v25 =	vadd.f32 v37, v41  }
0x39e: {  	s3 =	sadd.s32 s26, s3;
	v40 =	vld [tilespmem:s14+$0x0];
	s22 =	rddreg [dreg:$0x10]  }
0x39f: {  	s11 =	sor.u32 $0x1180, s7;
	v43 =	vld [tilespmem:s3+$0x0];
	v23 =	vadd.f32 v38, v63;
	s10 =	sadd.s32 $0x0, s22;
	[tilespmem:s7+$0x9100] =	vst v25  }
0x3a0: {  	[tilespmem:s17+$0xB000] =	vst v19;
	s20 =	sadd.s32 s29, s5;
	s3 =	sadd.s32 $0x180, s10;
	v19 =	vadd.f32 v39, v21;
	v44 =	vld [tilespmem:s11+$0x0]  }
0x3a1: {  	v47 =	vld [tilespmem:s20+$0x0];
	v23 =	vadd.f32 v42, v23;
	s14 =	sadd.s32 s19, s3  }
0x3a2: {  	s13 =	sor.u32 $0x3080, s17;
	v19 =	vadd.f32 v30, v19;
	v46 =	vld [tilespmem:s14+$0x0]  }
0x3a3: {  	s21 =	sor.u32 $0x1100, s16;
	v45 =	vld [tilespmem:s13+$0x0];
	[tilespmem:s16+$0x9080] =	vst v23;
	v26 =	vadd.f32 v40, v20  }
0x3a4: {  	s22 =	sor.u32 $0x1100, s23;
	v48 =	vld [tilespmem:s21+$0x0];
	[tilespmem:s23+$0x9080] =	vst v19  }
0x3a5: {  	v26 =	vadd.f32 v43, v26;
	s11 =	sadd.s32 s12, s0;
	v49 =	vld [tilespmem:s22+$0x0];
	v19 =	vadd.f32 v44, v59  }
0x3a6: {  	s13 =	sadd.s32 s25, s0;
	v50 =	vld [tilespmem:s11+$0x0]  }
0x3a7: {  	s20 =	sor.u32 $0x1100, s24;
	v52 =	vld [tilespmem:s13+$0x0];
	[tilespmem:s24+$0x9080] =	vst v26;
	v51 =	vadd.f32 v46, v19  }
0x3a8: {  	v53 =	vld [tilespmem:s20+$0x0]  }
0x3a9: {  	s21 =	sor.u32 $0x2000, s7;
	s14 =	rddreg [dreg:$0x11];
	v28 =	vadd.f32 v48, v63;
	v19 =	vld [tilespmem:s7+$0x10100];
	[tilespmem:s7+$0x9180] =	vst v51  }
0x3aa: {  	s22 =	sadd.s32 s26, s0;
	s0 =	sadd.s32 $0x0, s14;
	v54 =	vadd.f32 v49, v21;
	v55 =	vld [tilespmem:s21+$0x0]  }
0x3ab: {  	v56 =	vld [tilespmem:s22+$0x0];
	s9 =	sadd.s32 s19, s0;
	v24 =	vadd.f32 v50, v28  }
0x3ac: {  	s5 =	sadd.s32 s6, s5;
	v26 =	vadd.f32 v52, v54;
	v57 =	vld [tilespmem:s9+$0x0]  }
0x3ad: {  	v17 =	vadd.f32 v17, v10;
	v58 =	vld [tilespmem:s5+$0x0];
	s13 =	sor.u32 $0x1180, s16;
	[tilespmem:s16+$0x9100] =	vst v24  }
0x3ae: {  	s14 =	sor.u32 $0x1180, s23;
	v29 =	vadd.f32 v53, v20;
	[tilespmem:s23+$0x9100] =	vst v26;
	v59 =	vld [tilespmem:s13+$0x0]  }
0x3af: {  	v17 =	vadd.f32 v18, v17;
	s20 =	sadd.s32 s12, s3;
	v60 =	vld [tilespmem:s14+$0x0];
	v18 =	vadd.f32 v55, v19  }
0x3b0: {  	v28 =	vadd.f32 v56, v29;
	v61 =	vld [tilespmem:s20+$0x0];
	s21 =	sadd.s32 s25, s3  }
0x3b1: {  	[tilespmem:s8+$0xB080] =	vst v17;
	s11 =	sor.u32 $0x3100, s8;
	v17 =	vadd.f32 v57, v18;
	v18 =	vld [tilespmem:s21+$0x0]  }
0x3b2: {  	v13 =	vadd.f32 v13, v7;
	v62 =	vld [tilespmem:s11+$0x0];
	s13 =	sor.u32 $0x1180, s24;
	s22 =	rddreg [dreg:$0x12];
	[tilespmem:s24+$0x9100] =	vst v28  }
0x3b3: {  	s20 =	sor.u32 $0x2080, s7;
	s14 =	sadd.s32 $0x0, s22;
	[tilespmem:s7+$0xA000] =	vst v17;
	v17 =	vadd.f32 v59, v63;
	v63 =	vld [tilespmem:s13+$0x0]  }
0x3b4: {  	v13 =	vadd.f32 v47, v13;
	s3 =	sadd.s32 s26, s3;
	s5 =	sadd.s32 $0x80, s14;
	v21 =	vadd.f32 v60, v21;
	v28 =	vld [tilespmem:s20+$0x0]  }
0x3b5: {  	v29 =	vld [tilespmem:s3+$0x0];
	s21 =	sadd.s32 s19, s5;
	v17 =	vadd.f32 v61, v17  }
0x3b6: {  	[tilespmem:s15+$0xB080] =	vst v13;
	s22 =	sor.u32 $0x3100, s15;
	v13 =	vld [tilespmem:s21+$0x0];
	v18 =	vadd.f32 v18, v21  }
0x3b7: {  	s10 =	sor.u32 $0x2000, s16;
	v30 =	vadd.f32 v45, v8;
	v31 =	vld [tilespmem:s22+$0x0];
	[tilespmem:s16+$0x9180] =	vst v17  }
0x3b8: {  	s11 =	sor.u32 $0x2000, s23;
	v17 =	vadd.f32 v63, v20;
	v32 =	vld [tilespmem:s10+$0x0];
	[tilespmem:s23+$0x9180] =	vst v18  }
0x3b9: {  	s13 =	sadd.s32 s12, s0;
	v18 =	vadd.f32 v58, v30;
	v33 =	vadd.f32 v28, v19;
	v34 =	vld [tilespmem:s11+$0x0]  }
0x3ba: {  	s14 =	sadd.s32 s25, s0;
	v35 =	vld [tilespmem:s13+$0x0];
	v17 =	vadd.f32 v29, v17  }
0x3bb: {  	s21 =	sor.u32 $0x3100, s17;
	[tilespmem:s17+$0xB080] =	vst v18;
	v18 =	vld [tilespmem:s14+$0x0];
	v13 =	vadd.f32 v13, v33  }
0x3bc: {  	s22 =	sor.u32 $0x2000, s24;
	s20 =	rddreg [dreg:$0x13];
	v36 =	vld [tilespmem:s21+$0x0];
	[tilespmem:s24+$0x9180] =	vst v17  }
0x3bd: {  	s11 =	sor.u32 $0x2100, s7;
	s10 =	sadd.s32 $0x0, s20;
	v17 =	vld [tilespmem:s22+$0x0];
	[tilespmem:s7+$0xA080] =	vst v13;
	v13 =	vadd.f32 v32, v14  }
0x3be: {  	s0 =	sadd.s32 s26, s0;
	s3 =	sadd.s32 $0x100, s10;
	v37 =	vld [tilespmem:s11+$0x0];
	v22 =	vadd.f32 v34, v16  }
0x3bf: {  	s13 =	sadd.s32 s19, s3;
	v38 =	vld [tilespmem:s0+$0x0];
	v13 =	vadd.f32 v35, v13  }
0x3c0: {  	s14 =	sadd.s32 s30, s4;
	v39 =	vld [tilespmem:s13+$0x0];
	v18 =	vadd.f32 v18, v22  }
0x3c1: {  	s20 =	sor.u32 $0x2080, s16;
	v40 =	vld [tilespmem:s14+$0x0];
	[tilespmem:s16+$0xA000] =	vst v13  }
0x3c2: {  	s21 =	sor.u32 $0x2080, s23;
	v13 =	vadd.f32 v17, v15;
	v17 =	vld [tilespmem:s20+$0x0];
	[tilespmem:s23+$0xA000] =	vst v18  }
0x3c3: {  	s22 =	sadd.s32 s12, s5;
	v18 =	vadd.f32 v37, v19;
	v41 =	vld [tilespmem:s21+$0x0]  }
0x3c4: {  	s10 =	sadd.s32 s25, s5;
	v42 =	vld [tilespmem:s22+$0x0];
	v13 =	vadd.f32 v38, v13  }
0x3c5: {  	s13 =	sadd.s32 s29, s4;
	v43 =	vld [tilespmem:s10+$0x0];
	v18 =	vadd.f32 v39, v18  }
0x3c6: {  	s14 =	sor.u32 $0x2080, s24;
	v44 =	vld [tilespmem:s13+$0x0];
	s11 =	rddreg [dreg:$0x14];
	[tilespmem:s24+$0xA000] =	vst v13  }
0x3c7: {  	s21 =	sor.u32 $0x2180, s7;
	s20 =	sadd.s32 $0x0, s11;
	v13 =	vld [tilespmem:s14+$0x0];
	[tilespmem:s7+$0xA100] =	vst v18;
	v17 =	vadd.f32 v17, v14  }
0x3c8: {  	s5 =	sadd.s32 s26, s5;
	s0 =	sadd.s32 $0x180, s20;
	v18 =	vld [tilespmem:s21+$0x0];
	v20 =	vadd.f32 v41, v16  }
0x3c9: {  	s22 =	sadd.s32 s19, s0;
	v45 =	vld [tilespmem:s5+$0x0];
	v17 =	vadd.f32 v42, v17  }
0x3ca: {  	s4 =	sadd.s32 s6, s4;
	v46 =	vld [tilespmem:s22+$0x0];
	v20 =	vadd.f32 v43, v20  }
0x3cb: {  	s9 =	sor.u32 $0x2100, s16;
	[tilespmem:s16+$0xA080] =	vst v17;
	v17 =	vld [tilespmem:s4+$0x0]  }
0x3cc: {  	s10 =	sor.u32 $0x2100, s23;
	[tilespmem:s23+$0xA080] =	vst v20;
	v47 =	vld [tilespmem:s9+$0x0];
	v13 =	vadd.f32 v13, v15  }
0x3cd: {  	s11 =	sadd.s32 s12, s3;
	v18 =	vadd.f32 v18, v19;
	v19 =	vld [tilespmem:s10+$0x0]  }
0x3ce: {  	s13 =	sadd.s32 s25, s3;
	v48 =	vld [tilespmem:s11+$0x0];
	v50 =	vadd.f32 v45, v13  }
0x3cf: {  	v49 =	vld [tilespmem:s13+$0x0];
	v18 =	vadd.f32 v46, v18  }
0x3d0: {  	v27 =	vadd.f32 v62, v10;
	s22 =	sor.u32 $0x2100, s24;
	s14 =	rddreg [dreg:$0x15];
	v13 =	vld [tilespmem:s7+$0x10180];
	[tilespmem:s24+$0xA080] =	vst v50  }
0x3d1: {  	s21 =	sor.u32 $0x3000, s7;
	[tilespmem:s7+$0xA180] =	vst v18;
	v20 =	vadd.f32 v47, v14;
	v52 =	vld [tilespmem:s22+$0x0]  }
0x3d2: {  	v22 =	vadd.f32 v40, v27;
	s3 =	sadd.s32 s26, s3;
	s4 =	sadd.s32 $0x0, s14;
	v51 =	vld [tilespmem:s21+$0x0];
	v19 =	vadd.f32 v19, v16  }
0x3d3: {  	s5 =	sadd.s32 s19, s4;
	v54 =	vld [tilespmem:s3+$0x0];
	v20 =	vadd.f32 v48, v20  }
0x3d4: {  	[tilespmem:s8+$0xB100] =	vst v22;
	s20 =	sor.u32 $0x3180, s8;
	v53 =	vld [tilespmem:s5+$0x0];
	v19 =	vadd.f32 v49, v19  }
0x3d5: {  	v21 =	vadd.f32 v36, v8;
	s11 =	sor.u32 $0x2180, s16;
	v18 =	vld [tilespmem:s20+$0x0];
	[tilespmem:s16+$0xA100] =	vst v20  }
0x3d6: {  	s13 =	sor.u32 $0x2180, s23;
	[tilespmem:s23+$0xA100] =	vst v19;
	v19 =	vld [tilespmem:s11+$0x0];
	v56 =	vadd.f32 v52, v15  }
0x3d7: {  	s14 =	sadd.s32 s12, s0;
	v17 =	vadd.f32 v17, v21;
	v22 =	vadd.f32 v51, v13;
	v55 =	vld [tilespmem:s13+$0x0]  }
0x3d8: {  	s20 =	sadd.s32 s25, s0;
	v57 =	vld [tilespmem:s14+$0x0];
	v20 =	vadd.f32 v54, v56  }
0x3d9: {  	s10 =	sor.u32 $0x3180, s17;
	[tilespmem:s17+$0xB100] =	vst v17;
	v58 =	vld [tilespmem:s20+$0x0];
	v22 =	vadd.f32 v53, v22  }
0x3da: {  	v25 =	vadd.f32 v31, v7;
	v59 =	vld [tilespmem:s10+$0x0];
	s14 =	sor.u32 $0x2180, s24;
	s21 =	rddreg [dreg:$0x16];
	[tilespmem:s24+$0xA100] =	vst v20  }
0x3db: {  	s13 =	sor.u32 $0x3080, s7;
	s11 =	sadd.s32 $0x0, s21;
	[tilespmem:s7+$0xB000] =	vst v22;
	v14 =	vadd.f32 v19, v14;
	v20 =	vld [tilespmem:s14+$0x0]  }
0x3dc: {  	v25 =	vadd.f32 v44, v25;
	s0 =	sadd.s32 s26, s0;
	s10 =	sadd.s32 $0x80, s11;
	v19 =	vld [tilespmem:s13+$0x0];
	v16 =	vadd.f32 v55, v16  }
0x3dd: {  	s20 =	sadd.s32 s19, s10;
	v60 =	vld [tilespmem:s0+$0x0];
	v14 =	vadd.f32 v57, v14  }
0x3de: {  	[tilespmem:s15+$0xB100] =	vst v25;
	s22 =	sor.u32 $0x3180, s15;
	v22 =	vld [tilespmem:s20+$0x0];
	v16 =	vadd.f32 v58, v16  }
0x3df: {  	s31 =	sor.u32 $0x3080, s16;
	v17 =	vld [tilespmem:s22+$0x0];
	s21 =	sadd.s32 s30, s2;
	[tilespmem:s16+$0xA180] =	vst v14  }
0x3e0: {  	s28 =	sor.u32 $0x3100, s24;
	s22 =	sor.u32 $0x3000, s16;
	s5 =	sor.u32 $0x3000, s23;
	v14 =	vld [tilespmem:s21+$0x0];
	[tilespmem:s23+$0xA180] =	vst v16;
	v15 =	vadd.f32 v20, v15  }
0x3e1: {  	s20 =	sadd.s32 s29, s2;
	s2 =	sadd.s32 s6, s2;
	v16 =	vld [tilespmem:s22+$0x0];
	v19 =	vadd.f32 v19, v13;
	s13 =	rddreg [dreg:$0x17]  }
0x3e2: {  	s9 =	simm.s32 $0x0;
	s21 =	sadd.s32 s12, s4;
	v61 =	vld [tilespmem:s5+$0x0];
	[dreg:$0x1a] =	wrdreg s2;
	v15 =	vadd.f32 v60, v15  }
0x3e3: {  	v9 =	vadd.f32 v11, v9;
	s3 =	sadd.s32 s26, s4;
	s14 =	sadd.s32 s25, s10;
	v62 =	vld [tilespmem:s21+$0x0];
	s0 =	sadd.s32 $0x0, s13;
	v11 =	vadd.f32 v22, v19  }
0x3e4: {  	v18 =	vadd.f32 v18, v10;
	s6 =	sor.u32 $0x3100, s7;
	s22 =	sadd.s32 s25, s4;
	v10 =	vld [tilespmem:s20+$0x0];
	s0 =	sadd.s32 $0x100, s0;
	[tilespmem:s24+$0xA180] =	vst v15  }
0x3e5: {  	s5 =	sadd.s32 s12, s10;
	s21 =	sadd.s32 s26, s10;
	v19 =	vld [tilespmem:s22+$0x0];
	s10 =	sadd.s32 s12, s0;
	[tilespmem:s7+$0xB080] =	vst v11  }
0x3e6: {  	s30 =	simm.s32 $0x4;
	s13 =	sadd.s32 s25, s0;
	v11 =	vld [tilespmem:s6+$0x0];
	[dreg:$0x1e] =	wrdreg s10  }
0x3e7: {  	v9 =	vadd.f32 v12, v9;
	s11 =	sor.u32 $0x3000, s24;
	s22 =	sor.u32 $0x3080, s23;
	v16 =	vadd.f32 v16, v4;
	[dreg:$0x1d] =	wrdreg s13  }
0x3e8: {  	s29 =	sor.u32 $0x3080, s24;
	v18 =	vadd.f32 v14, v18;
	s20 =	sadd.s32 s19, s0;
	v63 =	vadd.f32 v61, v5;
	v15 =	vld [tilespmem:s11+$0x0];
	[dreg:$0x1c] =	wrdreg s22  }
0x3e9: {  	s4 =	sadd.s32 s26, s0;
	v14 =	vadd.f32 v17, v7;
	s6 =	sor.u32 $0x3180, s16;
	s13 =	sor.u32 $0x3180, s23;
	v16 =	vadd.f32 v62, v16;
	[tilespmem:s1+$0xB180] =	vst v9;
	v12 =	vld [tilespmem:s20+$0x0]  }
0x3ea: {  	s10 =	sor.u32 $0x3180, s24;
	s22 =	sor.u32 $0x3100, s16;
	v9 =	vadd.f32 v59, v8;
	s20 =	sor.u32 $0x3100, s23;
	[tilespmem:s8+$0xB180] =	vst v18;
	v8 =	vld [tilespmem:s3+$0x0];
	v7 =	vadd.f32 v19, v63  }
.LBB2_19:
0x3eb: {  	[smem:$0x7D3] =	sst s22  }
0x3ec: {  	[smem:$0x7CF] =	sst s29  }
0x3ed: {  	[smem:$0x7D8] =	sst s20  }
0x3ee: {  	[smem:$0x7E3] =	sst s4  }
0x3ef: {  	[smem:$0x7E4] =	sst s6  }
0x3f0: {  	[dreg:$0x1f] =	wrdreg s13  }
0x3f1: {  	[dreg:$0x1b] =	wrdreg s10  }
0x3f2: {  	s0 =	rddreg [dreg:$0x1a]  }
0x3f3: {  	[smem:$0x7E2] =	sst s16  }
0x3f4: {  	s30 =	sadd.s32 $0x4, s30;
	s22 =	rddreg [dreg:$0x9]  }
0x3f5: {  	s18 =	sadd.s32 $0x40, s18;
	s4 =	smov.u32 s16;
	s13 =	rddreg [dreg:$0x1c]  }
0x3f6: {  	[dreg:$0x19] =	wrdreg s18;
	s2 =	sshrl.u32 s30, $0x3;
	s1 =	sand.u32 $0x40, s18  }
0x3f7: {  	s18 =	rddreg [dreg:$0x18];
	s11 =	sshll.u32 s2, $0x9;
	s10 =	sor.u32 $0x30, s1  }
0x3f8: {  	[tilespmem:s16+$0xB000] =	vst v16;
	v10 =	vadd.f32 v10, v14;
	v14 =	vld [tilespmem:s0+$0x0];
	s20 =	sor.u32 $0x10, s1;
	s3 =	sor.u32 $0x20, s1;
	s16 =	sadd.s32 s9, s18  }
0x3f9: {  	[tilespmem:s23+$0xB000] =	vst v7;
	v16 =	vld [tilespmem:s31+$0x0];
	s18 =	sor.u32 $0x3180, s7;
	s8 =	sor.u32 s11, s10;
	s0 =	sor.u32 s1, s11  }
0x3fa: {  	v7 =	vadd.f32 v11, v13;
	v11 =	vld [tilespmem:s13+$0x0];
	[tilespmem:s15+$0xB180] =	vst v10;
	s15 =	sshll.u32 s2, $0xA;
	s13 =	sor.u32 s11, s20;
	s31 =	sor.u32 s11, s3  }
0x3fb: {  	s9 =	sadd.s32 $0x180, s16;
	s2 =	sadd.s32 s15, s22;
	s16 =	sor.u32 $0x1080, s13  }
0x3fc: {  	v10 =	vld [tilespmem:s5+$0x0];
	v15 =	vadd.f32 v15, v6;
	v12 =	vadd.f32 v12, v7;
	s5 =	sadd.s32 s19, s9;
	s19 =	sor.u32 $0x1080, s31;
	[smem:$0x7CD] =	sst s16  }
0x3fd: {  	v7 =	vld [tilespmem:s8+$0x10000];
	s22 =	sadd.s32 s10, s2;
	[smem:$0x7CE] =	sst s19;
	s19 =	sor.u32 $0x2000, s0  }
0x3fe: {  	s29 =	sadd.s32 s1, s2;
	s6 =	sadd.s32 s20, s2;
	v8 =	vadd.f32 v8, v15;
	v15 =	vld [tilespmem:s8+$0x0];
	[tilespmem:s7+$0xB100] =	vst v12;
	[smem:$0x7DC] =	sst s19  }
0x3ff: {  	v12 =	vadd.f32 v14, v9;
	s19 =	sor.u32 $0x2000, s31;
	v14 =	vadd.f32 v16, v4;
	v16 =	vld [tilespmem:s18+$0x0];
	s18 =	sadd.s32 s3, s2;
	s2 =	rddreg [dreg:$0xa]  }
0x400: {  	v18 =	vld [tilespmem:s6+$0x0];
	s6 =	sor.u32 $0x3000, s0;
	[smem:$0x7DE] =	sst s19  }
0x401: {  	v17 =	vld [tilespmem:s22+$0x0];
	s22 =	sor.u32 $0x1180, s0;
	[smem:$0x7EF] =	sst s6  }
0x402: {  	[tilespmem:s17+$0xB180] =	vst v12;
	v12 =	vld [tilespmem:s5+$0x0];
	s5 =	sor.u32 $0x1080, s0;
	[smem:$0x7D5] =	sst s22  }
0x403: {  	s17 =	sor.u32 $0x1100, s0;
	[smem:$0x7CC] =	sst s5  }
0x404: {  	s22 =	sor.u32 $0x1180, s13;
	[smem:$0x7D0] =	sst s17  }
0x405: {  	s5 =	sor.u32 $0x1100, s13;
	[smem:$0x7D6] =	sst s22  }
0x406: {  	s17 =	sor.u32 $0x1100, s31;
	[smem:$0x7D1] =	sst s5  }
0x407: {  	[tilespmem:s24+$0xB000] =	vst v8;
	s22 =	sor.u32 $0x2080, s0;
	[smem:$0x7D2] =	sst s17  }
0x408: {  	v19 =	vld [tilespmem:s18+$0x0];
	s18 =	sor.u32 $0x3000, s31;
	[smem:$0x7DF] =	sst s22  }
0x409: {  	s5 =	sor.u32 $0x1180, s31;
	[smem:$0x7F2] =	sst s18  }
0x40a: {  	s17 =	sor.u32 $0x2000, s13;
	[smem:$0x7D7] =	sst s5  }
0x40b: {  	v8 =	vld [tilespmem:s0+$0x10000];
	v10 =	vadd.f32 v10, v14;
	[smem:$0x7DD] =	sst s17;
	s5 =	sor.u32 $0x2080, s13  }
0x40c: {  	v9 =	vadd.f32 v11, v5;
	v14 =	vld [tilespmem:s0+$0x0];
	v11 =	vadd.f32 v15, v7;
	s17 =	sor.u32 $0x2100, s0;
	[smem:$0x7E0] =	sst s5  }
0x40d: {  	[tilespmem:s4+$0xB080] =	vst v10;
	v10 =	vld [tilespmem:s13+$0x10000];
	v13 =	vadd.f32 v16, v13;
	[smem:$0x7E6] =	sst s17;
	s5 =	sor.u32 $0x2080, s31  }
0x40e: {  	v15 =	vld [tilespmem:s13+$0x0];
	s17 =	sor.u32 $0x2180, s0;
	v16 =	vadd.f32 v17, v11;
	[smem:$0x7E1] =	sst s5  }
0x40f: {  	s2 =	sadd.s32 s15, s2;
	v11 =	vld [tilespmem:s31+$0x10000];
	[smem:$0x7EA] =	sst s17;
	s5 =	sor.u32 $0x2100, s31;
	v12 =	vadd.f32 v12, v13  }
0x410: {  	s2 =	sadd.s32 $0x80, s2;
	s17 =	sor.u32 $0x2180, s13;
	v13 =	vld [tilespmem:s8+$0x80];
	[smem:$0x7E8] =	sst s5;
	[tilespmem:s8+$0x8000] =	vst v16  }
0x411: {  	s22 =	sadd.s32 s10, s2;
	v17 =	vld [tilespmem:s29+$0x0];
	[smem:$0x7EB] =	sst s17;
	s17 =	sor.u32 $0x3000, s13;
	[tilespmem:s7+$0xB180] =	vst v12  }
0x412: {  	s19 =	sadd.s32 s20, s2;
	s4 =	sadd.s32 s1, s2;
	[smem:$0x7F0] =	sst s17;
	v12 =	vld [tilespmem:s22+$0x0]  }
0x413: {  	v16 =	vld [tilespmem:s31+$0x0];
	s17 =	sor.u32 $0x3100, s0;
	s7 =	sadd.s32 s3, s2;
	s2 =	rddreg [dreg:$0xb]  }
0x414: {  	s11 =	sor.u32 $0x1000, s13;
	[smem:$0x7D4] =	sst s17;
	s22 =	sor.u32 $0x2100, s13  }
0x415: {  	s25 =	sadd.s32 s25, s9;
	[smem:$0x7E7] =	sst s22;
	s22 =	sor.u32 $0x2180, s31;
	v13 =	vadd.f32 v13, v7  }
0x416: {  	v21 =	vld [tilespmem:s13+$0x80];
	s16 =	sor.u32 $0x1000, s31;
	v14 =	vadd.f32 v14, v8;
	[smem:$0x7ED] =	sst s22;
	s22 =	sor.u32 $0x3080, s13  }
0x417: {  	v20 =	vld [tilespmem:s0+$0x80];
	v15 =	vadd.f32 v15, v10;
	s2 =	sadd.s32 s15, s2;
	[dreg:$0x1c] =	wrdreg s22;
	s22 =	sor.u32 $0x3100, s13;
	v12 =	vadd.f32 v12, v13  }
0x418: {  	s17 =	sor.u32 $0x3180, s0;
	v16 =	vadd.f32 v16, v11;
	[smem:$0x7D9] =	sst s22;
	s22 =	sadd.s32 $0x100, s2;
	v13 =	vadd.f32 v17, v14;
	v14 =	vld [tilespmem:s8+$0x100]  }
0x419: {  	[smem:$0x7E5] =	sst s17;
	s17 =	sor.u32 $0x3180, s13;
	v15 =	vadd.f32 v18, v15;
	v17 =	vld [tilespmem:s31+$0x80];
	s29 =	sadd.s32 s10, s22;
	[tilespmem:s8+$0x8080] =	vst v12  }
0x41a: {  	s6 =	sor.u32 $0x3100, s31;
	[smem:$0x7E9] =	sst s17;
	s17 =	sor.u32 $0x3180, s31;
	[tilespmem:s0+$0x8000] =	vst v13;
	v12 =	vadd.f32 v19, v16;
	v13 =	vld [tilespmem:s29+$0x0]  }
0x41b: {  	s5 =	sor.u32 $0x3080, s0;
	[smem:$0x7EC] =	sst s17;
	s17 =	sadd.s32 s12, s9;
	[tilespmem:s13+$0x8000] =	vst v15;
	v18 =	vld [tilespmem:s4+$0x0]  }
0x41c: {  	s12 =	sadd.s32 s26, s9;
	s9 =	smov.u32 s15;
	[smem:$0x7EE] =	sst s17;
	v19 =	vld [tilespmem:s19+$0x0];
	[tilespmem:s31+$0x8000] =	vst v12  }
0x41d: {  	s15 =	smov.u32 s23;
	s23 =	smov.u32 s13;
	[dreg:$0x1a] =	wrdreg s12;
	v12 =	vld [tilespmem:s7+$0x0];
	v14 =	vadd.f32 v14, v7  }
0x41e: {  	v63 =	vld [tilespmem:s13+$0x100];
	s17 =	rddreg [dreg:$0xc];
	s12 =	smov.u32 s1;
	s13 =	smov.u32 s24;
	v16 =	vadd.f32 v20, v8  }
0x41f: {  	v62 =	vld [tilespmem:s0+$0x100];
	v15 =	vadd.f32 v21, v10;
	s24 =	smov.u32 s31;
	s17 =	sadd.s32 s9, s17;
	s7 =	smov.u32 s8;
	v13 =	vadd.f32 v13, v14  }
0x420: {  	s2 =	sadd.s32 s1, s22;
	s1 =	sadd.s32 $0x180, s17;
	s19 =	smov.u32 s10;
	v17 =	vadd.f32 v17, v11;
	v14 =	vadd.f32 v18, v16;
	v16 =	vld [tilespmem:s7+$0x180]  }
0x421: {  	s18 =	sor.u32 $0x3080, s31;
	s31 =	smov.u32 s5;
	s5 =	sadd.s32 s19, s1;
	v15 =	vadd.f32 v19, v15;
	v18 =	vld [tilespmem:s24+$0x100];
	[tilespmem:s7+$0x8100] =	vst v13  }
0x422: {  	[tilespmem:s0+$0x8080] =	vst v14;
	v12 =	vadd.f32 v12, v17;
	v13 =	vld [tilespmem:s5+$0x0]  }
0x423: {  	[smem:$0x7DB] =	sst s6;
	s6 =	sadd.s32 s20, s22;
	[tilespmem:s23+$0x8080] =	vst v15;
	v17 =	vld [tilespmem:s2+$0x0]  }
0x424: {  	s22 =	sadd.s32 s3, s22;
	v19 =	vld [tilespmem:s6+$0x0];
	[tilespmem:s24+$0x8080] =	vst v12  }
0x425: {  	v12 =	vld [tilespmem:s22+$0x0];
	v7 =	vadd.f32 v16, v7  }
0x426: {  	v24 =	vld [tilespmem:s23+$0x180];
	v14 =	vadd.f32 v62, v8  }
0x427: {  	v15 =	vadd.f32 v63, v10;
	v16 =	vld [tilespmem:s0+$0x180];
	v7 =	vadd.f32 v13, v7  }
0x428: {  	[smem:$0x7F1] =	sst s25;
	v18 =	vadd.f32 v18, v11;
	v13 =	vadd.f32 v17, v14;
	v14 =	vld [tilespmem:s24+$0x180]  }
0x429: {  	s8 =	rddreg [dreg:$0xd];
	s10 =	sor.u32 $0x1000, s7;
	v15 =	vadd.f32 v19, v15;
	v17 =	vld [tilespmem:s7+$0x10080];
	[tilespmem:s7+$0x8180] =	vst v7  }
0x42a: {  	s25 =	smov.u32 s20;
	s20 =	sadd.s32 s12, s1;
	s2 =	sadd.s32 s9, s8;
	[tilespmem:s0+$0x8100] =	vst v13;
	v7 =	vadd.f32 v12, v18;
	v12 =	vld [tilespmem:s10+$0x0]  }
0x42b: {  	s22 =	sadd.s32 s19, s2;
	[tilespmem:s23+$0x8100] =	vst v15;
	v13 =	vld [tilespmem:s20+$0x0]  }
0x42c: {  	s4 =	sadd.s32 s25, s1;
	[tilespmem:s24+$0x8100] =	vst v7;
	v7 =	vld [tilespmem:s22+$0x0]  }
0x42d: {  	s26 =	smov.u32 s3;
	v18 =	vld [tilespmem:s4+$0x0]  }
0x42e: {  	s1 =	sadd.s32 s26, s1;
	v8 =	vadd.f32 v16, v8  }
0x42f: {  	v11 =	vadd.f32 v14, v11;
	v14 =	vld [tilespmem:s1+$0x0];
	v12 =	vadd.f32 v12, v17  }
0x430: {  	v10 =	vadd.f32 v24, v10;
	v15 =	vld [tilespmem:s23+$0x10080];
	v8 =	vadd.f32 v13, v8  }
0x431: {  	[smem:$0x7DA] =	sst s28;
	v16 =	vld [tilespmem:s0+$0x10080];
	v12 =	vadd.f32 v7, v12  }
0x432: {  	s28 =	sor.u32 $0x1000, s0;
	s5 =	rddreg [dreg:$0xe];
	v13 =	vld [tilespmem:s24+$0x10080];
	[tilespmem:s0+$0x8180] =	vst v8;
	v8 =	vadd.f32 v18, v10  }
0x433: {  	s8 =	sor.u32 $0x1080, s7;
	s1 =	sadd.s32 s9, s5;
	v10 =	vld [tilespmem:s28+$0x0];
	[tilespmem:s7+$0x9000] =	vst v12  }
0x434: {  	s17 =	sadd.s32 s12, s2;
	s1 =	sadd.s32 $0x80, s1;
	v11 =	vadd.f32 v14, v11;
	[tilespmem:s23+$0x8180] =	vst v8;
	v8 =	vld [tilespmem:s8+$0x0]  }
0x435: {  	s10 =	sadd.s32 s19, s1;
	v19 =	vld [tilespmem:s17+$0x0]  }
0x436: {  	[tilespmem:s24+$0x8180] =	vst v11;
	v11 =	vld [tilespmem:s10+$0x0]  }
0x437: {  	v12 =	vld [tilespmem:s11+$0x0]  }
0x438: {  	s20 =	sadd.s32 s25, s2;
	v7 =	vld [tilespmem:s0+$0x10100]  }
0x439: {  	v25 =	vld [tilespmem:s20+$0x0];
	v8 =	vadd.f32 v8, v17  }
0x43a: {  	s2 =	sadd.s32 s26, s2;
	v14 =	vld [tilespmem:s16+$0x0];
	v18 =	vadd.f32 v10, v16  }
0x43b: {  	s10 =	rddreg [dreg:$0xf];
	v26 =	vld [tilespmem:s2+$0x0];
	v11 =	vadd.f32 v11, v8  }
0x43c: {  	s4 =	sadd.s32 s12, s1;
	s8 =	sadd.s32 s25, s1;
	s20 =	sld [smem:$0x7CC];
	v10 =	vld [tilespmem:s23+$0x10100];
	v12 =	vadd.f32 v12, v15;
	v18 =	vadd.f32 v19, v18  }
0x43d: {  	s11 =	sadd.s32 s26, s1;
	s16 =	sor.u32 $0x1100, s7;
	s1 =	sadd.s32 s9, s10;
	v8 =	vld [tilespmem:s24+$0x10100];
	[tilespmem:s7+$0x9080] =	vst v11  }
0x43e: {  	s1 =	sadd.s32 $0x100, s1;
	v12 =	vadd.f32 v25, v12;
	[tilespmem:s0+$0x9000] =	vst v18;
	v19 =	vld [tilespmem:s16+$0x0]  }
0x43f: {  	s17 =	sadd.s32 s19, s1;
	v22 =	vadd.f32 v14, v13;
	v27 =	vld [tilespmem:s20+$0x0]  }
0x440: {  	s22 =	sld [smem:$0x7CD];
	[tilespmem:s23+$0x9000] =	vst v12;
	v12 =	vld [tilespmem:s17+$0x0]  }
0x441: {  	s5 =	sld [smem:$0x7CE];
	v18 =	vadd.f32 v26, v22;
	v29 =	vld [tilespmem:s4+$0x0]  }
0x442: {  	v11 =	vld [tilespmem:s23+$0x10180]  }
0x443: {  	[tilespmem:s24+$0x9000] =	vst v18;
	v18 =	vld [tilespmem:s22+$0x0];
	v19 =	vadd.f32 v19, v17  }
0x444: {  	v28 =	vld [tilespmem:s5+$0x0]  }
0x445: {  	s10 =	rddreg [dreg:$0x10];
	v23 =	vld [tilespmem:s8+$0x0];
	v19 =	vadd.f32 v12, v19  }
0x446: {  	s20 =	sld [smem:$0x7CF];
	v24 =	vld [tilespmem:s11+$0x0]  }
0x447: {  	s3 =	sadd.s32 s9, s10;
	s11 =	sor.u32 $0x1180, s7;
	v33 =	vld [tilespmem:s14+$0x0];
	v20 =	vadd.f32 v27, v16;
	[tilespmem:s7+$0x9100] =	vst v19  }
0x448: {  	s3 =	sadd.s32 $0x180, s3;
	v18 =	vadd.f32 v18, v15;
	v30 =	vld [tilespmem:s11+$0x0]  }
0x449: {  	s16 =	sadd.s32 s19, s3;
	s22 =	sld [smem:$0x7D0];
	v31 =	vld [tilespmem:s20+$0x0];
	v20 =	vadd.f32 v29, v20  }
0x44a: {  	s8 =	sld [smem:$0x7D1];
	v18 =	vadd.f32 v23, v18;
	v32 =	vld [tilespmem:s16+$0x0]  }
0x44b: {  	v12 =	vld [tilespmem:s24+$0x10180];
	[tilespmem:s0+$0x9080] =	vst v20  }
0x44c: {  	v34 =	vld [tilespmem:s22+$0x0];
	v19 =	vadd.f32 v28, v13;
	[tilespmem:s23+$0x9080] =	vst v18  }
0x44d: {  	s6 =	sadd.s32 s12, s1;
	v18 =	vld [tilespmem:s8+$0x0];
	v17 =	vadd.f32 v30, v17  }
0x44e: {  	s10 =	sld [smem:$0x7D2];
	v36 =	vld [tilespmem:s6+$0x0];
	v19 =	vadd.f32 v24, v19  }
0x44f: {  	s2 =	sadd.s32 s25, s1;
	v20 =	vadd.f32 v33, v9;
	v9 =	vld [tilespmem:s7+$0x10100];
	v17 =	vadd.f32 v32, v17  }
0x450: {  	v37 =	vld [tilespmem:s2+$0x0];
	[tilespmem:s24+$0x9080] =	vst v19  }
0x451: {  	s14 =	rddreg [dreg:$0x11];
	s16 =	sor.u32 $0x2000, s7;
	v24 =	vadd.f32 v34, v16;
	v19 =	vld [tilespmem:s10+$0x0];
	[tilespmem:s7+$0x9180] =	vst v17  }
0x452: {  	s1 =	sadd.s32 s26, s1;
	s4 =	sadd.s32 s9, s14;
	v17 =	vadd.f32 v18, v15;
	v18 =	vld [tilespmem:s16+$0x0]  }
0x453: {  	s20 =	sadd.s32 s19, s4;
	s22 =	sld [smem:$0x7D3];
	v38 =	vld [tilespmem:s1+$0x0];
	v22 =	vadd.f32 v36, v24  }
0x454: {  	s6 =	sld [smem:$0x7D5];
	v39 =	vld [tilespmem:s20+$0x0]  }
0x455: {  	v40 =	vld [tilespmem:s21+$0x0];
	[tilespmem:s0+$0x9100] =	vst v22;
	s16 =	sld [smem:$0x7D6];
	v17 =	vadd.f32 v37, v17  }
0x456: {  	[tilespmem:s15+$0xB080] =	vst v20;
	v22 =	vld [tilespmem:s22+$0x0];
	v19 =	vadd.f32 v19, v13  }
0x457: {  	v25 =	vld [tilespmem:s6+$0x0];
	[tilespmem:s23+$0x9100] =	vst v17;
	v17 =	vadd.f32 v18, v9  }
0x458: {  	v35 =	vadd.f32 v31, v6;
	s11 =	sadd.s32 s12, s3;
	s20 =	sld [smem:$0x7D7];
	v19 =	vadd.f32 v38, v19;
	v18 =	vld [tilespmem:s16+$0x0]  }
0x459: {  	s5 =	sadd.s32 s25, s3;
	s14 =	rddreg [dreg:$0x12];
	s8 =	sadd.s32 s25, s4;
	v41 =	vld [tilespmem:s11+$0x0];
	v17 =	vadd.f32 v39, v17  }
0x45a: {  	s10 =	sadd.s32 s12, s4;
	s1 =	sadd.s32 s26, s4;
	s4 =	sld [smem:$0x7D4];
	[tilespmem:s24+$0x9100] =	vst v19;
	v19 =	vadd.f32 v40, v35;
	v42 =	vld [tilespmem:s5+$0x0]  }
0x45b: {  	s2 =	sadd.s32 s9, s14;
	s21 =	sor.u32 $0x2080, s7;
	v43 =	vld [tilespmem:s20+$0x0];
	[tilespmem:s7+$0xA000] =	vst v17  }
0x45c: {  	s3 =	sadd.s32 s26, s3;
	s2 =	sadd.s32 $0x80, s2;
	s6 =	sld [smem:$0x7D8];
	v16 =	vadd.f32 v25, v16;
	[tilespmem:s13+$0xB080] =	vst v19;
	v44 =	vld [tilespmem:s21+$0x0]  }
0x45d: {  	s22 =	smov.u32 s4;
	s4 =	sadd.s32 s19, s2;
	s16 =	sld [smem:$0x7DA];
	v15 =	vadd.f32 v18, v15;
	v18 =	vld [tilespmem:s3+$0x0]  }
0x45e: {  	v16 =	vadd.f32 v41, v16;
	v19 =	vld [tilespmem:s4+$0x0];
	s3 =	sld [smem:$0x7DC]  }
0x45f: {  	v45 =	vld [tilespmem:s6+$0x0];
	s6 =	sld [smem:$0x7DD];
	v15 =	vadd.f32 v42, v15  }
0x460: {  	[tilespmem:s0+$0x9180] =	vst v16;
	v16 =	vld [tilespmem:s16+$0x0];
	s21 =	sld [smem:$0x7DB]  }
0x461: {  	s14 =	sld [smem:$0x7D9];
	v13 =	vadd.f32 v43, v13;
	v46 =	vld [tilespmem:s3+$0x0];
	[tilespmem:s23+$0x9180] =	vst v15;
	v15 =	vadd.f32 v44, v9  }
0x462: {  	s17 =	smov.u32 s13;
	s4 =	rddreg [dreg:$0x13];
	v47 =	vld [tilespmem:s6+$0x0]  }
0x463: {  	s11 =	sadd.s32 s25, s2;
	s28 =	smov.u32 s21;
	s21 =	rddreg [dreg:$0x1e];
	v13 =	vadd.f32 v18, v13;
	v18 =	vld [tilespmem:s10+$0x0];
	v15 =	vadd.f32 v19, v15  }
0x464: {  	s5 =	sadd.s32 s26, s2;
	s20 =	smov.u32 s14;
	s10 =	sld [smem:$0x7DE];
	v19 =	vld [tilespmem:s8+$0x0]  }
0x465: {  	s14 =	sor.u32 $0x2100, s7;
	s13 =	sadd.s32 s12, s2;
	s2 =	sadd.s32 s9, s4;
	v51 =	vld [tilespmem:s21+$0x0];
	[tilespmem:s7+$0xA080] =	vst v15  }
0x466: {  	s2 =	sadd.s32 $0x100, s2;
	[tilespmem:s24+$0x9180] =	vst v13;
	v15 =	vadd.f32 v16, v6;
	v16 =	vadd.f32 v46, v7;
	v49 =	vld [tilespmem:s14+$0x0]  }
0x467: {  	v17 =	vadd.f32 v22, v4;
	s16 =	sadd.s32 s19, s2;
	v48 =	vld [tilespmem:s10+$0x0];
	v22 =	vadd.f32 v47, v10  }
0x468: {  	s4 =	sld [smem:$0x7DF];
	s3 =	sadd.s32 s26, s2;
	v16 =	vadd.f32 v18, v16;
	v18 =	vld [tilespmem:s16+$0x0]  }
0x469: {  	s8 =	sadd.s32 s25, s2;
	v50 =	vld [tilespmem:s1+$0x0];
	s14 =	sadd.s32 s12, s2;
	s2 =	rddreg [dreg:$0x1d];
	v19 =	vadd.f32 v19, v22  }
0x46a: {  	v52 =	vld [tilespmem:s2+$0x0];
	[tilespmem:s0+$0xA000] =	vst v16  }
0x46b: {  	s10 =	sld [smem:$0x7E0];
	v53 =	vld [tilespmem:s4+$0x0];
	[tilespmem:s23+$0xA000] =	vst v19;
	v19 =	vadd.f32 v49, v9  }
0x46c: {  	v16 =	vadd.f32 v48, v8  }
0x46d: {  	v55 =	vld [tilespmem:s13+$0x0];
	v18 =	vadd.f32 v18, v19  }
0x46e: {  	v13 =	vadd.f32 v45, v5;
	s13 =	sld [smem:$0x7E1];
	v54 =	vld [tilespmem:s10+$0x0];
	v16 =	vadd.f32 v50, v16  }
0x46f: {  	s6 =	rddreg [dreg:$0x14];
	s16 =	sor.u32 $0x2180, s7;
	v19 =	vld [tilespmem:s11+$0x0];
	[tilespmem:s7+$0xA100] =	vst v18  }
0x470: {  	v13 =	vadd.f32 v52, v13;
	[tilespmem:s24+$0xA000] =	vst v16;
	v18 =	vadd.f32 v53, v7;
	v56 =	vld [tilespmem:s16+$0x0];
	s16 =	sld [smem:$0x7E2]  }
0x471: {  	s1 =	sadd.s32 s9, s6;
	v16 =	vadd.f32 v51, v17;
	v17 =	vld [tilespmem:s13+$0x0]  }
0x472: {  	v14 =	vld [tilespmem:s0+$0x10180];
	s1 =	sadd.s32 $0x180, s1;
	[tilespmem:s15+$0xB100] =	vst v13;
	s13 =	sld [smem:$0x7E6];
	v13 =	vadd.f32 v55, v18  }
0x473: {  	s21 =	sadd.s32 s19, s1;
	v57 =	vld [tilespmem:s5+$0x0];
	s5 =	sld [smem:$0x7E3];
	[tilespmem:s16+$0xB100] =	vst v16  }
0x474: {  	s6 =	sld [smem:$0x7E4];
	v18 =	vld [tilespmem:s21+$0x0];
	v16 =	vadd.f32 v54, v10;
	[tilespmem:s0+$0xA080] =	vst v13  }
0x475: {  	v58 =	vld [tilespmem:s13+$0x0]  }
0x476: {  	s21 =	sld [smem:$0x7E7];
	v13 =	vadd.f32 v17, v8;
	v16 =	vadd.f32 v19, v16;
	v19 =	vld [tilespmem:s5+$0x0]  }
0x477: {  	s11 =	sld [smem:$0x7E5];
	v17 =	vld [tilespmem:s6+$0x0];
	v9 =	vadd.f32 v56, v9  }
0x478: {  	v59 =	vld [tilespmem:s14+$0x0];
	v13 =	vadd.f32 v57, v13;
	[tilespmem:s23+$0xA080] =	vst v16  }
0x479: {  	s2 =	sadd.s32 s26, s1;
	s4 =	sadd.s32 s25, s1;
	v9 =	vadd.f32 v18, v9;
	v16 =	vld [tilespmem:s21+$0x0]  }
0x47a: {  	s10 =	sadd.s32 s12, s1;
	s6 =	smov.u32 s11;
	s5 =	rddreg [dreg:$0x15];
	[tilespmem:s24+$0xA080] =	vst v13;
	v13 =	vld [tilespmem:s7+$0x10180]  }
0x47b: {  	s11 =	sor.u32 $0x3000, s7;
	s13 =	sld [smem:$0x7E8];
	s1 =	sadd.s32 s9, s5;
	v18 =	vld [tilespmem:s8+$0x0];
	[tilespmem:s7+$0xA180] =	vst v9;
	v9 =	vadd.f32 v58, v7;
	v15 =	vadd.f32 v19, v15  }
0x47c: {  	s14 =	sadd.s32 s19, s1;
	v17 =	vadd.f32 v17, v4;
	v4 =	vmov v14;
	v14 =	vld [tilespmem:s11+$0x0]  }
0x47d: {  	v19 =	vld [tilespmem:s14+$0x0];
	s14 =	sld [smem:$0x7EA];
	v9 =	vadd.f32 v59, v9;
	[tilespmem:s17+$0xB100] =	vst v15  }
0x47e: {  	s21 =	rddreg [dreg:$0x1f];
	v15 =	vadd.f32 v16, v10;
	v16 =	vld [tilespmem:s13+$0x0]  }
0x47f: {  	[tilespmem:s0+$0xA100] =	vst v9;
	v9 =	vld [tilespmem:s21+$0x0]  }
0x480: {  	v60 =	vld [tilespmem:s14+$0x0];
	s14 =	sld [smem:$0x7EB];
	v15 =	vadd.f32 v18, v15  }
0x481: {  	v18 =	vld [tilespmem:s3+$0x0];
	v14 =	vadd.f32 v14, v13  }
0x482: {  	s5 =	sld [smem:$0x7E9];
	v61 =	vld [tilespmem:s10+$0x0];
	[tilespmem:s23+$0xA100] =	vst v15  }
0x483: {  	s21 =	rddreg [dreg:$0x16];
	v14 =	vadd.f32 v19, v14;
	v15 =	vld [tilespmem:s14+$0x0]  }
0x484: {  	s10 =	rddreg [dreg:$0x1b];
	v16 =	vadd.f32 v16, v8  }
0x485: {  	s3 =	sadd.s32 s9, s21;
	s21 =	sor.u32 $0x3080, s7;
	v19 =	vld [tilespmem:s4+$0x0];
	s14 =	sld [smem:$0x7EC];
	[tilespmem:s7+$0xB000] =	vst v14;
	v14 =	vadd.f32 v9, v5  }
0x486: {  	s3 =	sadd.s32 $0x80, s3;
	v5 =	vmov v11;
	v7 =	vadd.f32 v60, v7;
	v16 =	vadd.f32 v18, v16;
	v11 =	vld [tilespmem:s21+$0x0];
	s21 =	sld [smem:$0x7ED]  }
0x487: {  	s13 =	smov.u32 s5;
	s4 =	sadd.s32 s19, s3;
	v9 =	vld [tilespmem:s10+$0x0]  }
0x488: {  	s5 =	sadd.s32 s12, s3;
	s10 =	smov.u32 s14;
	v7 =	vadd.f32 v61, v7;
	[tilespmem:s24+$0xA100] =	vst v16;
	v16 =	vld [tilespmem:s4+$0x0];
	s4 =	sld [smem:$0x7EE];
	v10 =	vadd.f32 v15, v10  }
0x489: {  	s14 =	sadd.s32 s25, s3;
	v15 =	vld [tilespmem:s21+$0x0];
	s21 =	sadd.s32 s26, s3;
	s3 =	sld [smem:$0x7EF]  }
0x48a: {  	v18 =	vld [tilespmem:s2+$0x0];
	[tilespmem:s0+$0xA180] =	vst v7;
	v10 =	vadd.f32 v19, v10  }
0x48b: {  	v7 =	vld [tilespmem:s4+$0x0];
	s4 =	sld [smem:$0x7F0]  }
0x48c: {  	s8 =	sadd.s32 s25, s1;
	v9 =	vadd.f32 v9, v6;
	v6 =	vmov v12;
	v12 =	vld [tilespmem:s3+$0x0];
	[tilespmem:s23+$0xA180] =	vst v10;
	v10 =	vadd.f32 v11, v13  }
0x48d: {  	v63 =	vld [tilespmem:s8+$0x0];
	s8 =	sld [smem:$0x7F1]  }
0x48e: {  	s11 =	sadd.s32 s12, s1;
	v19 =	vld [tilespmem:s4+$0x0];
	v8 =	vadd.f32 v15, v8;
	v10 =	vadd.f32 v16, v10  }
0x48f: {  	s2 =	rddreg [dreg:$0x17];
	v62 =	vld [tilespmem:s11+$0x0]  }
0x490: {  	p1 =	slt.u32 s30, $0x3C;
	s2 =	sadd.s32 s9, s2;
	v8 =	vadd.f32 v18, v8;
	[tilespmem:s7+$0xB080] =	vst v10;
	v10 =	vld [tilespmem:s8+$0x0];
	s8 =	sld [smem:$0x7F2]  }
.Ltmp8:
0x491: {  	s11 =	sor.u32 $0x3100, s7;
	s2 =	sadd.s32 $0x100, s2;
	(pc) =	sbr.rel @p1 .LBB2_19-.Ltmp8, $4  }
0x492: {  	v12 =	vadd.f32 v12, v4;
	[tilespmem:s24+$0xA180] =	vst v8;
	v11 =	vld [tilespmem:s11+$0x0];
	s11 =	sadd.s32 s12, s2  }
0x493: {  	s29 =	smov.u32 s18;
	v7 =	vadd.f32 v7, v17;
	[dreg:$0x1e] =	wrdreg s11;
	v8 =	vadd.f32 v19, v5;
	s11 =	sadd.s32 s19, s2;
	v15 =	vld [tilespmem:s8+$0x0]  }
0x494: {  	s18 =	rddreg [dreg:$0x19];
	s1 =	sadd.s32 s26, s1;
	s4 =	sadd.s32 s25, s2;
	v16 =	vadd.f32 v62, v12;
	v12 =	vld [tilespmem:s11+$0x0]  }
0x495: {  	[dreg:$0x1d] =	wrdreg s4;
	s4 =	sadd.s32 s26, s2;
	[tilespmem:s16+$0xB180] =	vst v7;
	s16 =	smov.u32 s0;
	v7 =	vadd.f32 v63, v8;
	v8 =	vld [tilespmem:s1+$0x0]  }
0x496: {  	_ =	sdelay $0x1  }
0x497: {  	v15 =	vadd.f32 v15, v6  }
0x498: {  	[tilespmem:s16+$0xB000] =	vst v16  }
0x499: {  	s0 =	rddreg [dreg:$0x18];
	v16 =	vld [tilespmem:s31+$0x0];
	[tilespmem:s23+$0xB000] =	vst v7;
	v49 =	vadd.f32 v8, v15  }
0x49a: {  	v51 =	vld [tilespmem:s5+$0x0];
	s1 =	rddreg [dreg:$0x1c]  }
0x49b: {  	v50 =	vld [tilespmem:s1+$0x0];
	[tilespmem:s24+$0xB000] =	vst v49  }
0x49c: {  	v7 =	vld [tilespmem:s29+$0x0]  }
0x49d: {  	v17 =	vld [tilespmem:s14+$0x0]  }
0x49e: {  	v18 =	vld [tilespmem:s21+$0x0]  }
0x49f: {  	v16 =	vadd.f32 v16, v4  }
0x4a0: {  	v8 =	vadd.f32 v50, v5  }
0x4a1: {  	v15 =	vadd.f32 v51, v16;
	v7 =	vadd.f32 v7, v6  }
0x4a2: {  	v8 =	vadd.f32 v17, v8  }
0x4a3: {  	[tilespmem:s16+$0xB080] =	vst v15;
	v7 =	vadd.f32 v18, v7  }
0x4a4: {  	v15 =	vld [tilespmem:s22+$0x0];
	[tilespmem:s23+$0xB080] =	vst v8  }
0x4a5: {  	v8 =	vld [tilespmem:s20+$0x0];
	[tilespmem:s24+$0xB080] =	vst v7  }
0x4a6: {  	v7 =	vld [tilespmem:s28+$0x0];
	s20 =	rddreg [dreg:$0x1e]  }
0x4a7: {  	s21 =	rddreg [dreg:$0x1d];
	v52 =	vld [tilespmem:s20+$0x0]  }
0x4a8: {  	v11 =	vadd.f32 v11, v13;
	v53 =	vld [tilespmem:s21+$0x0];
	_ =	sdelay $0x1  }
0x4a9: {  	v11 =	vadd.f32 v12, v11;
	v55 =	vadd.f32 v15, v4;
	v54 =	vld [tilespmem:s4+$0x0]  }
0x4aa: {  	s0 =	sadd.s32 s9, s0;
	s22 =	rddreg [dreg:$0x1a];
	v8 =	vadd.f32 v8, v5  }
0x4ab: {  	s0 =	sadd.s32 $0x180, s0;
	[tilespmem:s7+$0xB100] =	vst v11;
	s28 =	sor.u32 $0x3180, s7;
	v56 =	vld [tilespmem:s22+$0x0];
	v57 =	vadd.f32 v52, v55  }
0x4ac: {  	s29 =	sadd.s32 s19, s0;
	v58 =	vld [tilespmem:s28+$0x0];
	v7 =	vadd.f32 v7, v6;
	v8 =	vadd.f32 v53, v8  }
0x4ad: {  	v59 =	vld [tilespmem:s29+$0x0];
	[tilespmem:s16+$0xB100] =	vst v57  }
0x4ae: {  	v7 =	vadd.f32 v54, v7;
	[tilespmem:s23+$0xB100] =	vst v8;
	v11 =	vld [tilespmem:s6+$0x0]  }
0x4af: {  	s30 =	sadd.s32 s12, s0;
	v8 =	vld [tilespmem:s13+$0x0]  }
0x4b0: {  	[tilespmem:s24+$0xB100] =	vst v7;
	v60 =	vld [tilespmem:s30+$0x0]  }
0x4b1: {  	s31 =	sadd.s32 s25, s0;
	v7 =	vld [tilespmem:s10+$0x0]  }
0x4b2: {  	s0 =	sadd.s32 s26, s0;
	v61 =	vld [tilespmem:s31+$0x0]  }
0x4b3: {  	v10 =	vadd.f32 v10, v14;
	v12 =	vadd.f32 v58, v13;
	v19 =	vld [tilespmem:s0+$0x0]  }
0x4b4: {  	v9 =	vadd.f32 v56, v9;
	v4 =	vadd.f32 v11, v4  }
0x4b5: {  	[tilespmem:s15+$0xB180] =	vst v10;
	v62 =	vadd.f32 v59, v12;
	v5 =	vadd.f32 v8, v5  }
0x4b6: {  	[tilespmem:s17+$0xB180] =	vst v9;
	v63 =	vadd.f32 v7, v6;
	v4 =	vadd.f32 v60, v4  }
0x4b7: {  	[tilespmem:s7+$0xB180] =	vst v62;
	v5 =	vadd.f32 v61, v5  }
0x4b8: {  	[tilespmem:s16+$0xB180] =	vst v4;
	v4 =	vadd.f32 v19, v63  }
0x4b9: {  	[tilespmem:s23+$0xB180] =	vst v5  }
0x4ba: {  	s21 =	sld [smem:$0x7F4];
	[tilespmem:s24+$0xB180] =	vst v4  }
0x4bb: {  	s20 =	sld [smem:$0x7FD];
	_ =	sdelay $0x1  }
0x4bc: {  	s2 =	simm.s32 $0x8000;
	s19 =	simm.s32 $0x0;
	s1 =	sshll.u32 s21, $0xC  }
0x4bd: {  	p1 =	seq.s32 s21, $0x7;
	s0 =	sadd.s32 s1, s20;
	s1 =	sld [smem:$0x7FB]  }
0x4be: {  	[hbm4b:s0+s19] =	stream.linear.scatter [tilespmem:s2], [sflag:$0x5], $0x4000, $0x38;
	[tilespmem:$0x15180] =	vst v63  }
0x4bf: {  	s0 =	sshll.u32 @!p1 s21, $0x3  }
0x4c0: {  	s0 =	sadd.s32 @!p1 s0, s1  }
0x4c1: {  	s1 =	sshll.u32 @!p1 s0, $0x9  }
0x4c2: {  	s18 =	rddreg [dreg:$0x0];
	s1 =	sand.u32 @!p1 $0x1FFFF000, s1  }
0x4c3: {  	s2 =	simm.s32 @!p1 $0x0;
	s0 =	sshll.u32 @!p1 s0, $0x7;
	s1 =	sadd.s32 @!p1 s18, s1  }
0x4c4: {  	[tilespmem:s2], [sflag:$0x1] =	stream.linear.gather @!p1 [hbm4b:s1+s2], $0x4000, $0x38;
	[tilespmem:$0x15180] =	vst v63  }
0x4c5: {  	s3 =	simm.s32 @!p1 $0x10000;
	s0 =	sand.u32 @!p1 $0x1FFFFC00, s0;
	s1 =	rddreg [dreg:$0x1]  }
0x4c6: {  	s2 =	simm.s32 @!p1 $0x400;
	s0 =	sadd.s32 @!p1 s1, s0;
	s1 =	simm.s32 @!p1 $0x200  }
0x4c7: {  	[tilespmem:s3], [sflag:$0x3] =	stream.strided.gather @!p1 [hbm4b:s0+s1], $0x1000, s2, s1, $0x38;
	[tilespmem:$0x15180] =	vst v63  }
0x4c8: {  	s3 =	simm.s32 $0x2  }
0x4c9: {  	_ =	swait.ge [sflag:s3], $0x4000  }
0x4ca: {  	[sflag:s3] =	ssyncset.done $0x0  }
0x4cb: {  	s4 =	simm.s32 $0x4;
	[sflag:s3] =	ssyncadd.s32 $0xFFFFC000  }
0x4cc: {  	_ =	swait.ge [sflag:s4], $0x1000  }
0x4cd: {  	[sflag:s4] =	ssyncset.done $0x0  }
0x4ce: {  	s0 =	simm.s32 @!p0 $0x6;
	[sflag:s4] =	ssyncadd.s32 $0xFFFFF000  }
0x4cf: {  	_ =	swait.ge @!p0 [sflag:s0], $0x4000  }
0x4d0: {  	s22 =	sld [smem:$0x7F3];
	_ =	sdelay $0x2  }
0x4d1: {  	[sflag:s0] =	ssyncset.done @!p0 $0x0;
	s5 =	sshll.u32 s22, $0x4  }
0x4d2: {  	[sflag:s0] =	ssyncadd.s32 @!p0 $0xFFFFC000;
	s6 =	sand.u32 $0x3FFFFFF0, s5  }
0x4d3: {  	v4 =	vld [tilespmem:s6+$0x15080];
	_ =	sdelay $0x4  }
0x4d4: {  	(v2sf) =	vpush v4, $0x0  }
0x4d5: {  	(v2sf) =	vpush v4, $0x1;
	_ =	sdelay $0x1  }
0x4d6: {  	(v2sf) =	vpush v4, $0x2;
	_ =	sdelay $0x1  }
0x4d7: {  	(v2sf) =	vpush v4, $0x3;
	_ =	sdelay $0x1  }
0x4d8: {  	(v2sf) =	vpush v4, $0x4;
	_ =	sdelay $0x1  }
0x4d9: {  	(v2sf) =	vpush v4, $0x5;
	_ =	sdelay $0x5  }
0x4da: {  	s7 =	spop (v2sf)  }
0x4db: {  	(v2sf) =	vpush v4, $0x6;
	s8 =	sshll.u32 s7, $0x9;
	s0 =	sshll.u32 s7, $0xC;
	s9 =	spop (v2sf)  }
0x4dc: {  	s1 =	sand.u32 $0x200, s8;
	s0 =	sand.u32 $0xFFFFE000, s0;
	s10 =	sshll.u32 s9, $0x9  }
0x4dd: {  	(v2sf) =	vpush v4, $0x7;
	s11 =	spop (v2sf);
	s2 =	sshll.u32 s9, $0xC;
	s0 =	sor.u32 s1, s0  }
0x4de: {  	(v2sf) =	vpush v4, $0x8;
	s12 =	sand.u32 $0x200, s10;
	s2 =	sand.u32 $0xFFFFE000, s2;
	s13 =	sshll.u32 s11, $0x9  }
0x4df: {  	s1 =	sshll.u32 s11, $0xC;
	s14 =	spop (v2sf);
	s0 =	sadd.s32 $0x12000, s0  }
0x4e0: {  	s3 =	sand.u32 $0x200, s13;
	s1 =	sand.u32 $0xFFFFE000, s1;
	s15 =	sshll.u32 s14, $0x9  }
0x4e1: {  	(v2sf) =	vpush v4, $0x9;
	s16 =	spop (v2sf);
	[smem:$0x7BC] =	sst s0;
	s0 =	sor.u32 s12, s2  }
0x4e2: {  	(v2sf) =	vpush v4, $0xA;
	s1 =	sor.u32 s3, s1;
	s17 =	sshll.u32 s16, $0x9;
	s2 =	sshll.u32 s14, $0xC  }
0x4e3: {  	s3 =	sand.u32 $0x200, s15;
	s23 =	spop (v2sf);
	s0 =	sadd.s32 $0x12000, s0  }
0x4e4: {  	s1 =	sadd.s32 $0x12000, s1;
	[smem:$0x7BD] =	sst s0;
	s0 =	sshll.u32 s16, $0xC  }
0x4e5: {  	(v2sf) =	vpush v4, $0xB;
	[smem:$0x7BE] =	sst s1;
	s1 =	sand.u32 $0x200, s17;
	s0 =	sand.u32 $0xFFFFE000, s0  }
0x4e6: {  	s2 =	sand.u32 $0xFFFFE000, s2;
	s24 =	sshll.u32 s23, $0x9;
	s0 =	sor.u32 s1, s0  }
0x4e7: {  	s26 =	sshll.u32 s23, $0xC;
	s2 =	sor.u32 s3, s2;
	s0 =	sadd.s32 $0x12000, s0  }
0x4e8: {  	s1 =	sand.u32 $0x200, s24;
	[smem:$0x7C0] =	sst s0;
	s0 =	sand.u32 $0xFFFFE000, s26  }
0x4e9: {  	s2 =	sadd.s32 $0x12000, s2;
	s0 =	sor.u32 s1, s0  }
0x4ea: {  	[smem:$0x7BF] =	sst s2;
	s0 =	sadd.s32 $0x12000, s0;
	s25 =	spop (v2sf)  }
0x4eb: {  	[smem:$0x7C1] =	sst s0;
	s28 =	sshll.u32 s25, $0x9  }
0x4ec: {  	(v2sf) =	vpush v4, $0xC;
	s29 =	spop (v2sf);
	s2 =	sshll.u32 s25, $0xC;
	s3 =	sand.u32 $0x200, s28  }
0x4ed: {  	s2 =	sand.u32 $0xFFFFE000, s2;
	s30 =	sshll.u32 s29, $0x9;
	s31 =	spop (v2sf)  }
0x4ee: {  	(v2sf) =	vpush v4, $0xD;
	s1 =	sshll.u32 s29, $0xC;
	s2 =	sor.u32 s3, s2;
	s0 =	sand.u32 $0x200, s30  }
0x4ef: {  	(v2sf) =	vpush v4, $0xE;
	s1 =	sand.u32 $0xFFFFE000, s1;
	s4 =	sshll.u32 s31, $0x9;
	s5 =	sshll.u32 s31, $0xC  }
0x4f0: {  	s6 =	spop (v2sf);
	s2 =	sadd.s32 $0x12000, s2;
	s0 =	sor.u32 s0, s1  }
0x4f1: {  	s1 =	sand.u32 $0xFFFFE000, s5;
	s7 =	spop (v2sf);
	s8 =	sshll.u32 s6, $0x9  }
0x4f2: {  	(v2sf) =	vpush v4, $0xF;
	s3 =	sshll.u32 s6, $0xC;
	[smem:$0x7C2] =	sst s2;
	s2 =	sand.u32 $0x200, s4  }
0x4f3: {  	s0 =	sadd.s32 $0x12000, s0;
	s9 =	sshll.u32 s7, $0x9;
	s3 =	sand.u32 $0xFFFFE000, s3  }
0x4f4: {  	s10 =	spop (v2sf);
	s1 =	sor.u32 s2, s1;
	[smem:$0x7C3] =	sst s0  }
0x4f5: {  	s0 =	sand.u32 $0x200, s8;
	s2 =	sshll.u32 s7, $0xC;
	s13 =	sshll.u32 s10, $0x9  }
0x4f6: {  	s1 =	sadd.s32 $0x12000, s1;
	s0 =	sor.u32 s0, s3;
	s2 =	sand.u32 $0xFFFFE000, s2  }
0x4f7: {  	[smem:$0x7C4] =	sst s1;
	s1 =	sand.u32 $0x200, s9;
	s0 =	sadd.s32 $0x12000, s0  }
0x4f8: {  	s14 =	sshll.u32 s10, $0xC;
	s1 =	sor.u32 s1, s2;
	[smem:$0x7C5] =	sst s0  }
0x4f9: {  	s0 =	sand.u32 $0xFFFFE000, s14;
	s12 =	sadd.s32 $0x12000, s1;
	s1 =	sand.u32 $0x200, s13  }
0x4fa: {  	s0 =	sor.u32 s1, s0  }
0x4fb: {  	[smem:$0x7C6] =	sst s12;
	s0 =	sadd.s32 $0x12000, s0;
	s11 =	spop (v2sf)  }
0x4fc: {  	[smem:$0x7C7] =	sst s0;
	s16 =	sshll.u32 s11, $0x9  }
0x4fd: {  	s15 =	spop (v2sf);
	s2 =	sshll.u32 s11, $0xC;
	s1 =	sand.u32 $0x200, s16  }
0x4fe: {  	s2 =	sand.u32 $0xFFFFE000, s2;
	s17 =	spop (v2sf);
	s23 =	sshll.u32 s15, $0x9  }
0x4ff: {  	s3 =	sshll.u32 s15, $0xC;
	s1 =	sor.u32 s1, s2;
	s24 =	sand.u32 $0x200, s23  }
0x500: {  	s25 =	sand.u32 $0xFFFFE000, s3;
	s26 =	sshll.u32 s17, $0x9;
	s0 =	sshll.u32 s17, $0xC  }
0x501: {  	s28 =	spop (v2sf);
	s1 =	sadd.s32 $0x12000, s1;
	s3 =	sand.u32 $0x200, s26  }
0x502: {  	s0 =	sand.u32 $0xFFFFE000, s0;
	s29 =	sshll.u32 s28, $0x9;
	s2 =	sshll.u32 s28, $0xC  }
0x503: {  	[smem:$0x7C8] =	sst s1;
	s1 =	sor.u32 s24, s25;
	s0 =	sor.u32 s3, s0  }
0x504: {  	s3 =	sand.u32 $0x200, s29;
	s2 =	sand.u32 $0xFFFFE000, s2;
	s1 =	sadd.s32 $0x12000, s1  }
0x505: {  	s30 =	sor.u32 s3, s2;
	s0 =	sadd.s32 $0x12000, s0;
	[smem:$0x7C9] =	sst s1  }
0x506: {  	[smem:$0x7CA] =	sst s0;
	s31 =	sadd.s32 $0x12000, s30  }
0x507: {  	s0 =	simm.s32 $0xFFFFFFFC;
	s1 =	simm.s32 $0x0;
	[smem:$0x7CB] =	sst s31  }
.LBB2_21:
0x508: {  	s0 =	sadd.s32 $0x4, s0  }
0x509: {  	s3 =	sshrl.u32 s0, $0x3  }
0x50a: {  	s8 =	sshll.u32 s3, $0x9  }
0x50b: {  	s4 =	sand.u32 $0x40, s1;
	s12 =	sadd.s32 $0x11000, s8  }
0x50c: {  	s5 =	sld [smem:$0x7BC];
	s2 =	sor.u32 s4, s8;
	s6 =	sor.u32 s4, s12  }
0x50d: {  	s11 =	sadd.s32 $0x11080, s8;
	s7 =	sor.u32 $0x4000, s2;
	v16 =	vld [tilespmem:s6+$0x0]  }
0x50e: {  	s14 =	sadd.s32 $0x11100, s8;
	s17 =	sor.u32 s4, s11;
	s6 =	sshll.u32 s3, $0xA;
	v4 =	vld [tilespmem:s7+$0x0]  }
0x50f: {  	s9 =	sor.u32 s4, s14;
	v12 =	vld [tilespmem:s17+$0x0];
	s13 =	sadd.s32 s6, s5  }
0x510: {  	v8 =	vld [tilespmem:s9+$0x0];
	s5 =	sor.u32 $0x10, s4;
	s16 =	sadd.s32 s4, s13  }
0x511: {  	s23 =	sor.u32 s5, s12;
	v5 =	vld [tilespmem:s16+$0x0]  }
0x512: {  	s25 =	sadd.s32 s5, s13;
	v17 =	vld [tilespmem:s23+$0x0]  }
0x513: {  	s3 =	sor.u32 s8, s5;
	s30 =	sor.u32 s5, s11;
	v7 =	vld [tilespmem:s25+$0x0]  }
0x514: {  	s24 =	sor.u32 $0x4000, s3;
	v13 =	vld [tilespmem:s30+$0x0]  }
0x515: {  	s28 =	sld [smem:$0x7BD];
	s9 =	sor.u32 $0x20, s4;
	s31 =	sor.u32 s5, s14;
	v6 =	vld [tilespmem:s24+$0x0];
	v4 =	vadd.f32 v4, v16  }
0x516: {  	s15 =	sadd.s32 $0x11180, s8;
	v9 =	vld [tilespmem:s31+$0x0];
	s30 =	sor.u32 s9, s14  }
0x517: {  	s26 =	sor.u32 s4, s15;
	v10 =	vld [tilespmem:s30+$0x0];
	v5 =	vadd.f32 v5, v4  }
0x518: {  	s7 =	sadd.s32 s6, s28;
	v4 =	vld [tilespmem:s26+$0x0];
	s26 =	sadd.s32 s9, s13  }
0x519: {  	s29 =	sor.u32 $0x4080, s2;
	s16 =	sadd.s32 $0x80, s7;
	v11 =	vld [tilespmem:s26+$0x0];
	[tilespmem:s2+$0xC000] =	vst v5  }
0x51a: {  	s17 =	sadd.s32 s4, s16;
	v5 =	vadd.f32 v6, v17;
	v18 =	vld [tilespmem:s29+$0x0]  }
0x51b: {  	s10 =	sor.u32 s5, s15;
	v19 =	vld [tilespmem:s17+$0x0]  }
0x51c: {  	s7 =	sor.u32 s8, s9;
	v6 =	vadd.f32 v7, v5;
	v5 =	vld [tilespmem:s10+$0x0];
	s10 =	sor.u32 s9, s12  }
0x51d: {  	s17 =	sor.u32 $0x4000, s7;
	v22 =	vld [tilespmem:s10+$0x0];
	s10 =	sor.u32 $0x30, s4  }
0x51e: {  	v56 =	vld [tilespmem:s17+$0x0];
	s12 =	sor.u32 s10, s12;
	s8 =	sor.u32 s8, s10  }
0x51f: {  	v23 =	vld [tilespmem:s12+$0x0];
	s25 =	sor.u32 $0x4000, s8  }
0x520: {  	s29 =	sor.u32 s9, s11;
	v57 =	vld [tilespmem:s25+$0x0]  }
0x521: {  	v14 =	vld [tilespmem:s29+$0x0];
	s28 =	sadd.s32 s10, s13  }
0x522: {  	s31 =	sor.u32 s9, s15;
	v24 =	vld [tilespmem:s28+$0x0]  }
0x523: {  	s23 =	sor.u32 $0x4080, s3;
	[tilespmem:s3+$0xC000] =	vst v6;
	v6 =	vld [tilespmem:s31+$0x0]  }
0x524: {  	s24 =	sadd.s32 s5, s16;
	v20 =	vld [tilespmem:s23+$0x0];
	v25 =	vadd.f32 v56, v22  }
0x525: {  	s11 =	sor.u32 s10, s11;
	v21 =	vld [tilespmem:s24+$0x0];
	v7 =	vadd.f32 v57, v23  }
0x526: {  	v15 =	vld [tilespmem:s11+$0x0];
	s12 =	sor.u32 s10, s14;
	v25 =	vadd.f32 v11, v25  }
0x527: {  	s13 =	sor.u32 s10, s15;
	v11 =	vld [tilespmem:s12+$0x0];
	v24 =	vadd.f32 v24, v7  }
0x528: {  	s14 =	sor.u32 $0x4080, s7;
	[tilespmem:s7+$0xC000] =	vst v25;
	v7 =	vld [tilespmem:s13+$0x0]  }
0x529: {  	s15 =	sor.u32 $0x4080, s8;
	v25 =	vld [tilespmem:s14+$0x0];
	[tilespmem:s8+$0xC000] =	vst v24  }
0x52a: {  	s23 =	sadd.s32 s9, s16;
	v58 =	vadd.f32 v20, v17;
	v24 =	vld [tilespmem:s15+$0x0]  }
0x52b: {  	s17 =	sld [smem:$0x7BE];
	s24 =	sadd.s32 s10, s16;
	v18 =	vadd.f32 v18, v16;
	v26 =	vld [tilespmem:s23+$0x0]  }
0x52c: {  	v60 =	vadd.f32 v21, v58;
	v59 =	vld [tilespmem:s24+$0x0]  }
0x52d: {  	v18 =	vadd.f32 v19, v18  }
0x52e: {  	s29 =	sor.u32 $0x4100, s3;
	s25 =	sadd.s32 s6, s17;
	[tilespmem:s3+$0xC080] =	vst v60;
	v61 =	vadd.f32 v25, v22  }
0x52f: {  	s26 =	sor.u32 $0x4100, s2;
	s11 =	sadd.s32 $0x100, s25;
	[tilespmem:s2+$0xC080] =	vst v18;
	v29 =	vld [tilespmem:s29+$0x0];
	v24 =	vadd.f32 v24, v23  }
0x530: {  	s30 =	sadd.s32 s5, s11;
	v62 =	vld [tilespmem:s26+$0x0];
	v28 =	vadd.f32 v26, v61  }
0x531: {  	s28 =	sadd.s32 s4, s11;
	v30 =	vld [tilespmem:s30+$0x0];
	v20 =	vadd.f32 v59, v24  }
0x532: {  	s31 =	sor.u32 $0x4100, s7;
	v63 =	vld [tilespmem:s28+$0x0];
	[tilespmem:s7+$0xC080] =	vst v28  }
0x533: {  	s13 =	sor.u32 $0x4100, s8;
	v18 =	vld [tilespmem:s31+$0x0];
	[tilespmem:s8+$0xC080] =	vst v20  }
0x534: {  	s15 =	sadd.s32 s9, s11;
	v19 =	vadd.f32 v29, v17;
	v32 =	vld [tilespmem:s13+$0x0]  }
0x535: {  	s14 =	sld [smem:$0x7BF];
	v31 =	vadd.f32 v62, v16;
	s11 =	sadd.s32 s10, s11;
	v33 =	vld [tilespmem:s15+$0x0]  }
0x536: {  	v19 =	vadd.f32 v30, v19;
	v34 =	vld [tilespmem:s11+$0x0]  }
0x537: {  	v20 =	vadd.f32 v63, v31  }
0x538: {  	s16 =	sadd.s32 s6, s14;
	s24 =	sor.u32 $0x4180, s3;
	[tilespmem:s3+$0xC100] =	vst v19;
	v18 =	vadd.f32 v18, v22  }
0x539: {  	s17 =	sor.u32 $0x4180, s2;
	v36 =	vld [tilespmem:s24+$0x0];
	s11 =	sadd.s32 $0x180, s16;
	[tilespmem:s2+$0xC100] =	vst v20;
	v21 =	vadd.f32 v32, v23  }
0x53a: {  	s25 =	sadd.s32 s5, s11;
	v20 =	vld [tilespmem:s17+$0x0];
	v18 =	vadd.f32 v33, v18  }
0x53b: {  	s23 =	sadd.s32 s4, s11;
	v37 =	vld [tilespmem:s25+$0x0];
	v21 =	vadd.f32 v34, v21  }
0x53c: {  	s26 =	sor.u32 $0x4180, s7;
	v35 =	vld [tilespmem:s23+$0x0];
	[tilespmem:s7+$0xC100] =	vst v18  }
0x53d: {  	s28 =	sor.u32 $0x4180, s8;
	v18 =	vld [tilespmem:s26+$0x0];
	[tilespmem:s8+$0xC100] =	vst v21  }
0x53e: {  	s29 =	sadd.s32 s9, s11;
	v17 =	vadd.f32 v36, v17;
	v38 =	vld [tilespmem:s28+$0x0]  }
0x53f: {  	s11 =	sadd.s32 s10, s11;
	v16 =	vadd.f32 v20, v16;
	v39 =	vld [tilespmem:s29+$0x0]  }
0x540: {  	s30 =	sld [smem:$0x7C0];
	v41 =	vadd.f32 v37, v17;
	v40 =	vld [tilespmem:s11+$0x0]  }
0x541: {  	v16 =	vadd.f32 v35, v16  }
0x542: {  	s14 =	sor.u32 $0x5000, s3;
	[tilespmem:s3+$0xC180] =	vst v41;
	v42 =	vadd.f32 v18, v22  }
0x543: {  	s12 =	sadd.s32 s6, s30;
	s31 =	sor.u32 $0x5000, s2;
	v46 =	vld [tilespmem:s14+$0x0];
	[tilespmem:s2+$0xC180] =	vst v16;
	v20 =	vadd.f32 v38, v23  }
0x544: {  	s15 =	sadd.s32 s5, s12;
	v43 =	vld [tilespmem:s31+$0x0];
	v45 =	vadd.f32 v39, v42  }
0x545: {  	s13 =	sadd.s32 s4, s12;
	v47 =	vld [tilespmem:s15+$0x0];
	v19 =	vadd.f32 v40, v20  }
0x546: {  	s16 =	sor.u32 $0x5000, s7;
	v44 =	vld [tilespmem:s13+$0x0];
	[tilespmem:s7+$0xC180] =	vst v45  }
0x547: {  	s17 =	sor.u32 $0x5000, s8;
	v16 =	vld [tilespmem:s16+$0x0];
	[tilespmem:s8+$0xC180] =	vst v19  }
0x548: {  	s24 =	sadd.s32 s9, s12;
	v17 =	vadd.f32 v46, v13;
	v19 =	vld [tilespmem:s17+$0x0]  }
0x549: {  	s23 =	sld [smem:$0x7C1];
	s25 =	sadd.s32 s10, s12;
	v18 =	vadd.f32 v43, v12;
	v48 =	vld [tilespmem:s24+$0x0]  }
0x54a: {  	v17 =	vadd.f32 v47, v17;
	v49 =	vld [tilespmem:s25+$0x0]  }
0x54b: {  	v18 =	vadd.f32 v44, v18  }
0x54c: {  	s30 =	sor.u32 $0x5080, s3;
	s26 =	sadd.s32 s6, s23;
	[tilespmem:s3+$0xD000] =	vst v17;
	v16 =	vadd.f32 v16, v14  }
0x54d: {  	s28 =	sor.u32 $0x5080, s2;
	s11 =	sadd.s32 $0x80, s26;
	v17 =	vld [tilespmem:s30+$0x0];
	[tilespmem:s2+$0xD000] =	vst v18;
	v19 =	vadd.f32 v19, v15  }
0x54e: {  	s31 =	sadd.s32 s5, s11;
	v18 =	vld [tilespmem:s28+$0x0];
	v16 =	vadd.f32 v48, v16  }
0x54f: {  	s29 =	sadd.s32 s4, s11;
	v51 =	vld [tilespmem:s31+$0x0];
	v19 =	vadd.f32 v49, v19  }
0x550: {  	s13 =	sor.u32 $0x5080, s7;
	v50 =	vld [tilespmem:s29+$0x0];
	[tilespmem:s7+$0xD000] =	vst v16  }
0x551: {  	s14 =	sor.u32 $0x5080, s8;
	v16 =	vld [tilespmem:s13+$0x0];
	[tilespmem:s8+$0xD000] =	vst v19  }
0x552: {  	s16 =	sadd.s32 s9, s11;
	v17 =	vadd.f32 v17, v13;
	v19 =	vld [tilespmem:s14+$0x0]  }
0x553: {  	s15 =	sld [smem:$0x7C2];
	s11 =	sadd.s32 s10, s11;
	v18 =	vadd.f32 v18, v12;
	v52 =	vld [tilespmem:s16+$0x0]  }
0x554: {  	v17 =	vadd.f32 v51, v17;
	v53 =	vld [tilespmem:s11+$0x0]  }
0x555: {  	v18 =	vadd.f32 v50, v18  }
0x556: {  	s17 =	sadd.s32 s6, s15;
	s25 =	sor.u32 $0x5100, s3;
	[tilespmem:s3+$0xD080] =	vst v17;
	v16 =	vadd.f32 v16, v14  }
0x557: {  	s23 =	sor.u32 $0x5100, s2;
	s11 =	sadd.s32 $0x100, s17;
	v17 =	vld [tilespmem:s25+$0x0];
	[tilespmem:s2+$0xD080] =	vst v18;
	v19 =	vadd.f32 v19, v15  }
0x558: {  	s26 =	sadd.s32 s5, s11;
	v18 =	vld [tilespmem:s23+$0x0];
	v16 =	vadd.f32 v52, v16  }
0x559: {  	s24 =	sadd.s32 s4, s11;
	v55 =	vld [tilespmem:s26+$0x0];
	v19 =	vadd.f32 v53, v19  }
0x55a: {  	s28 =	sor.u32 $0x5100, s7;
	v54 =	vld [tilespmem:s24+$0x0];
	[tilespmem:s7+$0xD080] =	vst v16  }
0x55b: {  	s29 =	sor.u32 $0x5100, s8;
	v16 =	vld [tilespmem:s28+$0x0];
	[tilespmem:s8+$0xD080] =	vst v19  }
0x55c: {  	s31 =	sadd.s32 s9, s11;
	v17 =	vadd.f32 v17, v13;
	v19 =	vld [tilespmem:s29+$0x0]  }
0x55d: {  	s30 =	sld [smem:$0x7C3];
	s11 =	sadd.s32 s10, s11;
	v18 =	vadd.f32 v18, v12;
	v56 =	vld [tilespmem:s31+$0x0]  }
0x55e: {  	v17 =	vadd.f32 v55, v17;
	v57 =	vld [tilespmem:s11+$0x0]  }
0x55f: {  	v18 =	vadd.f32 v54, v18  }
0x560: {  	s15 =	sor.u32 $0x5180, s3;
	s12 =	sadd.s32 s6, s30;
	[tilespmem:s3+$0xD100] =	vst v17;
	v16 =	vadd.f32 v16, v14  }
0x561: {  	s13 =	sor.u32 $0x5180, s2;
	s11 =	sadd.s32 $0x180, s12;
	v59 =	vld [tilespmem:s15+$0x0];
	[tilespmem:s2+$0xD100] =	vst v18;
	v19 =	vadd.f32 v19, v15  }
0x562: {  	s16 =	sadd.s32 s5, s11;
	v18 =	vld [tilespmem:s13+$0x0];
	v16 =	vadd.f32 v56, v16  }
0x563: {  	s14 =	sadd.s32 s4, s11;
	v60 =	vld [tilespmem:s16+$0x0];
	v19 =	vadd.f32 v57, v19  }
0x564: {  	s17 =	sor.u32 $0x5180, s7;
	v58 =	vld [tilespmem:s14+$0x0];
	[tilespmem:s7+$0xD100] =	vst v16  }
0x565: {  	s23 =	sor.u32 $0x5180, s8;
	v16 =	vld [tilespmem:s17+$0x0];
	[tilespmem:s8+$0xD100] =	vst v19  }
0x566: {  	s24 =	sadd.s32 s9, s11;
	v13 =	vadd.f32 v59, v13;
	v61 =	vld [tilespmem:s23+$0x0]  }
0x567: {  	s11 =	sadd.s32 s10, s11;
	v12 =	vadd.f32 v18, v12;
	v62 =	vld [tilespmem:s24+$0x0]  }
0x568: {  	s25 =	sld [smem:$0x7C4];
	v20 =	vadd.f32 v60, v13;
	v63 =	vld [tilespmem:s11+$0x0]  }
0x569: {  	v12 =	vadd.f32 v58, v12  }
0x56a: {  	s29 =	sor.u32 $0x6000, s3;
	[tilespmem:s3+$0xD180] =	vst v20;
	v21 =	vadd.f32 v16, v14  }
0x56b: {  	s26 =	sor.u32 $0x6000, s2;
	s12 =	sadd.s32 s6, s25;
	v25 =	vld [tilespmem:s29+$0x0];
	[tilespmem:s2+$0xD180] =	vst v12;
	v15 =	vadd.f32 v61, v15  }
0x56c: {  	s30 =	sadd.s32 s5, s12;
	v22 =	vld [tilespmem:s26+$0x0];
	v24 =	vadd.f32 v62, v21  }
0x56d: {  	s28 =	sadd.s32 s4, s12;
	v26 =	vld [tilespmem:s30+$0x0];
	v15 =	vadd.f32 v63, v15  }
0x56e: {  	s31 =	sor.u32 $0x6000, s7;
	v23 =	vld [tilespmem:s28+$0x0];
	[tilespmem:s7+$0xD180] =	vst v24  }
0x56f: {  	s13 =	sor.u32 $0x6000, s8;
	v12 =	vld [tilespmem:s31+$0x0];
	[tilespmem:s8+$0xD180] =	vst v15  }
0x570: {  	s15 =	sadd.s32 s9, s12;
	v13 =	vadd.f32 v25, v9;
	v15 =	vld [tilespmem:s13+$0x0]  }
0x571: {  	s14 =	sld [smem:$0x7C5];
	s16 =	sadd.s32 s10, s12;
	v14 =	vadd.f32 v22, v8;
	v27 =	vld [tilespmem:s15+$0x0]  }
0x572: {  	v13 =	vadd.f32 v26, v13;
	v28 =	vld [tilespmem:s16+$0x0]  }
0x573: {  	v14 =	vadd.f32 v23, v14  }
0x574: {  	s25 =	sor.u32 $0x6080, s3;
	s17 =	sadd.s32 s6, s14;
	[tilespmem:s3+$0xE000] =	vst v13;
	v12 =	vadd.f32 v12, v10  }
0x575: {  	s23 =	sor.u32 $0x6080, s2;
	s11 =	sadd.s32 $0x80, s17;
	v13 =	vld [tilespmem:s25+$0x0];
	[tilespmem:s2+$0xE000] =	vst v14;
	v15 =	vadd.f32 v15, v11  }
0x576: {  	s26 =	sadd.s32 s5, s11;
	v14 =	vld [tilespmem:s23+$0x0];
	v12 =	vadd.f32 v27, v12  }
0x577: {  	s24 =	sadd.s32 s4, s11;
	v30 =	vld [tilespmem:s26+$0x0];
	v15 =	vadd.f32 v28, v15  }
0x578: {  	s28 =	sor.u32 $0x6080, s7;
	v29 =	vld [tilespmem:s24+$0x0];
	[tilespmem:s7+$0xE000] =	vst v12  }
0x579: {  	s29 =	sor.u32 $0x6080, s8;
	v12 =	vld [tilespmem:s28+$0x0];
	[tilespmem:s8+$0xE000] =	vst v15  }
0x57a: {  	s31 =	sadd.s32 s9, s11;
	v13 =	vadd.f32 v13, v9;
	v15 =	vld [tilespmem:s29+$0x0]  }
0x57b: {  	s30 =	sld [smem:$0x7C6];
	s11 =	sadd.s32 s10, s11;
	v14 =	vadd.f32 v14, v8;
	v31 =	vld [tilespmem:s31+$0x0]  }
0x57c: {  	v13 =	vadd.f32 v30, v13;
	v32 =	vld [tilespmem:s11+$0x0]  }
0x57d: {  	v14 =	vadd.f32 v29, v14  }
0x57e: {  	s13 =	sadd.s32 s6, s30;
	s16 =	sor.u32 $0x6100, s3;
	[tilespmem:s3+$0xE080] =	vst v13;
	v12 =	vadd.f32 v12, v10  }
0x57f: {  	s14 =	sor.u32 $0x6100, s2;
	s11 =	sadd.s32 $0x100, s13;
	v13 =	vld [tilespmem:s16+$0x0];
	[tilespmem:s2+$0xE080] =	vst v14;
	v15 =	vadd.f32 v15, v11  }
0x580: {  	s17 =	sadd.s32 s5, s11;
	v14 =	vld [tilespmem:s14+$0x0];
	v12 =	vadd.f32 v31, v12  }
0x581: {  	s15 =	sadd.s32 s4, s11;
	v34 =	vld [tilespmem:s17+$0x0];
	v15 =	vadd.f32 v32, v15  }
0x582: {  	s23 =	sor.u32 $0x6100, s7;
	v33 =	vld [tilespmem:s15+$0x0];
	[tilespmem:s7+$0xE080] =	vst v12  }
0x583: {  	s24 =	sor.u32 $0x6100, s8;
	v12 =	vld [tilespmem:s23+$0x0];
	[tilespmem:s8+$0xE080] =	vst v15  }
0x584: {  	s26 =	sadd.s32 s9, s11;
	v13 =	vadd.f32 v13, v9;
	v15 =	vld [tilespmem:s24+$0x0]  }
0x585: {  	s25 =	sld [smem:$0x7C7];
	s11 =	sadd.s32 s10, s11;
	v14 =	vadd.f32 v14, v8;
	v35 =	vld [tilespmem:s26+$0x0]  }
0x586: {  	v13 =	vadd.f32 v34, v13;
	v36 =	vld [tilespmem:s11+$0x0]  }
0x587: {  	v14 =	vadd.f32 v33, v14  }
0x588: {  	s28 =	sadd.s32 s6, s25;
	s31 =	sor.u32 $0x6180, s3;
	[tilespmem:s3+$0xE100] =	vst v13;
	v12 =	vadd.f32 v12, v10  }
0x589: {  	s29 =	sor.u32 $0x6180, s2;
	s11 =	sadd.s32 $0x180, s28;
	v38 =	vld [tilespmem:s31+$0x0];
	[tilespmem:s2+$0xE100] =	vst v14;
	v15 =	vadd.f32 v15, v11  }
0x58a: {  	s13 =	sadd.s32 s5, s11;
	v14 =	vld [tilespmem:s29+$0x0];
	v12 =	vadd.f32 v35, v12  }
0x58b: {  	s30 =	sadd.s32 s4, s11;
	v39 =	vld [tilespmem:s13+$0x0];
	v15 =	vadd.f32 v36, v15  }
0x58c: {  	s14 =	sor.u32 $0x6180, s7;
	v37 =	vld [tilespmem:s30+$0x0];
	[tilespmem:s7+$0xE100] =	vst v12  }
0x58d: {  	s15 =	sor.u32 $0x6180, s8;
	v12 =	vld [tilespmem:s14+$0x0];
	[tilespmem:s8+$0xE100] =	vst v15  }
0x58e: {  	s16 =	sadd.s32 s9, s11;
	v9 =	vadd.f32 v38, v9;
	v40 =	vld [tilespmem:s15+$0x0]  }
0x58f: {  	s11 =	sadd.s32 s10, s11;
	v8 =	vadd.f32 v14, v8;
	v41 =	vld [tilespmem:s16+$0x0]  }
0x590: {  	s17 =	sld [smem:$0x7C8];
	v43 =	vadd.f32 v39, v9;
	v42 =	vld [tilespmem:s11+$0x0]  }
0x591: {  	v8 =	vadd.f32 v37, v8  }
0x592: {  	s25 =	sor.u32 $0x7000, s3;
	[tilespmem:s3+$0xE180] =	vst v43;
	v44 =	vadd.f32 v12, v10  }
0x593: {  	s12 =	sadd.s32 s6, s17;
	s23 =	sor.u32 $0x7000, s2;
	v48 =	vld [tilespmem:s25+$0x0];
	[tilespmem:s2+$0xE180] =	vst v8;
	v11 =	vadd.f32 v40, v11  }
0x594: {  	s26 =	sadd.s32 s5, s12;
	v45 =	vld [tilespmem:s23+$0x0];
	v47 =	vadd.f32 v41, v44  }
0x595: {  	s24 =	sadd.s32 s4, s12;
	v49 =	vld [tilespmem:s26+$0x0];
	v11 =	vadd.f32 v42, v11  }
0x596: {  	s28 =	sor.u32 $0x7000, s7;
	v46 =	vld [tilespmem:s24+$0x0];
	[tilespmem:s7+$0xE180] =	vst v47  }
0x597: {  	s29 =	sor.u32 $0x7000, s8;
	v8 =	vld [tilespmem:s28+$0x0];
	[tilespmem:s8+$0xE180] =	vst v11  }
0x598: {  	s31 =	sadd.s32 s9, s12;
	v9 =	vadd.f32 v48, v5;
	v11 =	vld [tilespmem:s29+$0x0]  }
0x599: {  	s12 =	sadd.s32 s10, s12;
	s30 =	sld [smem:$0x7C9];
	v10 =	vadd.f32 v45, v4;
	v50 =	vld [tilespmem:s31+$0x0]  }
0x59a: {  	v9 =	vadd.f32 v49, v9;
	v51 =	vld [tilespmem:s12+$0x0]  }
0x59b: {  	v10 =	vadd.f32 v46, v10  }
0x59c: {  	s17 =	sor.u32 $0x7080, s3;
	s14 =	sadd.s32 s6, s30;
	[tilespmem:s3+$0xF000] =	vst v9;
	v8 =	vadd.f32 v8, v6  }
0x59d: {  	s15 =	sor.u32 $0x7080, s2;
	s11 =	sadd.s32 $0x80, s14;
	v9 =	vld [tilespmem:s17+$0x0];
	[tilespmem:s2+$0xF000] =	vst v10;
	v11 =	vadd.f32 v11, v7  }
0x59e: {  	s23 =	sadd.s32 s5, s11;
	v10 =	vld [tilespmem:s15+$0x0];
	v8 =	vadd.f32 v50, v8  }
0x59f: {  	s16 =	sadd.s32 s4, s11;
	v53 =	vld [tilespmem:s23+$0x0];
	v11 =	vadd.f32 v51, v11  }
0x5a0: {  	s24 =	sor.u32 $0x7080, s7;
	v52 =	vld [tilespmem:s16+$0x0];
	[tilespmem:s7+$0xF000] =	vst v8  }
0x5a1: {  	s25 =	sor.u32 $0x7080, s8;
	v8 =	vld [tilespmem:s24+$0x0];
	[tilespmem:s8+$0xF000] =	vst v11  }
0x5a2: {  	s28 =	sadd.s32 s9, s11;
	v9 =	vadd.f32 v9, v5;
	v11 =	vld [tilespmem:s25+$0x0]  }
0x5a3: {  	s26 =	sld [smem:$0x7CA];
	s11 =	sadd.s32 s10, s11;
	v10 =	vadd.f32 v10, v4;
	v54 =	vld [tilespmem:s28+$0x0]  }
0x5a4: {  	v9 =	vadd.f32 v53, v9;
	v55 =	vld [tilespmem:s11+$0x0]  }
0x5a5: {  	v10 =	vadd.f32 v52, v10  }
0x5a6: {  	s13 =	sor.u32 $0x7100, s3;
	s29 =	sadd.s32 s6, s26;
	[tilespmem:s3+$0xF080] =	vst v9;
	v8 =	vadd.f32 v8, v6  }
0x5a7: {  	s30 =	sor.u32 $0x7100, s2;
	s11 =	sadd.s32 $0x100, s29;
	v9 =	vld [tilespmem:s13+$0x0];
	[tilespmem:s2+$0xF080] =	vst v10;
	v11 =	vadd.f32 v11, v7  }
0x5a8: {  	s14 =	sadd.s32 s5, s11;
	v10 =	vld [tilespmem:s30+$0x0];
	v8 =	vadd.f32 v54, v8  }
0x5a9: {  	s31 =	sadd.s32 s4, s11;
	v57 =	vld [tilespmem:s14+$0x0];
	v11 =	vadd.f32 v55, v11  }
0x5aa: {  	s15 =	sor.u32 $0x7100, s7;
	v56 =	vld [tilespmem:s31+$0x0];
	[tilespmem:s7+$0xF080] =	vst v8  }
0x5ab: {  	s16 =	sor.u32 $0x7100, s8;
	v8 =	vld [tilespmem:s15+$0x0];
	[tilespmem:s8+$0xF080] =	vst v11  }
0x5ac: {  	s17 =	sld [smem:$0x7CB];
	s23 =	sadd.s32 s9, s11;
	v9 =	vadd.f32 v9, v5;
	v11 =	vld [tilespmem:s16+$0x0]  }
0x5ad: {  	s11 =	sadd.s32 s10, s11;
	v58 =	vld [tilespmem:s23+$0x0]  }
0x5ae: {  	v10 =	vadd.f32 v10, v4;
	v9 =	vadd.f32 v57, v9;
	v59 =	vld [tilespmem:s11+$0x0]  }
0x5af: {  	s6 =	sadd.s32 s6, s17  }
0x5b0: {  	s6 =	sadd.s32 $0x180, s6;
	s25 =	sor.u32 $0x7180, s3;
	v10 =	vadd.f32 v56, v10;
	[tilespmem:s3+$0xF100] =	vst v9;
	v8 =	vadd.f32 v8, v6  }
0x5b1: {  	s26 =	sadd.s32 s5, s6;
	v9 =	vld [tilespmem:s25+$0x0];
	v11 =	vadd.f32 v11, v7  }
0x5b2: {  	s24 =	sor.u32 $0x7180, s2;
	v61 =	vld [tilespmem:s26+$0x0];
	[tilespmem:s2+$0xF100] =	vst v10;
	v8 =	vadd.f32 v58, v8  }
0x5b3: {  	s4 =	sadd.s32 s4, s6;
	v10 =	vld [tilespmem:s24+$0x0];
	v11 =	vadd.f32 v59, v11  }
0x5b4: {  	s28 =	sor.u32 $0x7180, s7;
	v60 =	vld [tilespmem:s4+$0x0];
	[tilespmem:s7+$0xF100] =	vst v8  }
0x5b5: {  	s29 =	sor.u32 $0x7180, s8;
	v8 =	vld [tilespmem:s28+$0x0];
	[tilespmem:s8+$0xF100] =	vst v11  }
0x5b6: {  	s30 =	sadd.s32 s9, s6;
	v11 =	vld [tilespmem:s29+$0x0]  }
0x5b7: {  	s31 =	sadd.s32 s10, s6;
	v62 =	vld [tilespmem:s30+$0x0]  }
0x5b8: {  	v4 =	vadd.f32 v10, v4;
	v63 =	vld [tilespmem:s31+$0x0]  }
0x5b9: {  	v5 =	vadd.f32 v9, v5  }
0x5ba: {  	p0 =	slt.u32 s0, $0x3C;
	v4 =	vadd.f32 v60, v4;
	v6 =	vadd.f32 v8, v6  }
.Ltmp9:
0x5bb: {  	v5 =	vadd.f32 v61, v5;
	v7 =	vadd.f32 v11, v7;
	(pc) =	sbr.rel @p0 .LBB2_21-.Ltmp9, $4  }
0x5bc: {  	[tilespmem:s2+$0xF180] =	vst v4;
	v4 =	vadd.f32 v62, v6  }
0x5bd: {  	[tilespmem:s3+$0xF180] =	vst v5;
	v5 =	vadd.f32 v63, v7  }
0x5be: {  	[tilespmem:s7+$0xF180] =	vst v4  }
0x5bf: {  	s1 =	sadd.s32 $0x40, s1;
	[tilespmem:s8+$0xF180] =	vst v5  }
0x5c0: {  	s21 =	sadd.s32 $0x1, s21  }
0x5c1: {  	p0 =	sne.s32 s21, $0x8  }
.Ltmp10:
0x5c2: {  	_ = 	snop;
	(pc) =	sbr.rel @p0 .LBB2_18-.Ltmp10, $4  }
0x5c3: {  	_ = 	snop  }
0x5c4: {  	s0 =	sshll.u32 s22, $0xB  }
0x5c5: {  	s1 =	simm.s32 $0xC000;
	s0 =	sadd.s32 s0, s20  }
0x5c6: {  	[hbm4b:s0+s19] =	stream.linear.scatter [tilespmem:s1], [sflag:$0x6], $0x4000, $0x38;
	[tilespmem:$0x15180] =	vst v63  }
0x5c7: {  	s0 =	simm.s32 $0x5  }
0x5c8: {  	_ =	swait.ge [sflag:s0], $0x4000  }
0x5c9: {  	[sflag:s0] =	ssyncset.done $0x0  }
0x5ca: {  	s1 =	simm.s32 $0x6;
	[sflag:s0] =	ssyncadd.s32 $0xFFFFC000  }
0x5cb: {  	_ =	swait.ge [sflag:s1], $0x4000  }
0x5cc: {  	s2 =	sld [smem:$0x7F5]  }
0x5cd: {  	s31 =	sld [smem:$0x7FC];
	_ =	sdelay $0x1  }
0x5ce: {  	s2 =	sadd.s32 $0x1, s2  }
0x5cf: {  	p0 =	sne.s32 s2, s31  }
.Ltmp11:
0x5d0: {  	_ = 	snop;
	(pc) =	sbr.rel @p0 .LBB2_1-.Ltmp11, $3  }
0x5d1: {  	_ =	sdelay $0x1  }
0x5d2: {  	[sflag:s1] =	ssyncset.done $0x0  }
0x5d3: {  	[sflag:s1] =	ssyncadd.s32 $0xFFFFC000  }
0x5d4: {  	_ =	sfence.sel $0x180000  }
0x5d5: {  	[bflag:$0x0] =	sbarrier.arrive $0xFFFF  }
0x5d6: {  	_ =	strace $0x90000047  }
0x5d7: {  	s0 =	stileid.u32;
	[bflag:$0x2] =	sbarrier.arrive $0xFFFF  }
0x5d8: {  	p0 =	sne.s32 s0, $0x0;
	s0 =	rddreg [dreg:$0x8]  }
0x5d9: {  	s0 =	sadd.s32 @!p0 $0x100000, s0  }
0x5da: {  	[sflag:s0] =	ssyncadd.tile.s32 @!p0 $0x1;
	_ =	shalt  }
.Lfunc_end2:
_tile_overlayer_lowered:
.L_overlay_start_2:
0x5db: {  	(tag) =	ssettag $0x2  }
0x5dc: {  	s0 =	rddreg [dreg:$0x0];
	s2 =	stileid.u32  }
0x5dd: {  	s1 =	rddreg [dreg:$0x1];
	p0 =	sne.s32 s2, $0x0  }
0x5de: {  	s3 =	rddreg [dreg:$0x2];
	[bflag:$0x3] =	sbarrier.arrive $0xFFFF;
	s2 =	simm.s32 @!p0 $0x1C0C  }
0x5df: {  	[timem:s3], [sflag:s2] =	dma.local @!p0 [hbm:s0], s1  }
0x5e0: {  	s0 =	simm.s32 @!p0 $0xC  }
0x5e1: {  	_ =	swait.ge @!p0 [sflag:s0], s1  }
0x5e2: {  	s1 =	ssub.s32 @!p0 $0x0, s1;
	[sflag:s0] =	ssyncset.done @!p0 $0x0  }
0x5e3: {  	[sflag:s0] =	ssyncadd.s32 @!p0 s1  }
0x5e4: {  	[bflag:$0x3] =	sbarrier.arrive $0xFFFF  }
0x5e5: {  	_ =	shalt  }

</sc_bundles>
